<compile_context>
chip_gen: v7x
topology: tpu7x:2x2x1
jax: 0.10.2.dev20260603
libtpu: 0.0.44.dev20260713+nightly
codegen_flags: <defaults>
</compile_context>

<pallas_src>
import functools

import jax
import jax.numpy as jnp
from jax import lax
from jax.experimental import pallas as pl
from jax.experimental.pallas import tpu as pltpu
from jax.experimental.pallas import tpu_sc as plsc

B = 16384
L = 50
D = 64
OUT = 64

NC = 2
NS = 16
NW = NC * NS
BAGS_W = B // NW
CH = 4
ROWS = CH * L
NCHUNK = BAGS_W // CH
IDX_W = BAGS_W * L


def _sc_bag_sums(x_flat, table):
    mesh = plsc.VectorSubcoreMesh(core_axis_name="c", subcore_axis_name="s")

    @functools.partial(
        pl.kernel,
        out_type=jax.ShapeDtypeStruct((B, D), jnp.float32),
        mesh=mesh,
        compiler_params=pltpu.CompilerParams(use_tc_tiling_on_sc=False),
        scratch_types=[
            pltpu.VMEM((IDX_W,), jnp.int32),
            pltpu.VMEM((ROWS, D), jnp.float32),
            pltpu.VMEM((ROWS, D), jnp.float32),
            pltpu.VMEM((BAGS_W, D), jnp.float32),
            pltpu.SemaphoreType.DMA,
            pltpu.SemaphoreType.DMA,
        ],
    )
    def k(x_hbm, tab_hbm, out_hbm, idx_v, g0, g1, acc_v, s0, s1):
        wid = lax.axis_index("s") * NC + lax.axis_index("c")
        pltpu.sync_copy(x_hbm.at[pl.ds(wid * IDX_W, IDX_W)], idx_v)

        def fire(c, buf, sem):
            r = c * ROWS
            pltpu.async_copy(
                tab_hbm.at[idx_v.at[pl.ds(r, 128)]], buf.at[pl.ds(0, 128)], sem)
            pltpu.async_copy(
                tab_hbm.at[idx_v.at[pl.ds(r + 128, ROWS - 128)]],
                buf.at[pl.ds(128, ROWS - 128)], sem)

        def drain(buf, sem):
            pltpu.make_async_copy(tab_hbm.at[pl.ds(0, ROWS)], buf, sem).wait()

        def reduce_chunk(buf, c):
            ob = c * CH

            def bag_body(bb, carry):
                r0 = bb * L
                for q in range(D // 16):
                    col = pl.ds(q * 16, 16)
                    a = buf[r0, col]
                    for j in range(1, L):
                        a = a + buf[r0 + j, col]
                    acc_v[ob + bb, col] = a
                return carry

            lax.fori_loop(0, CH, bag_body, 0)

        fire(0, g0, s0)

        def step(s, carry):
            c0 = 2 * s
            fire(c0 + 1, g1, s1)
            drain(g0, s0)
            reduce_chunk(g0, c0)

            @pl.when(c0 + 2 < NCHUNK)
            def _():
                fire(c0 + 2, g0, s0)

            drain(g1, s1)
            reduce_chunk(g1, c0 + 1)
            return carry

        lax.fori_loop(0, NCHUNK // 2, step, 0)
        pltpu.sync_copy(acc_v, out_hbm.at[pl.ds(wid * BAGS_W, BAGS_W)])

    return k(x_flat, table)


def _tc_head(bag_sums, Wt, b2):
    BLK = 1024

    def body(p_ref, w_ref, b_ref, o_ref):
        y = jnp.dot(p_ref[...], w_ref[...],
                    preferred_element_type=jnp.float32) + b_ref[...]
        m = jnp.max(y, axis=1, keepdims=True)
        e = jnp.exp(y - m)
        o_ref[...] = e / jnp.sum(e, axis=1, keepdims=True)

    return pl.pallas_call(
        body,
        grid=(B // BLK,),
        in_specs=[
            pl.BlockSpec((BLK, D), lambda i: (i, 0)),
            pl.BlockSpec((D, OUT), lambda i: (0, 0)),
            pl.BlockSpec((1, OUT), lambda i: (0, 0)),
        ],
        out_specs=pl.BlockSpec((BLK, OUT), lambda i: (i, 0)),
        out_shape=jax.ShapeDtypeStruct((B, OUT), jnp.float32),
    )(bag_sums, Wt, b2)


def kernel(x, emb_table, W, b):
    x_flat = x.reshape(B * L).astype(jnp.int32)
    sums = _sc_bag_sums(x_flat, emb_table)
    Wt = W.T.astype(jnp.float32) * jnp.float32(1.0 / L)
    return _tc_head(sums, Wt, b[None, :].astype(jnp.float32))

# --- scband reference (transcript-rebuilt; emitter-appended) ---
"""Pipeline reference for scband-dummy-model-9337258901987 (READ-ONLY COPY).

The authoritative reference and input builder live on the scoring server;
editing this copy changes nothing except your own understanding.
"""

import jax, jax.numpy as jnp
import numpy as np

B = 16384
L = 50
VOCAB = 1000000
D = 64
OUT = 64

def setup_inputs(seed: int = 0) -> dict:
    key = jax.random.key(seed)
    k1, k2, k3, k4 = jax.random.split(key, 4)
    x = jax.random.randint(k1, (B, L), 0, VOCAB, dtype=jnp.int64 if jax.config.jax_enable_x64 else jnp.int32)
    emb_table = jax.random.normal(k2, (VOCAB, D), dtype=jnp.float32)
    # nn.Linear init: uniform(-1/sqrt(fan_in), 1/sqrt(fan_in))
    bound = 1.0 / np.sqrt(D)
    W = jax.random.uniform(k3, (OUT, D), minval=-bound, maxval=bound, dtype=jnp.float32)
    b = jax.random.uniform(k4, (OUT,), minval=-bound, maxval=bound, dtype=jnp.float32)
    return {"x": x, "emb_table": emb_table, "W": W, "b": b}

def reference(x, emb_table, W, b):
    # nn.EmbeddingBag with 2D input and default mode='mean':
    # gather rows then mean-pool over the bag (sequence) dimension.
    e = jnp.take(emb_table, x, axis=0)          # [B, L, D]
    pooled = jnp.mean(e, axis=1)                # [B, D]
    y = pooled @ W.T + b                        # [B, OUT]
    return jax.nn.softmax(y, axis=1)

if __name__ == "__main__":
    import jax
    _d = setup_inputs()
    print(jax.jit(kernel)(*tuple(_d.values())))

</pallas_src>

<mosaic_0001>
#map = affine_map<(d0, d1) -> (0)>
#map1 = affine_map<(d0, d1) -> (0, 0)>
module attributes {stable_mosaic.version = 14 : i64} {
  func.func @k(%arg0: i32, %arg1: i32, %arg2: memref<819200xi32, #tpu.memory_space<hbm>>, %arg3: memref<1000000x64xf32, #tpu.memory_space<hbm>>, %arg4: memref<16384x64xf32, #tpu.memory_space<hbm>>, %arg5: memref<25600xi32, #tpu.memory_space<vmem>>, %arg6: memref<200x64xf32, #tpu.memory_space<vmem>>, %arg7: memref<200x64xf32, #tpu.memory_space<vmem>>, %arg8: memref<512x64xf32, #tpu.memory_space<vmem>>, %arg9: memref<!tpu.dma_semaphore, #tpu.memory_space<semaphore_mem>>, %arg10: memref<!tpu.dma_semaphore, #tpu.memory_space<semaphore_mem>>) attributes {dimension_semantics = [#tpu.dimension_semantics<core_parallel>, #tpu.dimension_semantics<subcore_parallel>], iteration_bounds = array<i64: 2, 16>, scalar_prefetch = 0 : i64, scratch_operands = 6 : i64, tpu.core_type = #tpu.core_type<sc_vector_subcore>, window_params = [{transform_indices = #map}, {transform_indices = #map1}, {transform_indices = #map1}]} {
    %mul3A = arith.constant 2 : i32
    %mul3A_0 = arith.muli %arg1, %mul3A : i32
    %add3A = arith.addi %mul3A_0, %arg0 : i32
    %mul3A_1 = arith.constant 25600 : i32
    %mul3A_2 = arith.muli %add3A, %mul3A_1 : i32
    "tpu.region"() ({
      %run_scoped3A = tpu.sem_alloc : memref<!tpu.dma_semaphore, #tpu.memory_space<semaphore_mem>>
      %dma_start3A_25 = tpu.memref_slice %arg2[%mul3A_2] : memref<819200xi32, #tpu.memory_space<hbm>> -> memref<25600xi32, #tpu.memory_space<hbm>>
      %dma_start3A_26 = tpu.memref_slice %arg2[%mul3A_2] : memref<819200xi32, #tpu.memory_space<hbm>> -> memref<25600xi32, #tpu.memory_space<hbm>>
      tpu.enqueue_dma source(%dma_start3A_26 : memref<25600xi32, #tpu.memory_space<hbm>>) target(%arg5 : memref<25600xi32, #tpu.memory_space<vmem>>) target_semaphore(%run_scoped3A : memref<!tpu.dma_semaphore, #tpu.memory_space<semaphore_mem>>)
      %dma_wait3A = tpu.memref_slice %arg2[%mul3A_2] : memref<819200xi32, #tpu.memory_space<hbm>> -> memref<25600xi32, #tpu.memory_space<hbm>>
      %dma_wait3A_27 = tpu.memref_slice %arg2[%mul3A_2] : memref<819200xi32, #tpu.memory_space<hbm>> -> memref<25600xi32, #tpu.memory_space<hbm>>
      tpu.wait_dma2 semaphore(%run_scoped3A : memref<!tpu.dma_semaphore, #tpu.memory_space<semaphore_mem>>) src(%dma_wait3A_27 : memref<25600xi32, #tpu.memory_space<hbm>>) dst(%arg5 : memref<25600xi32, #tpu.memory_space<vmem>>)
      tpu.yield
    }) : () -> ()
    %dma_start3A = arith.constant 0 : i32
    %dma_start3A_3 = arith.constant 0 : i32
    %dma_start3A_4 = tpu.memref_slice %arg6[%dma_start3A, %dma_start3A_3] : memref<200x64xf32, #tpu.memory_space<vmem>> -> memref<128x64xf32, #tpu.memory_space<vmem>>
    %dma_start3A_5 = arith.constant 0 : i32
    %dma_start3A_6 = tpu.memref_slice %arg5[%dma_start3A_5] : memref<25600xi32, #tpu.memory_space<vmem>> -> memref<128xi32, #tpu.memory_space<vmem>>
    %dma_start3A_7 = arith.constant 0 : i32
    %dma_start3A_8 = arith.constant 0 : i32
    %dma_start3A_9 = tpu.memref_slice %arg3[%dma_start3A_7, %dma_start3A_8] : memref<1000000x64xf32, #tpu.memory_space<hbm>> -> memref<1000000x64xf32, #tpu.memory_space<hbm>>
    tpu.enqueue_indirect_dma source(%dma_start3A_9 : memref<1000000x64xf32, #tpu.memory_space<hbm>>) target(%dma_start3A_4 : memref<128x64xf32, #tpu.memory_space<vmem>>) offsets(%dma_start3A_6 : memref<128xi32, #tpu.memory_space<vmem>>) semaphore(%arg9 : memref<!tpu.dma_semaphore, #tpu.memory_space<semaphore_mem>>)
    %dma_start3A_10 = arith.constant 128 : i32
    %dma_start3A_11 = arith.constant 0 : i32
    %dma_start3A_12 = tpu.memref_slice %arg6[%dma_start3A_10, %dma_start3A_11] : memref<200x64xf32, #tpu.memory_space<vmem>> -> memref<72x64xf32, #tpu.memory_space<vmem>>
    %dma_start3A_13 = arith.constant 128 : i32
    %dma_start3A_14 = tpu.memref_slice %arg5[%dma_start3A_13] : memref<25600xi32, #tpu.memory_space<vmem>> -> memref<72xi32, #tpu.memory_space<vmem>>
    %dma_start3A_15 = arith.constant 0 : i32
    %dma_start3A_16 = arith.constant 0 : i32
    %dma_start3A_17 = tpu.memref_slice %arg3[%dma_start3A_15, %dma_start3A_16] : memref<1000000x64xf32, #tpu.memory_space<hbm>> -> memref<1000000x64xf32, #tpu.memory_space<hbm>>
    tpu.enqueue_indirect_dma source(%dma_start3A_17 : memref<1000000x64xf32, #tpu.memory_space<hbm>>) target(%dma_start3A_12 : memref<72x64xf32, #tpu.memory_space<vmem>>) offsets(%dma_start3A_14 : memref<72xi32, #tpu.memory_space<vmem>>) semaphore(%arg9 : memref<!tpu.dma_semaphore, #tpu.memory_space<semaphore_mem>>)
    %scan3A = arith.constant 0 : i32
    %scan3A_18 = arith.constant 0 : i32
    %scan3A_19 = arith.constant 64 : i32
    %scan3A_20 = arith.addi %scan3A_18, %scan3A_19 : i32
    %scan3A_21 = arith.constant 1 : i32
    scf.for %scan3A_25 = %scan3A_18 to %scan3A_20 step %scan3A_21  : i32 {
      %mul3A_26 = arith.constant 2 : i32
      %mul3A_27 = arith.muli %mul3A_26, %scan3A_25 : i32
      %add3A_28 = arith.constant 1 : i32
      %add3A_29 = arith.addi %mul3A_27, %add3A_28 : i32
      %mul3A_30 = arith.constant 200 : i32
      %mul3A_31 = arith.muli %add3A_29, %mul3A_30 : i32
      %dma_start3A_32 = arith.constant 0 : i32
      %dma_start3A_33 = arith.constant 0 : i32
      %dma_start3A_34 = tpu.memref_slice %arg7[%dma_start3A_32, %dma_start3A_33] : memref<200x64xf32, #tpu.memory_space<vmem>> -> memref<128x64xf32, #tpu.memory_space<vmem>>
      %dma_start3A_35 = tpu.memref_slice %arg5[%mul3A_31] : memref<25600xi32, #tpu.memory_space<vmem>> -> memref<128xi32, #tpu.memory_space<vmem>>
      %dma_start3A_36 = arith.constant 0 : i32
      %dma_start3A_37 = arith.constant 0 : i32
      %dma_start3A_38 = tpu.memref_slice %arg3[%dma_start3A_36, %dma_start3A_37] : memref<1000000x64xf32, #tpu.memory_space<hbm>> -> memref<1000000x64xf32, #tpu.memory_space<hbm>>
      tpu.enqueue_indirect_dma source(%dma_start3A_38 : memref<1000000x64xf32, #tpu.memory_space<hbm>>) target(%dma_start3A_34 : memref<128x64xf32, #tpu.memory_space<vmem>>) offsets(%dma_start3A_35 : memref<128xi32, #tpu.memory_space<vmem>>) semaphore(%arg10 : memref<!tpu.dma_semaphore, #tpu.memory_space<semaphore_mem>>)
      %add3A_39 = arith.constant 128 : i32
      %add3A_40 = arith.addi %mul3A_31, %add3A_39 : i32
      %dma_start3A_41 = arith.constant 128 : i32
      %dma_start3A_42 = arith.constant 0 : i32
      %dma_start3A_43 = tpu.memref_slice %arg7[%dma_start3A_41, %dma_start3A_42] : memref<200x64xf32, #tpu.memory_space<vmem>> -> memref<72x64xf32, #tpu.memory_space<vmem>>
      %dma_start3A_44 = tpu.memref_slice %arg5[%add3A_40] : memref<25600xi32, #tpu.memory_space<vmem>> -> memref<72xi32, #tpu.memory_space<vmem>>
      %dma_start3A_45 = arith.constant 0 : i32
      %dma_start3A_46 = arith.constant 0 : i32
      %dma_start3A_47 = tpu.memref_slice %arg3[%dma_start3A_45, %dma_start3A_46] : memref<1000000x64xf32, #tpu.memory_space<hbm>> -> memref<1000000x64xf32, #tpu.memory_space<hbm>>
      tpu.enqueue_indirect_dma source(%dma_start3A_47 : memref<1000000x64xf32, #tpu.memory_space<hbm>>) target(%dma_start3A_43 : memref<72x64xf32, #tpu.memory_space<vmem>>) offsets(%dma_start3A_44 : memref<72xi32, #tpu.memory_space<vmem>>) semaphore(%arg10 : memref<!tpu.dma_semaphore, #tpu.memory_space<semaphore_mem>>)
      %dma_wait3A = arith.constant 0 : i32
      %dma_wait3A_48 = arith.constant 0 : i32
      %dma_wait3A_49 = tpu.memref_slice %arg3[%dma_wait3A, %dma_wait3A_48] : memref<1000000x64xf32, #tpu.memory_space<hbm>> -> memref<200x64xf32, #tpu.memory_space<hbm>>
      %dma_wait3A_50 = arith.constant 0 : i32
      %dma_wait3A_51 = arith.constant 0 : i32
      %dma_wait3A_52 = tpu.memref_slice %arg3[%dma_wait3A_50, %dma_wait3A_51] : memref<1000000x64xf32, #tpu.memory_space<hbm>> -> memref<200x64xf32, #tpu.memory_space<hbm>>
      tpu.wait_dma2 semaphore(%arg9 : memref<!tpu.dma_semaphore, #tpu.memory_space<semaphore_mem>>) src(%dma_wait3A_52 : memref<200x64xf32, #tpu.memory_space<hbm>>) dst(%arg6 : memref<200x64xf32, #tpu.memory_space<vmem>>)
      %mul3A_53 = arith.constant 4 : i32
      %mul3A_54 = arith.muli %mul3A_27, %mul3A_53 : i32
      %scan3A_55 = arith.constant 0 : i32
      %scan3A_56 = arith.constant 0 : i32
      %scan3A_57 = arith.constant 4 : i32
      %scan3A_58 = arith.addi %scan3A_56, %scan3A_57 : i32
      %scan3A_59 = arith.constant 1 : i32
      scf.for %scan3A_81 = %scan3A_56 to %scan3A_58 step %scan3A_59  : i32 {
        %mul3A_82 = arith.constant 50 : i32
        %mul3A_83 = arith.muli %scan3A_81, %mul3A_82 : i32
        %get3A = arith.index_cast %mul3A_83 : i32 to index
        %get3A_84 = arith.constant 0 : index
        %get3A_85 = tpu.vector_load %arg6[%get3A, %get3A_84] {strides = array<i32>} : memref<200x64xf32, #tpu.memory_space<vmem>>, vector<1x16xf32>,
        %get3A_86 = vector.shape_cast %get3A_85 : vector<1x16xf32> to vector<16xf32>
        %add3A_87 = arith.constant 1 : i32
        %add3A_88 = arith.addi %mul3A_83, %add3A_87 : i32
        %get3A_89 = arith.index_cast %add3A_88 : i32 to index
        %get3A_90 = arith.constant 0 : index
        %get3A_91 = tpu.vector_load %arg6[%get3A_89, %get3A_90] {strides = array<i32>} : memref<200x64xf32, #tpu.memory_space<vmem>>, vector<1x16xf32>,
        %get3A_92 = vector.shape_cast %get3A_91 : vector<1x16xf32> to vector<16xf32>
        %add3A_93 = arith.addf %get3A_86, %get3A_92 : vector<16xf32>
        %add3A_94 = arith.constant 2 : i32
        %add3A_95 = arith.addi %mul3A_83, %add3A_94 : i32
        %get3A_96 = arith.index_cast %add3A_95 : i32 to index
        %get3A_97 = arith.constant 0 : index
        %get3A_98 = tpu.vector_load %arg6[%get3A_96, %get3A_97] {strides = array<i32>} : memref<200x64xf32, #tpu.memory_space<vmem>>, vector<1x16xf32>,
        %get3A_99 = vector.shape_cast %get3A_98 : vector<1x16xf32> to vector<16xf32>
        %add3A_100 = arith.addf %add3A_93, %get3A_99 : vector<16xf32>
        %add3A_101 = arith.constant 3 : i32
        %add3A_102 = arith.addi %mul3A_83, %add3A_101 : i32
        %get3A_103 = arith.index_cast %add3A_102 : i32 to index
        %get3A_104 = arith.constant 0 : index
        %get3A_105 = tpu.vector_load %arg6[%get3A_103, %get3A_104] {strides = array<i32>} : memref<200x64xf32, #tpu.memory_space<vmem>>, vector<1x16xf32>,
        %get3A_106 = vector.shape_cast %get3A_105 : vector<1x16xf32> to vector<16xf32>
        %add3A_107 = arith.addf %add3A_100, %get3A_106 : vector<16xf32>
        %add3A_108 = arith.constant 4 : i32
        %add3A_109 = arith.addi %mul3A_83, %add3A_108 : i32
        %get3A_110 = arith.index_cast %add3A_109 : i32 to index
        %get3A_111 = arith.constant 0 : index
        %get3A_112 = tpu.vector_load %arg6[%get3A_110, %get3A_111] {strides = array<i32>} : memref<200x64xf32, #tpu.memory_space<vmem>>, vector<1x16xf32>,
        %get3A_113 = vector.shape_cast %get3A_112 : vector<1x16xf32> to vector<16xf32>
        %add3A_114 = arith.addf %add3A_107, %get3A_113 : vector<16xf32>
        %add3A_115 = arith.constant 5 : i32
        %add3A_116 = arith.addi %mul3A_83, %add3A_115 : i32
        %get3A_117 = arith.index_cast %add3A_116 : i32 to index
        %get3A_118 = arith.constant 0 : index
        %get3A_119 = tpu.vector_load %arg6[%get3A_117, %get3A_118] {strides = array<i32>} : memref<200x64xf32, #tpu.memory_space<vmem>>, vector<1x16xf32>,
        %get3A_120 = vector.shape_cast %get3A_119 : vector<1x16xf32> to vector<16xf32>
        %add3A_121 = arith.addf %add3A_114, %get3A_120 : vector<16xf32>
        %add3A_122 = arith.constant 6 : i32
        %add3A_123 = arith.addi %mul3A_83, %add3A_122 : i32
        %get3A_124 = arith.index_cast %add3A_123 : i32 to index
        %get3A_125 = arith.constant 0 : index
        %get3A_126 = tpu.vector_load %arg6[%get3A_124, %get3A_125] {strides = array<i32>} : memref<200x64xf32, #tpu.memory_space<vmem>>, vector<1x16xf32>,
        %get3A_127 = vector.shape_cast %get3A_126 : vector<1x16xf32> to vector<16xf32>
        %add3A_128 = arith.addf %add3A_121, %get3A_127 : vector<16xf32>
        %add3A_129 = arith.constant 7 : i32
        %add3A_130 = arith.addi %mul3A_83, %add3A_129 : i32
        %get3A_131 = arith.index_cast %add3A_130 : i32 to index
        %get3A_132 = arith.constant 0 : index
        %get3A_133 = tpu.vector_load %arg6[%get3A_131, %get3A_132] {strides = array<i32>} : memref<200x64xf32, #tpu.memory_space<vmem>>, vector<1x16xf32>,
        %get3A_134 = vector.shape_cast %get3A_133 : vector<1x16xf32> to vector<16xf32>
        %add3A_135 = arith.addf %add3A_128, %get3A_134 : vector<16xf32>
        %add3A_136 = arith.constant 8 : i32
        %add3A_137 = arith.addi %mul3A_83, %add3A_136 : i32
        %get3A_138 = arith.index_cast %add3A_137 : i32 to index
        %get3A_139 = arith.constant 0 : index
        %get3A_140 = tpu.vector_load %arg6[%get3A_138, %get3A_139] {strides = array<i32>} : memref<200x64xf32, #tpu.memory_space<vmem>>, vector<1x16xf32>,
        %get3A_141 = vector.shape_cast %get3A_140 : vector<1x16xf32> to vector<16xf32>
        %add3A_142 = arith.addf %add3A_135, %get3A_141 : vector<16xf32>
        %add3A_143 = arith.constant 9 : i32
        %add3A_144 = arith.addi %mul3A_83, %add3A_143 : i32
        %get3A_145 = arith.index_cast %add3A_144 : i32 to index
        %get3A_146 = arith.constant 0 : index
        %get3A_147 = tpu.vector_load %arg6[%get3A_145, %get3A_146] {strides = array<i32>} : memref<200x64xf32, #tpu.memory_space<vmem>>, vector<1x16xf32>,
        %get3A_148 = vector.shape_cast %get3A_147 : vector<1x16xf32> to vector<16xf32>
        %add3A_149 = arith.addf %add3A_142, %get3A_148 : vector<16xf32>
        %add3A_150 = arith.constant 10 : i32
        %add3A_151 = arith.addi %mul3A_83, %add3A_150 : i32
        %get3A_152 = arith.index_cast %add3A_151 : i32 to index
        %get3A_153 = arith.constant 0 : index
        %get3A_154 = tpu.vector_load %arg6[%get3A_152, %get3A_153] {strides = array<i32>} : memref<200x64xf32, #tpu.memory_space<vmem>>, vector<1x16xf32>,
        %get3A_155 = vector.shape_cast %get3A_154 : vector<1x16xf32> to vector<16xf32>
        %add3A_156 = arith.addf %add3A_149, %get3A_155 : vector<16xf32>
        %add3A_157 = arith.constant 11 : i32
        %add3A_158 = arith.addi %mul3A_83, %add3A_157 : i32
        %get3A_159 = arith.index_cast %add3A_158 : i32 to index
        %get3A_160 = arith.constant 0 : index
        %get3A_161 = tpu.vector_load %arg6[%get3A_159, %get3A_160] {strides = array<i32>} : memref<200x64xf32, #tpu.memory_space<vmem>>, vector<1x16xf32>,
        %get3A_162 = vector.shape_cast %get3A_161 : vector<1x16xf32> to vector<16xf32>
        %add3A_163 = arith.addf %add3A_156, %get3A_162 : vector<16xf32>
        %add3A_164 = arith.constant 12 : i32
        %add3A_165 = arith.addi %mul3A_83, %add3A_164 : i32
        %get3A_166 = arith.index_cast %add3A_165 : i32 to index
        %get3A_167 = arith.constant 0 : index
        %get3A_168 = tpu.vector_load %arg6[%get3A_166, %get3A_167] {strides = array<i32>} : memref<200x64xf32, #tpu.memory_space<vmem>>, vector<1x16xf32>,
        %get3A_169 = vector.shape_cast %get3A_168 : vector<1x16xf32> to vector<16xf32>
        %add3A_170 = arith.addf %add3A_163, %get3A_169 : vector<16xf32>
        %add3A_171 = arith.constant 13 : i32
        %add3A_172 = arith.addi %mul3A_83, %add3A_171 : i32
        %get3A_173 = arith.index_cast %add3A_172 : i32 to index
        %get3A_174 = arith.constant 0 : index
        %get3A_175 = tpu.vector_load %arg6[%get3A_173, %get3A_174] {strides = array<i32>} : memref<200x64xf32, #tpu.memory_space<vmem>>, vector<1x16xf32>,
        %get3A_176 = vector.shape_cast %get3A_175 : vector<1x16xf32> to vector<16xf32>
        %add3A_177 = arith.addf %add3A_170, %get3A_176 : vector<16xf32>
        %add3A_178 = arith.constant 14 : i32
        %add3A_179 = arith.addi %mul3A_83, %add3A_178 : i32
        %get3A_180 = arith.index_cast %add3A_179 : i32 to index
        %get3A_181 = arith.constant 0 : index
        %get3A_182 = tpu.vector_load %arg6[%get3A_180, %get3A_181] {strides = array<i32>} : memref<200x64xf32, #tpu.memory_space<vmem>>, vector<1x16xf32>,
        %get3A_183 = vector.shape_cast %get3A_182 : vector<1x16xf32> to vector<16xf32>
        %add3A_184 = arith.addf %add3A_177, %get3A_183 : vector<16xf32>
        %add3A_185 = arith.constant 15 : i32
        %add3A_186 = arith.addi %mul3A_83, %add3A_185 : i32
        %get3A_187 = arith.index_cast %add3A_186 : i32 to index
        %get3A_188 = arith.constant 0 : index
        %get3A_189 = tpu.vector_load %arg6[%get3A_187, %get3A_188] {strides = array<i32>} : memref<200x64xf32, #tpu.memory_space<vmem>>, vector<1x16xf32>,
        %get3A_190 = vector.shape_cast %get3A_189 : vector<1x16xf32> to vector<16xf32>
        %add3A_191 = arith.addf %add3A_184, %get3A_190 : vector<16xf32>
        %add3A_192 = arith.constant 16 : i32
        %add3A_193 = arith.addi %mul3A_83, %add3A_192 : i32
        %get3A_194 = arith.index_cast %add3A_193 : i32 to index
        %get3A_195 = arith.constant 0 : index
        %get3A_196 = tpu.vector_load %arg6[%get3A_194, %get3A_195] {strides = array<i32>} : memref<200x64xf32, #tpu.memory_space<vmem>>, vector<1x16xf32>,
        %get3A_197 = vector.shape_cast %get3A_196 : vector<1x16xf32> to vector<16xf32>
        %add3A_198 = arith.addf %add3A_191, %get3A_197 : vector<16xf32>
        %add3A_199 = arith.constant 17 : i32
        %add3A_200 = arith.addi %mul3A_83, %add3A_199 : i32
        %get3A_201 = arith.index_cast %add3A_200 : i32 to index
        %get3A_202 = arith.constant 0 : index
        %get3A_203 = tpu.vector_load %arg6[%get3A_201, %get3A_202] {strides = array<i32>} : memref<200x64xf32, #tpu.memory_space<vmem>>, vector<1x16xf32>,
        %get3A_204 = vector.shape_cast %get3A_203 : vector<1x16xf32> to vector<16xf32>
        %add3A_205 = arith.addf %add3A_198, %get3A_204 : vector<16xf32>
        %add3A_206 = arith.constant 18 : i32
        %add3A_207 = arith.addi %mul3A_83, %add3A_206 : i32
        %get3A_208 = arith.index_cast %add3A_207 : i32 to index
        %get3A_209 = arith.constant 0 : index
        %get3A_210 = tpu.vector_load %arg6[%get3A_208, %get3A_209] {strides = array<i32>} : memref<200x64xf32, #tpu.memory_space<vmem>>, vector<1x16xf32>,
        %get3A_211 = vector.shape_cast %get3A_210 : vector<1x16xf32> to vector<16xf32>
        %add3A_212 = arith.addf %add3A_205, %get3A_211 : vector<16xf32>
        %add3A_213 = arith.constant 19 : i32
        %add3A_214 = arith.addi %mul3A_83, %add3A_213 : i32
        %get3A_215 = arith.index_cast %add3A_214 : i32 to index
        %get3A_216 = arith.constant 0 : index
        %get3A_217 = tpu.vector_load %arg6[%get3A_215, %get3A_216] {strides = array<i32>} : memref<200x64xf32, #tpu.memory_space<vmem>>, vector<1x16xf32>,
        %get3A_218 = vector.shape_cast %get3A_217 : vector<1x16xf32> to vector<16xf32>
        %add3A_219 = arith.addf %add3A_212, %get3A_218 : vector<16xf32>
        %add3A_220 = arith.constant 20 : i32
        %add3A_221 = arith.addi %mul3A_83, %add3A_220 : i32
        %get3A_222 = arith.index_cast %add3A_221 : i32 to index
        %get3A_223 = arith.constant 0 : index
        %get3A_224 = tpu.vector_load %arg6[%get3A_222, %get3A_223] {strides = array<i32>} : memref<200x64xf32, #tpu.memory_space<vmem>>, vector<1x16xf32>,
        %get3A_225 = vector.shape_cast %get3A_224 : vector<1x16xf32> to vector<16xf32>
        %add3A_226 = arith.addf %add3A_219, %get3A_225 : vector<16xf32>
        %add3A_227 = arith.constant 21 : i32
        %add3A_228 = arith.addi %mul3A_83, %add3A_227 : i32
        %get3A_229 = arith.index_cast %add3A_228 : i32 to index
        %get3A_230 = arith.constant 0 : index
        %get3A_231 = tpu.vector_load %arg6[%get3A_229, %get3A_230] {strides = array<i32>} : memref<200x64xf32, #tpu.memory_space<vmem>>, vector<1x16xf32>,
        %get3A_232 = vector.shape_cast %get3A_231 : vector<1x16xf32> to vector<16xf32>
        %add3A_233 = arith.addf %add3A_226, %get3A_232 : vector<16xf32>
        %add3A_234 = arith.constant 22 : i32
        %add3A_235 = arith.addi %mul3A_83, %add3A_234 : i32
        %get3A_236 = arith.index_cast %add3A_235 : i32 to index
        %get3A_237 = arith.constant 0 : index
        %get3A_238 = tpu.vector_load %arg6[%get3A_236, %get3A_237] {strides = array<i32>} : memref<200x64xf32, #tpu.memory_space<vmem>>, vector<1x16xf32>,
        %get3A_239 = vector.shape_cast %get3A_238 : vector<1x16xf32> to vector<16xf32>
        %add3A_240 = arith.addf %add3A_233, %get3A_239 : vector<16xf32>
        %add3A_241 = arith.constant 23 : i32
        %add3A_242 = arith.addi %mul3A_83, %add3A_241 : i32
        %get3A_243 = arith.index_cast %add3A_242 : i32 to index
        %get3A_244 = arith.constant 0 : index
        %get3A_245 = tpu.vector_load %arg6[%get3A_243, %get3A_244] {strides = array<i32>} : memref<200x64xf32, #tpu.memory_space<vmem>>, vector<1x16xf32>,
        %get3A_246 = vector.shape_cast %get3A_245 : vector<1x16xf32> to vector<16xf32>
        %add3A_247 = arith.addf %add3A_240, %get3A_246 : vector<16xf32>
        %add3A_248 = arith.constant 24 : i32
        %add3A_249 = arith.addi %mul3A_83, %add3A_248 : i32
        %get3A_250 = arith.index_cast %add3A_249 : i32 to index
        %get3A_251 = arith.constant 0 : index
        %get3A_252 = tpu.vector_load %arg6[%get3A_250, %get3A_251] {strides = array<i32>} : memref<200x64xf32, #tpu.memory_space<vmem>>, vector<1x16xf32>,
        %get3A_253 = vector.shape_cast %get3A_252 : vector<1x16xf32> to vector<16xf32>
        %add3A_254 = arith.addf %add3A_247, %get3A_253 : vector<16xf32>
        %add3A_255 = arith.constant 25 : i32
        %add3A_256 = arith.addi %mul3A_83, %add3A_255 : i32
        %get3A_257 = arith.index_cast %add3A_256 : i32 to index
        %get3A_258 = arith.constant 0 : index
        %get3A_259 = tpu.vector_load %arg6[%get3A_257, %get3A_258] {strides = array<i32>} : memref<200x64xf32, #tpu.memory_space<vmem>>, vector<1x16xf32>,
        %get3A_260 = vector.shape_cast %get3A_259 : vector<1x16xf32> to vector<16xf32>
        %add3A_261 = arith.addf %add3A_254, %get3A_260 : vector<16xf32>
        %add3A_262 = arith.constant 26 : i32
        %add3A_263 = arith.addi %mul3A_83, %add3A_262 : i32
        %get3A_264 = arith.index_cast %add3A_263 : i32 to index
        %get3A_265 = arith.constant 0 : index
        %get3A_266 = tpu.vector_load %arg6[%get3A_264, %get3A_265] {strides = array<i32>} : memref<200x64xf32, #tpu.memory_space<vmem>>, vector<1x16xf32>,
        %get3A_267 = vector.shape_cast %get3A_266 : vector<1x16xf32> to vector<16xf32>
        %add3A_268 = arith.addf %add3A_261, %get3A_267 : vector<16xf32>
        %add3A_269 = arith.constant 27 : i32
        %add3A_270 = arith.addi %mul3A_83, %add3A_269 : i32
        %get3A_271 = arith.index_cast %add3A_270 : i32 to index
        %get3A_272 = arith.constant 0 : index
        %get3A_273 = tpu.vector_load %arg6[%get3A_271, %get3A_272] {strides = array<i32>} : memref<200x64xf32, #tpu.memory_space<vmem>>, vector<1x16xf32>,
        %get3A_274 = vector.shape_cast %get3A_273 : vector<1x16xf32> to vector<16xf32>
        %add3A_275 = arith.addf %add3A_268, %get3A_274 : vector<16xf32>
        %add3A_276 = arith.constant 28 : i32
        %add3A_277 = arith.addi %mul3A_83, %add3A_276 : i32
        %get3A_278 = arith.index_cast %add3A_277 : i32 to index
        %get3A_279 = arith.constant 0 : index
        %get3A_280 = tpu.vector_load %arg6[%get3A_278, %get3A_279] {strides = array<i32>} : memref<200x64xf32, #tpu.memory_space<vmem>>, vector<1x16xf32>,
        %get3A_281 = vector.shape_cast %get3A_280 : vector<1x16xf32> to vector<16xf32>
        %add3A_282 = arith.addf %add3A_275, %get3A_281 : vector<16xf32>
        %add3A_283 = arith.constant 29 : i32
        %add3A_284 = arith.addi %mul3A_83, %add3A_283 : i32
        %get3A_285 = arith.index_cast %add3A_284 : i32 to index
        %get3A_286 = arith.constant 0 : index
        %get3A_287 = tpu.vector_load %arg6[%get3A_285, %get3A_286] {strides = array<i32>} : memref<200x64xf32, #tpu.memory_space<vmem>>, vector<1x16xf32>,
        %get3A_288 = vector.shape_cast %get3A_287 : vector<1x16xf32> to vector<16xf32>
        %add3A_289 = arith.addf %add3A_282, %get3A_288 : vector<16xf32>
        %add3A_290 = arith.constant 30 : i32
        %add3A_291 = arith.addi %mul3A_83, %add3A_290 : i32
        %get3A_292 = arith.index_cast %add3A_291 : i32 to index
        %get3A_293 = arith.constant 0 : index
        %get3A_294 = tpu.vector_load %arg6[%get3A_292, %get3A_293] {strides = array<i32>} : memref<200x64xf32, #tpu.memory_space<vmem>>, vector<1x16xf32>,
        %get3A_295 = vector.shape_cast %get3A_294 : vector<1x16xf32> to vector<16xf32>
        %add3A_296 = arith.addf %add3A_289, %get3A_295 : vector<16xf32>
        %add3A_297 = arith.constant 31 : i32
        %add3A_298 = arith.addi %mul3A_83, %add3A_297 : i32
        %get3A_299 = arith.index_cast %add3A_298 : i32 to index
        %get3A_300 = arith.constant 0 : index
        %get3A_301 = tpu.vector_load %arg6[%get3A_299, %get3A_300] {strides = array<i32>} : memref<200x64xf32, #tpu.memory_space<vmem>>, vector<1x16xf32>,
        %get3A_302 = vector.shape_cast %get3A_301 : vector<1x16xf32> to vector<16xf32>
        %add3A_303 = arith.addf %add3A_296, %get3A_302 : vector<16xf32>
        %add3A_304 = arith.constant 32 : i32
        %add3A_305 = arith.addi %mul3A_83, %add3A_304 : i32
        %get3A_306 = arith.index_cast %add3A_305 : i32 to index
        %get3A_307 = arith.constant 0 : index
        %get3A_308 = tpu.vector_load %arg6[%get3A_306, %get3A_307] {strides = array<i32>} : memref<200x64xf32, #tpu.memory_space<vmem>>, vector<1x16xf32>,
        %get3A_309 = vector.shape_cast %get3A_308 : vector<1x16xf32> to vector<16xf32>
        %add3A_310 = arith.addf %add3A_303, %get3A_309 : vector<16xf32>
        %add3A_311 = arith.constant 33 : i32
        %add3A_312 = arith.addi %mul3A_83, %add3A_311 : i32
        %get3A_313 = arith.index_cast %add3A_312 : i32 to index
        %get3A_314 = arith.constant 0 : index
        %get3A_315 = tpu.vector_load %arg6[%get3A_313, %get3A_314] {strides = array<i32>} : memref<200x64xf32, #tpu.memory_space<vmem>>, vector<1x16xf32>,
        %get3A_316 = vector.shape_cast %get3A_315 : vector<1x16xf32> to vector<16xf32>
        %add3A_317 = arith.addf %add3A_310, %get3A_316 : vector<16xf32>
        %add3A_318 = arith.constant 34 : i32
        %add3A_319 = arith.addi %mul3A_83, %add3A_318 : i32
        %get3A_320 = arith.index_cast %add3A_319 : i32 to index
        %get3A_321 = arith.constant 0 : index
        %get3A_322 = tpu.vector_load %arg6[%get3A_320, %get3A_321] {strides = array<i32>} : memref<200x64xf32, #tpu.memory_space<vmem>>, vector<1x16xf32>,
        %get3A_323 = vector.shape_cast %get3A_322 : vector<1x16xf32> to vector<16xf32>
        %add3A_324 = arith.addf %add3A_317, %get3A_323 : vector<16xf32>
        %add3A_325 = arith.constant 35 : i32
        %add3A_326 = arith.addi %mul3A_83, %add3A_325 : i32
        %get3A_327 = arith.index_cast %add3A_326 : i32 to index
        %get3A_328 = arith.constant 0 : index
        %get3A_329 = tpu.vector_load %arg6[%get3A_327, %get3A_328] {strides = array<i32>} : memref<200x64xf32, #tpu.memory_space<vmem>>, vector<1x16xf32>,
        %get3A_330 = vector.shape_cast %get3A_329 : vector<1x16xf32> to vector<16xf32>
        %add3A_331 = arith.addf %add3A_324, %get3A_330 : vector<16xf32>
        %add3A_332 = arith.constant 36 : i32
        %add3A_333 = arith.addi %mul3A_83, %add3A_332 : i32
        %get3A_334 = arith.index_cast %add3A_333 : i32 to index
        %get3A_335 = arith.constant 0 : index
        %get3A_336 = tpu.vector_load %arg6[%get3A_334, %get3A_335] {strides = array<i32>} : memref<200x64xf32, #tpu.memory_space<vmem>>, vector<1x16xf32>,
        %get3A_337 = vector.shape_cast %get3A_336 : vector<1x16xf32> to vector<16xf32>
        %add3A_338 = arith.addf %add3A_331, %get3A_337 : vector<16xf32>
        %add3A_339 = arith.constant 37 : i32
        %add3A_340 = arith.addi %mul3A_83, %add3A_339 : i32
        %get3A_341 = arith.index_cast %add3A_340 : i32 to index
        %get3A_342 = arith.constant 0 : index
        %get3A_343 = tpu.vector_load %arg6[%get3A_341, %get3A_342] {strides = array<i32>} : memref<200x64xf32, #tpu.memory_space<vmem>>, vector<1x16xf32>,
        %get3A_344 = vector.shape_cast %get3A_343 : vector<1x16xf32> to vector<16xf32>
        %add3A_345 = arith.addf %add3A_338, %get3A_344 : vector<16xf32>
        %add3A_346 = arith.constant 38 : i32
        %add3A_347 = arith.addi %mul3A_83, %add3A_346 : i32
        %get3A_348 = arith.index_cast %add3A_347 : i32 to index
        %get3A_349 = arith.constant 0 : index
        %get3A_350 = tpu.vector_load %arg6[%get3A_348, %get3A_349] {strides = array<i32>} : memref<200x64xf32, #tpu.memory_space<vmem>>, vector<1x16xf32>,
        %get3A_351 = vector.shape_cast %get3A_350 : vector<1x16xf32> to vector<16xf32>
        %add3A_352 = arith.addf %add3A_345, %get3A_351 : vector<16xf32>
        %add3A_353 = arith.constant 39 : i32
        %add3A_354 = arith.addi %mul3A_83, %add3A_353 : i32
        %get3A_355 = arith.index_cast %add3A_354 : i32 to index
        %get3A_356 = arith.constant 0 : index
        %get3A_357 = tpu.vector_load %arg6[%get3A_355, %get3A_356] {strides = array<i32>} : memref<200x64xf32, #tpu.memory_space<vmem>>, vector<1x16xf32>,
        %get3A_358 = vector.shape_cast %get3A_357 : vector<1x16xf32> to vector<16xf32>
        %add3A_359 = arith.addf %add3A_352, %get3A_358 : vector<16xf32>
        %add3A_360 = arith.constant 40 : i32
        %add3A_361 = arith.addi %mul3A_83, %add3A_360 : i32
        %get3A_362 = arith.index_cast %add3A_361 : i32 to index
        %get3A_363 = arith.constant 0 : index
        %get3A_364 = tpu.vector_load %arg6[%get3A_362, %get3A_363] {strides = array<i32>} : memref<200x64xf32, #tpu.memory_space<vmem>>, vector<1x16xf32>,
        %get3A_365 = vector.shape_cast %get3A_364 : vector<1x16xf32> to vector<16xf32>
        %add3A_366 = arith.addf %add3A_359, %get3A_365 : vector<16xf32>
        %add3A_367 = arith.constant 41 : i32
        %add3A_368 = arith.addi %mul3A_83, %add3A_367 : i32
        %get3A_369 = arith.index_cast %add3A_368 : i32 to index
        %get3A_370 = arith.constant 0 : index
        %get3A_371 = tpu.vector_load %arg6[%get3A_369, %get3A_370] {strides = array<i32>} : memref<200x64xf32, #tpu.memory_space<vmem>>, vector<1x16xf32>,
        %get3A_372 = vector.shape_cast %get3A_371 : vector<1x16xf32> to vector<16xf32>
        %add3A_373 = arith.addf %add3A_366, %get3A_372 : vector<16xf32>
        %add3A_374 = arith.constant 42 : i32
        %add3A_375 = arith.addi %mul3A_83, %add3A_374 : i32
        %get3A_376 = arith.index_cast %add3A_375 : i32 to index
        %get3A_377 = arith.constant 0 : index
        %get3A_378 = tpu.vector_load %arg6[%get3A_376, %get3A_377] {strides = array<i32>} : memref<200x64xf32, #tpu.memory_space<vmem>>, vector<1x16xf32>,
        %get3A_379 = vector.shape_cast %get3A_378 : vector<1x16xf32> to vector<16xf32>
        %add3A_380 = arith.addf %add3A_373, %get3A_379 : vector<16xf32>
        %add3A_381 = arith.constant 43 : i32
        %add3A_382 = arith.addi %mul3A_83, %add3A_381 : i32
        %get3A_383 = arith.index_cast %add3A_382 : i32 to index
        %get3A_384 = arith.constant 0 : index
        %get3A_385 = tpu.vector_load %arg6[%get3A_383, %get3A_384] {strides = array<i32>} : memref<200x64xf32, #tpu.memory_space<vmem>>, vector<1x16xf32>,
        %get3A_386 = vector.shape_cast %get3A_385 : vector<1x16xf32> to vector<16xf32>
        %add3A_387 = arith.addf %add3A_380, %get3A_386 : vector<16xf32>
        %add3A_388 = arith.constant 44 : i32
        %add3A_389 = arith.addi %mul3A_83, %add3A_388 : i32
        %get3A_390 = arith.index_cast %add3A_389 : i32 to index
        %get3A_391 = arith.constant 0 : index
        %get3A_392 = tpu.vector_load %arg6[%get3A_390, %get3A_391] {strides = array<i32>} : memref<200x64xf32, #tpu.memory_space<vmem>>, vector<1x16xf32>,
        %get3A_393 = vector.shape_cast %get3A_392 : vector<1x16xf32> to vector<16xf32>
        %add3A_394 = arith.addf %add3A_387, %get3A_393 : vector<16xf32>
        %add3A_395 = arith.constant 45 : i32
        %add3A_396 = arith.addi %mul3A_83, %add3A_395 : i32
        %get3A_397 = arith.index_cast %add3A_396 : i32 to index
        %get3A_398 = arith.constant 0 : index
        %get3A_399 = tpu.vector_load %arg6[%get3A_397, %get3A_398] {strides = array<i32>} : memref<200x64xf32, #tpu.memory_space<vmem>>, vector<1x16xf32>,
        %get3A_400 = vector.shape_cast %get3A_399 : vector<1x16xf32> to vector<16xf32>
        %add3A_401 = arith.addf %add3A_394, %get3A_400 : vector<16xf32>
        %add3A_402 = arith.constant 46 : i32
        %add3A_403 = arith.addi %mul3A_83, %add3A_402 : i32
        %get3A_404 = arith.index_cast %add3A_403 : i32 to index
        %get3A_405 = arith.constant 0 : index
        %get3A_406 = tpu.vector_load %arg6[%get3A_404, %get3A_405] {strides = array<i32>} : memref<200x64xf32, #tpu.memory_space<vmem>>, vector<1x16xf32>,
        %get3A_407 = vector.shape_cast %get3A_406 : vector<1x16xf32> to vector<16xf32>
        %add3A_408 = arith.addf %add3A_401, %get3A_407 : vector<16xf32>
        %add3A_409 = arith.constant 47 : i32
        %add3A_410 = arith.addi %mul3A_83, %add3A_409 : i32
        %get3A_411 = arith.index_cast %add3A_410 : i32 to index
        %get3A_412 = arith.constant 0 : index
        %get3A_413 = tpu.vector_load %arg6[%get3A_411, %get3A_412] {strides = array<i32>} : memref<200x64xf32, #tpu.memory_space<vmem>>, vector<1x16xf32>,
        %get3A_414 = vector.shape_cast %get3A_413 : vector<1x16xf32> to vector<16xf32>
        %add3A_415 = arith.addf %add3A_408, %get3A_414 : vector<16xf32>
        %add3A_416 = arith.constant 48 : i32
        %add3A_417 = arith.addi %mul3A_83, %add3A_416 : i32
        %get3A_418 = arith.index_cast %add3A_417 : i32 to index
        %get3A_419 = arith.constant 0 : index
        %get3A_420 = tpu.vector_load %arg6[%get3A_418, %get3A_419] {strides = array<i32>} : memref<200x64xf32, #tpu.memory_space<vmem>>, vector<1x16xf32>,
        %get3A_421 = vector.shape_cast %get3A_420 : vector<1x16xf32> to vector<16xf32>
        %add3A_422 = arith.addf %add3A_415, %get3A_421 : vector<16xf32>
        %add3A_423 = arith.constant 49 : i32
        %add3A_424 = arith.addi %mul3A_83, %add3A_423 : i32
        %get3A_425 = arith.index_cast %add3A_424 : i32 to index
        %get3A_426 = arith.constant 0 : index
        %get3A_427 = tpu.vector_load %arg6[%get3A_425, %get3A_426] {strides = array<i32>} : memref<200x64xf32, #tpu.memory_space<vmem>>, vector<1x16xf32>,
        %get3A_428 = vector.shape_cast %get3A_427 : vector<1x16xf32> to vector<16xf32>
        %add3A_429 = arith.addf %add3A_422, %get3A_428 : vector<16xf32>
        %add3A_430 = arith.addi %mul3A_54, %scan3A_81 : i32
        %swap3A = arith.index_cast %add3A_430 : i32 to index
        %swap3A_431 = arith.constant 0 : index
        %swap3A_432 = tpu.vector_load %arg8[%swap3A, %swap3A_431] {strides = array<i32>} : memref<512x64xf32, #tpu.memory_space<vmem>>, vector<1x16xf32>,
        %swap3A_433 = vector.shape_cast %swap3A_432 : vector<1x16xf32> to vector<16xf32>
        %swap3A_434 = vector.shape_cast %add3A_429 : vector<16xf32> to vector<1x16xf32>
        tpu.vector_store %arg8[%swap3A, %swap3A_431], %swap3A_434 {strides = array<i32>} : memref<512x64xf32, #tpu.memory_space<vmem>>, vector<1x16xf32>,
        %get3A_435 = arith.index_cast %mul3A_83 : i32 to index
        %get3A_436 = arith.constant 16 : index
        %get3A_437 = tpu.vector_load %arg6[%get3A_435, %get3A_436] {strides = array<i32>} : memref<200x64xf32, #tpu.memory_space<vmem>>, vector<1x16xf32>,
        %get3A_438 = vector.shape_cast %get3A_437 : vector<1x16xf32> to vector<16xf32>
        %add3A_439 = arith.constant 1 : i32
        %add3A_440 = arith.addi %mul3A_83, %add3A_439 : i32
        %get3A_441 = arith.index_cast %add3A_440 : i32 to index
        %get3A_442 = arith.constant 16 : index
        %get3A_443 = tpu.vector_load %arg6[%get3A_441, %get3A_442] {strides = array<i32>} : memref<200x64xf32, #tpu.memory_space<vmem>>, vector<1x16xf32>,
        %get3A_444 = vector.shape_cast %get3A_443 : vector<1x16xf32> to vector<16xf32>
        %add3A_445 = arith.addf %get3A_438, %get3A_444 : vector<16xf32>
        %add3A_446 = arith.constant 2 : i32
        %add3A_447 = arith.addi %mul3A_83, %add3A_446 : i32
        %get3A_448 = arith.index_cast %add3A_447 : i32 to index
        %get3A_449 = arith.constant 16 : index
        %get3A_450 = tpu.vector_load %arg6[%get3A_448, %get3A_449] {strides = array<i32>} : memref<200x64xf32, #tpu.memory_space<vmem>>, vector<1x16xf32>,
        %get3A_451 = vector.shape_cast %get3A_450 : vector<1x16xf32> to vector<16xf32>
        %add3A_452 = arith.addf %add3A_445, %get3A_451 : vector<16xf32>
        %add3A_453 = arith.constant 3 : i32
        %add3A_454 = arith.addi %mul3A_83, %add3A_453 : i32
        %get3A_455 = arith.index_cast %add3A_454 : i32 to index
        %get3A_456 = arith.constant 16 : index
        %get3A_457 = tpu.vector_load %arg6[%get3A_455, %get3A_456] {strides = array<i32>} : memref<200x64xf32, #tpu.memory_space<vmem>>, vector<1x16xf32>,
        %get3A_458 = vector.shape_cast %get3A_457 : vector<1x16xf32> to vector<16xf32>
        %add3A_459 = arith.addf %add3A_452, %get3A_458 : vector<16xf32>
        %add3A_460 = arith.constant 4 : i32
        %add3A_461 = arith.addi %mul3A_83, %add3A_460 : i32
        %get3A_462 = arith.index_cast %add3A_461 : i32 to index
        %get3A_463 = arith.constant 16 : index
        %get3A_464 = tpu.vector_load %arg6[%get3A_462, %get3A_463] {strides = array<i32>} : memref<200x64xf32, #tpu.memory_space<vmem>>, vector<1x16xf32>,
        %get3A_465 = vector.shape_cast %get3A_464 : vector<1x16xf32> to vector<16xf32>
        %add3A_466 = arith.addf %add3A_459, %get3A_465 : vector<16xf32>
        %add3A_467 = arith.constant 5 : i32
        %add3A_468 = arith.addi %mul3A_83, %add3A_467 : i32
        %get3A_469 = arith.index_cast %add3A_468 : i32 to index
        %get3A_470 = arith.constant 16 : index
        %get3A_471 = tpu.vector_load %arg6[%get3A_469, %get3A_470] {strides = array<i32>} : memref<200x64xf32, #tpu.memory_space<vmem>>, vector<1x16xf32>,
        %get3A_472 = vector.shape_cast %get3A_471 : vector<1x16xf32> to vector<16xf32>
        %add3A_473 = arith.addf %add3A_466, %get3A_472 : vector<16xf32>
        %add3A_474 = arith.constant 6 : i32
        %add3A_475 = arith.addi %mul3A_83, %add3A_474 : i32
        %get3A_476 = arith.index_cast %add3A_475 : i32 to index
        %get3A_477 = arith.constant 16 : index
        %get3A_478 = tpu.vector_load %arg6[%get3A_476, %get3A_477] {strides = array<i32>} : memref<200x64xf32, #tpu.memory_space<vmem>>, vector<1x16xf32>,
        %get3A_479 = vector.shape_cast %get3A_478 : vector<1x16xf32> to vector<16xf32>
        %add3A_480 = arith.addf %add3A_473, %get3A_479 : vector<16xf32>
        %add3A_481 = arith.constant 7 : i32
        %add3A_482 = arith.addi %mul3A_83, %add3A_481 : i32
        %get3A_483 = arith.index_cast %add3A_482 : i32 to index
        %get3A_484 = arith.constant 16 : index
        %get3A_485 = tpu.vector_load %arg6[%get3A_483, %get3A_484] {strides = array<i32>} : memref<200x64xf32, #tpu.memory_space<vmem>>, vector<1x16xf32>,
        %get3A_486 = vector.shape_cast %get3A_485 : vector<1x16xf32> to vector<16xf32>
        %add3A_487 = arith.addf %add3A_480, %get3A_486 : vector<16xf32>
        %add3A_488 = arith.constant 8 : i32
        %add3A_489 = arith.addi %mul3A_83, %add3A_488 : i32
        %get3A_490 = arith.index_cast %add3A_489 : i32 to index
        %get3A_491 = arith.constant 16 : index
        %get3A_492 = tpu.vector_load %arg6[%get3A_490, %get3A_491] {strides = array<i32>} : memref<200x64xf32, #tpu.memory_space<vmem>>, vector<1x16xf32>,
        %get3A_493 = vector.shape_cast %get3A_492 : vector<1x16xf32> to vector<16xf32>
        %add3A_494 = arith.addf %add3A_487, %get3A_493 : vector<16xf32>
        %add3A_495 = arith.constant 9 : i32
        %add3A_496 = arith.addi %mul3A_83, %add3A_495 : i32
        %get3A_497 = arith.index_cast %add3A_496 : i32 to index
        %get3A_498 = arith.constant 16 : index
        %get3A_499 = tpu.vector_load %arg6[%get3A_497, %get3A_498] {strides = array<i32>} : memref<200x64xf32, #tpu.memory_space<vmem>>, vector<1x16xf32>,
        %get3A_500 = vector.shape_cast %get3A_499 : vector<1x16xf32> to vector<16xf32>
        %add3A_501 = arith.addf %add3A_494, %get3A_500 : vector<16xf32>
        %add3A_502 = arith.constant 10 : i32
        %add3A_503 = arith.addi %mul3A_83, %add3A_502 : i32
        %get3A_504 = arith.index_cast %add3A_503 : i32 to index
        %get3A_505 = arith.constant 16 : index
        %get3A_506 = tpu.vector_load %arg6[%get3A_504, %get3A_505] {strides = array<i32>} : memref<200x64xf32, #tpu.memory_space<vmem>>, vector<1x16xf32>,
        %get3A_507 = vector.shape_cast %get3A_506 : vector<1x16xf32> to vector<16xf32>
        %add3A_508 = arith.addf %add3A_501, %get3A_507 : vector<16xf32>
        %add3A_509 = arith.constant 11 : i32
        %add3A_510 = arith.addi %mul3A_83, %add3A_509 : i32
        %get3A_511 = arith.index_cast %add3A_510 : i32 to index
        %get3A_512 = arith.constant 16 : index
        %get3A_513 = tpu.vector_load %arg6[%get3A_511, %get3A_512] {strides = array<i32>} : memref<200x64xf32, #tpu.memory_space<vmem>>, vector<1x16xf32>,
        %get3A_514 = vector.shape_cast %get3A_513 : vector<1x16xf32> to vector<16xf32>
        %add3A_515 = arith.addf %add3A_508, %get3A_514 : vector<16xf32>
        %add3A_516 = arith.constant 12 : i32
        %add3A_517 = arith.addi %mul3A_83, %add3A_516 : i32
        %get3A_518 = arith.index_cast %add3A_517 : i32 to index
        %get3A_519 = arith.constant 16 : index
        %get3A_520 = tpu.vector_load %arg6[%get3A_518, %get3A_519] {strides = array<i32>} : memref<200x64xf32, #tpu.memory_space<vmem>>, vector<1x16xf32>,
        %get3A_521 = vector.shape_cast %get3A_520 : vector<1x16xf32> to vector<16xf32>
        %add3A_522 = arith.addf %add3A_515, %get3A_521 : vector<16xf32>
        %add3A_523 = arith.constant 13 : i32
        %add3A_524 = arith.addi %mul3A_83, %add3A_523 : i32
        %get3A_525 = arith.index_cast %add3A_524 : i32 to index
        %get3A_526 = arith.constant 16 : index
        %get3A_527 = tpu.vector_load %arg6[%get3A_525, %get3A_526] {strides = array<i32>} : memref<200x64xf32, #tpu.memory_space<vmem>>, vector<1x16xf32>,
        %get3A_528 = vector.shape_cast %get3A_527 : vector<1x16xf32> to vector<16xf32>
        %add3A_529 = arith.addf %add3A_522, %get3A_528 : vector<16xf32>
        %add3A_530 = arith.constant 14 : i32
        %add3A_531 = arith.addi %mul3A_83, %add3A_530 : i32
        %get3A_532 = arith.index_cast %add3A_531 : i32 to index
        %get3A_533 = arith.constant 16 : index
        %get3A_534 = tpu.vector_load %arg6[%get3A_532, %get3A_533] {strides = array<i32>} : memref<200x64xf32, #tpu.memory_space<vmem>>, vector<1x16xf32>,
        %get3A_535 = vector.shape_cast %get3A_534 : vector<1x16xf32> to vector<16xf32>
        %add3A_536 = arith.addf %add3A_529, %get3A_535 : vector<16xf32>
        %add3A_537 = arith.constant 15 : i32
        %add3A_538 = arith.addi %mul3A_83, %add3A_537 : i32
        %get3A_539 = arith.index_cast %add3A_538 : i32 to index
        %get3A_540 = arith.constant 16 : index
        %get3A_541 = tpu.vector_load %arg6[%get3A_539, %get3A_540] {strides = array<i32>} : memref<200x64xf32, #tpu.memory_space<vmem>>, vector<1x16xf32>,
        %get3A_542 = vector.shape_cast %get3A_541 : vector<1x16xf32> to vector<16xf32>
        %add3A_543 = arith.addf %add3A_536, %get3A_542 : vector<16xf32>
        %add3A_544 = arith.constant 16 : i32
        %add3A_545 = arith.addi %mul3A_83, %add3A_544 : i32
        %get3A_546 = arith.index_cast %add3A_545 : i32 to index
        %get3A_547 = arith.constant 16 : index
        %get3A_548 = tpu.vector_load %arg6[%get3A_546, %get3A_547] {strides = array<i32>} : memref<200x64xf32, #tpu.memory_space<vmem>>, vector<1x16xf32>,
        %get3A_549 = vector.shape_cast %get3A_548 : vector<1x16xf32> to vector<16xf32>
        %add3A_550 = arith.addf %add3A_543, %get3A_549 : vector<16xf32>
        %add3A_551 = arith.constant 17 : i32
        %add3A_552 = arith.addi %mul3A_83, %add3A_551 : i32
        %get3A_553 = arith.index_cast %add3A_552 : i32 to index
        %get3A_554 = arith.constant 16 : index
        %get3A_555 = tpu.vector_load %arg6[%get3A_553, %get3A_554] {strides = array<i32>} : memref<200x64xf32, #tpu.memory_space<vmem>>, vector<1x16xf32>,
        %get3A_556 = vector.shape_cast %get3A_555 : vector<1x16xf32> to vector<16xf32>
        %add3A_557 = arith.addf %add3A_550, %get3A_556 : vector<16xf32>
        %add3A_558 = arith.constant 18 : i32
        %add3A_559 = arith.addi %mul3A_83, %add3A_558 : i32
        %get3A_560 = arith.index_cast %add3A_559 : i32 to index
        %get3A_561 = arith.constant 16 : index
        %get3A_562 = tpu.vector_load %arg6[%get3A_560, %get3A_561] {strides = array<i32>} : memref<200x64xf32, #tpu.memory_space<vmem>>, vector<1x16xf32>,
        %get3A_563 = vector.shape_cast %get3A_562 : vector<1x16xf32> to vector<16xf32>
        %add3A_564 = arith.addf %add3A_557, %get3A_563 : vector<16xf32>
        %add3A_565 = arith.constant 19 : i32
        %add3A_566 = arith.addi %mul3A_83, %add3A_565 : i32
        %get3A_567 = arith.index_cast %add3A_566 : i32 to index
        %get3A_568 = arith.constant 16 : index
        %get3A_569 = tpu.vector_load %arg6[%get3A_567, %get3A_568] {strides = array<i32>} : memref<200x64xf32, #tpu.memory_space<vmem>>, vector<1x16xf32>,
        %get3A_570 = vector.shape_cast %get3A_569 : vector<1x16xf32> to vector<16xf32>
        %add3A_571 = arith.addf %add3A_564, %get3A_570 : vector<16xf32>
        %add3A_572 = arith.constant 20 : i32
        %add3A_573 = arith.addi %mul3A_83, %add3A_572 : i32
        %get3A_574 = arith.index_cast %add3A_573 : i32 to index
        %get3A_575 = arith.constant 16 : index
        %get3A_576 = tpu.vector_load %arg6[%get3A_574, %get3A_575] {strides = array<i32>} : memref<200x64xf32, #tpu.memory_space<vmem>>, vector<1x16xf32>,
        %get3A_577 = vector.shape_cast %get3A_576 : vector<1x16xf32> to vector<16xf32>
        %add3A_578 = arith.addf %add3A_571, %get3A_577 : vector<16xf32>
        %add3A_579 = arith.constant 21 : i32
        %add3A_580 = arith.addi %mul3A_83, %add3A_579 : i32
        %get3A_581 = arith.index_cast %add3A_580 : i32 to index
        %get3A_582 = arith.constant 16 : index
        %get3A_583 = tpu.vector_load %arg6[%get3A_581, %get3A_582] {strides = array<i32>} : memref<200x64xf32, #tpu.memory_space<vmem>>, vector<1x16xf32>,
        %get3A_584 = vector.shape_cast %get3A_583 : vector<1x16xf32> to vector<16xf32>
        %add3A_585 = arith.addf %add3A_578, %get3A_584 : vector<16xf32>
        %add3A_586 = arith.constant 22 : i32
        %add3A_587 = arith.addi %mul3A_83, %add3A_586 : i32
        %get3A_588 = arith.index_cast %add3A_587 : i32 to index
        %get3A_589 = arith.constant 16 : index
        %get3A_590 = tpu.vector_load %arg6[%get3A_588, %get3A_589] {strides = array<i32>} : memref<200x64xf32, #tpu.memory_space<vmem>>, vector<1x16xf32>,
        %get3A_591 = vector.shape_cast %get3A_590 : vector<1x16xf32> to vector<16xf32>
        %add3A_592 = arith.addf %add3A_585, %get3A_591 : vector<16xf32>
        %add3A_593 = arith.constant 23 : i32
        %add3A_594 = arith.addi %mul3A_83, %add3A_593 : i32
        %get3A_595 = arith.index_cast %add3A_594 : i32 to index
        %get3A_596 = arith.constant 16 : index
        %get3A_597 = tpu.vector_load %arg6[%get3A_595, %get3A_596] {strides = array<i32>} : memref<200x64xf32, #tpu.memory_space<vmem>>, vector<1x16xf32>,
        %get3A_598 = vector.shape_cast %get3A_597 : vector<1x16xf32> to vector<16xf32>
        %add3A_599 = arith.addf %add3A_592, %get3A_598 : vector<16xf32>
        %add3A_600 = arith.constant 24 : i32
        %add3A_601 = arith.addi %mul3A_83, %add3A_600 : i32
        %get3A_602 = arith.index_cast %add3A_601 : i32 to index
        %get3A_603 = arith.constant 16 : index
        %get3A_604 = tpu.vector_load %arg6[%get3A_602, %get3A_603] {strides = array<i32>} : memref<200x64xf32, #tpu.memory_space<vmem>>, vector<1x16xf32>,
        %get3A_605 = vector.shape_cast %get3A_604 : vector<1x16xf32> to vector<16xf32>
        %add3A_606 = arith.addf %add3A_599, %get3A_605 : vector<16xf32>
        %add3A_607 = arith.constant 25 : i32
        %add3A_608 = arith.addi %mul3A_83, %add3A_607 : i32
        %get3A_609 = arith.index_cast %add3A_608 : i32 to index
        %get3A_610 = arith.constant 16 : index
        %get3A_611 = tpu.vector_load %arg6[%get3A_609, %get3A_610] {strides = array<i32>} : memref<200x64xf32, #tpu.memory_space<vmem>>, vector<1x16xf32>,
        %get3A_612 = vector.shape_cast %get3A_611 : vector<1x16xf32> to vector<16xf32>
        %add3A_613 = arith.addf %add3A_606, %get3A_612 : vector<16xf32>
        %add3A_614 = arith.constant 26 : i32
        %add3A_615 = arith.addi %mul3A_83, %add3A_614 : i32
        %get3A_616 = arith.index_cast %add3A_615 : i32 to index
        %get3A_617 = arith.constant 16 : index
        %get3A_618 = tpu.vector_load %arg6[%get3A_616, %get3A_617] {strides = array<i32>} : memref<200x64xf32, #tpu.memory_space<vmem>>, vector<1x16xf32>,
        %get3A_619 = vector.shape_cast %get3A_618 : vector<1x16xf32> to vector<16xf32>
        %add3A_620 = arith.addf %add3A_613, %get3A_619 : vector<16xf32>
        %add3A_621 = arith.constant 27 : i32
        %add3A_622 = arith.addi %mul3A_83, %add3A_621 : i32
        %get3A_623 = arith.index_cast %add3A_622 : i32 to index
        %get3A_624 = arith.constant 16 : index
        %get3A_625 = tpu.vector_load %arg6[%get3A_623, %get3A_624] {strides = array<i32>} : memref<200x64xf32, #tpu.memory_space<vmem>>, vector<1x16xf32>,
        %get3A_626 = vector.shape_cast %get3A_625 : vector<1x16xf32> to vector<16xf32>
        %add3A_627 = arith.addf %add3A_620, %get3A_626 : vector<16xf32>
        %add3A_628 = arith.constant 28 : i32
        %add3A_629 = arith.addi %mul3A_83, %add3A_628 : i32
        %get3A_630 = arith.index_cast %add3A_629 : i32 to index
        %get3A_631 = arith.constant 16 : index
        %get3A_632 = tpu.vector_load %arg6[%get3A_630, %get3A_631] {strides = array<i32>} : memref<200x64xf32, #tpu.memory_space<vmem>>, vector<1x16xf32>,
        %get3A_633 = vector.shape_cast %get3A_632 : vector<1x16xf32> to vector<16xf32>
        %add3A_634 = arith.addf %add3A_627, %get3A_633 : vector<16xf32>
        %add3A_635 = arith.constant 29 : i32
        %add3A_636 = arith.addi %mul3A_83, %add3A_635 : i32
        %get3A_637 = arith.index_cast %add3A_636 : i32 to index
        %get3A_638 = arith.constant 16 : index
        %get3A_639 = tpu.vector_load %arg6[%get3A_637, %get3A_638] {strides = array<i32>} : memref<200x64xf32, #tpu.memory_space<vmem>>, vector<1x16xf32>,
        %get3A_640 = vector.shape_cast %get3A_639 : vector<1x16xf32> to vector<16xf32>
        %add3A_641 = arith.addf %add3A_634, %get3A_640 : vector<16xf32>
        %add3A_642 = arith.constant 30 : i32
        %add3A_643 = arith.addi %mul3A_83, %add3A_642 : i32
        %get3A_644 = arith.index_cast %add3A_643 : i32 to index
        %get3A_645 = arith.constant 16 : index
        %get3A_646 = tpu.vector_load %arg6[%get3A_644, %get3A_645] {strides = array<i32>} : memref<200x64xf32, #tpu.memory_space<vmem>>, vector<1x16xf32>,
        %get3A_647 = vector.shape_cast %get3A_646 : vector<1x16xf32> to vector<16xf32>
        %add3A_648 = arith.addf %add3A_641, %get3A_647 : vector<16xf32>
        %add3A_649 = arith.constant 31 : i32
        %add3A_650 = arith.addi %mul3A_83, %add3A_649 : i32
        %get3A_651 = arith.index_cast %add3A_650 : i32 to index
        %get3A_652 = arith.constant 16 : index
        %get3A_653 = tpu.vector_load %arg6[%get3A_651, %get3A_652] {strides = array<i32>} : memref<200x64xf32, #tpu.memory_space<vmem>>, vector<1x16xf32>,
        %get3A_654 = vector.shape_cast %get3A_653 : vector<1x16xf32> to vector<16xf32>
        %add3A_655 = arith.addf %add3A_648, %get3A_654 : vector<16xf32>
        %add3A_656 = arith.constant 32 : i32
        %add3A_657 = arith.addi %mul3A_83, %add3A_656 : i32
        %get3A_658 = arith.index_cast %add3A_657 : i32 to index
        %get3A_659 = arith.constant 16 : index
        %get3A_660 = tpu.vector_load %arg6[%get3A_658, %get3A_659] {strides = array<i32>} : memref<200x64xf32, #tpu.memory_space<vmem>>, vector<1x16xf32>,
        %get3A_661 = vector.shape_cast %get3A_660 : vector<1x16xf32> to vector<16xf32>
        %add3A_662 = arith.addf %add3A_655, %get3A_661 : vector<16xf32>
        %add3A_663 = arith.constant 33 : i32
        %add3A_664 = arith.addi %mul3A_83, %add3A_663 : i32
        %get3A_665 = arith.index_cast %add3A_664 : i32 to index
        %get3A_666 = arith.constant 16 : index
        %get3A_667 = tpu.vector_load %arg6[%get3A_665, %get3A_666] {strides = array<i32>} : memref<200x64xf32, #tpu.memory_space<vmem>>, vector<1x16xf32>,
        %get3A_668 = vector.shape_cast %get3A_667 : vector<1x16xf32> to vector<16xf32>
        %add3A_669 = arith.addf %add3A_662, %get3A_668 : vector<16xf32>
        %add3A_670 = arith.constant 34 : i32
        %add3A_671 = arith.addi %mul3A_83, %add3A_670 : i32
        %get3A_672 = arith.index_cast %add3A_671 : i32 to index
        %get3A_673 = arith.constant 16 : index
        %get3A_674 = tpu.vector_load %arg6[%get3A_672, %get3A_673] {strides = array<i32>} : memref<200x64xf32, #tpu.memory_space<vmem>>, vector<1x16xf32>,
        %get3A_675 = vector.shape_cast %get3A_674 : vector<1x16xf32> to vector<16xf32>
        %add3A_676 = arith.addf %add3A_669, %get3A_675 : vector<16xf32>
        %add3A_677 = arith.constant 35 : i32
        %add3A_678 = arith.addi %mul3A_83, %add3A_677 : i32
        %get3A_679 = arith.index_cast %add3A_678 : i32 to index
        %get3A_680 = arith.constant 16 : index
        %get3A_681 = tpu.vector_load %arg6[%get3A_679, %get3A_680] {strides = array<i32>} : memref<200x64xf32, #tpu.memory_space<vmem>>, vector<1x16xf32>,
        %get3A_682 = vector.shape_cast %get3A_681 : vector<1x16xf32> to vector<16xf32>
        %add3A_683 = arith.addf %add3A_676, %get3A_682 : vector<16xf32>
        %add3A_684 = arith.constant 36 : i32
        %add3A_685 = arith.addi %mul3A_83, %add3A_684 : i32
        %get3A_686 = arith.index_cast %add3A_685 : i32 to index
        %get3A_687 = arith.constant 16 : index
        %get3A_688 = tpu.vector_load %arg6[%get3A_686, %get3A_687] {strides = array<i32>} : memref<200x64xf32, #tpu.memory_space<vmem>>, vector<1x16xf32>,
        %get3A_689 = vector.shape_cast %get3A_688 : vector<1x16xf32> to vector<16xf32>
        %add3A_690 = arith.addf %add3A_683, %get3A_689 : vector<16xf32>
        %add3A_691 = arith.constant 37 : i32
        %add3A_692 = arith.addi %mul3A_83, %add3A_691 : i32
        %get3A_693 = arith.index_cast %add3A_692 : i32 to index
        %get3A_694 = arith.constant 16 : index
        %get3A_695 = tpu.vector_load %arg6[%get3A_693, %get3A_694] {strides = array<i32>} : memref<200x64xf32, #tpu.memory_space<vmem>>, vector<1x16xf32>,
        %get3A_696 = vector.shape_cast %get3A_695 : vector<1x16xf32> to vector<16xf32>
        %add3A_697 = arith.addf %add3A_690, %get3A_696 : vector<16xf32>
        %add3A_698 = arith.constant 38 : i32
        %add3A_699 = arith.addi %mul3A_83, %add3A_698 : i32
        %get3A_700 = arith.index_cast %add3A_699 : i32 to index
        %get3A_701 = arith.constant 16 : index
        %get3A_702 = tpu.vector_load %arg6[%get3A_700, %get3A_701] {strides = array<i32>} : memref<200x64xf32, #tpu.memory_space<vmem>>, vector<1x16xf32>,
        %get3A_703 = vector.shape_cast %get3A_702 : vector<1x16xf32> to vector<16xf32>
        %add3A_704 = arith.addf %add3A_697, %get3A_703 : vector<16xf32>
        %add3A_705 = arith.constant 39 : i32
        %add3A_706 = arith.addi %mul3A_83, %add3A_705 : i32
        %get3A_707 = arith.index_cast %add3A_706 : i32 to index
        %get3A_708 = arith.constant 16 : index
        %get3A_709 = tpu.vector_load %arg6[%get3A_707, %get3A_708] {strides = array<i32>} : memref<200x64xf32, #tpu.memory_space<vmem>>, vector<1x16xf32>,
        %get3A_710 = vector.shape_cast %get3A_709 : vector<1x16xf32> to vector<16xf32>
        %add3A_711 = arith.addf %add3A_704, %get3A_710 : vector<16xf32>
        %add3A_712 = arith.constant 40 : i32
        %add3A_713 = arith.addi %mul3A_83, %add3A_712 : i32
        %get3A_714 = arith.index_cast %add3A_713 : i32 to index
        %get3A_715 = arith.constant 16 : index
        %get3A_716 = tpu.vector_load %arg6[%get3A_714, %get3A_715] {strides = array<i32>} : memref<200x64xf32, #tpu.memory_space<vmem>>, vector<1x16xf32>,
        %get3A_717 = vector.shape_cast %get3A_716 : vector<1x16xf32> to vector<16xf32>
        %add3A_718 = arith.addf %add3A_711, %get3A_717 : vector<16xf32>
        %add3A_719 = arith.constant 41 : i32
        %add3A_720 = arith.addi %mul3A_83, %add3A_719 : i32
        %get3A_721 = arith.index_cast %add3A_720 : i32 to index
        %get3A_722 = arith.constant 16 : index
        %get3A_723 = tpu.vector_load %arg6[%get3A_721, %get3A_722] {strides = array<i32>} : memref<200x64xf32, #tpu.memory_space<vmem>>, vector<1x16xf32>,
        %get3A_724 = vector.shape_cast %get3A_723 : vector<1x16xf32> to vector<16xf32>
        %add3A_725 = arith.addf %add3A_718, %get3A_724 : vector<16xf32>
        %add3A_726 = arith.constant 42 : i32
        %add3A_727 = arith.addi %mul3A_83, %add3A_726 : i32
        %get3A_728 = arith.index_cast %add3A_727 : i32 to index
        %get3A_729 = arith.constant 16 : index
        %get3A_730 = tpu.vector_load %arg6[%get3A_728, %get3A_729] {strides = array<i32>} : memref<200x64xf32, #tpu.memory_space<vmem>>, vector<1x16xf32>,
        %get3A_731 = vector.shape_cast %get3A_730 : vector<1x16xf32> to vector<16xf32>
        %add3A_732 = arith.addf %add3A_725, %get3A_731 : vector<16xf32>
        %add3A_733 = arith.constant 43 : i32
        %add3A_734 = arith.addi %mul3A_83, %add3A_733 : i32
        %get3A_735 = arith.index_cast %add3A_734 : i32 to index
        %get3A_736 = arith.constant 16 : index
        %get3A_737 = tpu.vector_load %arg6[%get3A_735, %get3A_736] {strides = array<i32>} : memref<200x64xf32, #tpu.memory_space<vmem>>, vector<1x16xf32>,
        %get3A_738 = vector.shape_cast %get3A_737 : vector<1x16xf32> to vector<16xf32>
        %add3A_739 = arith.addf %add3A_732, %get3A_738 : vector<16xf32>
        %add3A_740 = arith.constant 44 : i32
        %add3A_741 = arith.addi %mul3A_83, %add3A_740 : i32
        %get3A_742 = arith.index_cast %add3A_741 : i32 to index
        %get3A_743 = arith.constant 16 : index
        %get3A_744 = tpu.vector_load %arg6[%get3A_742, %get3A_743] {strides = array<i32>} : memref<200x64xf32, #tpu.memory_space<vmem>>, vector<1x16xf32>,
        %get3A_745 = vector.shape_cast %get3A_744 : vector<1x16xf32> to vector<16xf32>
        %add3A_746 = arith.addf %add3A_739, %get3A_745 : vector<16xf32>
        %add3A_747 = arith.constant 45 : i32
        %add3A_748 = arith.addi %mul3A_83, %add3A_747 : i32
        %get3A_749 = arith.index_cast %add3A_748 : i32 to index
        %get3A_750 = arith.constant 16 : index
        %get3A_751 = tpu.vector_load %arg6[%get3A_749, %get3A_750] {strides = array<i32>} : memref<200x64xf32, #tpu.memory_space<vmem>>, vector<1x16xf32>,
        %get3A_752 = vector.shape_cast %get3A_751 : vector<1x16xf32> to vector<16xf32>
        %add3A_753 = arith.addf %add3A_746, %get3A_752 : vector<16xf32>
        %add3A_754 = arith.constant 46 : i32
        %add3A_755 = arith.addi %mul3A_83, %add3A_754 : i32
        %get3A_756 = arith.index_cast %add3A_755 : i32 to index
        %get3A_757 = arith.constant 16 : index
        %get3A_758 = tpu.vector_load %arg6[%get3A_756, %get3A_757] {strides = array<i32>} : memref<200x64xf32, #tpu.memory_space<vmem>>, vector<1x16xf32>,
        %get3A_759 = vector.shape_cast %get3A_758 : vector<1x16xf32> to vector<16xf32>
        %add3A_760 = arith.addf %add3A_753, %get3A_759 : vector<16xf32>
        %add3A_761 = arith.constant 47 : i32
        %add3A_762 = arith.addi %mul3A_83, %add3A_761 : i32
        %get3A_763 = arith.index_cast %add3A_762 : i32 to index
        %get3A_764 = arith.constant 16 : index
        %get3A_765 = tpu.vector_load %arg6[%get3A_763, %get3A_764] {strides = array<i32>} : memref<200x64xf32, #tpu.memory_space<vmem>>, vector<1x16xf32>,
        %get3A_766 = vector.shape_cast %get3A_765 : vector<1x16xf32> to vector<16xf32>
        %add3A_767 = arith.addf %add3A_760, %get3A_766 : vector<16xf32>
        %add3A_768 = arith.constant 48 : i32
        %add3A_769 = arith.addi %mul3A_83, %add3A_768 : i32
        %get3A_770 = arith.index_cast %add3A_769 : i32 to index
        %get3A_771 = arith.constant 16 : index
        %get3A_772 = tpu.vector_load %arg6[%get3A_770, %get3A_771] {strides = array<i32>} : memref<200x64xf32, #tpu.memory_space<vmem>>, vector<1x16xf32>,
        %get3A_773 = vector.shape_cast %get3A_772 : vector<1x16xf32> to vector<16xf32>
        %add3A_774 = arith.addf %add3A_767, %get3A_773 : vector<16xf32>
        %add3A_775 = arith.constant 49 : i32
        %add3A_776 = arith.addi %mul3A_83, %add3A_775 : i32
        %get3A_777 = arith.index_cast %add3A_776 : i32 to index
        %get3A_778 = arith.constant 16 : index
        %get3A_779 = tpu.vector_load %arg6[%get3A_777, %get3A_778] {strides = array<i32>} : memref<200x64xf32, #tpu.memory_space<vmem>>, vector<1x16xf32>,
        %get3A_780 = vector.shape_cast %get3A_779 : vector<1x16xf32> to vector<16xf32>
        %add3A_781 = arith.addf %add3A_774, %get3A_780 : vector<16xf32>
        %add3A_782 = arith.addi %mul3A_54, %scan3A_81 : i32
        %swap3A_783 = arith.index_cast %add3A_782 : i32 to index
        %swap3A_784 = arith.constant 16 : index
        %swap3A_785 = tpu.vector_load %arg8[%swap3A_783, %swap3A_784] {strides = array<i32>} : memref<512x64xf32, #tpu.memory_space<vmem>>, vector<1x16xf32>,
        %swap3A_786 = vector.shape_cast %swap3A_785 : vector<1x16xf32> to vector<16xf32>
        %swap3A_787 = vector.shape_cast %add3A_781 : vector<16xf32> to vector<1x16xf32>
        tpu.vector_store %arg8[%swap3A_783, %swap3A_784], %swap3A_787 {strides = array<i32>} : memref<512x64xf32, #tpu.memory_space<vmem>>, vector<1x16xf32>,
        %get3A_788 = arith.index_cast %mul3A_83 : i32 to index
        %get3A_789 = arith.constant 32 : index
        %get3A_790 = tpu.vector_load %arg6[%get3A_788, %get3A_789] {strides = array<i32>} : memref<200x64xf32, #tpu.memory_space<vmem>>, vector<1x16xf32>,
        %get3A_791 = vector.shape_cast %get3A_790 : vector<1x16xf32> to vector<16xf32>
        %add3A_792 = arith.constant 1 : i32
        %add3A_793 = arith.addi %mul3A_83, %add3A_792 : i32
        %get3A_794 = arith.index_cast %add3A_793 : i32 to index
        %get3A_795 = arith.constant 32 : index
        %get3A_796 = tpu.vector_load %arg6[%get3A_794, %get3A_795] {strides = array<i32>} : memref<200x64xf32, #tpu.memory_space<vmem>>, vector<1x16xf32>,
        %get3A_797 = vector.shape_cast %get3A_796 : vector<1x16xf32> to vector<16xf32>
        %add3A_798 = arith.addf %get3A_791, %get3A_797 : vector<16xf32>
        %add3A_799 = arith.constant 2 : i32
        %add3A_800 = arith.addi %mul3A_83, %add3A_799 : i32
        %get3A_801 = arith.index_cast %add3A_800 : i32 to index
        %get3A_802 = arith.constant 32 : index
        %get3A_803 = tpu.vector_load %arg6[%get3A_801, %get3A_802] {strides = array<i32>} : memref<200x64xf32, #tpu.memory_space<vmem>>, vector<1x16xf32>,
        %get3A_804 = vector.shape_cast %get3A_803 : vector<1x16xf32> to vector<16xf32>
        %add3A_805 = arith.addf %add3A_798, %get3A_804 : vector<16xf32>
        %add3A_806 = arith.constant 3 : i32
        %add3A_807 = arith.addi %mul3A_83, %add3A_806 : i32
        %get3A_808 = arith.index_cast %add3A_807 : i32 to index
        %get3A_809 = arith.constant 32 : index
        %get3A_810 = tpu.vector_load %arg6[%get3A_808, %get3A_809] {strides = array<i32>} : memref<200x64xf32, #tpu.memory_space<vmem>>, vector<1x16xf32>,
        %get3A_811 = vector.shape_cast %get3A_810 : vector<1x16xf32> to vector<16xf32>
        %add3A_812 = arith.addf %add3A_805, %get3A_811 : vector<16xf32>
        %add3A_813 = arith.constant 4 : i32
        %add3A_814 = arith.addi %mul3A_83, %add3A_813 : i32
        %get3A_815 = arith.index_cast %add3A_814 : i32 to index
        %get3A_816 = arith.constant 32 : index
        %get3A_817 = tpu.vector_load %arg6[%get3A_815, %get3A_816] {strides = array<i32>} : memref<200x64xf32, #tpu.memory_space<vmem>>, vector<1x16xf32>,
        %get3A_818 = vector.shape_cast %get3A_817 : vector<1x16xf32> to vector<16xf32>
        %add3A_819 = arith.addf %add3A_812, %get3A_818 : vector<16xf32>
        %add3A_820 = arith.constant 5 : i32
        %add3A_821 = arith.addi %mul3A_83, %add3A_820 : i32
        %get3A_822 = arith.index_cast %add3A_821 : i32 to index
        %get3A_823 = arith.constant 32 : index
        %get3A_824 = tpu.vector_load %arg6[%get3A_822, %get3A_823] {strides = array<i32>} : memref<200x64xf32, #tpu.memory_space<vmem>>, vector<1x16xf32>,
        %get3A_825 = vector.shape_cast %get3A_824 : vector<1x16xf32> to vector<16xf32>
        %add3A_826 = arith.addf %add3A_819, %get3A_825 : vector<16xf32>
        %add3A_827 = arith.constant 6 : i32
        %add3A_828 = arith.addi %mul3A_83, %add3A_827 : i32
        %get3A_829 = arith.index_cast %add3A_828 : i32 to index
        %get3A_830 = arith.constant 32 : index
        %get3A_831 = tpu.vector_load %arg6[%get3A_829, %get3A_830] {strides = array<i32>} : memref<200x64xf32, #tpu.memory_space<vmem>>, vector<1x16xf32>,
        %get3A_832 = vector.shape_cast %get3A_831 : vector<1x16xf32> to vector<16xf32>
        %add3A_833 = arith.addf %add3A_826, %get3A_832 : vector<16xf32>
        %add3A_834 = arith.constant 7 : i32
        %add3A_835 = arith.addi %mul3A_83, %add3A_834 : i32
        %get3A_836 = arith.index_cast %add3A_835 : i32 to index
        %get3A_837 = arith.constant 32 : index
        %get3A_838 = tpu.vector_load %arg6[%get3A_836, %get3A_837] {strides = array<i32>} : memref<200x64xf32, #tpu.memory_space<vmem>>, vector<1x16xf32>,
        %get3A_839 = vector.shape_cast %get3A_838 : vector<1x16xf32> to vector<16xf32>
        %add3A_840 = arith.addf %add3A_833, %get3A_839 : vector<16xf32>
        %add3A_841 = arith.constant 8 : i32
        %add3A_842 = arith.addi %mul3A_83, %add3A_841 : i32
        %get3A_843 = arith.index_cast %add3A_842 : i32 to index
        %get3A_844 = arith.constant 32 : index
        %get3A_845 = tpu.vector_load %arg6[%get3A_843, %get3A_844] {strides = array<i32>} : memref<200x64xf32, #tpu.memory_space<vmem>>, vector<1x16xf32>,
        %get3A_846 = vector.shape_cast %get3A_845 : vector<1x16xf32> to vector<16xf32>
        %add3A_847 = arith.addf %add3A_840, %get3A_846 : vector<16xf32>
        %add3A_848 = arith.constant 9 : i32
        %add3A_849 = arith.addi %mul3A_83, %add3A_848 : i32
        %get3A_850 = arith.index_cast %add3A_849 : i32 to index
        %get3A_851 = arith.constant 32 : index
        %get3A_852 = tpu.vector_load %arg6[%get3A_850, %get3A_851] {strides = array<i32>} : memref<200x64xf32, #tpu.memory_space<vmem>>, vector<1x16xf32>,
        %get3A_853 = vector.shape_cast %get3A_852 : vector<1x16xf32> to vector<16xf32>
        %add3A_854 = arith.addf %add3A_847, %get3A_853 : vector<16xf32>
        %add3A_855 = arith.constant 10 : i32
        %add3A_856 = arith.addi %mul3A_83, %add3A_855 : i32
        %get3A_857 = arith.index_cast %add3A_856 : i32 to index
        %get3A_858 = arith.constant 32 : index
        %get3A_859 = tpu.vector_load %arg6[%get3A_857, %get3A_858] {strides = array<i32>} : memref<200x64xf32, #tpu.memory_space<vmem>>, vector<1x16xf32>,
        %get3A_860 = vector.shape_cast %get3A_859 : vector<1x16xf32> to vector<16xf32>
        %add3A_861 = arith.addf %add3A_854, %get3A_860 : vector<16xf32>
        %add3A_862 = arith.constant 11 : i32
        %add3A_863 = arith.addi %mul3A_83, %add3A_862 : i32
        %get3A_864 = arith.index_cast %add3A_863 : i32 to index
        %get3A_865 = arith.constant 32 : index
        %get3A_866 = tpu.vector_load %arg6[%get3A_864, %get3A_865] {strides = array<i32>} : memref<200x64xf32, #tpu.memory_space<vmem>>, vector<1x16xf32>,
        %get3A_867 = vector.shape_cast %get3A_866 : vector<1x16xf32> to vector<16xf32>
        %add3A_868 = arith.addf %add3A_861, %get3A_867 : vector<16xf32>
        %add3A_869 = arith.constant 12 : i32
        %add3A_870 = arith.addi %mul3A_83, %add3A_869 : i32
        %get3A_871 = arith.index_cast %add3A_870 : i32 to index
        %get3A_872 = arith.constant 32 : index
        %get3A_873 = tpu.vector_load %arg6[%get3A_871, %get3A_872] {strides = array<i32>} : memref<200x64xf32, #tpu.memory_space<vmem>>, vector<1x16xf32>,
        %get3A_874 = vector.shape_cast %get3A_873 : vector<1x16xf32> to vector<16xf32>
        %add3A_875 = arith.addf %add3A_868, %get3A_874 : vector<16xf32>
        %add3A_876 = arith.constant 13 : i32
        %add3A_877 = arith.addi %mul3A_83, %add3A_876 : i32
        %get3A_878 = arith.index_cast %add3A_877 : i32 to index
        %get3A_879 = arith.constant 32 : index
        %get3A_880 = tpu.vector_load %arg6[%get3A_878, %get3A_879] {strides = array<i32>} : memref<200x64xf32, #tpu.memory_space<vmem>>, vector<1x16xf32>,
        %get3A_881 = vector.shape_cast %get3A_880 : vector<1x16xf32> to vector<16xf32>
        %add3A_882 = arith.addf %add3A_875, %get3A_881 : vector<16xf32>
        %add3A_883 = arith.constant 14 : i32
        %add3A_884 = arith.addi %mul3A_83, %add3A_883 : i32
        %get3A_885 = arith.index_cast %add3A_884 : i32 to index
        %get3A_886 = arith.constant 32 : index
        %get3A_887 = tpu.vector_load %arg6[%get3A_885, %get3A_886] {strides = array<i32>} : memref<200x64xf32, #tpu.memory_space<vmem>>, vector<1x16xf32>,
        %get3A_888 = vector.shape_cast %get3A_887 : vector<1x16xf32> to vector<16xf32>
        %add3A_889 = arith.addf %add3A_882, %get3A_888 : vector<16xf32>
        %add3A_890 = arith.constant 15 : i32
        %add3A_891 = arith.addi %mul3A_83, %add3A_890 : i32
        %get3A_892 = arith.index_cast %add3A_891 : i32 to index
        %get3A_893 = arith.constant 32 : index
        %get3A_894 = tpu.vector_load %arg6[%get3A_892, %get3A_893] {strides = array<i32>} : memref<200x64xf32, #tpu.memory_space<vmem>>, vector<1x16xf32>,
        %get3A_895 = vector.shape_cast %get3A_894 : vector<1x16xf32> to vector<16xf32>
        %add3A_896 = arith.addf %add3A_889, %get3A_895 : vector<16xf32>
        %add3A_897 = arith.constant 16 : i32
        %add3A_898 = arith.addi %mul3A_83, %add3A_897 : i32
        %get3A_899 = arith.index_cast %add3A_898 : i32 to index
        %get3A_900 = arith.constant 32 : index
        %get3A_901 = tpu.vector_load %arg6[%get3A_899, %get3A_900] {strides = array<i32>} : memref<200x64xf32, #tpu.memory_space<vmem>>, vector<1x16xf32>,
        %get3A_902 = vector.shape_cast %get3A_901 : vector<1x16xf32> to vector<16xf32>
        %add3A_903 = arith.addf %add3A_896, %get3A_902 : vector<16xf32>
        %add3A_904 = arith.constant 17 : i32
        %add3A_905 = arith.addi %mul3A_83, %add3A_904 : i32
        %get3A_906 = arith.index_cast %add3A_905 : i32 to index
        %get3A_907 = arith.constant 32 : index
        %get3A_908 = tpu.vector_load %arg6[%get3A_906, %get3A_907] {strides = array<i32>} : memref<200x64xf32, #tpu.memory_space<vmem>>, vector<1x16xf32>,
        %get3A_909 = vector.shape_cast %get3A_908 : vector<1x16xf32> to vector<16xf32>
        %add3A_910 = arith.addf %add3A_903, %get3A_909 : vector<16xf32>
        %add3A_911 = arith.constant 18 : i32
        %add3A_912 = arith.addi %mul3A_83, %add3A_911 : i32
        %get3A_913 = arith.index_cast %add3A_912 : i32 to index
        %get3A_914 = arith.constant 32 : index
        %get3A_915 = tpu.vector_load %arg6[%get3A_913, %get3A_914] {strides = array<i32>} : memref<200x64xf32, #tpu.memory_space<vmem>>, vector<1x16xf32>,
        %get3A_916 = vector.shape_cast %get3A_915 : vector<1x16xf32> to vector<16xf32>
        %add3A_917 = arith.addf %add3A_910, %get3A_916 : vector<16xf32>
        %add3A_918 = arith.constant 19 : i32
        %add3A_919 = arith.addi %mul3A_83, %add3A_918 : i32
        %get3A_920 = arith.index_cast %add3A_919 : i32 to index
        %get3A_921 = arith.constant 32 : index
        %get3A_922 = tpu.vector_load %arg6[%get3A_920, %get3A_921] {strides = array<i32>} : memref<200x64xf32, #tpu.memory_space<vmem>>, vector<1x16xf32>,
        %get3A_923 = vector.shape_cast %get3A_922 : vector<1x16xf32> to vector<16xf32>
        %add3A_924 = arith.addf %add3A_917, %get3A_923 : vector<16xf32>
        %add3A_925 = arith.constant 20 : i32
        %add3A_926 = arith.addi %mul3A_83, %add3A_925 : i32
        %get3A_927 = arith.index_cast %add3A_926 : i32 to index
        %get3A_928 = arith.constant 32 : index
        %get3A_929 = tpu.vector_load %arg6[%get3A_927, %get3A_928] {strides = array<i32>} : memref<200x64xf32, #tpu.memory_space<vmem>>, vector<1x16xf32>,
        %get3A_930 = vector.shape_cast %get3A_929 : vector<1x16xf32> to vector<16xf32>
        %add3A_931 = arith.addf %add3A_924, %get3A_930 : vector<16xf32>
        %add3A_932 = arith.constant 21 : i32
        %add3A_933 = arith.addi %mul3A_83, %add3A_932 : i32
        %get3A_934 = arith.index_cast %add3A_933 : i32 to index
        %get3A_935 = arith.constant 32 : index
        %get3A_936 = tpu.vector_load %arg6[%get3A_934, %get3A_935] {strides = array<i32>} : memref<200x64xf32, #tpu.memory_space<vmem>>, vector<1x16xf32>,
        %get3A_937 = vector.shape_cast %get3A_936 : vector<1x16xf32> to vector<16xf32>
        %add3A_938 = arith.addf %add3A_931, %get3A_937 : vector<16xf32>
        %add3A_939 = arith.constant 22 : i32
        %add3A_940 = arith.addi %mul3A_83, %add3A_939 : i32
        %get3A_941 = arith.index_cast %add3A_940 : i32 to index
        %get3A_942 = arith.constant 32 : index
        %get3A_943 = tpu.vector_load %arg6[%get3A_941, %get3A_942] {strides = array<i32>} : memref<200x64xf32, #tpu.memory_space<vmem>>, vector<1x16xf32>,
        %get3A_944 = vector.shape_cast %get3A_943 : vector<1x16xf32> to vector<16xf32>
        %add3A_945 = arith.addf %add3A_938, %get3A_944 : vector<16xf32>
        %add3A_946 = arith.constant 23 : i32
        %add3A_947 = arith.addi %mul3A_83, %add3A_946 : i32
        %get3A_948 = arith.index_cast %add3A_947 : i32 to index
        %get3A_949 = arith.constant 32 : index
        %get3A_950 = tpu.vector_load %arg6[%get3A_948, %get3A_949] {strides = array<i32>} : memref<200x64xf32, #tpu.memory_space<vmem>>, vector<1x16xf32>,
        %get3A_951 = vector.shape_cast %get3A_950 : vector<1x16xf32> to vector<16xf32>
        %add3A_952 = arith.addf %add3A_945, %get3A_951 : vector<16xf32>
        %add3A_953 = arith.constant 24 : i32
        %add3A_954 = arith.addi %mul3A_83, %add3A_953 : i32
        %get3A_955 = arith.index_cast %add3A_954 : i32 to index
        %get3A_956 = arith.constant 32 : index
        %get3A_957 = tpu.vector_load %arg6[%get3A_955, %get3A_956] {strides = array<i32>} : memref<200x64xf32, #tpu.memory_space<vmem>>, vector<1x16xf32>,
        %get3A_958 = vector.shape_cast %get3A_957 : vector<1x16xf32> to vector<16xf32>
        %add3A_959 = arith.addf %add3A_952, %get3A_958 : vector<16xf32>
        %add3A_960 = arith.constant 25 : i32
        %add3A_961 = arith.addi %mul3A_83, %add3A_960 : i32
        %get3A_962 = arith.index_cast %add3A_961 : i32 to index
        %get3A_963 = arith.constant 32 : index
        %get3A_964 = tpu.vector_load %arg6[%get3A_962, %get3A_963] {strides = array<i32>} : memref<200x64xf32, #tpu.memory_space<vmem>>, vector<1x16xf32>,
        %get3A_965 = vector.shape_cast %get3A_964 : vector<1x16xf32> to vector<16xf32>
        %add3A_966 = arith.addf %add3A_959, %get3A_965 : vector<16xf32>
        %add3A_967 = arith.constant 26 : i32
        %add3A_968 = arith.addi %mul3A_83, %add3A_967 : i32
        %get3A_969 = arith.index_cast %add3A_968 : i32 to index
        %get3A_970 = arith.constant 32 : index
        %get3A_971 = tpu.vector_load %arg6[%get3A_969, %get3A_970] {strides = array<i32>} : memref<200x64xf32, #tpu.memory_space<vmem>>, vector<1x16xf32>,
        %get3A_972 = vector.shape_cast %get3A_971 : vector<1x16xf32> to vector<16xf32>
        %add3A_973 = arith.addf %add3A_966, %get3A_972 : vector<16xf32>
        %add3A_974 = arith.constant 27 : i32
        %add3A_975 = arith.addi %mul3A_83, %add3A_974 : i32
        %get3A_976 = arith.index_cast %add3A_975 : i32 to index
        %get3A_977 = arith.constant 32 : index
        %get3A_978 = tpu.vector_load %arg6[%get3A_976, %get3A_977] {strides = array<i32>} : memref<200x64xf32, #tpu.memory_space<vmem>>, vector<1x16xf32>,
        %get3A_979 = vector.shape_cast %get3A_978 : vector<1x16xf32> to vector<16xf32>
        %add3A_980 = arith.addf %add3A_973, %get3A_979 : vector<16xf32>
        %add3A_981 = arith.constant 28 : i32
        %add3A_982 = arith.addi %mul3A_83, %add3A_981 : i32
        %get3A_983 = arith.index_cast %add3A_982 : i32 to index
        %get3A_984 = arith.constant 32 : index
        %get3A_985 = tpu.vector_load %arg6[%get3A_983, %get3A_984] {strides = array<i32>} : memref<200x64xf32, #tpu.memory_space<vmem>>, vector<1x16xf32>,
        %get3A_986 = vector.shape_cast %get3A_985 : vector<1x16xf32> to vector<16xf32>
        %add3A_987 = arith.addf %add3A_980, %get3A_986 : vector<16xf32>
        %add3A_988 = arith.constant 29 : i32
        %add3A_989 = arith.addi %mul3A_83, %add3A_988 : i32
        %get3A_990 = arith.index_cast %add3A_989 : i32 to index
        %get3A_991 = arith.constant 32 : index
        %get3A_992 = tpu.vector_load %arg6[%get3A_990, %get3A_991] {strides = array<i32>} : memref<200x64xf32, #tpu.memory_space<vmem>>, vector<1x16xf32>,
        %get3A_993 = vector.shape_cast %get3A_992 : vector<1x16xf32> to vector<16xf32>
        %add3A_994 = arith.addf %add3A_987, %get3A_993 : vector<16xf32>
        %add3A_995 = arith.constant 30 : i32
        %add3A_996 = arith.addi %mul3A_83, %add3A_995 : i32
        %get3A_997 = arith.index_cast %add3A_996 : i32 to index
        %get3A_998 = arith.constant 32 : index
        %get3A_999 = tpu.vector_load %arg6[%get3A_997, %get3A_998] {strides = array<i32>} : memref<200x64xf32, #tpu.memory_space<vmem>>, vector<1x16xf32>,
        %get3A_1000 = vector.shape_cast %get3A_999 : vector<1x16xf32> to vector<16xf32>
        %add3A_1001 = arith.addf %add3A_994, %get3A_1000 : vector<16xf32>
        %add3A_1002 = arith.constant 31 : i32
        %add3A_1003 = arith.addi %mul3A_83, %add3A_1002 : i32
        %get3A_1004 = arith.index_cast %add3A_1003 : i32 to index
        %get3A_1005 = arith.constant 32 : index
        %get3A_1006 = tpu.vector_load %arg6[%get3A_1004, %get3A_1005] {strides = array<i32>} : memref<200x64xf32, #tpu.memory_space<vmem>>, vector<1x16xf32>,
        %get3A_1007 = vector.shape_cast %get3A_1006 : vector<1x16xf32> to vector<16xf32>
        %add3A_1008 = arith.addf %add3A_1001, %get3A_1007 : vector<16xf32>
        %add3A_1009 = arith.constant 32 : i32
        %add3A_1010 = arith.addi %mul3A_83, %add3A_1009 : i32
        %get3A_1011 = arith.index_cast %add3A_1010 : i32 to index
        %get3A_1012 = arith.constant 32 : index
        %get3A_1013 = tpu.vector_load %arg6[%get3A_1011, %get3A_1012] {strides = array<i32>} : memref<200x64xf32, #tpu.memory_space<vmem>>, vector<1x16xf32>,
        %get3A_1014 = vector.shape_cast %get3A_1013 : vector<1x16xf32> to vector<16xf32>
        %add3A_1015 = arith.addf %add3A_1008, %get3A_1014 : vector<16xf32>
        %add3A_1016 = arith.constant 33 : i32
        %add3A_1017 = arith.addi %mul3A_83, %add3A_1016 : i32
        %get3A_1018 = arith.index_cast %add3A_1017 : i32 to index
        %get3A_1019 = arith.constant 32 : index
        %get3A_1020 = tpu.vector_load %arg6[%get3A_1018, %get3A_1019] {strides = array<i32>} : memref<200x64xf32, #tpu.memory_space<vmem>>, vector<1x16xf32>,
        %get3A_1021 = vector.shape_cast %get3A_1020 : vector<1x16xf32> to vector<16xf32>
        %add3A_1022 = arith.addf %add3A_1015, %get3A_1021 : vector<16xf32>
        %add3A_1023 = arith.constant 34 : i32
        %add3A_1024 = arith.addi %mul3A_83, %add3A_1023 : i32
        %get3A_1025 = arith.index_cast %add3A_1024 : i32 to index
        %get3A_1026 = arith.constant 32 : index
        %get3A_1027 = tpu.vector_load %arg6[%get3A_1025, %get3A_1026] {strides = array<i32>} : memref<200x64xf32, #tpu.memory_space<vmem>>, vector<1x16xf32>,
        %get3A_1028 = vector.shape_cast %get3A_1027 : vector<1x16xf32> to vector<16xf32>
        %add3A_1029 = arith.addf %add3A_1022, %get3A_1028 : vector<16xf32>
        %add3A_1030 = arith.constant 35 : i32
        %add3A_1031 = arith.addi %mul3A_83, %add3A_1030 : i32
        %get3A_1032 = arith.index_cast %add3A_1031 : i32 to index
        %get3A_1033 = arith.constant 32 : index
        %get3A_1034 = tpu.vector_load %arg6[%get3A_1032, %get3A_1033] {strides = array<i32>} : memref<200x64xf32, #tpu.memory_space<vmem>>, vector<1x16xf32>,
        %get3A_1035 = vector.shape_cast %get3A_1034 : vector<1x16xf32> to vector<16xf32>
        %add3A_1036 = arith.addf %add3A_1029, %get3A_1035 : vector<16xf32>
        %add3A_1037 = arith.constant 36 : i32
        %add3A_1038 = arith.addi %mul3A_83, %add3A_1037 : i32
        %get3A_1039 = arith.index_cast %add3A_1038 : i32 to index
        %get3A_1040 = arith.constant 32 : index
        %get3A_1041 = tpu.vector_load %arg6[%get3A_1039, %get3A_1040] {strides = array<i32>} : memref<200x64xf32, #tpu.memory_space<vmem>>, vector<1x16xf32>,
        %get3A_1042 = vector.shape_cast %get3A_1041 : vector<1x16xf32> to vector<16xf32>
        %add3A_1043 = arith.addf %add3A_1036, %get3A_1042 : vector<16xf32>
        %add3A_1044 = arith.constant 37 : i32
        %add3A_1045 = arith.addi %mul3A_83, %add3A_1044 : i32
        %get3A_1046 = arith.index_cast %add3A_1045 : i32 to index
        %get3A_1047 = arith.constant 32 : index
        %get3A_1048 = tpu.vector_load %arg6[%get3A_1046, %get3A_1047] {strides = array<i32>} : memref<200x64xf32, #tpu.memory_space<vmem>>, vector<1x16xf32>,
        %get3A_1049 = vector.shape_cast %get3A_1048 : vector<1x16xf32> to vector<16xf32>
        %add3A_1050 = arith.addf %add3A_1043, %get3A_1049 : vector<16xf32>
        %add3A_1051 = arith.constant 38 : i32
        %add3A_1052 = arith.addi %mul3A_83, %add3A_1051 : i32
        %get3A_1053 = arith.index_cast %add3A_1052 : i32 to index
        %get3A_1054 = arith.constant 32 : index
        %get3A_1055 = tpu.vector_load %arg6[%get3A_1053, %get3A_1054] {strides = array<i32>} : memref<200x64xf32, #tpu.memory_space<vmem>>, vector<1x16xf32>,
        %get3A_1056 = vector.shape_cast %get3A_1055 : vector<1x16xf32> to vector<16xf32>
        %add3A_1057 = arith.addf %add3A_1050, %get3A_1056 : vector<16xf32>
        %add3A_1058 = arith.constant 39 : i32
        %add3A_1059 = arith.addi %mul3A_83, %add3A_1058 : i32
        %get3A_1060 = arith.index_cast %add3A_1059 : i32 to index
        %get3A_1061 = arith.constant 32 : index
        %get3A_1062 = tpu.vector_load %arg6[%get3A_1060, %get3A_1061] {strides = array<i32>} : memref<200x64xf32, #tpu.memory_space<vmem>>, vector<1x16xf32>,
        %get3A_1063 = vector.shape_cast %get3A_1062 : vector<1x16xf32> to vector<16xf32>
        %add3A_1064 = arith.addf %add3A_1057, %get3A_1063 : vector<16xf32>
        %add3A_1065 = arith.constant 40 : i32
        %add3A_1066 = arith.addi %mul3A_83, %add3A_1065 : i32
        %get3A_1067 = arith.index_cast %add3A_1066 : i32 to index
        %get3A_1068 = arith.constant 32 : index
        %get3A_1069 = tpu.vector_load %arg6[%get3A_1067, %get3A_1068] {strides = array<i32>} : memref<200x64xf32, #tpu.memory_space<vmem>>, vector<1x16xf32>,
        %get3A_1070 = vector.shape_cast %get3A_1069 : vector<1x16xf32> to vector<16xf32>
        %add3A_1071 = arith.addf %add3A_1064, %get3A_1070 : vector<16xf32>
        %add3A_1072 = arith.constant 41 : i32
        %add3A_1073 = arith.addi %mul3A_83, %add3A_1072 : i32
        %get3A_1074 = arith.index_cast %add3A_1073 : i32 to index
        %get3A_1075 = arith.constant 32 : index
        %get3A_1076 = tpu.vector_load %arg6[%get3A_1074, %get3A_1075] {strides = array<i32>} : memref<200x64xf32, #tpu.memory_space<vmem>>, vector<1x16xf32>,
        %get3A_1077 = vector.shape_cast %get3A_1076 : vector<1x16xf32> to vector<16xf32>
        %add3A_1078 = arith.addf %add3A_1071, %get3A_1077 : vector<16xf32>
        %add3A_1079 = arith.constant 42 : i32
        %add3A_1080 = arith.addi %mul3A_83, %add3A_1079 : i32
        %get3A_1081 = arith.index_cast %add3A_1080 : i32 to index
        %get3A_1082 = arith.constant 32 : index
        %get3A_1083 = tpu.vector_load %arg6[%get3A_1081, %get3A_1082] {strides = array<i32>} : memref<200x64xf32, #tpu.memory_space<vmem>>, vector<1x16xf32>,
        %get3A_1084 = vector.shape_cast %get3A_1083 : vector<1x16xf32> to vector<16xf32>
        %add3A_1085 = arith.addf %add3A_1078, %get3A_1084 : vector<16xf32>
        %add3A_1086 = arith.constant 43 : i32
        %add3A_1087 = arith.addi %mul3A_83, %add3A_1086 : i32
        %get3A_1088 = arith.index_cast %add3A_1087 : i32 to index
        %get3A_1089 = arith.constant 32 : index
        %get3A_1090 = tpu.vector_load %arg6[%get3A_1088, %get3A_1089] {strides = array<i32>} : memref<200x64xf32, #tpu.memory_space<vmem>>, vector<1x16xf32>,
        %get3A_1091 = vector.shape_cast %get3A_1090 : vector<1x16xf32> to vector<16xf32>
        %add3A_1092 = arith.addf %add3A_1085, %get3A_1091 : vector<16xf32>
        %add3A_1093 = arith.constant 44 : i32
        %add3A_1094 = arith.addi %mul3A_83, %add3A_1093 : i32
        %get3A_1095 = arith.index_cast %add3A_1094 : i32 to index
        %get3A_1096 = arith.constant 32 : index
        %get3A_1097 = tpu.vector_load %arg6[%get3A_1095, %get3A_1096] {strides = array<i32>} : memref<200x64xf32, #tpu.memory_space<vmem>>, vector<1x16xf32>,
        %get3A_1098 = vector.shape_cast %get3A_1097 : vector<1x16xf32> to vector<16xf32>
        %add3A_1099 = arith.addf %add3A_1092, %get3A_1098 : vector<16xf32>
        %add3A_1100 = arith.constant 45 : i32
        %add3A_1101 = arith.addi %mul3A_83, %add3A_1100 : i32
        %get3A_1102 = arith.index_cast %add3A_1101 : i32 to index
        %get3A_1103 = arith.constant 32 : index
        %get3A_1104 = tpu.vector_load %arg6[%get3A_1102, %get3A_1103] {strides = array<i32>} : memref<200x64xf32, #tpu.memory_space<vmem>>, vector<1x16xf32>,
        %get3A_1105 = vector.shape_cast %get3A_1104 : vector<1x16xf32> to vector<16xf32>
        %add3A_1106 = arith.addf %add3A_1099, %get3A_1105 : vector<16xf32>
        %add3A_1107 = arith.constant 46 : i32
        %add3A_1108 = arith.addi %mul3A_83, %add3A_1107 : i32
        %get3A_1109 = arith.index_cast %add3A_1108 : i32 to index
        %get3A_1110 = arith.constant 32 : index
        %get3A_1111 = tpu.vector_load %arg6[%get3A_1109, %get3A_1110] {strides = array<i32>} : memref<200x64xf32, #tpu.memory_space<vmem>>, vector<1x16xf32>,
        %get3A_1112 = vector.shape_cast %get3A_1111 : vector<1x16xf32> to vector<16xf32>
        %add3A_1113 = arith.addf %add3A_1106, %get3A_1112 : vector<16xf32>
        %add3A_1114 = arith.constant 47 : i32
        %add3A_1115 = arith.addi %mul3A_83, %add3A_1114 : i32
        %get3A_1116 = arith.index_cast %add3A_1115 : i32 to index
        %get3A_1117 = arith.constant 32 : index
        %get3A_1118 = tpu.vector_load %arg6[%get3A_1116, %get3A_1117] {strides = array<i32>} : memref<200x64xf32, #tpu.memory_space<vmem>>, vector<1x16xf32>,
        %get3A_1119 = vector.shape_cast %get3A_1118 : vector<1x16xf32> to vector<16xf32>
        %add3A_1120 = arith.addf %add3A_1113, %get3A_1119 : vector<16xf32>
        %add3A_1121 = arith.constant 48 : i32
        %add3A_1122 = arith.addi %mul3A_83, %add3A_1121 : i32
        %get3A_1123 = arith.index_cast %add3A_1122 : i32 to index
        %get3A_1124 = arith.constant 32 : index
        %get3A_1125 = tpu.vector_load %arg6[%get3A_1123, %get3A_1124] {strides = array<i32>} : memref<200x64xf32, #tpu.memory_space<vmem>>, vector<1x16xf32>,
        %get3A_1126 = vector.shape_cast %get3A_1125 : vector<1x16xf32> to vector<16xf32>
        %add3A_1127 = arith.addf %add3A_1120, %get3A_1126 : vector<16xf32>
        %add3A_1128 = arith.constant 49 : i32
        %add3A_1129 = arith.addi %mul3A_83, %add3A_1128 : i32
        %get3A_1130 = arith.index_cast %add3A_1129 : i32 to index
        %get3A_1131 = arith.constant 32 : index
        %get3A_1132 = tpu.vector_load %arg6[%get3A_1130, %get3A_1131] {strides = array<i32>} : memref<200x64xf32, #tpu.memory_space<vmem>>, vector<1x16xf32>,
        %get3A_1133 = vector.shape_cast %get3A_1132 : vector<1x16xf32> to vector<16xf32>
        %add3A_1134 = arith.addf %add3A_1127, %get3A_1133 : vector<16xf32>
        %add3A_1135 = arith.addi %mul3A_54, %scan3A_81 : i32
        %swap3A_1136 = arith.index_cast %add3A_1135 : i32 to index
        %swap3A_1137 = arith.constant 32 : index
        %swap3A_1138 = tpu.vector_load %arg8[%swap3A_1136, %swap3A_1137] {strides = array<i32>} : memref<512x64xf32, #tpu.memory_space<vmem>>, vector<1x16xf32>,
        %swap3A_1139 = vector.shape_cast %swap3A_1138 : vector<1x16xf32> to vector<16xf32>
        %swap3A_1140 = vector.shape_cast %add3A_1134 : vector<16xf32> to vector<1x16xf32>
        tpu.vector_store %arg8[%swap3A_1136, %swap3A_1137], %swap3A_1140 {strides = array<i32>} : memref<512x64xf32, #tpu.memory_space<vmem>>, vector<1x16xf32>,
        %get3A_1141 = arith.index_cast %mul3A_83 : i32 to index
        %get3A_1142 = arith.constant 48 : index
        %get3A_1143 = tpu.vector_load %arg6[%get3A_1141, %get3A_1142] {strides = array<i32>} : memref<200x64xf32, #tpu.memory_space<vmem>>, vector<1x16xf32>,
        %get3A_1144 = vector.shape_cast %get3A_1143 : vector<1x16xf32> to vector<16xf32>
        %add3A_1145 = arith.constant 1 : i32
        %add3A_1146 = arith.addi %mul3A_83, %add3A_1145 : i32
        %get3A_1147 = arith.index_cast %add3A_1146 : i32 to index
        %get3A_1148 = arith.constant 48 : index
        %get3A_1149 = tpu.vector_load %arg6[%get3A_1147, %get3A_1148] {strides = array<i32>} : memref<200x64xf32, #tpu.memory_space<vmem>>, vector<1x16xf32>,
        %get3A_1150 = vector.shape_cast %get3A_1149 : vector<1x16xf32> to vector<16xf32>
        %add3A_1151 = arith.addf %get3A_1144, %get3A_1150 : vector<16xf32>
        %add3A_1152 = arith.constant 2 : i32
        %add3A_1153 = arith.addi %mul3A_83, %add3A_1152 : i32
        %get3A_1154 = arith.index_cast %add3A_1153 : i32 to index
        %get3A_1155 = arith.constant 48 : index
        %get3A_1156 = tpu.vector_load %arg6[%get3A_1154, %get3A_1155] {strides = array<i32>} : memref<200x64xf32, #tpu.memory_space<vmem>>, vector<1x16xf32>,
        %get3A_1157 = vector.shape_cast %get3A_1156 : vector<1x16xf32> to vector<16xf32>
        %add3A_1158 = arith.addf %add3A_1151, %get3A_1157 : vector<16xf32>
        %add3A_1159 = arith.constant 3 : i32
        %add3A_1160 = arith.addi %mul3A_83, %add3A_1159 : i32
        %get3A_1161 = arith.index_cast %add3A_1160 : i32 to index
        %get3A_1162 = arith.constant 48 : index
        %get3A_1163 = tpu.vector_load %arg6[%get3A_1161, %get3A_1162] {strides = array<i32>} : memref<200x64xf32, #tpu.memory_space<vmem>>, vector<1x16xf32>,
        %get3A_1164 = vector.shape_cast %get3A_1163 : vector<1x16xf32> to vector<16xf32>
        %add3A_1165 = arith.addf %add3A_1158, %get3A_1164 : vector<16xf32>
        %add3A_1166 = arith.constant 4 : i32
        %add3A_1167 = arith.addi %mul3A_83, %add3A_1166 : i32
        %get3A_1168 = arith.index_cast %add3A_1167 : i32 to index
        %get3A_1169 = arith.constant 48 : index
        %get3A_1170 = tpu.vector_load %arg6[%get3A_1168, %get3A_1169] {strides = array<i32>} : memref<200x64xf32, #tpu.memory_space<vmem>>, vector<1x16xf32>,
        %get3A_1171 = vector.shape_cast %get3A_1170 : vector<1x16xf32> to vector<16xf32>
        %add3A_1172 = arith.addf %add3A_1165, %get3A_1171 : vector<16xf32>
        %add3A_1173 = arith.constant 5 : i32
        %add3A_1174 = arith.addi %mul3A_83, %add3A_1173 : i32
        %get3A_1175 = arith.index_cast %add3A_1174 : i32 to index
        %get3A_1176 = arith.constant 48 : index
        %get3A_1177 = tpu.vector_load %arg6[%get3A_1175, %get3A_1176] {strides = array<i32>} : memref<200x64xf32, #tpu.memory_space<vmem>>, vector<1x16xf32>,
        %get3A_1178 = vector.shape_cast %get3A_1177 : vector<1x16xf32> to vector<16xf32>
        %add3A_1179 = arith.addf %add3A_1172, %get3A_1178 : vector<16xf32>
        %add3A_1180 = arith.constant 6 : i32
        %add3A_1181 = arith.addi %mul3A_83, %add3A_1180 : i32
        %get3A_1182 = arith.index_cast %add3A_1181 : i32 to index
        %get3A_1183 = arith.constant 48 : index
        %get3A_1184 = tpu.vector_load %arg6[%get3A_1182, %get3A_1183] {strides = array<i32>} : memref<200x64xf32, #tpu.memory_space<vmem>>, vector<1x16xf32>,
        %get3A_1185 = vector.shape_cast %get3A_1184 : vector<1x16xf32> to vector<16xf32>
        %add3A_1186 = arith.addf %add3A_1179, %get3A_1185 : vector<16xf32>
        %add3A_1187 = arith.constant 7 : i32
        %add3A_1188 = arith.addi %mul3A_83, %add3A_1187 : i32
        %get3A_1189 = arith.index_cast %add3A_1188 : i32 to index
        %get3A_1190 = arith.constant 48 : index
        %get3A_1191 = tpu.vector_load %arg6[%get3A_1189, %get3A_1190] {strides = array<i32>} : memref<200x64xf32, #tpu.memory_space<vmem>>, vector<1x16xf32>,
        %get3A_1192 = vector.shape_cast %get3A_1191 : vector<1x16xf32> to vector<16xf32>
        %add3A_1193 = arith.addf %add3A_1186, %get3A_1192 : vector<16xf32>
        %add3A_1194 = arith.constant 8 : i32
        %add3A_1195 = arith.addi %mul3A_83, %add3A_1194 : i32
        %get3A_1196 = arith.index_cast %add3A_1195 : i32 to index
        %get3A_1197 = arith.constant 48 : index
        %get3A_1198 = tpu.vector_load %arg6[%get3A_1196, %get3A_1197] {strides = array<i32>} : memref<200x64xf32, #tpu.memory_space<vmem>>, vector<1x16xf32>,
        %get3A_1199 = vector.shape_cast %get3A_1198 : vector<1x16xf32> to vector<16xf32>
        %add3A_1200 = arith.addf %add3A_1193, %get3A_1199 : vector<16xf32>
        %add3A_1201 = arith.constant 9 : i32
        %add3A_1202 = arith.addi %mul3A_83, %add3A_1201 : i32
        %get3A_1203 = arith.index_cast %add3A_1202 : i32 to index
        %get3A_1204 = arith.constant 48 : index
        %get3A_1205 = tpu.vector_load %arg6[%get3A_1203, %get3A_1204] {strides = array<i32>} : memref<200x64xf32, #tpu.memory_space<vmem>>, vector<1x16xf32>,
        %get3A_1206 = vector.shape_cast %get3A_1205 : vector<1x16xf32> to vector<16xf32>
        %add3A_1207 = arith.addf %add3A_1200, %get3A_1206 : vector<16xf32>
        %add3A_1208 = arith.constant 10 : i32
        %add3A_1209 = arith.addi %mul3A_83, %add3A_1208 : i32
        %get3A_1210 = arith.index_cast %add3A_1209 : i32 to index
        %get3A_1211 = arith.constant 48 : index
        %get3A_1212 = tpu.vector_load %arg6[%get3A_1210, %get3A_1211] {strides = array<i32>} : memref<200x64xf32, #tpu.memory_space<vmem>>, vector<1x16xf32>,
        %get3A_1213 = vector.shape_cast %get3A_1212 : vector<1x16xf32> to vector<16xf32>
        %add3A_1214 = arith.addf %add3A_1207, %get3A_1213 : vector<16xf32>
        %add3A_1215 = arith.constant 11 : i32
        %add3A_1216 = arith.addi %mul3A_83, %add3A_1215 : i32
        %get3A_1217 = arith.index_cast %add3A_1216 : i32 to index
        %get3A_1218 = arith.constant 48 : index
        %get3A_1219 = tpu.vector_load %arg6[%get3A_1217, %get3A_1218] {strides = array<i32>} : memref<200x64xf32, #tpu.memory_space<vmem>>, vector<1x16xf32>,
        %get3A_1220 = vector.shape_cast %get3A_1219 : vector<1x16xf32> to vector<16xf32>
        %add3A_1221 = arith.addf %add3A_1214, %get3A_1220 : vector<16xf32>
        %add3A_1222 = arith.constant 12 : i32
        %add3A_1223 = arith.addi %mul3A_83, %add3A_1222 : i32
        %get3A_1224 = arith.index_cast %add3A_1223 : i32 to index
        %get3A_1225 = arith.constant 48 : index
        %get3A_1226 = tpu.vector_load %arg6[%get3A_1224, %get3A_1225] {strides = array<i32>} : memref<200x64xf32, #tpu.memory_space<vmem>>, vector<1x16xf32>,
        %get3A_1227 = vector.shape_cast %get3A_1226 : vector<1x16xf32> to vector<16xf32>
        %add3A_1228 = arith.addf %add3A_1221, %get3A_1227 : vector<16xf32>
        %add3A_1229 = arith.constant 13 : i32
        %add3A_1230 = arith.addi %mul3A_83, %add3A_1229 : i32
        %get3A_1231 = arith.index_cast %add3A_1230 : i32 to index
        %get3A_1232 = arith.constant 48 : index
        %get3A_1233 = tpu.vector_load %arg6[%get3A_1231, %get3A_1232] {strides = array<i32>} : memref<200x64xf32, #tpu.memory_space<vmem>>, vector<1x16xf32>,
        %get3A_1234 = vector.shape_cast %get3A_1233 : vector<1x16xf32> to vector<16xf32>
        %add3A_1235 = arith.addf %add3A_1228, %get3A_1234 : vector<16xf32>
        %add3A_1236 = arith.constant 14 : i32
        %add3A_1237 = arith.addi %mul3A_83, %add3A_1236 : i32
        %get3A_1238 = arith.index_cast %add3A_1237 : i32 to index
        %get3A_1239 = arith.constant 48 : index
        %get3A_1240 = tpu.vector_load %arg6[%get3A_1238, %get3A_1239] {strides = array<i32>} : memref<200x64xf32, #tpu.memory_space<vmem>>, vector<1x16xf32>,
        %get3A_1241 = vector.shape_cast %get3A_1240 : vector<1x16xf32> to vector<16xf32>
        %add3A_1242 = arith.addf %add3A_1235, %get3A_1241 : vector<16xf32>
        %add3A_1243 = arith.constant 15 : i32
        %add3A_1244 = arith.addi %mul3A_83, %add3A_1243 : i32
        %get3A_1245 = arith.index_cast %add3A_1244 : i32 to index
        %get3A_1246 = arith.constant 48 : index
        %get3A_1247 = tpu.vector_load %arg6[%get3A_1245, %get3A_1246] {strides = array<i32>} : memref<200x64xf32, #tpu.memory_space<vmem>>, vector<1x16xf32>,
        %get3A_1248 = vector.shape_cast %get3A_1247 : vector<1x16xf32> to vector<16xf32>
        %add3A_1249 = arith.addf %add3A_1242, %get3A_1248 : vector<16xf32>
        %add3A_1250 = arith.constant 16 : i32
        %add3A_1251 = arith.addi %mul3A_83, %add3A_1250 : i32
        %get3A_1252 = arith.index_cast %add3A_1251 : i32 to index
        %get3A_1253 = arith.constant 48 : index
        %get3A_1254 = tpu.vector_load %arg6[%get3A_1252, %get3A_1253] {strides = array<i32>} : memref<200x64xf32, #tpu.memory_space<vmem>>, vector<1x16xf32>,
        %get3A_1255 = vector.shape_cast %get3A_1254 : vector<1x16xf32> to vector<16xf32>
        %add3A_1256 = arith.addf %add3A_1249, %get3A_1255 : vector<16xf32>
        %add3A_1257 = arith.constant 17 : i32
        %add3A_1258 = arith.addi %mul3A_83, %add3A_1257 : i32
        %get3A_1259 = arith.index_cast %add3A_1258 : i32 to index
        %get3A_1260 = arith.constant 48 : index
        %get3A_1261 = tpu.vector_load %arg6[%get3A_1259, %get3A_1260] {strides = array<i32>} : memref<200x64xf32, #tpu.memory_space<vmem>>, vector<1x16xf32>,
        %get3A_1262 = vector.shape_cast %get3A_1261 : vector<1x16xf32> to vector<16xf32>
        %add3A_1263 = arith.addf %add3A_1256, %get3A_1262 : vector<16xf32>
        %add3A_1264 = arith.constant 18 : i32
        %add3A_1265 = arith.addi %mul3A_83, %add3A_1264 : i32
        %get3A_1266 = arith.index_cast %add3A_1265 : i32 to index
        %get3A_1267 = arith.constant 48 : index
        %get3A_1268 = tpu.vector_load %arg6[%get3A_1266, %get3A_1267] {strides = array<i32>} : memref<200x64xf32, #tpu.memory_space<vmem>>, vector<1x16xf32>,
        %get3A_1269 = vector.shape_cast %get3A_1268 : vector<1x16xf32> to vector<16xf32>
        %add3A_1270 = arith.addf %add3A_1263, %get3A_1269 : vector<16xf32>
        %add3A_1271 = arith.constant 19 : i32
        %add3A_1272 = arith.addi %mul3A_83, %add3A_1271 : i32
        %get3A_1273 = arith.index_cast %add3A_1272 : i32 to index
        %get3A_1274 = arith.constant 48 : index
        %get3A_1275 = tpu.vector_load %arg6[%get3A_1273, %get3A_1274] {strides = array<i32>} : memref<200x64xf32, #tpu.memory_space<vmem>>, vector<1x16xf32>,
        %get3A_1276 = vector.shape_cast %get3A_1275 : vector<1x16xf32> to vector<16xf32>
        %add3A_1277 = arith.addf %add3A_1270, %get3A_1276 : vector<16xf32>
        %add3A_1278 = arith.constant 20 : i32
        %add3A_1279 = arith.addi %mul3A_83, %add3A_1278 : i32
        %get3A_1280 = arith.index_cast %add3A_1279 : i32 to index
        %get3A_1281 = arith.constant 48 : index
        %get3A_1282 = tpu.vector_load %arg6[%get3A_1280, %get3A_1281] {strides = array<i32>} : memref<200x64xf32, #tpu.memory_space<vmem>>, vector<1x16xf32>,
        %get3A_1283 = vector.shape_cast %get3A_1282 : vector<1x16xf32> to vector<16xf32>
        %add3A_1284 = arith.addf %add3A_1277, %get3A_1283 : vector<16xf32>
        %add3A_1285 = arith.constant 21 : i32
        %add3A_1286 = arith.addi %mul3A_83, %add3A_1285 : i32
        %get3A_1287 = arith.index_cast %add3A_1286 : i32 to index
        %get3A_1288 = arith.constant 48 : index
        %get3A_1289 = tpu.vector_load %arg6[%get3A_1287, %get3A_1288] {strides = array<i32>} : memref<200x64xf32, #tpu.memory_space<vmem>>, vector<1x16xf32>,
        %get3A_1290 = vector.shape_cast %get3A_1289 : vector<1x16xf32> to vector<16xf32>
        %add3A_1291 = arith.addf %add3A_1284, %get3A_1290 : vector<16xf32>
        %add3A_1292 = arith.constant 22 : i32
        %add3A_1293 = arith.addi %mul3A_83, %add3A_1292 : i32
        %get3A_1294 = arith.index_cast %add3A_1293 : i32 to index
        %get3A_1295 = arith.constant 48 : index
        %get3A_1296 = tpu.vector_load %arg6[%get3A_1294, %get3A_1295] {strides = array<i32>} : memref<200x64xf32, #tpu.memory_space<vmem>>, vector<1x16xf32>,
        %get3A_1297 = vector.shape_cast %get3A_1296 : vector<1x16xf32> to vector<16xf32>
        %add3A_1298 = arith.addf %add3A_1291, %get3A_1297 : vector<16xf32>
        %add3A_1299 = arith.constant 23 : i32
        %add3A_1300 = arith.addi %mul3A_83, %add3A_1299 : i32
        %get3A_1301 = arith.index_cast %add3A_1300 : i32 to index
        %get3A_1302 = arith.constant 48 : index
        %get3A_1303 = tpu.vector_load %arg6[%get3A_1301, %get3A_1302] {strides = array<i32>} : memref<200x64xf32, #tpu.memory_space<vmem>>, vector<1x16xf32>,
        %get3A_1304 = vector.shape_cast %get3A_1303 : vector<1x16xf32> to vector<16xf32>
        %add3A_1305 = arith.addf %add3A_1298, %get3A_1304 : vector<16xf32>
        %add3A_1306 = arith.constant 24 : i32
        %add3A_1307 = arith.addi %mul3A_83, %add3A_1306 : i32
        %get3A_1308 = arith.index_cast %add3A_1307 : i32 to index
        %get3A_1309 = arith.constant 48 : index
        %get3A_1310 = tpu.vector_load %arg6[%get3A_1308, %get3A_1309] {strides = array<i32>} : memref<200x64xf32, #tpu.memory_space<vmem>>, vector<1x16xf32>,
        %get3A_1311 = vector.shape_cast %get3A_1310 : vector<1x16xf32> to vector<16xf32>
        %add3A_1312 = arith.addf %add3A_1305, %get3A_1311 : vector<16xf32>
        %add3A_1313 = arith.constant 25 : i32
        %add3A_1314 = arith.addi %mul3A_83, %add3A_1313 : i32
        %get3A_1315 = arith.index_cast %add3A_1314 : i32 to index
        %get3A_1316 = arith.constant 48 : index
        %get3A_1317 = tpu.vector_load %arg6[%get3A_1315, %get3A_1316] {strides = array<i32>} : memref<200x64xf32, #tpu.memory_space<vmem>>, vector<1x16xf32>,
        %get3A_1318 = vector.shape_cast %get3A_1317 : vector<1x16xf32> to vector<16xf32>
        %add3A_1319 = arith.addf %add3A_1312, %get3A_1318 : vector<16xf32>
        %add3A_1320 = arith.constant 26 : i32
        %add3A_1321 = arith.addi %mul3A_83, %add3A_1320 : i32
        %get3A_1322 = arith.index_cast %add3A_1321 : i32 to index
        %get3A_1323 = arith.constant 48 : index
        %get3A_1324 = tpu.vector_load %arg6[%get3A_1322, %get3A_1323] {strides = array<i32>} : memref<200x64xf32, #tpu.memory_space<vmem>>, vector<1x16xf32>,
        %get3A_1325 = vector.shape_cast %get3A_1324 : vector<1x16xf32> to vector<16xf32>
        %add3A_1326 = arith.addf %add3A_1319, %get3A_1325 : vector<16xf32>
        %add3A_1327 = arith.constant 27 : i32
        %add3A_1328 = arith.addi %mul3A_83, %add3A_1327 : i32
        %get3A_1329 = arith.index_cast %add3A_1328 : i32 to index
        %get3A_1330 = arith.constant 48 : index
        %get3A_1331 = tpu.vector_load %arg6[%get3A_1329, %get3A_1330] {strides = array<i32>} : memref<200x64xf32, #tpu.memory_space<vmem>>, vector<1x16xf32>,
        %get3A_1332 = vector.shape_cast %get3A_1331 : vector<1x16xf32> to vector<16xf32>
        %add3A_1333 = arith.addf %add3A_1326, %get3A_1332 : vector<16xf32>
        %add3A_1334 = arith.constant 28 : i32
        %add3A_1335 = arith.addi %mul3A_83, %add3A_1334 : i32
        %get3A_1336 = arith.index_cast %add3A_1335 : i32 to index
        %get3A_1337 = arith.constant 48 : index
        %get3A_1338 = tpu.vector_load %arg6[%get3A_1336, %get3A_1337] {strides = array<i32>} : memref<200x64xf32, #tpu.memory_space<vmem>>, vector<1x16xf32>,
        %get3A_1339 = vector.shape_cast %get3A_1338 : vector<1x16xf32> to vector<16xf32>
        %add3A_1340 = arith.addf %add3A_1333, %get3A_1339 : vector<16xf32>
        %add3A_1341 = arith.constant 29 : i32
        %add3A_1342 = arith.addi %mul3A_83, %add3A_1341 : i32
        %get3A_1343 = arith.index_cast %add3A_1342 : i32 to index
        %get3A_1344 = arith.constant 48 : index
        %get3A_1345 = tpu.vector_load %arg6[%get3A_1343, %get3A_1344] {strides = array<i32>} : memref<200x64xf32, #tpu.memory_space<vmem>>, vector<1x16xf32>,
        %get3A_1346 = vector.shape_cast %get3A_1345 : vector<1x16xf32> to vector<16xf32>
        %add3A_1347 = arith.addf %add3A_1340, %get3A_1346 : vector<16xf32>
        %add3A_1348 = arith.constant 30 : i32
        %add3A_1349 = arith.addi %mul3A_83, %add3A_1348 : i32
        %get3A_1350 = arith.index_cast %add3A_1349 : i32 to index
        %get3A_1351 = arith.constant 48 : index
        %get3A_1352 = tpu.vector_load %arg6[%get3A_1350, %get3A_1351] {strides = array<i32>} : memref<200x64xf32, #tpu.memory_space<vmem>>, vector<1x16xf32>,
        %get3A_1353 = vector.shape_cast %get3A_1352 : vector<1x16xf32> to vector<16xf32>
        %add3A_1354 = arith.addf %add3A_1347, %get3A_1353 : vector<16xf32>
        %add3A_1355 = arith.constant 31 : i32
        %add3A_1356 = arith.addi %mul3A_83, %add3A_1355 : i32
        %get3A_1357 = arith.index_cast %add3A_1356 : i32 to index
        %get3A_1358 = arith.constant 48 : index
        %get3A_1359 = tpu.vector_load %arg6[%get3A_1357, %get3A_1358] {strides = array<i32>} : memref<200x64xf32, #tpu.memory_space<vmem>>, vector<1x16xf32>,
        %get3A_1360 = vector.shape_cast %get3A_1359 : vector<1x16xf32> to vector<16xf32>
        %add3A_1361 = arith.addf %add3A_1354, %get3A_1360 : vector<16xf32>
        %add3A_1362 = arith.constant 32 : i32
        %add3A_1363 = arith.addi %mul3A_83, %add3A_1362 : i32
        %get3A_1364 = arith.index_cast %add3A_1363 : i32 to index
        %get3A_1365 = arith.constant 48 : index
        %get3A_1366 = tpu.vector_load %arg6[%get3A_1364, %get3A_1365] {strides = array<i32>} : memref<200x64xf32, #tpu.memory_space<vmem>>, vector<1x16xf32>,
        %get3A_1367 = vector.shape_cast %get3A_1366 : vector<1x16xf32> to vector<16xf32>
        %add3A_1368 = arith.addf %add3A_1361, %get3A_1367 : vector<16xf32>
        %add3A_1369 = arith.constant 33 : i32
        %add3A_1370 = arith.addi %mul3A_83, %add3A_1369 : i32
        %get3A_1371 = arith.index_cast %add3A_1370 : i32 to index
        %get3A_1372 = arith.constant 48 : index
        %get3A_1373 = tpu.vector_load %arg6[%get3A_1371, %get3A_1372] {strides = array<i32>} : memref<200x64xf32, #tpu.memory_space<vmem>>, vector<1x16xf32>,
        %get3A_1374 = vector.shape_cast %get3A_1373 : vector<1x16xf32> to vector<16xf32>
        %add3A_1375 = arith.addf %add3A_1368, %get3A_1374 : vector<16xf32>
        %add3A_1376 = arith.constant 34 : i32
        %add3A_1377 = arith.addi %mul3A_83, %add3A_1376 : i32
        %get3A_1378 = arith.index_cast %add3A_1377 : i32 to index
        %get3A_1379 = arith.constant 48 : index
        %get3A_1380 = tpu.vector_load %arg6[%get3A_1378, %get3A_1379] {strides = array<i32>} : memref<200x64xf32, #tpu.memory_space<vmem>>, vector<1x16xf32>,
        %get3A_1381 = vector.shape_cast %get3A_1380 : vector<1x16xf32> to vector<16xf32>
        %add3A_1382 = arith.addf %add3A_1375, %get3A_1381 : vector<16xf32>
        %add3A_1383 = arith.constant 35 : i32
        %add3A_1384 = arith.addi %mul3A_83, %add3A_1383 : i32
        %get3A_1385 = arith.index_cast %add3A_1384 : i32 to index
        %get3A_1386 = arith.constant 48 : index
        %get3A_1387 = tpu.vector_load %arg6[%get3A_1385, %get3A_1386] {strides = array<i32>} : memref<200x64xf32, #tpu.memory_space<vmem>>, vector<1x16xf32>,
        %get3A_1388 = vector.shape_cast %get3A_1387 : vector<1x16xf32> to vector<16xf32>
        %add3A_1389 = arith.addf %add3A_1382, %get3A_1388 : vector<16xf32>
        %add3A_1390 = arith.constant 36 : i32
        %add3A_1391 = arith.addi %mul3A_83, %add3A_1390 : i32
        %get3A_1392 = arith.index_cast %add3A_1391 : i32 to index
        %get3A_1393 = arith.constant 48 : index
        %get3A_1394 = tpu.vector_load %arg6[%get3A_1392, %get3A_1393] {strides = array<i32>} : memref<200x64xf32, #tpu.memory_space<vmem>>, vector<1x16xf32>,
        %get3A_1395 = vector.shape_cast %get3A_1394 : vector<1x16xf32> to vector<16xf32>
        %add3A_1396 = arith.addf %add3A_1389, %get3A_1395 : vector<16xf32>
        %add3A_1397 = arith.constant 37 : i32
        %add3A_1398 = arith.addi %mul3A_83, %add3A_1397 : i32
        %get3A_1399 = arith.index_cast %add3A_1398 : i32 to index
        %get3A_1400 = arith.constant 48 : index
        %get3A_1401 = tpu.vector_load %arg6[%get3A_1399, %get3A_1400] {strides = array<i32>} : memref<200x64xf32, #tpu.memory_space<vmem>>, vector<1x16xf32>,
        %get3A_1402 = vector.shape_cast %get3A_1401 : vector<1x16xf32> to vector<16xf32>
        %add3A_1403 = arith.addf %add3A_1396, %get3A_1402 : vector<16xf32>
        %add3A_1404 = arith.constant 38 : i32
        %add3A_1405 = arith.addi %mul3A_83, %add3A_1404 : i32
        %get3A_1406 = arith.index_cast %add3A_1405 : i32 to index
        %get3A_1407 = arith.constant 48 : index
        %get3A_1408 = tpu.vector_load %arg6[%get3A_1406, %get3A_1407] {strides = array<i32>} : memref<200x64xf32, #tpu.memory_space<vmem>>, vector<1x16xf32>,
        %get3A_1409 = vector.shape_cast %get3A_1408 : vector<1x16xf32> to vector<16xf32>
        %add3A_1410 = arith.addf %add3A_1403, %get3A_1409 : vector<16xf32>
        %add3A_1411 = arith.constant 39 : i32
        %add3A_1412 = arith.addi %mul3A_83, %add3A_1411 : i32
        %get3A_1413 = arith.index_cast %add3A_1412 : i32 to index
        %get3A_1414 = arith.constant 48 : index
        %get3A_1415 = tpu.vector_load %arg6[%get3A_1413, %get3A_1414] {strides = array<i32>} : memref<200x64xf32, #tpu.memory_space<vmem>>, vector<1x16xf32>,
        %get3A_1416 = vector.shape_cast %get3A_1415 : vector<1x16xf32> to vector<16xf32>
        %add3A_1417 = arith.addf %add3A_1410, %get3A_1416 : vector<16xf32>
        %add3A_1418 = arith.constant 40 : i32
        %add3A_1419 = arith.addi %mul3A_83, %add3A_1418 : i32
        %get3A_1420 = arith.index_cast %add3A_1419 : i32 to index
        %get3A_1421 = arith.constant 48 : index
        %get3A_1422 = tpu.vector_load %arg6[%get3A_1420, %get3A_1421] {strides = array<i32>} : memref<200x64xf32, #tpu.memory_space<vmem>>, vector<1x16xf32>,
        %get3A_1423 = vector.shape_cast %get3A_1422 : vector<1x16xf32> to vector<16xf32>
        %add3A_1424 = arith.addf %add3A_1417, %get3A_1423 : vector<16xf32>
        %add3A_1425 = arith.constant 41 : i32
        %add3A_1426 = arith.addi %mul3A_83, %add3A_1425 : i32
        %get3A_1427 = arith.index_cast %add3A_1426 : i32 to index
        %get3A_1428 = arith.constant 48 : index
        %get3A_1429 = tpu.vector_load %arg6[%get3A_1427, %get3A_1428] {strides = array<i32>} : memref<200x64xf32, #tpu.memory_space<vmem>>, vector<1x16xf32>,
        %get3A_1430 = vector.shape_cast %get3A_1429 : vector<1x16xf32> to vector<16xf32>
        %add3A_1431 = arith.addf %add3A_1424, %get3A_1430 : vector<16xf32>
        %add3A_1432 = arith.constant 42 : i32
        %add3A_1433 = arith.addi %mul3A_83, %add3A_1432 : i32
        %get3A_1434 = arith.index_cast %add3A_1433 : i32 to index
        %get3A_1435 = arith.constant 48 : index
        %get3A_1436 = tpu.vector_load %arg6[%get3A_1434, %get3A_1435] {strides = array<i32>} : memref<200x64xf32, #tpu.memory_space<vmem>>, vector<1x16xf32>,
        %get3A_1437 = vector.shape_cast %get3A_1436 : vector<1x16xf32> to vector<16xf32>
        %add3A_1438 = arith.addf %add3A_1431, %get3A_1437 : vector<16xf32>
        %add3A_1439 = arith.constant 43 : i32
        %add3A_1440 = arith.addi %mul3A_83, %add3A_1439 : i32
        %get3A_1441 = arith.index_cast %add3A_1440 : i32 to index
        %get3A_1442 = arith.constant 48 : index
        %get3A_1443 = tpu.vector_load %arg6[%get3A_1441, %get3A_1442] {strides = array<i32>} : memref<200x64xf32, #tpu.memory_space<vmem>>, vector<1x16xf32>,
        %get3A_1444 = vector.shape_cast %get3A_1443 : vector<1x16xf32> to vector<16xf32>
        %add3A_1445 = arith.addf %add3A_1438, %get3A_1444 : vector<16xf32>
        %add3A_1446 = arith.constant 44 : i32
        %add3A_1447 = arith.addi %mul3A_83, %add3A_1446 : i32
        %get3A_1448 = arith.index_cast %add3A_1447 : i32 to index
        %get3A_1449 = arith.constant 48 : index
        %get3A_1450 = tpu.vector_load %arg6[%get3A_1448, %get3A_1449] {strides = array<i32>} : memref<200x64xf32, #tpu.memory_space<vmem>>, vector<1x16xf32>,
        %get3A_1451 = vector.shape_cast %get3A_1450 : vector<1x16xf32> to vector<16xf32>
        %add3A_1452 = arith.addf %add3A_1445, %get3A_1451 : vector<16xf32>
        %add3A_1453 = arith.constant 45 : i32
        %add3A_1454 = arith.addi %mul3A_83, %add3A_1453 : i32
        %get3A_1455 = arith.index_cast %add3A_1454 : i32 to index
        %get3A_1456 = arith.constant 48 : index
        %get3A_1457 = tpu.vector_load %arg6[%get3A_1455, %get3A_1456] {strides = array<i32>} : memref<200x64xf32, #tpu.memory_space<vmem>>, vector<1x16xf32>,
        %get3A_1458 = vector.shape_cast %get3A_1457 : vector<1x16xf32> to vector<16xf32>
        %add3A_1459 = arith.addf %add3A_1452, %get3A_1458 : vector<16xf32>
        %add3A_1460 = arith.constant 46 : i32
        %add3A_1461 = arith.addi %mul3A_83, %add3A_1460 : i32
        %get3A_1462 = arith.index_cast %add3A_1461 : i32 to index
        %get3A_1463 = arith.constant 48 : index
        %get3A_1464 = tpu.vector_load %arg6[%get3A_1462, %get3A_1463] {strides = array<i32>} : memref<200x64xf32, #tpu.memory_space<vmem>>, vector<1x16xf32>,
        %get3A_1465 = vector.shape_cast %get3A_1464 : vector<1x16xf32> to vector<16xf32>
        %add3A_1466 = arith.addf %add3A_1459, %get3A_1465 : vector<16xf32>
        %add3A_1467 = arith.constant 47 : i32
        %add3A_1468 = arith.addi %mul3A_83, %add3A_1467 : i32
        %get3A_1469 = arith.index_cast %add3A_1468 : i32 to index
        %get3A_1470 = arith.constant 48 : index
        %get3A_1471 = tpu.vector_load %arg6[%get3A_1469, %get3A_1470] {strides = array<i32>} : memref<200x64xf32, #tpu.memory_space<vmem>>, vector<1x16xf32>,
        %get3A_1472 = vector.shape_cast %get3A_1471 : vector<1x16xf32> to vector<16xf32>
        %add3A_1473 = arith.addf %add3A_1466, %get3A_1472 : vector<16xf32>
        %add3A_1474 = arith.constant 48 : i32
        %add3A_1475 = arith.addi %mul3A_83, %add3A_1474 : i32
        %get3A_1476 = arith.index_cast %add3A_1475 : i32 to index
        %get3A_1477 = arith.constant 48 : index
        %get3A_1478 = tpu.vector_load %arg6[%get3A_1476, %get3A_1477] {strides = array<i32>} : memref<200x64xf32, #tpu.memory_space<vmem>>, vector<1x16xf32>,
        %get3A_1479 = vector.shape_cast %get3A_1478 : vector<1x16xf32> to vector<16xf32>
        %add3A_1480 = arith.addf %add3A_1473, %get3A_1479 : vector<16xf32>
        %add3A_1481 = arith.constant 49 : i32
        %add3A_1482 = arith.addi %mul3A_83, %add3A_1481 : i32
        %get3A_1483 = arith.index_cast %add3A_1482 : i32 to index
        %get3A_1484 = arith.constant 48 : index
        %get3A_1485 = tpu.vector_load %arg6[%get3A_1483, %get3A_1484] {strides = array<i32>} : memref<200x64xf32, #tpu.memory_space<vmem>>, vector<1x16xf32>,
        %get3A_1486 = vector.shape_cast %get3A_1485 : vector<1x16xf32> to vector<16xf32>
        %add3A_1487 = arith.addf %add3A_1480, %get3A_1486 : vector<16xf32>
        %add3A_1488 = arith.addi %mul3A_54, %scan3A_81 : i32
        %swap3A_1489 = arith.index_cast %add3A_1488 : i32 to index
        %swap3A_1490 = arith.constant 48 : index
        %swap3A_1491 = tpu.vector_load %arg8[%swap3A_1489, %swap3A_1490] {strides = array<i32>} : memref<512x64xf32, #tpu.memory_space<vmem>>, vector<1x16xf32>,
        %swap3A_1492 = vector.shape_cast %swap3A_1491 : vector<1x16xf32> to vector<16xf32>
        %swap3A_1493 = vector.shape_cast %add3A_1487 : vector<16xf32> to vector<1x16xf32>
        tpu.vector_store %arg8[%swap3A_1489, %swap3A_1490], %swap3A_1493 {strides = array<i32>} : memref<512x64xf32, #tpu.memory_space<vmem>>, vector<1x16xf32>,
      }
      %scan3A_60 = arith.constant 4 : i32
      %add3A_61 = arith.constant 2 : i32
      %add3A_62 = arith.addi %mul3A_27, %add3A_61 : i32
      %lt3A = arith.constant 128 : i32
      %lt3A_63 = arith.cmpi slt, %add3A_62, %lt3A : i32
      %convert_element_type3A = arith.extui %lt3A_63 : i1 to i32
      %cond3A = arith.constant 0 : i32
      %cond3A_64 = arith.cmpi ne, %convert_element_type3A, %cond3A : i32
      scf.if %cond3A_64 {
        %add3A_81 = arith.constant 2 : i32
        %add3A_82 = arith.addi %mul3A_27, %add3A_81 : i32
        %mul3A_83 = arith.constant 200 : i32
        %mul3A_84 = arith.muli %add3A_82, %mul3A_83 : i32
        %dma_start3A_85 = arith.constant 0 : i32
        %dma_start3A_86 = arith.constant 0 : i32
        %dma_start3A_87 = tpu.memref_slice %arg6[%dma_start3A_85, %dma_start3A_86] : memref<200x64xf32, #tpu.memory_space<vmem>> -> memref<128x64xf32, #tpu.memory_space<vmem>>
        %dma_start3A_88 = tpu.memref_slice %arg5[%mul3A_84] : memref<25600xi32, #tpu.memory_space<vmem>> -> memref<128xi32, #tpu.memory_space<vmem>>
        %dma_start3A_89 = arith.constant 0 : i32
        %dma_start3A_90 = arith.constant 0 : i32
        %dma_start3A_91 = tpu.memref_slice %arg3[%dma_start3A_89, %dma_start3A_90] : memref<1000000x64xf32, #tpu.memory_space<hbm>> -> memref<1000000x64xf32, #tpu.memory_space<hbm>>
        tpu.enqueue_indirect_dma source(%dma_start3A_91 : memref<1000000x64xf32, #tpu.memory_space<hbm>>) target(%dma_start3A_87 : memref<128x64xf32, #tpu.memory_space<vmem>>) offsets(%dma_start3A_88 : memref<128xi32, #tpu.memory_space<vmem>>) semaphore(%arg9 : memref<!tpu.dma_semaphore, #tpu.memory_space<semaphore_mem>>)
        %add3A_92 = arith.constant 128 : i32
        %add3A_93 = arith.addi %mul3A_84, %add3A_92 : i32
        %dma_start3A_94 = arith.constant 128 : i32
        %dma_start3A_95 = arith.constant 0 : i32
        %dma_start3A_96 = tpu.memref_slice %arg6[%dma_start3A_94, %dma_start3A_95] : memref<200x64xf32, #tpu.memory_space<vmem>> -> memref<72x64xf32, #tpu.memory_space<vmem>>
        %dma_start3A_97 = tpu.memref_slice %arg5[%add3A_93] : memref<25600xi32, #tpu.memory_space<vmem>> -> memref<72xi32, #tpu.memory_space<vmem>>
        %dma_start3A_98 = arith.constant 0 : i32
        %dma_start3A_99 = arith.constant 0 : i32
        %dma_start3A_100 = tpu.memref_slice %arg3[%dma_start3A_98, %dma_start3A_99] : memref<1000000x64xf32, #tpu.memory_space<hbm>> -> memref<1000000x64xf32, #tpu.memory_space<hbm>>
        tpu.enqueue_indirect_dma source(%dma_start3A_100 : memref<1000000x64xf32, #tpu.memory_space<hbm>>) target(%dma_start3A_96 : memref<72x64xf32, #tpu.memory_space<vmem>>) offsets(%dma_start3A_97 : memref<72xi32, #tpu.memory_space<vmem>>) semaphore(%arg9 : memref<!tpu.dma_semaphore, #tpu.memory_space<semaphore_mem>>)
      } else {
      }
      %dma_wait3A_65 = arith.constant 0 : i32
      %dma_wait3A_66 = arith.constant 0 : i32
      %dma_wait3A_67 = tpu.memref_slice %arg3[%dma_wait3A_65, %dma_wait3A_66] : memref<1000000x64xf32, #tpu.memory_space<hbm>> -> memref<200x64xf32, #tpu.memory_space<hbm>>
      %dma_wait3A_68 = arith.constant 0 : i32
      %dma_wait3A_69 = arith.constant 0 : i32
      %dma_wait3A_70 = tpu.memref_slice %arg3[%dma_wait3A_68, %dma_wait3A_69] : memref<1000000x64xf32, #tpu.memory_space<hbm>> -> memref<200x64xf32, #tpu.memory_space<hbm>>
      tpu.wait_dma2 semaphore(%arg10 : memref<!tpu.dma_semaphore, #tpu.memory_space<semaphore_mem>>) src(%dma_wait3A_70 : memref<200x64xf32, #tpu.memory_space<hbm>>) dst(%arg7 : memref<200x64xf32, #tpu.memory_space<vmem>>)
      %add3A_71 = arith.constant 1 : i32
      %add3A_72 = arith.addi %mul3A_27, %add3A_71 : i32
      %mul3A_73 = arith.constant 4 : i32
      %mul3A_74 = arith.muli %add3A_72, %mul3A_73 : i32
      %scan3A_75 = arith.constant 0 : i32
      %scan3A_76 = arith.constant 0 : i32
      %scan3A_77 = arith.constant 4 : i32
      %scan3A_78 = arith.addi %scan3A_76, %scan3A_77 : i32
      %scan3A_79 = arith.constant 1 : i32
      scf.for %scan3A_81 = %scan3A_76 to %scan3A_78 step %scan3A_79  : i32 {
        %mul3A_82 = arith.constant 50 : i32
        %mul3A_83 = arith.muli %scan3A_81, %mul3A_82 : i32
        %get3A = arith.index_cast %mul3A_83 : i32 to index
        %get3A_84 = arith.constant 0 : index
        %get3A_85 = tpu.vector_load %arg7[%get3A, %get3A_84] {strides = array<i32>} : memref<200x64xf32, #tpu.memory_space<vmem>>, vector<1x16xf32>,
        %get3A_86 = vector.shape_cast %get3A_85 : vector<1x16xf32> to vector<16xf32>
        %add3A_87 = arith.constant 1 : i32
        %add3A_88 = arith.addi %mul3A_83, %add3A_87 : i32
        %get3A_89 = arith.index_cast %add3A_88 : i32 to index
        %get3A_90 = arith.constant 0 : index
        %get3A_91 = tpu.vector_load %arg7[%get3A_89, %get3A_90] {strides = array<i32>} : memref<200x64xf32, #tpu.memory_space<vmem>>, vector<1x16xf32>,
        %get3A_92 = vector.shape_cast %get3A_91 : vector<1x16xf32> to vector<16xf32>
        %add3A_93 = arith.addf %get3A_86, %get3A_92 : vector<16xf32>
        %add3A_94 = arith.constant 2 : i32
        %add3A_95 = arith.addi %mul3A_83, %add3A_94 : i32
        %get3A_96 = arith.index_cast %add3A_95 : i32 to index
        %get3A_97 = arith.constant 0 : index
        %get3A_98 = tpu.vector_load %arg7[%get3A_96, %get3A_97] {strides = array<i32>} : memref<200x64xf32, #tpu.memory_space<vmem>>, vector<1x16xf32>,
        %get3A_99 = vector.shape_cast %get3A_98 : vector<1x16xf32> to vector<16xf32>
        %add3A_100 = arith.addf %add3A_93, %get3A_99 : vector<16xf32>
        %add3A_101 = arith.constant 3 : i32
        %add3A_102 = arith.addi %mul3A_83, %add3A_101 : i32
        %get3A_103 = arith.index_cast %add3A_102 : i32 to index
        %get3A_104 = arith.constant 0 : index
        %get3A_105 = tpu.vector_load %arg7[%get3A_103, %get3A_104] {strides = array<i32>} : memref<200x64xf32, #tpu.memory_space<vmem>>, vector<1x16xf32>,
        %get3A_106 = vector.shape_cast %get3A_105 : vector<1x16xf32> to vector<16xf32>
        %add3A_107 = arith.addf %add3A_100, %get3A_106 : vector<16xf32>
        %add3A_108 = arith.constant 4 : i32
        %add3A_109 = arith.addi %mul3A_83, %add3A_108 : i32
        %get3A_110 = arith.index_cast %add3A_109 : i32 to index
        %get3A_111 = arith.constant 0 : index
        %get3A_112 = tpu.vector_load %arg7[%get3A_110, %get3A_111] {strides = array<i32>} : memref<200x64xf32, #tpu.memory_space<vmem>>, vector<1x16xf32>,
        %get3A_113 = vector.shape_cast %get3A_112 : vector<1x16xf32> to vector<16xf32>
        %add3A_114 = arith.addf %add3A_107, %get3A_113 : vector<16xf32>
        %add3A_115 = arith.constant 5 : i32
        %add3A_116 = arith.addi %mul3A_83, %add3A_115 : i32
        %get3A_117 = arith.index_cast %add3A_116 : i32 to index
        %get3A_118 = arith.constant 0 : index
        %get3A_119 = tpu.vector_load %arg7[%get3A_117, %get3A_118] {strides = array<i32>} : memref<200x64xf32, #tpu.memory_space<vmem>>, vector<1x16xf32>,
        %get3A_120 = vector.shape_cast %get3A_119 : vector<1x16xf32> to vector<16xf32>
        %add3A_121 = arith.addf %add3A_114, %get3A_120 : vector<16xf32>
        %add3A_122 = arith.constant 6 : i32
        %add3A_123 = arith.addi %mul3A_83, %add3A_122 : i32
        %get3A_124 = arith.index_cast %add3A_123 : i32 to index
        %get3A_125 = arith.constant 0 : index
        %get3A_126 = tpu.vector_load %arg7[%get3A_124, %get3A_125] {strides = array<i32>} : memref<200x64xf32, #tpu.memory_space<vmem>>, vector<1x16xf32>,
        %get3A_127 = vector.shape_cast %get3A_126 : vector<1x16xf32> to vector<16xf32>
        %add3A_128 = arith.addf %add3A_121, %get3A_127 : vector<16xf32>
        %add3A_129 = arith.constant 7 : i32
        %add3A_130 = arith.addi %mul3A_83, %add3A_129 : i32
        %get3A_131 = arith.index_cast %add3A_130 : i32 to index
        %get3A_132 = arith.constant 0 : index
        %get3A_133 = tpu.vector_load %arg7[%get3A_131, %get3A_132] {strides = array<i32>} : memref<200x64xf32, #tpu.memory_space<vmem>>, vector<1x16xf32>,
        %get3A_134 = vector.shape_cast %get3A_133 : vector<1x16xf32> to vector<16xf32>
        %add3A_135 = arith.addf %add3A_128, %get3A_134 : vector<16xf32>
        %add3A_136 = arith.constant 8 : i32
        %add3A_137 = arith.addi %mul3A_83, %add3A_136 : i32
        %get3A_138 = arith.index_cast %add3A_137 : i32 to index
        %get3A_139 = arith.constant 0 : index
        %get3A_140 = tpu.vector_load %arg7[%get3A_138, %get3A_139] {strides = array<i32>} : memref<200x64xf32, #tpu.memory_space<vmem>>, vector<1x16xf32>,
        %get3A_141 = vector.shape_cast %get3A_140 : vector<1x16xf32> to vector<16xf32>
        %add3A_142 = arith.addf %add3A_135, %get3A_141 : vector<16xf32>
        %add3A_143 = arith.constant 9 : i32
        %add3A_144 = arith.addi %mul3A_83, %add3A_143 : i32
        %get3A_145 = arith.index_cast %add3A_144 : i32 to index
        %get3A_146 = arith.constant 0 : index
        %get3A_147 = tpu.vector_load %arg7[%get3A_145, %get3A_146] {strides = array<i32>} : memref<200x64xf32, #tpu.memory_space<vmem>>, vector<1x16xf32>,
        %get3A_148 = vector.shape_cast %get3A_147 : vector<1x16xf32> to vector<16xf32>
        %add3A_149 = arith.addf %add3A_142, %get3A_148 : vector<16xf32>
        %add3A_150 = arith.constant 10 : i32
        %add3A_151 = arith.addi %mul3A_83, %add3A_150 : i32
        %get3A_152 = arith.index_cast %add3A_151 : i32 to index
        %get3A_153 = arith.constant 0 : index
        %get3A_154 = tpu.vector_load %arg7[%get3A_152, %get3A_153] {strides = array<i32>} : memref<200x64xf32, #tpu.memory_space<vmem>>, vector<1x16xf32>,
        %get3A_155 = vector.shape_cast %get3A_154 : vector<1x16xf32> to vector<16xf32>
        %add3A_156 = arith.addf %add3A_149, %get3A_155 : vector<16xf32>
        %add3A_157 = arith.constant 11 : i32
        %add3A_158 = arith.addi %mul3A_83, %add3A_157 : i32
        %get3A_159 = arith.index_cast %add3A_158 : i32 to index
        %get3A_160 = arith.constant 0 : index
        %get3A_161 = tpu.vector_load %arg7[%get3A_159, %get3A_160] {strides = array<i32>} : memref<200x64xf32, #tpu.memory_space<vmem>>, vector<1x16xf32>,
        %get3A_162 = vector.shape_cast %get3A_161 : vector<1x16xf32> to vector<16xf32>
        %add3A_163 = arith.addf %add3A_156, %get3A_162 : vector<16xf32>
        %add3A_164 = arith.constant 12 : i32
        %add3A_165 = arith.addi %mul3A_83, %add3A_164 : i32
        %get3A_166 = arith.index_cast %add3A_165 : i32 to index
        %get3A_167 = arith.constant 0 : index
        %get3A_168 = tpu.vector_load %arg7[%get3A_166, %get3A_167] {strides = array<i32>} : memref<200x64xf32, #tpu.memory_space<vmem>>, vector<1x16xf32>,
        %get3A_169 = vector.shape_cast %get3A_168 : vector<1x16xf32> to vector<16xf32>
        %add3A_170 = arith.addf %add3A_163, %get3A_169 : vector<16xf32>
        %add3A_171 = arith.constant 13 : i32
        %add3A_172 = arith.addi %mul3A_83, %add3A_171 : i32
        %get3A_173 = arith.index_cast %add3A_172 : i32 to index
        %get3A_174 = arith.constant 0 : index
        %get3A_175 = tpu.vector_load %arg7[%get3A_173, %get3A_174] {strides = array<i32>} : memref<200x64xf32, #tpu.memory_space<vmem>>, vector<1x16xf32>,
        %get3A_176 = vector.shape_cast %get3A_175 : vector<1x16xf32> to vector<16xf32>
        %add3A_177 = arith.addf %add3A_170, %get3A_176 : vector<16xf32>
        %add3A_178 = arith.constant 14 : i32
        %add3A_179 = arith.addi %mul3A_83, %add3A_178 : i32
        %get3A_180 = arith.index_cast %add3A_179 : i32 to index
        %get3A_181 = arith.constant 0 : index
        %get3A_182 = tpu.vector_load %arg7[%get3A_180, %get3A_181] {strides = array<i32>} : memref<200x64xf32, #tpu.memory_space<vmem>>, vector<1x16xf32>,
        %get3A_183 = vector.shape_cast %get3A_182 : vector<1x16xf32> to vector<16xf32>
        %add3A_184 = arith.addf %add3A_177, %get3A_183 : vector<16xf32>
        %add3A_185 = arith.constant 15 : i32
        %add3A_186 = arith.addi %mul3A_83, %add3A_185 : i32
        %get3A_187 = arith.index_cast %add3A_186 : i32 to index
        %get3A_188 = arith.constant 0 : index
        %get3A_189 = tpu.vector_load %arg7[%get3A_187, %get3A_188] {strides = array<i32>} : memref<200x64xf32, #tpu.memory_space<vmem>>, vector<1x16xf32>,
        %get3A_190 = vector.shape_cast %get3A_189 : vector<1x16xf32> to vector<16xf32>
        %add3A_191 = arith.addf %add3A_184, %get3A_190 : vector<16xf32>
        %add3A_192 = arith.constant 16 : i32
        %add3A_193 = arith.addi %mul3A_83, %add3A_192 : i32
        %get3A_194 = arith.index_cast %add3A_193 : i32 to index
        %get3A_195 = arith.constant 0 : index
        %get3A_196 = tpu.vector_load %arg7[%get3A_194, %get3A_195] {strides = array<i32>} : memref<200x64xf32, #tpu.memory_space<vmem>>, vector<1x16xf32>,
        %get3A_197 = vector.shape_cast %get3A_196 : vector<1x16xf32> to vector<16xf32>
        %add3A_198 = arith.addf %add3A_191, %get3A_197 : vector<16xf32>
        %add3A_199 = arith.constant 17 : i32
        %add3A_200 = arith.addi %mul3A_83, %add3A_199 : i32
        %get3A_201 = arith.index_cast %add3A_200 : i32 to index
        %get3A_202 = arith.constant 0 : index
        %get3A_203 = tpu.vector_load %arg7[%get3A_201, %get3A_202] {strides = array<i32>} : memref<200x64xf32, #tpu.memory_space<vmem>>, vector<1x16xf32>,
        %get3A_204 = vector.shape_cast %get3A_203 : vector<1x16xf32> to vector<16xf32>
        %add3A_205 = arith.addf %add3A_198, %get3A_204 : vector<16xf32>
        %add3A_206 = arith.constant 18 : i32
        %add3A_207 = arith.addi %mul3A_83, %add3A_206 : i32
        %get3A_208 = arith.index_cast %add3A_207 : i32 to index
        %get3A_209 = arith.constant 0 : index
        %get3A_210 = tpu.vector_load %arg7[%get3A_208, %get3A_209] {strides = array<i32>} : memref<200x64xf32, #tpu.memory_space<vmem>>, vector<1x16xf32>,
        %get3A_211 = vector.shape_cast %get3A_210 : vector<1x16xf32> to vector<16xf32>
        %add3A_212 = arith.addf %add3A_205, %get3A_211 : vector<16xf32>
        %add3A_213 = arith.constant 19 : i32
        %add3A_214 = arith.addi %mul3A_83, %add3A_213 : i32
        %get3A_215 = arith.index_cast %add3A_214 : i32 to index
        %get3A_216 = arith.constant 0 : index
        %get3A_217 = tpu.vector_load %arg7[%get3A_215, %get3A_216] {strides = array<i32>} : memref<200x64xf32, #tpu.memory_space<vmem>>, vector<1x16xf32>,
        %get3A_218 = vector.shape_cast %get3A_217 : vector<1x16xf32> to vector<16xf32>
        %add3A_219 = arith.addf %add3A_212, %get3A_218 : vector<16xf32>
        %add3A_220 = arith.constant 20 : i32
        %add3A_221 = arith.addi %mul3A_83, %add3A_220 : i32
        %get3A_222 = arith.index_cast %add3A_221 : i32 to index
        %get3A_223 = arith.constant 0 : index
        %get3A_224 = tpu.vector_load %arg7[%get3A_222, %get3A_223] {strides = array<i32>} : memref<200x64xf32, #tpu.memory_space<vmem>>, vector<1x16xf32>,
        %get3A_225 = vector.shape_cast %get3A_224 : vector<1x16xf32> to vector<16xf32>
        %add3A_226 = arith.addf %add3A_219, %get3A_225 : vector<16xf32>
        %add3A_227 = arith.constant 21 : i32
        %add3A_228 = arith.addi %mul3A_83, %add3A_227 : i32
        %get3A_229 = arith.index_cast %add3A_228 : i32 to index
        %get3A_230 = arith.constant 0 : index
        %get3A_231 = tpu.vector_load %arg7[%get3A_229, %get3A_230] {strides = array<i32>} : memref<200x64xf32, #tpu.memory_space<vmem>>, vector<1x16xf32>,
        %get3A_232 = vector.shape_cast %get3A_231 : vector<1x16xf32> to vector<16xf32>
        %add3A_233 = arith.addf %add3A_226, %get3A_232 : vector<16xf32>
        %add3A_234 = arith.constant 22 : i32
        %add3A_235 = arith.addi %mul3A_83, %add3A_234 : i32
        %get3A_236 = arith.index_cast %add3A_235 : i32 to index
        %get3A_237 = arith.constant 0 : index
        %get3A_238 = tpu.vector_load %arg7[%get3A_236, %get3A_237] {strides = array<i32>} : memref<200x64xf32, #tpu.memory_space<vmem>>, vector<1x16xf32>,
        %get3A_239 = vector.shape_cast %get3A_238 : vector<1x16xf32> to vector<16xf32>
        %add3A_240 = arith.addf %add3A_233, %get3A_239 : vector<16xf32>
        %add3A_241 = arith.constant 23 : i32
        %add3A_242 = arith.addi %mul3A_83, %add3A_241 : i32
        %get3A_243 = arith.index_cast %add3A_242 : i32 to index
        %get3A_244 = arith.constant 0 : index
        %get3A_245 = tpu.vector_load %arg7[%get3A_243, %get3A_244] {strides = array<i32>} : memref<200x64xf32, #tpu.memory_space<vmem>>, vector<1x16xf32>,
        %get3A_246 = vector.shape_cast %get3A_245 : vector<1x16xf32> to vector<16xf32>
        %add3A_247 = arith.addf %add3A_240, %get3A_246 : vector<16xf32>
        %add3A_248 = arith.constant 24 : i32
        %add3A_249 = arith.addi %mul3A_83, %add3A_248 : i32
        %get3A_250 = arith.index_cast %add3A_249 : i32 to index
        %get3A_251 = arith.constant 0 : index
        %get3A_252 = tpu.vector_load %arg7[%get3A_250, %get3A_251] {strides = array<i32>} : memref<200x64xf32, #tpu.memory_space<vmem>>, vector<1x16xf32>,
        %get3A_253 = vector.shape_cast %get3A_252 : vector<1x16xf32> to vector<16xf32>
        %add3A_254 = arith.addf %add3A_247, %get3A_253 : vector<16xf32>
        %add3A_255 = arith.constant 25 : i32
        %add3A_256 = arith.addi %mul3A_83, %add3A_255 : i32
        %get3A_257 = arith.index_cast %add3A_256 : i32 to index
        %get3A_258 = arith.constant 0 : index
        %get3A_259 = tpu.vector_load %arg7[%get3A_257, %get3A_258] {strides = array<i32>} : memref<200x64xf32, #tpu.memory_space<vmem>>, vector<1x16xf32>,
        %get3A_260 = vector.shape_cast %get3A_259 : vector<1x16xf32> to vector<16xf32>
        %add3A_261 = arith.addf %add3A_254, %get3A_260 : vector<16xf32>
        %add3A_262 = arith.constant 26 : i32
        %add3A_263 = arith.addi %mul3A_83, %add3A_262 : i32
        %get3A_264 = arith.index_cast %add3A_263 : i32 to index
        %get3A_265 = arith.constant 0 : index
        %get3A_266 = tpu.vector_load %arg7[%get3A_264, %get3A_265] {strides = array<i32>} : memref<200x64xf32, #tpu.memory_space<vmem>>, vector<1x16xf32>,
        %get3A_267 = vector.shape_cast %get3A_266 : vector<1x16xf32> to vector<16xf32>
        %add3A_268 = arith.addf %add3A_261, %get3A_267 : vector<16xf32>
        %add3A_269 = arith.constant 27 : i32
        %add3A_270 = arith.addi %mul3A_83, %add3A_269 : i32
        %get3A_271 = arith.index_cast %add3A_270 : i32 to index
        %get3A_272 = arith.constant 0 : index
        %get3A_273 = tpu.vector_load %arg7[%get3A_271, %get3A_272] {strides = array<i32>} : memref<200x64xf32, #tpu.memory_space<vmem>>, vector<1x16xf32>,
        %get3A_274 = vector.shape_cast %get3A_273 : vector<1x16xf32> to vector<16xf32>
        %add3A_275 = arith.addf %add3A_268, %get3A_274 : vector<16xf32>
        %add3A_276 = arith.constant 28 : i32
        %add3A_277 = arith.addi %mul3A_83, %add3A_276 : i32
        %get3A_278 = arith.index_cast %add3A_277 : i32 to index
        %get3A_279 = arith.constant 0 : index
        %get3A_280 = tpu.vector_load %arg7[%get3A_278, %get3A_279] {strides = array<i32>} : memref<200x64xf32, #tpu.memory_space<vmem>>, vector<1x16xf32>,
        %get3A_281 = vector.shape_cast %get3A_280 : vector<1x16xf32> to vector<16xf32>
        %add3A_282 = arith.addf %add3A_275, %get3A_281 : vector<16xf32>
        %add3A_283 = arith.constant 29 : i32
        %add3A_284 = arith.addi %mul3A_83, %add3A_283 : i32
        %get3A_285 = arith.index_cast %add3A_284 : i32 to index
        %get3A_286 = arith.constant 0 : index
        %get3A_287 = tpu.vector_load %arg7[%get3A_285, %get3A_286] {strides = array<i32>} : memref<200x64xf32, #tpu.memory_space<vmem>>, vector<1x16xf32>,
        %get3A_288 = vector.shape_cast %get3A_287 : vector<1x16xf32> to vector<16xf32>
        %add3A_289 = arith.addf %add3A_282, %get3A_288 : vector<16xf32>
        %add3A_290 = arith.constant 30 : i32
        %add3A_291 = arith.addi %mul3A_83, %add3A_290 : i32
        %get3A_292 = arith.index_cast %add3A_291 : i32 to index
        %get3A_293 = arith.constant 0 : index
        %get3A_294 = tpu.vector_load %arg7[%get3A_292, %get3A_293] {strides = array<i32>} : memref<200x64xf32, #tpu.memory_space<vmem>>, vector<1x16xf32>,
        %get3A_295 = vector.shape_cast %get3A_294 : vector<1x16xf32> to vector<16xf32>
        %add3A_296 = arith.addf %add3A_289, %get3A_295 : vector<16xf32>
        %add3A_297 = arith.constant 31 : i32
        %add3A_298 = arith.addi %mul3A_83, %add3A_297 : i32
        %get3A_299 = arith.index_cast %add3A_298 : i32 to index
        %get3A_300 = arith.constant 0 : index
        %get3A_301 = tpu.vector_load %arg7[%get3A_299, %get3A_300] {strides = array<i32>} : memref<200x64xf32, #tpu.memory_space<vmem>>, vector<1x16xf32>,
        %get3A_302 = vector.shape_cast %get3A_301 : vector<1x16xf32> to vector<16xf32>
        %add3A_303 = arith.addf %add3A_296, %get3A_302 : vector<16xf32>
        %add3A_304 = arith.constant 32 : i32
        %add3A_305 = arith.addi %mul3A_83, %add3A_304 : i32
        %get3A_306 = arith.index_cast %add3A_305 : i32 to index
        %get3A_307 = arith.constant 0 : index
        %get3A_308 = tpu.vector_load %arg7[%get3A_306, %get3A_307] {strides = array<i32>} : memref<200x64xf32, #tpu.memory_space<vmem>>, vector<1x16xf32>,
        %get3A_309 = vector.shape_cast %get3A_308 : vector<1x16xf32> to vector<16xf32>
        %add3A_310 = arith.addf %add3A_303, %get3A_309 : vector<16xf32>
        %add3A_311 = arith.constant 33 : i32
        %add3A_312 = arith.addi %mul3A_83, %add3A_311 : i32
        %get3A_313 = arith.index_cast %add3A_312 : i32 to index
        %get3A_314 = arith.constant 0 : index
        %get3A_315 = tpu.vector_load %arg7[%get3A_313, %get3A_314] {strides = array<i32>} : memref<200x64xf32, #tpu.memory_space<vmem>>, vector<1x16xf32>,
        %get3A_316 = vector.shape_cast %get3A_315 : vector<1x16xf32> to vector<16xf32>
        %add3A_317 = arith.addf %add3A_310, %get3A_316 : vector<16xf32>
        %add3A_318 = arith.constant 34 : i32
        %add3A_319 = arith.addi %mul3A_83, %add3A_318 : i32
        %get3A_320 = arith.index_cast %add3A_319 : i32 to index
        %get3A_321 = arith.constant 0 : index
        %get3A_322 = tpu.vector_load %arg7[%get3A_320, %get3A_321] {strides = array<i32>} : memref<200x64xf32, #tpu.memory_space<vmem>>, vector<1x16xf32>,
        %get3A_323 = vector.shape_cast %get3A_322 : vector<1x16xf32> to vector<16xf32>
        %add3A_324 = arith.addf %add3A_317, %get3A_323 : vector<16xf32>
        %add3A_325 = arith.constant 35 : i32
        %add3A_326 = arith.addi %mul3A_83, %add3A_325 : i32
        %get3A_327 = arith.index_cast %add3A_326 : i32 to index
        %get3A_328 = arith.constant 0 : index
        %get3A_329 = tpu.vector_load %arg7[%get3A_327, %get3A_328] {strides = array<i32>} : memref<200x64xf32, #tpu.memory_space<vmem>>, vector<1x16xf32>,
        %get3A_330 = vector.shape_cast %get3A_329 : vector<1x16xf32> to vector<16xf32>
        %add3A_331 = arith.addf %add3A_324, %get3A_330 : vector<16xf32>
        %add3A_332 = arith.constant 36 : i32
        %add3A_333 = arith.addi %mul3A_83, %add3A_332 : i32
        %get3A_334 = arith.index_cast %add3A_333 : i32 to index
        %get3A_335 = arith.constant 0 : index
        %get3A_336 = tpu.vector_load %arg7[%get3A_334, %get3A_335] {strides = array<i32>} : memref<200x64xf32, #tpu.memory_space<vmem>>, vector<1x16xf32>,
        %get3A_337 = vector.shape_cast %get3A_336 : vector<1x16xf32> to vector<16xf32>
        %add3A_338 = arith.addf %add3A_331, %get3A_337 : vector<16xf32>
        %add3A_339 = arith.constant 37 : i32
        %add3A_340 = arith.addi %mul3A_83, %add3A_339 : i32
        %get3A_341 = arith.index_cast %add3A_340 : i32 to index
        %get3A_342 = arith.constant 0 : index
        %get3A_343 = tpu.vector_load %arg7[%get3A_341, %get3A_342] {strides = array<i32>} : memref<200x64xf32, #tpu.memory_space<vmem>>, vector<1x16xf32>,
        %get3A_344 = vector.shape_cast %get3A_343 : vector<1x16xf32> to vector<16xf32>
        %add3A_345 = arith.addf %add3A_338, %get3A_344 : vector<16xf32>
        %add3A_346 = arith.constant 38 : i32
        %add3A_347 = arith.addi %mul3A_83, %add3A_346 : i32
        %get3A_348 = arith.index_cast %add3A_347 : i32 to index
        %get3A_349 = arith.constant 0 : index
        %get3A_350 = tpu.vector_load %arg7[%get3A_348, %get3A_349] {strides = array<i32>} : memref<200x64xf32, #tpu.memory_space<vmem>>, vector<1x16xf32>,
        %get3A_351 = vector.shape_cast %get3A_350 : vector<1x16xf32> to vector<16xf32>
        %add3A_352 = arith.addf %add3A_345, %get3A_351 : vector<16xf32>
        %add3A_353 = arith.constant 39 : i32
        %add3A_354 = arith.addi %mul3A_83, %add3A_353 : i32
        %get3A_355 = arith.index_cast %add3A_354 : i32 to index
        %get3A_356 = arith.constant 0 : index
        %get3A_357 = tpu.vector_load %arg7[%get3A_355, %get3A_356] {strides = array<i32>} : memref<200x64xf32, #tpu.memory_space<vmem>>, vector<1x16xf32>,
        %get3A_358 = vector.shape_cast %get3A_357 : vector<1x16xf32> to vector<16xf32>
        %add3A_359 = arith.addf %add3A_352, %get3A_358 : vector<16xf32>
        %add3A_360 = arith.constant 40 : i32
        %add3A_361 = arith.addi %mul3A_83, %add3A_360 : i32
        %get3A_362 = arith.index_cast %add3A_361 : i32 to index
        %get3A_363 = arith.constant 0 : index
        %get3A_364 = tpu.vector_load %arg7[%get3A_362, %get3A_363] {strides = array<i32>} : memref<200x64xf32, #tpu.memory_space<vmem>>, vector<1x16xf32>,
        %get3A_365 = vector.shape_cast %get3A_364 : vector<1x16xf32> to vector<16xf32>
        %add3A_366 = arith.addf %add3A_359, %get3A_365 : vector<16xf32>
        %add3A_367 = arith.constant 41 : i32
        %add3A_368 = arith.addi %mul3A_83, %add3A_367 : i32
        %get3A_369 = arith.index_cast %add3A_368 : i32 to index
        %get3A_370 = arith.constant 0 : index
        %get3A_371 = tpu.vector_load %arg7[%get3A_369, %get3A_370] {strides = array<i32>} : memref<200x64xf32, #tpu.memory_space<vmem>>, vector<1x16xf32>,
        %get3A_372 = vector.shape_cast %get3A_371 : vector<1x16xf32> to vector<16xf32>
        %add3A_373 = arith.addf %add3A_366, %get3A_372 : vector<16xf32>
        %add3A_374 = arith.constant 42 : i32
        %add3A_375 = arith.addi %mul3A_83, %add3A_374 : i32
        %get3A_376 = arith.index_cast %add3A_375 : i32 to index
        %get3A_377 = arith.constant 0 : index
        %get3A_378 = tpu.vector_load %arg7[%get3A_376, %get3A_377] {strides = array<i32>} : memref<200x64xf32, #tpu.memory_space<vmem>>, vector<1x16xf32>,
        %get3A_379 = vector.shape_cast %get3A_378 : vector<1x16xf32> to vector<16xf32>
        %add3A_380 = arith.addf %add3A_373, %get3A_379 : vector<16xf32>
        %add3A_381 = arith.constant 43 : i32
        %add3A_382 = arith.addi %mul3A_83, %add3A_381 : i32
        %get3A_383 = arith.index_cast %add3A_382 : i32 to index
        %get3A_384 = arith.constant 0 : index
        %get3A_385 = tpu.vector_load %arg7[%get3A_383, %get3A_384] {strides = array<i32>} : memref<200x64xf32, #tpu.memory_space<vmem>>, vector<1x16xf32>,
        %get3A_386 = vector.shape_cast %get3A_385 : vector<1x16xf32> to vector<16xf32>
        %add3A_387 = arith.addf %add3A_380, %get3A_386 : vector<16xf32>
        %add3A_388 = arith.constant 44 : i32
        %add3A_389 = arith.addi %mul3A_83, %add3A_388 : i32
        %get3A_390 = arith.index_cast %add3A_389 : i32 to index
        %get3A_391 = arith.constant 0 : index
        %get3A_392 = tpu.vector_load %arg7[%get3A_390, %get3A_391] {strides = array<i32>} : memref<200x64xf32, #tpu.memory_space<vmem>>, vector<1x16xf32>,
        %get3A_393 = vector.shape_cast %get3A_392 : vector<1x16xf32> to vector<16xf32>
        %add3A_394 = arith.addf %add3A_387, %get3A_393 : vector<16xf32>
        %add3A_395 = arith.constant 45 : i32
        %add3A_396 = arith.addi %mul3A_83, %add3A_395 : i32
        %get3A_397 = arith.index_cast %add3A_396 : i32 to index
        %get3A_398 = arith.constant 0 : index
        %get3A_399 = tpu.vector_load %arg7[%get3A_397, %get3A_398] {strides = array<i32>} : memref<200x64xf32, #tpu.memory_space<vmem>>, vector<1x16xf32>,
        %get3A_400 = vector.shape_cast %get3A_399 : vector<1x16xf32> to vector<16xf32>
        %add3A_401 = arith.addf %add3A_394, %get3A_400 : vector<16xf32>
        %add3A_402 = arith.constant 46 : i32
        %add3A_403 = arith.addi %mul3A_83, %add3A_402 : i32
        %get3A_404 = arith.index_cast %add3A_403 : i32 to index
        %get3A_405 = arith.constant 0 : index
        %get3A_406 = tpu.vector_load %arg7[%get3A_404, %get3A_405] {strides = array<i32>} : memref<200x64xf32, #tpu.memory_space<vmem>>, vector<1x16xf32>,
        %get3A_407 = vector.shape_cast %get3A_406 : vector<1x16xf32> to vector<16xf32>
        %add3A_408 = arith.addf %add3A_401, %get3A_407 : vector<16xf32>
        %add3A_409 = arith.constant 47 : i32
        %add3A_410 = arith.addi %mul3A_83, %add3A_409 : i32
        %get3A_411 = arith.index_cast %add3A_410 : i32 to index
        %get3A_412 = arith.constant 0 : index
        %get3A_413 = tpu.vector_load %arg7[%get3A_411, %get3A_412] {strides = array<i32>} : memref<200x64xf32, #tpu.memory_space<vmem>>, vector<1x16xf32>,
        %get3A_414 = vector.shape_cast %get3A_413 : vector<1x16xf32> to vector<16xf32>
        %add3A_415 = arith.addf %add3A_408, %get3A_414 : vector<16xf32>
        %add3A_416 = arith.constant 48 : i32
        %add3A_417 = arith.addi %mul3A_83, %add3A_416 : i32
        %get3A_418 = arith.index_cast %add3A_417 : i32 to index
        %get3A_419 = arith.constant 0 : index
        %get3A_420 = tpu.vector_load %arg7[%get3A_418, %get3A_419] {strides = array<i32>} : memref<200x64xf32, #tpu.memory_space<vmem>>, vector<1x16xf32>,
        %get3A_421 = vector.shape_cast %get3A_420 : vector<1x16xf32> to vector<16xf32>
        %add3A_422 = arith.addf %add3A_415, %get3A_421 : vector<16xf32>
        %add3A_423 = arith.constant 49 : i32
        %add3A_424 = arith.addi %mul3A_83, %add3A_423 : i32
        %get3A_425 = arith.index_cast %add3A_424 : i32 to index
        %get3A_426 = arith.constant 0 : index
        %get3A_427 = tpu.vector_load %arg7[%get3A_425, %get3A_426] {strides = array<i32>} : memref<200x64xf32, #tpu.memory_space<vmem>>, vector<1x16xf32>,
        %get3A_428 = vector.shape_cast %get3A_427 : vector<1x16xf32> to vector<16xf32>
        %add3A_429 = arith.addf %add3A_422, %get3A_428 : vector<16xf32>
        %add3A_430 = arith.addi %mul3A_74, %scan3A_81 : i32
        %swap3A = arith.index_cast %add3A_430 : i32 to index
        %swap3A_431 = arith.constant 0 : index
        %swap3A_432 = tpu.vector_load %arg8[%swap3A, %swap3A_431] {strides = array<i32>} : memref<512x64xf32, #tpu.memory_space<vmem>>, vector<1x16xf32>,
        %swap3A_433 = vector.shape_cast %swap3A_432 : vector<1x16xf32> to vector<16xf32>
        %swap3A_434 = vector.shape_cast %add3A_429 : vector<16xf32> to vector<1x16xf32>
        tpu.vector_store %arg8[%swap3A, %swap3A_431], %swap3A_434 {strides = array<i32>} : memref<512x64xf32, #tpu.memory_space<vmem>>, vector<1x16xf32>,
        %get3A_435 = arith.index_cast %mul3A_83 : i32 to index
        %get3A_436 = arith.constant 16 : index
        %get3A_437 = tpu.vector_load %arg7[%get3A_435, %get3A_436] {strides = array<i32>} : memref<200x64xf32, #tpu.memory_space<vmem>>, vector<1x16xf32>,
        %get3A_438 = vector.shape_cast %get3A_437 : vector<1x16xf32> to vector<16xf32>
        %add3A_439 = arith.constant 1 : i32
        %add3A_440 = arith.addi %mul3A_83, %add3A_439 : i32
        %get3A_441 = arith.index_cast %add3A_440 : i32 to index
        %get3A_442 = arith.constant 16 : index
        %get3A_443 = tpu.vector_load %arg7[%get3A_441, %get3A_442] {strides = array<i32>} : memref<200x64xf32, #tpu.memory_space<vmem>>, vector<1x16xf32>,
        %get3A_444 = vector.shape_cast %get3A_443 : vector<1x16xf32> to vector<16xf32>
        %add3A_445 = arith.addf %get3A_438, %get3A_444 : vector<16xf32>
        %add3A_446 = arith.constant 2 : i32
        %add3A_447 = arith.addi %mul3A_83, %add3A_446 : i32
        %get3A_448 = arith.index_cast %add3A_447 : i32 to index
        %get3A_449 = arith.constant 16 : index
        %get3A_450 = tpu.vector_load %arg7[%get3A_448, %get3A_449] {strides = array<i32>} : memref<200x64xf32, #tpu.memory_space<vmem>>, vector<1x16xf32>,
        %get3A_451 = vector.shape_cast %get3A_450 : vector<1x16xf32> to vector<16xf32>
        %add3A_452 = arith.addf %add3A_445, %get3A_451 : vector<16xf32>
        %add3A_453 = arith.constant 3 : i32
        %add3A_454 = arith.addi %mul3A_83, %add3A_453 : i32
        %get3A_455 = arith.index_cast %add3A_454 : i32 to index
        %get3A_456 = arith.constant 16 : index
        %get3A_457 = tpu.vector_load %arg7[%get3A_455, %get3A_456] {strides = array<i32>} : memref<200x64xf32, #tpu.memory_space<vmem>>, vector<1x16xf32>,
        %get3A_458 = vector.shape_cast %get3A_457 : vector<1x16xf32> to vector<16xf32>
        %add3A_459 = arith.addf %add3A_452, %get3A_458 : vector<16xf32>
        %add3A_460 = arith.constant 4 : i32
        %add3A_461 = arith.addi %mul3A_83, %add3A_460 : i32
        %get3A_462 = arith.index_cast %add3A_461 : i32 to index
        %get3A_463 = arith.constant 16 : index
        %get3A_464 = tpu.vector_load %arg7[%get3A_462, %get3A_463] {strides = array<i32>} : memref<200x64xf32, #tpu.memory_space<vmem>>, vector<1x16xf32>,
        %get3A_465 = vector.shape_cast %get3A_464 : vector<1x16xf32> to vector<16xf32>
        %add3A_466 = arith.addf %add3A_459, %get3A_465 : vector<16xf32>
        %add3A_467 = arith.constant 5 : i32
        %add3A_468 = arith.addi %mul3A_83, %add3A_467 : i32
        %get3A_469 = arith.index_cast %add3A_468 : i32 to index
        %get3A_470 = arith.constant 16 : index
        %get3A_471 = tpu.vector_load %arg7[%get3A_469, %get3A_470] {strides = array<i32>} : memref<200x64xf32, #tpu.memory_space<vmem>>, vector<1x16xf32>,
        %get3A_472 = vector.shape_cast %get3A_471 : vector<1x16xf32> to vector<16xf32>
        %add3A_473 = arith.addf %add3A_466, %get3A_472 : vector<16xf32>
        %add3A_474 = arith.constant 6 : i32
        %add3A_475 = arith.addi %mul3A_83, %add3A_474 : i32
        %get3A_476 = arith.index_cast %add3A_475 : i32 to index
        %get3A_477 = arith.constant 16 : index
        %get3A_478 = tpu.vector_load %arg7[%get3A_476, %get3A_477] {strides = array<i32>} : memref<200x64xf32, #tpu.memory_space<vmem>>, vector<1x16xf32>,
        %get3A_479 = vector.shape_cast %get3A_478 : vector<1x16xf32> to vector<16xf32>
        %add3A_480 = arith.addf %add3A_473, %get3A_479 : vector<16xf32>
        %add3A_481 = arith.constant 7 : i32
        %add3A_482 = arith.addi %mul3A_83, %add3A_481 : i32
        %get3A_483 = arith.index_cast %add3A_482 : i32 to index
        %get3A_484 = arith.constant 16 : index
        %get3A_485 = tpu.vector_load %arg7[%get3A_483, %get3A_484] {strides = array<i32>} : memref<200x64xf32, #tpu.memory_space<vmem>>, vector<1x16xf32>,
        %get3A_486 = vector.shape_cast %get3A_485 : vector<1x16xf32> to vector<16xf32>
        %add3A_487 = arith.addf %add3A_480, %get3A_486 : vector<16xf32>
        %add3A_488 = arith.constant 8 : i32
        %add3A_489 = arith.addi %mul3A_83, %add3A_488 : i32
        %get3A_490 = arith.index_cast %add3A_489 : i32 to index
        %get3A_491 = arith.constant 16 : index
        %get3A_492 = tpu.vector_load %arg7[%get3A_490, %get3A_491] {strides = array<i32>} : memref<200x64xf32, #tpu.memory_space<vmem>>, vector<1x16xf32>,
        %get3A_493 = vector.shape_cast %get3A_492 : vector<1x16xf32> to vector<16xf32>
        %add3A_494 = arith.addf %add3A_487, %get3A_493 : vector<16xf32>
        %add3A_495 = arith.constant 9 : i32
        %add3A_496 = arith.addi %mul3A_83, %add3A_495 : i32
        %get3A_497 = arith.index_cast %add3A_496 : i32 to index
        %get3A_498 = arith.constant 16 : index
        %get3A_499 = tpu.vector_load %arg7[%get3A_497, %get3A_498] {strides = array<i32>} : memref<200x64xf32, #tpu.memory_space<vmem>>, vector<1x16xf32>,
        %get3A_500 = vector.shape_cast %get3A_499 : vector<1x16xf32> to vector<16xf32>
        %add3A_501 = arith.addf %add3A_494, %get3A_500 : vector<16xf32>
        %add3A_502 = arith.constant 10 : i32
        %add3A_503 = arith.addi %mul3A_83, %add3A_502 : i32
        %get3A_504 = arith.index_cast %add3A_503 : i32 to index
        %get3A_505 = arith.constant 16 : index
        %get3A_506 = tpu.vector_load %arg7[%get3A_504, %get3A_505] {strides = array<i32>} : memref<200x64xf32, #tpu.memory_space<vmem>>, vector<1x16xf32>,
        %get3A_507 = vector.shape_cast %get3A_506 : vector<1x16xf32> to vector<16xf32>
        %add3A_508 = arith.addf %add3A_501, %get3A_507 : vector<16xf32>
        %add3A_509 = arith.constant 11 : i32
        %add3A_510 = arith.addi %mul3A_83, %add3A_509 : i32
        %get3A_511 = arith.index_cast %add3A_510 : i32 to index
        %get3A_512 = arith.constant 16 : index
        %get3A_513 = tpu.vector_load %arg7[%get3A_511, %get3A_512] {strides = array<i32>} : memref<200x64xf32, #tpu.memory_space<vmem>>, vector<1x16xf32>,
        %get3A_514 = vector.shape_cast %get3A_513 : vector<1x16xf32> to vector<16xf32>
        %add3A_515 = arith.addf %add3A_508, %get3A_514 : vector<16xf32>
        %add3A_516 = arith.constant 12 : i32
        %add3A_517 = arith.addi %mul3A_83, %add3A_516 : i32
        %get3A_518 = arith.index_cast %add3A_517 : i32 to index
        %get3A_519 = arith.constant 16 : index
        %get3A_520 = tpu.vector_load %arg7[%get3A_518, %get3A_519] {strides = array<i32>} : memref<200x64xf32, #tpu.memory_space<vmem>>, vector<1x16xf32>,
        %get3A_521 = vector.shape_cast %get3A_520 : vector<1x16xf32> to vector<16xf32>
        %add3A_522 = arith.addf %add3A_515, %get3A_521 : vector<16xf32>
        %add3A_523 = arith.constant 13 : i32
        %add3A_524 = arith.addi %mul3A_83, %add3A_523 : i32
        %get3A_525 = arith.index_cast %add3A_524 : i32 to index
        %get3A_526 = arith.constant 16 : index
        %get3A_527 = tpu.vector_load %arg7[%get3A_525, %get3A_526] {strides = array<i32>} : memref<200x64xf32, #tpu.memory_space<vmem>>, vector<1x16xf32>,
        %get3A_528 = vector.shape_cast %get3A_527 : vector<1x16xf32> to vector<16xf32>
        %add3A_529 = arith.addf %add3A_522, %get3A_528 : vector<16xf32>
        %add3A_530 = arith.constant 14 : i32
        %add3A_531 = arith.addi %mul3A_83, %add3A_530 : i32
        %get3A_532 = arith.index_cast %add3A_531 : i32 to index
        %get3A_533 = arith.constant 16 : index
        %get3A_534 = tpu.vector_load %arg7[%get3A_532, %get3A_533] {strides = array<i32>} : memref<200x64xf32, #tpu.memory_space<vmem>>, vector<1x16xf32>,
        %get3A_535 = vector.shape_cast %get3A_534 : vector<1x16xf32> to vector<16xf32>
        %add3A_536 = arith.addf %add3A_529, %get3A_535 : vector<16xf32>
        %add3A_537 = arith.constant 15 : i32
        %add3A_538 = arith.addi %mul3A_83, %add3A_537 : i32
        %get3A_539 = arith.index_cast %add3A_538 : i32 to index
        %get3A_540 = arith.constant 16 : index
        %get3A_541 = tpu.vector_load %arg7[%get3A_539, %get3A_540] {strides = array<i32>} : memref<200x64xf32, #tpu.memory_space<vmem>>, vector<1x16xf32>,
        %get3A_542 = vector.shape_cast %get3A_541 : vector<1x16xf32> to vector<16xf32>
        %add3A_543 = arith.addf %add3A_536, %get3A_542 : vector<16xf32>
        %add3A_544 = arith.constant 16 : i32
        %add3A_545 = arith.addi %mul3A_83, %add3A_544 : i32
        %get3A_546 = arith.index_cast %add3A_545 : i32 to index
        %get3A_547 = arith.constant 16 : index
        %get3A_548 = tpu.vector_load %arg7[%get3A_546, %get3A_547] {strides = array<i32>} : memref<200x64xf32, #tpu.memory_space<vmem>>, vector<1x16xf32>,
        %get3A_549 = vector.shape_cast %get3A_548 : vector<1x16xf32> to vector<16xf32>
        %add3A_550 = arith.addf %add3A_543, %get3A_549 : vector<16xf32>
        %add3A_551 = arith.constant 17 : i32
        %add3A_552 = arith.addi %mul3A_83, %add3A_551 : i32
        %get3A_553 = arith.index_cast %add3A_552 : i32 to index
        %get3A_554 = arith.constant 16 : index
        %get3A_555 = tpu.vector_load %arg7[%get3A_553, %get3A_554] {strides = array<i32>} : memref<200x64xf32, #tpu.memory_space<vmem>>, vector<1x16xf32>,
        %get3A_556 = vector.shape_cast %get3A_555 : vector<1x16xf32> to vector<16xf32>
        %add3A_557 = arith.addf %add3A_550, %get3A_556 : vector<16xf32>
        %add3A_558 = arith.constant 18 : i32
        %add3A_559 = arith.addi %mul3A_83, %add3A_558 : i32
        %get3A_560 = arith.index_cast %add3A_559 : i32 to index
        %get3A_561 = arith.constant 16 : index
        %get3A_562 = tpu.vector_load %arg7[%get3A_560, %get3A_561] {strides = array<i32>} : memref<200x64xf32, #tpu.memory_space<vmem>>, vector<1x16xf32>,
        %get3A_563 = vector.shape_cast %get3A_562 : vector<1x16xf32> to vector<16xf32>
        %add3A_564 = arith.addf %add3A_557, %get3A_563 : vector<16xf32>
        %add3A_565 = arith.constant 19 : i32
        %add3A_566 = arith.addi %mul3A_83, %add3A_565 : i32
        %get3A_567 = arith.index_cast %add3A_566 : i32 to index
        %get3A_568 = arith.constant 16 : index
        %get3A_569 = tpu.vector_load %arg7[%get3A_567, %get3A_568] {strides = array<i32>} : memref<200x64xf32, #tpu.memory_space<vmem>>, vector<1x16xf32>,
        %get3A_570 = vector.shape_cast %get3A_569 : vector<1x16xf32> to vector<16xf32>
        %add3A_571 = arith.addf %add3A_564, %get3A_570 : vector<16xf32>
        %add3A_572 = arith.constant 20 : i32
        %add3A_573 = arith.addi %mul3A_83, %add3A_572 : i32
        %get3A_574 = arith.index_cast %add3A_573 : i32 to index
        %get3A_575 = arith.constant 16 : index
        %get3A_576 = tpu.vector_load %arg7[%get3A_574, %get3A_575] {strides = array<i32>} : memref<200x64xf32, #tpu.memory_space<vmem>>, vector<1x16xf32>,
        %get3A_577 = vector.shape_cast %get3A_576 : vector<1x16xf32> to vector<16xf32>
        %add3A_578 = arith.addf %add3A_571, %get3A_577 : vector<16xf32>
        %add3A_579 = arith.constant 21 : i32
        %add3A_580 = arith.addi %mul3A_83, %add3A_579 : i32
        %get3A_581 = arith.index_cast %add3A_580 : i32 to index
        %get3A_582 = arith.constant 16 : index
        %get3A_583 = tpu.vector_load %arg7[%get3A_581, %get3A_582] {strides = array<i32>} : memref<200x64xf32, #tpu.memory_space<vmem>>, vector<1x16xf32>,
        %get3A_584 = vector.shape_cast %get3A_583 : vector<1x16xf32> to vector<16xf32>
        %add3A_585 = arith.addf %add3A_578, %get3A_584 : vector<16xf32>
        %add3A_586 = arith.constant 22 : i32
        %add3A_587 = arith.addi %mul3A_83, %add3A_586 : i32
        %get3A_588 = arith.index_cast %add3A_587 : i32 to index
        %get3A_589 = arith.constant 16 : index
        %get3A_590 = tpu.vector_load %arg7[%get3A_588, %get3A_589] {strides = array<i32>} : memref<200x64xf32, #tpu.memory_space<vmem>>, vector<1x16xf32>,
        %get3A_591 = vector.shape_cast %get3A_590 : vector<1x16xf32> to vector<16xf32>
        %add3A_592 = arith.addf %add3A_585, %get3A_591 : vector<16xf32>
        %add3A_593 = arith.constant 23 : i32
        %add3A_594 = arith.addi %mul3A_83, %add3A_593 : i32
        %get3A_595 = arith.index_cast %add3A_594 : i32 to index
        %get3A_596 = arith.constant 16 : index
        %get3A_597 = tpu.vector_load %arg7[%get3A_595, %get3A_596] {strides = array<i32>} : memref<200x64xf32, #tpu.memory_space<vmem>>, vector<1x16xf32>,
        %get3A_598 = vector.shape_cast %get3A_597 : vector<1x16xf32> to vector<16xf32>
        %add3A_599 = arith.addf %add3A_592, %get3A_598 : vector<16xf32>
        %add3A_600 = arith.constant 24 : i32
        %add3A_601 = arith.addi %mul3A_83, %add3A_600 : i32
        %get3A_602 = arith.index_cast %add3A_601 : i32 to index
        %get3A_603 = arith.constant 16 : index
        %get3A_604 = tpu.vector_load %arg7[%get3A_602, %get3A_603] {strides = array<i32>} : memref<200x64xf32, #tpu.memory_space<vmem>>, vector<1x16xf32>,
        %get3A_605 = vector.shape_cast %get3A_604 : vector<1x16xf32> to vector<16xf32>
        %add3A_606 = arith.addf %add3A_599, %get3A_605 : vector<16xf32>
        %add3A_607 = arith.constant 25 : i32
        %add3A_608 = arith.addi %mul3A_83, %add3A_607 : i32
        %get3A_609 = arith.index_cast %add3A_608 : i32 to index
        %get3A_610 = arith.constant 16 : index
        %get3A_611 = tpu.vector_load %arg7[%get3A_609, %get3A_610] {strides = array<i32>} : memref<200x64xf32, #tpu.memory_space<vmem>>, vector<1x16xf32>,
        %get3A_612 = vector.shape_cast %get3A_611 : vector<1x16xf32> to vector<16xf32>
        %add3A_613 = arith.addf %add3A_606, %get3A_612 : vector<16xf32>
        %add3A_614 = arith.constant 26 : i32
        %add3A_615 = arith.addi %mul3A_83, %add3A_614 : i32
        %get3A_616 = arith.index_cast %add3A_615 : i32 to index
        %get3A_617 = arith.constant 16 : index
        %get3A_618 = tpu.vector_load %arg7[%get3A_616, %get3A_617] {strides = array<i32>} : memref<200x64xf32, #tpu.memory_space<vmem>>, vector<1x16xf32>,
        %get3A_619 = vector.shape_cast %get3A_618 : vector<1x16xf32> to vector<16xf32>
        %add3A_620 = arith.addf %add3A_613, %get3A_619 : vector<16xf32>
        %add3A_621 = arith.constant 27 : i32
        %add3A_622 = arith.addi %mul3A_83, %add3A_621 : i32
        %get3A_623 = arith.index_cast %add3A_622 : i32 to index
        %get3A_624 = arith.constant 16 : index
        %get3A_625 = tpu.vector_load %arg7[%get3A_623, %get3A_624] {strides = array<i32>} : memref<200x64xf32, #tpu.memory_space<vmem>>, vector<1x16xf32>,
        %get3A_626 = vector.shape_cast %get3A_625 : vector<1x16xf32> to vector<16xf32>
        %add3A_627 = arith.addf %add3A_620, %get3A_626 : vector<16xf32>
        %add3A_628 = arith.constant 28 : i32
        %add3A_629 = arith.addi %mul3A_83, %add3A_628 : i32
        %get3A_630 = arith.index_cast %add3A_629 : i32 to index
        %get3A_631 = arith.constant 16 : index
        %get3A_632 = tpu.vector_load %arg7[%get3A_630, %get3A_631] {strides = array<i32>} : memref<200x64xf32, #tpu.memory_space<vmem>>, vector<1x16xf32>,
        %get3A_633 = vector.shape_cast %get3A_632 : vector<1x16xf32> to vector<16xf32>
        %add3A_634 = arith.addf %add3A_627, %get3A_633 : vector<16xf32>
        %add3A_635 = arith.constant 29 : i32
        %add3A_636 = arith.addi %mul3A_83, %add3A_635 : i32
        %get3A_637 = arith.index_cast %add3A_636 : i32 to index
        %get3A_638 = arith.constant 16 : index
        %get3A_639 = tpu.vector_load %arg7[%get3A_637, %get3A_638] {strides = array<i32>} : memref<200x64xf32, #tpu.memory_space<vmem>>, vector<1x16xf32>,
        %get3A_640 = vector.shape_cast %get3A_639 : vector<1x16xf32> to vector<16xf32>
        %add3A_641 = arith.addf %add3A_634, %get3A_640 : vector<16xf32>
        %add3A_642 = arith.constant 30 : i32
        %add3A_643 = arith.addi %mul3A_83, %add3A_642 : i32
        %get3A_644 = arith.index_cast %add3A_643 : i32 to index
        %get3A_645 = arith.constant 16 : index
        %get3A_646 = tpu.vector_load %arg7[%get3A_644, %get3A_645] {strides = array<i32>} : memref<200x64xf32, #tpu.memory_space<vmem>>, vector<1x16xf32>,
        %get3A_647 = vector.shape_cast %get3A_646 : vector<1x16xf32> to vector<16xf32>
        %add3A_648 = arith.addf %add3A_641, %get3A_647 : vector<16xf32>
        %add3A_649 = arith.constant 31 : i32
        %add3A_650 = arith.addi %mul3A_83, %add3A_649 : i32
        %get3A_651 = arith.index_cast %add3A_650 : i32 to index
        %get3A_652 = arith.constant 16 : index
        %get3A_653 = tpu.vector_load %arg7[%get3A_651, %get3A_652] {strides = array<i32>} : memref<200x64xf32, #tpu.memory_space<vmem>>, vector<1x16xf32>,
        %get3A_654 = vector.shape_cast %get3A_653 : vector<1x16xf32> to vector<16xf32>
        %add3A_655 = arith.addf %add3A_648, %get3A_654 : vector<16xf32>
        %add3A_656 = arith.constant 32 : i32
        %add3A_657 = arith.addi %mul3A_83, %add3A_656 : i32
        %get3A_658 = arith.index_cast %add3A_657 : i32 to index
        %get3A_659 = arith.constant 16 : index
        %get3A_660 = tpu.vector_load %arg7[%get3A_658, %get3A_659] {strides = array<i32>} : memref<200x64xf32, #tpu.memory_space<vmem>>, vector<1x16xf32>,
        %get3A_661 = vector.shape_cast %get3A_660 : vector<1x16xf32> to vector<16xf32>
        %add3A_662 = arith.addf %add3A_655, %get3A_661 : vector<16xf32>
        %add3A_663 = arith.constant 33 : i32
        %add3A_664 = arith.addi %mul3A_83, %add3A_663 : i32
        %get3A_665 = arith.index_cast %add3A_664 : i32 to index
        %get3A_666 = arith.constant 16 : index
        %get3A_667 = tpu.vector_load %arg7[%get3A_665, %get3A_666] {strides = array<i32>} : memref<200x64xf32, #tpu.memory_space<vmem>>, vector<1x16xf32>,
        %get3A_668 = vector.shape_cast %get3A_667 : vector<1x16xf32> to vector<16xf32>
        %add3A_669 = arith.addf %add3A_662, %get3A_668 : vector<16xf32>
        %add3A_670 = arith.constant 34 : i32
        %add3A_671 = arith.addi %mul3A_83, %add3A_670 : i32
        %get3A_672 = arith.index_cast %add3A_671 : i32 to index
        %get3A_673 = arith.constant 16 : index
        %get3A_674 = tpu.vector_load %arg7[%get3A_672, %get3A_673] {strides = array<i32>} : memref<200x64xf32, #tpu.memory_space<vmem>>, vector<1x16xf32>,
        %get3A_675 = vector.shape_cast %get3A_674 : vector<1x16xf32> to vector<16xf32>
        %add3A_676 = arith.addf %add3A_669, %get3A_675 : vector<16xf32>
        %add3A_677 = arith.constant 35 : i32
        %add3A_678 = arith.addi %mul3A_83, %add3A_677 : i32
        %get3A_679 = arith.index_cast %add3A_678 : i32 to index
        %get3A_680 = arith.constant 16 : index
        %get3A_681 = tpu.vector_load %arg7[%get3A_679, %get3A_680] {strides = array<i32>} : memref<200x64xf32, #tpu.memory_space<vmem>>, vector<1x16xf32>,
        %get3A_682 = vector.shape_cast %get3A_681 : vector<1x16xf32> to vector<16xf32>
        %add3A_683 = arith.addf %add3A_676, %get3A_682 : vector<16xf32>
        %add3A_684 = arith.constant 36 : i32
        %add3A_685 = arith.addi %mul3A_83, %add3A_684 : i32
        %get3A_686 = arith.index_cast %add3A_685 : i32 to index
        %get3A_687 = arith.constant 16 : index
        %get3A_688 = tpu.vector_load %arg7[%get3A_686, %get3A_687] {strides = array<i32>} : memref<200x64xf32, #tpu.memory_space<vmem>>, vector<1x16xf32>,
        %get3A_689 = vector.shape_cast %get3A_688 : vector<1x16xf32> to vector<16xf32>
        %add3A_690 = arith.addf %add3A_683, %get3A_689 : vector<16xf32>
        %add3A_691 = arith.constant 37 : i32
        %add3A_692 = arith.addi %mul3A_83, %add3A_691 : i32
        %get3A_693 = arith.index_cast %add3A_692 : i32 to index
        %get3A_694 = arith.constant 16 : index
        %get3A_695 = tpu.vector_load %arg7[%get3A_693, %get3A_694] {strides = array<i32>} : memref<200x64xf32, #tpu.memory_space<vmem>>, vector<1x16xf32>,
        %get3A_696 = vector.shape_cast %get3A_695 : vector<1x16xf32> to vector<16xf32>
        %add3A_697 = arith.addf %add3A_690, %get3A_696 : vector<16xf32>
        %add3A_698 = arith.constant 38 : i32
        %add3A_699 = arith.addi %mul3A_83, %add3A_698 : i32
        %get3A_700 = arith.index_cast %add3A_699 : i32 to index
        %get3A_701 = arith.constant 16 : index
        %get3A_702 = tpu.vector_load %arg7[%get3A_700, %get3A_701] {strides = array<i32>} : memref<200x64xf32, #tpu.memory_space<vmem>>, vector<1x16xf32>,
        %get3A_703 = vector.shape_cast %get3A_702 : vector<1x16xf32> to vector<16xf32>
        %add3A_704 = arith.addf %add3A_697, %get3A_703 : vector<16xf32>
        %add3A_705 = arith.constant 39 : i32
        %add3A_706 = arith.addi %mul3A_83, %add3A_705 : i32
        %get3A_707 = arith.index_cast %add3A_706 : i32 to index
        %get3A_708 = arith.constant 16 : index
        %get3A_709 = tpu.vector_load %arg7[%get3A_707, %get3A_708] {strides = array<i32>} : memref<200x64xf32, #tpu.memory_space<vmem>>, vector<1x16xf32>,
        %get3A_710 = vector.shape_cast %get3A_709 : vector<1x16xf32> to vector<16xf32>
        %add3A_711 = arith.addf %add3A_704, %get3A_710 : vector<16xf32>
        %add3A_712 = arith.constant 40 : i32
        %add3A_713 = arith.addi %mul3A_83, %add3A_712 : i32
        %get3A_714 = arith.index_cast %add3A_713 : i32 to index
        %get3A_715 = arith.constant 16 : index
        %get3A_716 = tpu.vector_load %arg7[%get3A_714, %get3A_715] {strides = array<i32>} : memref<200x64xf32, #tpu.memory_space<vmem>>, vector<1x16xf32>,
        %get3A_717 = vector.shape_cast %get3A_716 : vector<1x16xf32> to vector<16xf32>
        %add3A_718 = arith.addf %add3A_711, %get3A_717 : vector<16xf32>
        %add3A_719 = arith.constant 41 : i32
        %add3A_720 = arith.addi %mul3A_83, %add3A_719 : i32
        %get3A_721 = arith.index_cast %add3A_720 : i32 to index
        %get3A_722 = arith.constant 16 : index
        %get3A_723 = tpu.vector_load %arg7[%get3A_721, %get3A_722] {strides = array<i32>} : memref<200x64xf32, #tpu.memory_space<vmem>>, vector<1x16xf32>,
        %get3A_724 = vector.shape_cast %get3A_723 : vector<1x16xf32> to vector<16xf32>
        %add3A_725 = arith.addf %add3A_718, %get3A_724 : vector<16xf32>
        %add3A_726 = arith.constant 42 : i32
        %add3A_727 = arith.addi %mul3A_83, %add3A_726 : i32
        %get3A_728 = arith.index_cast %add3A_727 : i32 to index
        %get3A_729 = arith.constant 16 : index
        %get3A_730 = tpu.vector_load %arg7[%get3A_728, %get3A_729] {strides = array<i32>} : memref<200x64xf32, #tpu.memory_space<vmem>>, vector<1x16xf32>,
        %get3A_731 = vector.shape_cast %get3A_730 : vector<1x16xf32> to vector<16xf32>
        %add3A_732 = arith.addf %add3A_725, %get3A_731 : vector<16xf32>
        %add3A_733 = arith.constant 43 : i32
        %add3A_734 = arith.addi %mul3A_83, %add3A_733 : i32
        %get3A_735 = arith.index_cast %add3A_734 : i32 to index
        %get3A_736 = arith.constant 16 : index
        %get3A_737 = tpu.vector_load %arg7[%get3A_735, %get3A_736] {strides = array<i32>} : memref<200x64xf32, #tpu.memory_space<vmem>>, vector<1x16xf32>,
        %get3A_738 = vector.shape_cast %get3A_737 : vector<1x16xf32> to vector<16xf32>
        %add3A_739 = arith.addf %add3A_732, %get3A_738 : vector<16xf32>
        %add3A_740 = arith.constant 44 : i32
        %add3A_741 = arith.addi %mul3A_83, %add3A_740 : i32
        %get3A_742 = arith.index_cast %add3A_741 : i32 to index
        %get3A_743 = arith.constant 16 : index
        %get3A_744 = tpu.vector_load %arg7[%get3A_742, %get3A_743] {strides = array<i32>} : memref<200x64xf32, #tpu.memory_space<vmem>>, vector<1x16xf32>,
        %get3A_745 = vector.shape_cast %get3A_744 : vector<1x16xf32> to vector<16xf32>
        %add3A_746 = arith.addf %add3A_739, %get3A_745 : vector<16xf32>
        %add3A_747 = arith.constant 45 : i32
        %add3A_748 = arith.addi %mul3A_83, %add3A_747 : i32
        %get3A_749 = arith.index_cast %add3A_748 : i32 to index
        %get3A_750 = arith.constant 16 : index
        %get3A_751 = tpu.vector_load %arg7[%get3A_749, %get3A_750] {strides = array<i32>} : memref<200x64xf32, #tpu.memory_space<vmem>>, vector<1x16xf32>,
        %get3A_752 = vector.shape_cast %get3A_751 : vector<1x16xf32> to vector<16xf32>
        %add3A_753 = arith.addf %add3A_746, %get3A_752 : vector<16xf32>
        %add3A_754 = arith.constant 46 : i32
        %add3A_755 = arith.addi %mul3A_83, %add3A_754 : i32
        %get3A_756 = arith.index_cast %add3A_755 : i32 to index
        %get3A_757 = arith.constant 16 : index
        %get3A_758 = tpu.vector_load %arg7[%get3A_756, %get3A_757] {strides = array<i32>} : memref<200x64xf32, #tpu.memory_space<vmem>>, vector<1x16xf32>,
        %get3A_759 = vector.shape_cast %get3A_758 : vector<1x16xf32> to vector<16xf32>
        %add3A_760 = arith.addf %add3A_753, %get3A_759 : vector<16xf32>
        %add3A_761 = arith.constant 47 : i32
        %add3A_762 = arith.addi %mul3A_83, %add3A_761 : i32
        %get3A_763 = arith.index_cast %add3A_762 : i32 to index
        %get3A_764 = arith.constant 16 : index
        %get3A_765 = tpu.vector_load %arg7[%get3A_763, %get3A_764] {strides = array<i32>} : memref<200x64xf32, #tpu.memory_space<vmem>>, vector<1x16xf32>,
        %get3A_766 = vector.shape_cast %get3A_765 : vector<1x16xf32> to vector<16xf32>
        %add3A_767 = arith.addf %add3A_760, %get3A_766 : vector<16xf32>
        %add3A_768 = arith.constant 48 : i32
        %add3A_769 = arith.addi %mul3A_83, %add3A_768 : i32
        %get3A_770 = arith.index_cast %add3A_769 : i32 to index
        %get3A_771 = arith.constant 16 : index
        %get3A_772 = tpu.vector_load %arg7[%get3A_770, %get3A_771] {strides = array<i32>} : memref<200x64xf32, #tpu.memory_space<vmem>>, vector<1x16xf32>,
        %get3A_773 = vector.shape_cast %get3A_772 : vector<1x16xf32> to vector<16xf32>
        %add3A_774 = arith.addf %add3A_767, %get3A_773 : vector<16xf32>
        %add3A_775 = arith.constant 49 : i32
        %add3A_776 = arith.addi %mul3A_83, %add3A_775 : i32
        %get3A_777 = arith.index_cast %add3A_776 : i32 to index
        %get3A_778 = arith.constant 16 : index
        %get3A_779 = tpu.vector_load %arg7[%get3A_777, %get3A_778] {strides = array<i32>} : memref<200x64xf32, #tpu.memory_space<vmem>>, vector<1x16xf32>,
        %get3A_780 = vector.shape_cast %get3A_779 : vector<1x16xf32> to vector<16xf32>
        %add3A_781 = arith.addf %add3A_774, %get3A_780 : vector<16xf32>
        %add3A_782 = arith.addi %mul3A_74, %scan3A_81 : i32
        %swap3A_783 = arith.index_cast %add3A_782 : i32 to index
        %swap3A_784 = arith.constant 16 : index
        %swap3A_785 = tpu.vector_load %arg8[%swap3A_783, %swap3A_784] {strides = array<i32>} : memref<512x64xf32, #tpu.memory_space<vmem>>, vector<1x16xf32>,
        %swap3A_786 = vector.shape_cast %swap3A_785 : vector<1x16xf32> to vector<16xf32>
        %swap3A_787 = vector.shape_cast %add3A_781 : vector<16xf32> to vector<1x16xf32>
        tpu.vector_store %arg8[%swap3A_783, %swap3A_784], %swap3A_787 {strides = array<i32>} : memref<512x64xf32, #tpu.memory_space<vmem>>, vector<1x16xf32>,
        %get3A_788 = arith.index_cast %mul3A_83 : i32 to index
        %get3A_789 = arith.constant 32 : index
        %get3A_790 = tpu.vector_load %arg7[%get3A_788, %get3A_789] {strides = array<i32>} : memref<200x64xf32, #tpu.memory_space<vmem>>, vector<1x16xf32>,
        %get3A_791 = vector.shape_cast %get3A_790 : vector<1x16xf32> to vector<16xf32>
        %add3A_792 = arith.constant 1 : i32
        %add3A_793 = arith.addi %mul3A_83, %add3A_792 : i32
        %get3A_794 = arith.index_cast %add3A_793 : i32 to index
        %get3A_795 = arith.constant 32 : index
        %get3A_796 = tpu.vector_load %arg7[%get3A_794, %get3A_795] {strides = array<i32>} : memref<200x64xf32, #tpu.memory_space<vmem>>, vector<1x16xf32>,
        %get3A_797 = vector.shape_cast %get3A_796 : vector<1x16xf32> to vector<16xf32>
        %add3A_798 = arith.addf %get3A_791, %get3A_797 : vector<16xf32>
        %add3A_799 = arith.constant 2 : i32
        %add3A_800 = arith.addi %mul3A_83, %add3A_799 : i32
        %get3A_801 = arith.index_cast %add3A_800 : i32 to index
        %get3A_802 = arith.constant 32 : index
        %get3A_803 = tpu.vector_load %arg7[%get3A_801, %get3A_802] {strides = array<i32>} : memref<200x64xf32, #tpu.memory_space<vmem>>, vector<1x16xf32>,
        %get3A_804 = vector.shape_cast %get3A_803 : vector<1x16xf32> to vector<16xf32>
        %add3A_805 = arith.addf %add3A_798, %get3A_804 : vector<16xf32>
        %add3A_806 = arith.constant 3 : i32
        %add3A_807 = arith.addi %mul3A_83, %add3A_806 : i32
        %get3A_808 = arith.index_cast %add3A_807 : i32 to index
        %get3A_809 = arith.constant 32 : index
        %get3A_810 = tpu.vector_load %arg7[%get3A_808, %get3A_809] {strides = array<i32>} : memref<200x64xf32, #tpu.memory_space<vmem>>, vector<1x16xf32>,
        %get3A_811 = vector.shape_cast %get3A_810 : vector<1x16xf32> to vector<16xf32>
        %add3A_812 = arith.addf %add3A_805, %get3A_811 : vector<16xf32>
        %add3A_813 = arith.constant 4 : i32
        %add3A_814 = arith.addi %mul3A_83, %add3A_813 : i32
        %get3A_815 = arith.index_cast %add3A_814 : i32 to index
        %get3A_816 = arith.constant 32 : index
        %get3A_817 = tpu.vector_load %arg7[%get3A_815, %get3A_816] {strides = array<i32>} : memref<200x64xf32, #tpu.memory_space<vmem>>, vector<1x16xf32>,
        %get3A_818 = vector.shape_cast %get3A_817 : vector<1x16xf32> to vector<16xf32>
        %add3A_819 = arith.addf %add3A_812, %get3A_818 : vector<16xf32>
        %add3A_820 = arith.constant 5 : i32
        %add3A_821 = arith.addi %mul3A_83, %add3A_820 : i32
        %get3A_822 = arith.index_cast %add3A_821 : i32 to index
        %get3A_823 = arith.constant 32 : index
        %get3A_824 = tpu.vector_load %arg7[%get3A_822, %get3A_823] {strides = array<i32>} : memref<200x64xf32, #tpu.memory_space<vmem>>, vector<1x16xf32>,
        %get3A_825 = vector.shape_cast %get3A_824 : vector<1x16xf32> to vector<16xf32>
        %add3A_826 = arith.addf %add3A_819, %get3A_825 : vector<16xf32>
        %add3A_827 = arith.constant 6 : i32
        %add3A_828 = arith.addi %mul3A_83, %add3A_827 : i32
        %get3A_829 = arith.index_cast %add3A_828 : i32 to index
        %get3A_830 = arith.constant 32 : index
        %get3A_831 = tpu.vector_load %arg7[%get3A_829, %get3A_830] {strides = array<i32>} : memref<200x64xf32, #tpu.memory_space<vmem>>, vector<1x16xf32>,
        %get3A_832 = vector.shape_cast %get3A_831 : vector<1x16xf32> to vector<16xf32>
        %add3A_833 = arith.addf %add3A_826, %get3A_832 : vector<16xf32>
        %add3A_834 = arith.constant 7 : i32
        %add3A_835 = arith.addi %mul3A_83, %add3A_834 : i32
        %get3A_836 = arith.index_cast %add3A_835 : i32 to index
        %get3A_837 = arith.constant 32 : index
        %get3A_838 = tpu.vector_load %arg7[%get3A_836, %get3A_837] {strides = array<i32>} : memref<200x64xf32, #tpu.memory_space<vmem>>, vector<1x16xf32>,
        %get3A_839 = vector.shape_cast %get3A_838 : vector<1x16xf32> to vector<16xf32>
        %add3A_840 = arith.addf %add3A_833, %get3A_839 : vector<16xf32>
        %add3A_841 = arith.constant 8 : i32
        %add3A_842 = arith.addi %mul3A_83, %add3A_841 : i32
        %get3A_843 = arith.index_cast %add3A_842 : i32 to index
        %get3A_844 = arith.constant 32 : index
        %get3A_845 = tpu.vector_load %arg7[%get3A_843, %get3A_844] {strides = array<i32>} : memref<200x64xf32, #tpu.memory_space<vmem>>, vector<1x16xf32>,
        %get3A_846 = vector.shape_cast %get3A_845 : vector<1x16xf32> to vector<16xf32>
        %add3A_847 = arith.addf %add3A_840, %get3A_846 : vector<16xf32>
        %add3A_848 = arith.constant 9 : i32
        %add3A_849 = arith.addi %mul3A_83, %add3A_848 : i32
        %get3A_850 = arith.index_cast %add3A_849 : i32 to index
        %get3A_851 = arith.constant 32 : index
        %get3A_852 = tpu.vector_load %arg7[%get3A_850, %get3A_851] {strides = array<i32>} : memref<200x64xf32, #tpu.memory_space<vmem>>, vector<1x16xf32>,
        %get3A_853 = vector.shape_cast %get3A_852 : vector<1x16xf32> to vector<16xf32>
        %add3A_854 = arith.addf %add3A_847, %get3A_853 : vector<16xf32>
        %add3A_855 = arith.constant 10 : i32
        %add3A_856 = arith.addi %mul3A_83, %add3A_855 : i32
        %get3A_857 = arith.index_cast %add3A_856 : i32 to index
        %get3A_858 = arith.constant 32 : index
        %get3A_859 = tpu.vector_load %arg7[%get3A_857, %get3A_858] {strides = array<i32>} : memref<200x64xf32, #tpu.memory_space<vmem>>, vector<1x16xf32>,
        %get3A_860 = vector.shape_cast %get3A_859 : vector<1x16xf32> to vector<16xf32>
        %add3A_861 = arith.addf %add3A_854, %get3A_860 : vector<16xf32>
        %add3A_862 = arith.constant 11 : i32
        %add3A_863 = arith.addi %mul3A_83, %add3A_862 : i32
        %get3A_864 = arith.index_cast %add3A_863 : i32 to index
        %get3A_865 = arith.constant 32 : index
        %get3A_866 = tpu.vector_load %arg7[%get3A_864, %get3A_865] {strides = array<i32>} : memref<200x64xf32, #tpu.memory_space<vmem>>, vector<1x16xf32>,
        %get3A_867 = vector.shape_cast %get3A_866 : vector<1x16xf32> to vector<16xf32>
        %add3A_868 = arith.addf %add3A_861, %get3A_867 : vector<16xf32>
        %add3A_869 = arith.constant 12 : i32
        %add3A_870 = arith.addi %mul3A_83, %add3A_869 : i32
        %get3A_871 = arith.index_cast %add3A_870 : i32 to index
        %get3A_872 = arith.constant 32 : index
        %get3A_873 = tpu.vector_load %arg7[%get3A_871, %get3A_872] {strides = array<i32>} : memref<200x64xf32, #tpu.memory_space<vmem>>, vector<1x16xf32>,
        %get3A_874 = vector.shape_cast %get3A_873 : vector<1x16xf32> to vector<16xf32>
        %add3A_875 = arith.addf %add3A_868, %get3A_874 : vector<16xf32>
        %add3A_876 = arith.constant 13 : i32
        %add3A_877 = arith.addi %mul3A_83, %add3A_876 : i32
        %get3A_878 = arith.index_cast %add3A_877 : i32 to index
        %get3A_879 = arith.constant 32 : index
        %get3A_880 = tpu.vector_load %arg7[%get3A_878, %get3A_879] {strides = array<i32>} : memref<200x64xf32, #tpu.memory_space<vmem>>, vector<1x16xf32>,
        %get3A_881 = vector.shape_cast %get3A_880 : vector<1x16xf32> to vector<16xf32>
        %add3A_882 = arith.addf %add3A_875, %get3A_881 : vector<16xf32>
        %add3A_883 = arith.constant 14 : i32
        %add3A_884 = arith.addi %mul3A_83, %add3A_883 : i32
        %get3A_885 = arith.index_cast %add3A_884 : i32 to index
        %get3A_886 = arith.constant 32 : index
        %get3A_887 = tpu.vector_load %arg7[%get3A_885, %get3A_886] {strides = array<i32>} : memref<200x64xf32, #tpu.memory_space<vmem>>, vector<1x16xf32>,
        %get3A_888 = vector.shape_cast %get3A_887 : vector<1x16xf32> to vector<16xf32>
        %add3A_889 = arith.addf %add3A_882, %get3A_888 : vector<16xf32>
        %add3A_890 = arith.constant 15 : i32
        %add3A_891 = arith.addi %mul3A_83, %add3A_890 : i32
        %get3A_892 = arith.index_cast %add3A_891 : i32 to index
        %get3A_893 = arith.constant 32 : index
        %get3A_894 = tpu.vector_load %arg7[%get3A_892, %get3A_893] {strides = array<i32>} : memref<200x64xf32, #tpu.memory_space<vmem>>, vector<1x16xf32>,
        %get3A_895 = vector.shape_cast %get3A_894 : vector<1x16xf32> to vector<16xf32>
        %add3A_896 = arith.addf %add3A_889, %get3A_895 : vector<16xf32>
        %add3A_897 = arith.constant 16 : i32
        %add3A_898 = arith.addi %mul3A_83, %add3A_897 : i32
        %get3A_899 = arith.index_cast %add3A_898 : i32 to index
        %get3A_900 = arith.constant 32 : index
        %get3A_901 = tpu.vector_load %arg7[%get3A_899, %get3A_900] {strides = array<i32>} : memref<200x64xf32, #tpu.memory_space<vmem>>, vector<1x16xf32>,
        %get3A_902 = vector.shape_cast %get3A_901 : vector<1x16xf32> to vector<16xf32>
        %add3A_903 = arith.addf %add3A_896, %get3A_902 : vector<16xf32>
        %add3A_904 = arith.constant 17 : i32
        %add3A_905 = arith.addi %mul3A_83, %add3A_904 : i32
        %get3A_906 = arith.index_cast %add3A_905 : i32 to index
        %get3A_907 = arith.constant 32 : index
        %get3A_908 = tpu.vector_load %arg7[%get3A_906, %get3A_907] {strides = array<i32>} : memref<200x64xf32, #tpu.memory_space<vmem>>, vector<1x16xf32>,
        %get3A_909 = vector.shape_cast %get3A_908 : vector<1x16xf32> to vector<16xf32>
        %add3A_910 = arith.addf %add3A_903, %get3A_909 : vector<16xf32>
        %add3A_911 = arith.constant 18 : i32
        %add3A_912 = arith.addi %mul3A_83, %add3A_911 : i32
        %get3A_913 = arith.index_cast %add3A_912 : i32 to index
        %get3A_914 = arith.constant 32 : index
        %get3A_915 = tpu.vector_load %arg7[%get3A_913, %get3A_914] {strides = array<i32>} : memref<200x64xf32, #tpu.memory_space<vmem>>, vector<1x16xf32>,
        %get3A_916 = vector.shape_cast %get3A_915 : vector<1x16xf32> to vector<16xf32>
        %add3A_917 = arith.addf %add3A_910, %get3A_916 : vector<16xf32>
        %add3A_918 = arith.constant 19 : i32
        %add3A_919 = arith.addi %mul3A_83, %add3A_918 : i32
        %get3A_920 = arith.index_cast %add3A_919 : i32 to index
        %get3A_921 = arith.constant 32 : index
        %get3A_922 = tpu.vector_load %arg7[%get3A_920, %get3A_921] {strides = array<i32>} : memref<200x64xf32, #tpu.memory_space<vmem>>, vector<1x16xf32>,
        %get3A_923 = vector.shape_cast %get3A_922 : vector<1x16xf32> to vector<16xf32>
        %add3A_924 = arith.addf %add3A_917, %get3A_923 : vector<16xf32>
        %add3A_925 = arith.constant 20 : i32
        %add3A_926 = arith.addi %mul3A_83, %add3A_925 : i32
        %get3A_927 = arith.index_cast %add3A_926 : i32 to index
        %get3A_928 = arith.constant 32 : index
        %get3A_929 = tpu.vector_load %arg7[%get3A_927, %get3A_928] {strides = array<i32>} : memref<200x64xf32, #tpu.memory_space<vmem>>, vector<1x16xf32>,
        %get3A_930 = vector.shape_cast %get3A_929 : vector<1x16xf32> to vector<16xf32>
        %add3A_931 = arith.addf %add3A_924, %get3A_930 : vector<16xf32>
        %add3A_932 = arith.constant 21 : i32
        %add3A_933 = arith.addi %mul3A_83, %add3A_932 : i32
        %get3A_934 = arith.index_cast %add3A_933 : i32 to index
        %get3A_935 = arith.constant 32 : index
        %get3A_936 = tpu.vector_load %arg7[%get3A_934, %get3A_935] {strides = array<i32>} : memref<200x64xf32, #tpu.memory_space<vmem>>, vector<1x16xf32>,
        %get3A_937 = vector.shape_cast %get3A_936 : vector<1x16xf32> to vector<16xf32>
        %add3A_938 = arith.addf %add3A_931, %get3A_937 : vector<16xf32>
        %add3A_939 = arith.constant 22 : i32
        %add3A_940 = arith.addi %mul3A_83, %add3A_939 : i32
        %get3A_941 = arith.index_cast %add3A_940 : i32 to index
        %get3A_942 = arith.constant 32 : index
        %get3A_943 = tpu.vector_load %arg7[%get3A_941, %get3A_942] {strides = array<i32>} : memref<200x64xf32, #tpu.memory_space<vmem>>, vector<1x16xf32>,
        %get3A_944 = vector.shape_cast %get3A_943 : vector<1x16xf32> to vector<16xf32>
        %add3A_945 = arith.addf %add3A_938, %get3A_944 : vector<16xf32>
        %add3A_946 = arith.constant 23 : i32
        %add3A_947 = arith.addi %mul3A_83, %add3A_946 : i32
        %get3A_948 = arith.index_cast %add3A_947 : i32 to index
        %get3A_949 = arith.constant 32 : index
        %get3A_950 = tpu.vector_load %arg7[%get3A_948, %get3A_949] {strides = array<i32>} : memref<200x64xf32, #tpu.memory_space<vmem>>, vector<1x16xf32>,
        %get3A_951 = vector.shape_cast %get3A_950 : vector<1x16xf32> to vector<16xf32>
        %add3A_952 = arith.addf %add3A_945, %get3A_951 : vector<16xf32>
        %add3A_953 = arith.constant 24 : i32
        %add3A_954 = arith.addi %mul3A_83, %add3A_953 : i32
        %get3A_955 = arith.index_cast %add3A_954 : i32 to index
        %get3A_956 = arith.constant 32 : index
        %get3A_957 = tpu.vector_load %arg7[%get3A_955, %get3A_956] {strides = array<i32>} : memref<200x64xf32, #tpu.memory_space<vmem>>, vector<1x16xf32>,
        %get3A_958 = vector.shape_cast %get3A_957 : vector<1x16xf32> to vector<16xf32>
        %add3A_959 = arith.addf %add3A_952, %get3A_958 : vector<16xf32>
        %add3A_960 = arith.constant 25 : i32
        %add3A_961 = arith.addi %mul3A_83, %add3A_960 : i32
        %get3A_962 = arith.index_cast %add3A_961 : i32 to index
        %get3A_963 = arith.constant 32 : index
        %get3A_964 = tpu.vector_load %arg7[%get3A_962, %get3A_963] {strides = array<i32>} : memref<200x64xf32, #tpu.memory_space<vmem>>, vector<1x16xf32>,
        %get3A_965 = vector.shape_cast %get3A_964 : vector<1x16xf32> to vector<16xf32>
        %add3A_966 = arith.addf %add3A_959, %get3A_965 : vector<16xf32>
        %add3A_967 = arith.constant 26 : i32
        %add3A_968 = arith.addi %mul3A_83, %add3A_967 : i32
        %get3A_969 = arith.index_cast %add3A_968 : i32 to index
        %get3A_970 = arith.constant 32 : index
        %get3A_971 = tpu.vector_load %arg7[%get3A_969, %get3A_970] {strides = array<i32>} : memref<200x64xf32, #tpu.memory_space<vmem>>, vector<1x16xf32>,
        %get3A_972 = vector.shape_cast %get3A_971 : vector<1x16xf32> to vector<16xf32>
        %add3A_973 = arith.addf %add3A_966, %get3A_972 : vector<16xf32>
        %add3A_974 = arith.constant 27 : i32
        %add3A_975 = arith.addi %mul3A_83, %add3A_974 : i32
        %get3A_976 = arith.index_cast %add3A_975 : i32 to index
        %get3A_977 = arith.constant 32 : index
        %get3A_978 = tpu.vector_load %arg7[%get3A_976, %get3A_977] {strides = array<i32>} : memref<200x64xf32, #tpu.memory_space<vmem>>, vector<1x16xf32>,
        %get3A_979 = vector.shape_cast %get3A_978 : vector<1x16xf32> to vector<16xf32>
        %add3A_980 = arith.addf %add3A_973, %get3A_979 : vector<16xf32>
        %add3A_981 = arith.constant 28 : i32
        %add3A_982 = arith.addi %mul3A_83, %add3A_981 : i32
        %get3A_983 = arith.index_cast %add3A_982 : i32 to index
        %get3A_984 = arith.constant 32 : index
        %get3A_985 = tpu.vector_load %arg7[%get3A_983, %get3A_984] {strides = array<i32>} : memref<200x64xf32, #tpu.memory_space<vmem>>, vector<1x16xf32>,
        %get3A_986 = vector.shape_cast %get3A_985 : vector<1x16xf32> to vector<16xf32>
        %add3A_987 = arith.addf %add3A_980, %get3A_986 : vector<16xf32>
        %add3A_988 = arith.constant 29 : i32
        %add3A_989 = arith.addi %mul3A_83, %add3A_988 : i32
        %get3A_990 = arith.index_cast %add3A_989 : i32 to index
        %get3A_991 = arith.constant 32 : index
        %get3A_992 = tpu.vector_load %arg7[%get3A_990, %get3A_991] {strides = array<i32>} : memref<200x64xf32, #tpu.memory_space<vmem>>, vector<1x16xf32>,
        %get3A_993 = vector.shape_cast %get3A_992 : vector<1x16xf32> to vector<16xf32>
        %add3A_994 = arith.addf %add3A_987, %get3A_993 : vector<16xf32>
        %add3A_995 = arith.constant 30 : i32
        %add3A_996 = arith.addi %mul3A_83, %add3A_995 : i32
        %get3A_997 = arith.index_cast %add3A_996 : i32 to index
        %get3A_998 = arith.constant 32 : index
        %get3A_999 = tpu.vector_load %arg7[%get3A_997, %get3A_998] {strides = array<i32>} : memref<200x64xf32, #tpu.memory_space<vmem>>, vector<1x16xf32>,
        %get3A_1000 = vector.shape_cast %get3A_999 : vector<1x16xf32> to vector<16xf32>
        %add3A_1001 = arith.addf %add3A_994, %get3A_1000 : vector<16xf32>
        %add3A_1002 = arith.constant 31 : i32
        %add3A_1003 = arith.addi %mul3A_83, %add3A_1002 : i32
        %get3A_1004 = arith.index_cast %add3A_1003 : i32 to index
        %get3A_1005 = arith.constant 32 : index
        %get3A_1006 = tpu.vector_load %arg7[%get3A_1004, %get3A_1005] {strides = array<i32>} : memref<200x64xf32, #tpu.memory_space<vmem>>, vector<1x16xf32>,
        %get3A_1007 = vector.shape_cast %get3A_1006 : vector<1x16xf32> to vector<16xf32>
        %add3A_1008 = arith.addf %add3A_1001, %get3A_1007 : vector<16xf32>
        %add3A_1009 = arith.constant 32 : i32
        %add3A_1010 = arith.addi %mul3A_83, %add3A_1009 : i32
        %get3A_1011 = arith.index_cast %add3A_1010 : i32 to index
        %get3A_1012 = arith.constant 32 : index
        %get3A_1013 = tpu.vector_load %arg7[%get3A_1011, %get3A_1012] {strides = array<i32>} : memref<200x64xf32, #tpu.memory_space<vmem>>, vector<1x16xf32>,
        %get3A_1014 = vector.shape_cast %get3A_1013 : vector<1x16xf32> to vector<16xf32>
        %add3A_1015 = arith.addf %add3A_1008, %get3A_1014 : vector<16xf32>
        %add3A_1016 = arith.constant 33 : i32
        %add3A_1017 = arith.addi %mul3A_83, %add3A_1016 : i32
        %get3A_1018 = arith.index_cast %add3A_1017 : i32 to index
        %get3A_1019 = arith.constant 32 : index
        %get3A_1020 = tpu.vector_load %arg7[%get3A_1018, %get3A_1019] {strides = array<i32>} : memref<200x64xf32, #tpu.memory_space<vmem>>, vector<1x16xf32>,
        %get3A_1021 = vector.shape_cast %get3A_1020 : vector<1x16xf32> to vector<16xf32>
        %add3A_1022 = arith.addf %add3A_1015, %get3A_1021 : vector<16xf32>
        %add3A_1023 = arith.constant 34 : i32
        %add3A_1024 = arith.addi %mul3A_83, %add3A_1023 : i32
        %get3A_1025 = arith.index_cast %add3A_1024 : i32 to index
        %get3A_1026 = arith.constant 32 : index
        %get3A_1027 = tpu.vector_load %arg7[%get3A_1025, %get3A_1026] {strides = array<i32>} : memref<200x64xf32, #tpu.memory_space<vmem>>, vector<1x16xf32>,
        %get3A_1028 = vector.shape_cast %get3A_1027 : vector<1x16xf32> to vector<16xf32>
        %add3A_1029 = arith.addf %add3A_1022, %get3A_1028 : vector<16xf32>
        %add3A_1030 = arith.constant 35 : i32
        %add3A_1031 = arith.addi %mul3A_83, %add3A_1030 : i32
        %get3A_1032 = arith.index_cast %add3A_1031 : i32 to index
        %get3A_1033 = arith.constant 32 : index
        %get3A_1034 = tpu.vector_load %arg7[%get3A_1032, %get3A_1033] {strides = array<i32>} : memref<200x64xf32, #tpu.memory_space<vmem>>, vector<1x16xf32>,
        %get3A_1035 = vector.shape_cast %get3A_1034 : vector<1x16xf32> to vector<16xf32>
        %add3A_1036 = arith.addf %add3A_1029, %get3A_1035 : vector<16xf32>
        %add3A_1037 = arith.constant 36 : i32
        %add3A_1038 = arith.addi %mul3A_83, %add3A_1037 : i32
        %get3A_1039 = arith.index_cast %add3A_1038 : i32 to index
        %get3A_1040 = arith.constant 32 : index
        %get3A_1041 = tpu.vector_load %arg7[%get3A_1039, %get3A_1040] {strides = array<i32>} : memref<200x64xf32, #tpu.memory_space<vmem>>, vector<1x16xf32>,
        %get3A_1042 = vector.shape_cast %get3A_1041 : vector<1x16xf32> to vector<16xf32>
        %add3A_1043 = arith.addf %add3A_1036, %get3A_1042 : vector<16xf32>
        %add3A_1044 = arith.constant 37 : i32
        %add3A_1045 = arith.addi %mul3A_83, %add3A_1044 : i32
        %get3A_1046 = arith.index_cast %add3A_1045 : i32 to index
        %get3A_1047 = arith.constant 32 : index
        %get3A_1048 = tpu.vector_load %arg7[%get3A_1046, %get3A_1047] {strides = array<i32>} : memref<200x64xf32, #tpu.memory_space<vmem>>, vector<1x16xf32>,
        %get3A_1049 = vector.shape_cast %get3A_1048 : vector<1x16xf32> to vector<16xf32>
        %add3A_1050 = arith.addf %add3A_1043, %get3A_1049 : vector<16xf32>
        %add3A_1051 = arith.constant 38 : i32
        %add3A_1052 = arith.addi %mul3A_83, %add3A_1051 : i32
        %get3A_1053 = arith.index_cast %add3A_1052 : i32 to index
        %get3A_1054 = arith.constant 32 : index
        %get3A_1055 = tpu.vector_load %arg7[%get3A_1053, %get3A_1054] {strides = array<i32>} : memref<200x64xf32, #tpu.memory_space<vmem>>, vector<1x16xf32>,
        %get3A_1056 = vector.shape_cast %get3A_1055 : vector<1x16xf32> to vector<16xf32>
        %add3A_1057 = arith.addf %add3A_1050, %get3A_1056 : vector<16xf32>
        %add3A_1058 = arith.constant 39 : i32
        %add3A_1059 = arith.addi %mul3A_83, %add3A_1058 : i32
        %get3A_1060 = arith.index_cast %add3A_1059 : i32 to index
        %get3A_1061 = arith.constant 32 : index
        %get3A_1062 = tpu.vector_load %arg7[%get3A_1060, %get3A_1061] {strides = array<i32>} : memref<200x64xf32, #tpu.memory_space<vmem>>, vector<1x16xf32>,
        %get3A_1063 = vector.shape_cast %get3A_1062 : vector<1x16xf32> to vector<16xf32>
        %add3A_1064 = arith.addf %add3A_1057, %get3A_1063 : vector<16xf32>
        %add3A_1065 = arith.constant 40 : i32
        %add3A_1066 = arith.addi %mul3A_83, %add3A_1065 : i32
        %get3A_1067 = arith.index_cast %add3A_1066 : i32 to index
        %get3A_1068 = arith.constant 32 : index
        %get3A_1069 = tpu.vector_load %arg7[%get3A_1067, %get3A_1068] {strides = array<i32>} : memref<200x64xf32, #tpu.memory_space<vmem>>, vector<1x16xf32>,
        %get3A_1070 = vector.shape_cast %get3A_1069 : vector<1x16xf32> to vector<16xf32>
        %add3A_1071 = arith.addf %add3A_1064, %get3A_1070 : vector<16xf32>
        %add3A_1072 = arith.constant 41 : i32
        %add3A_1073 = arith.addi %mul3A_83, %add3A_1072 : i32
        %get3A_1074 = arith.index_cast %add3A_1073 : i32 to index
        %get3A_1075 = arith.constant 32 : index
        %get3A_1076 = tpu.vector_load %arg7[%get3A_1074, %get3A_1075] {strides = array<i32>} : memref<200x64xf32, #tpu.memory_space<vmem>>, vector<1x16xf32>,
        %get3A_1077 = vector.shape_cast %get3A_1076 : vector<1x16xf32> to vector<16xf32>
        %add3A_1078 = arith.addf %add3A_1071, %get3A_1077 : vector<16xf32>
        %add3A_1079 = arith.constant 42 : i32
        %add3A_1080 = arith.addi %mul3A_83, %add3A_1079 : i32
        %get3A_1081 = arith.index_cast %add3A_1080 : i32 to index
        %get3A_1082 = arith.constant 32 : index
        %get3A_1083 = tpu.vector_load %arg7[%get3A_1081, %get3A_1082] {strides = array<i32>} : memref<200x64xf32, #tpu.memory_space<vmem>>, vector<1x16xf32>,
        %get3A_1084 = vector.shape_cast %get3A_1083 : vector<1x16xf32> to vector<16xf32>
        %add3A_1085 = arith.addf %add3A_1078, %get3A_1084 : vector<16xf32>
        %add3A_1086 = arith.constant 43 : i32
        %add3A_1087 = arith.addi %mul3A_83, %add3A_1086 : i32
        %get3A_1088 = arith.index_cast %add3A_1087 : i32 to index
        %get3A_1089 = arith.constant 32 : index
        %get3A_1090 = tpu.vector_load %arg7[%get3A_1088, %get3A_1089] {strides = array<i32>} : memref<200x64xf32, #tpu.memory_space<vmem>>, vector<1x16xf32>,
        %get3A_1091 = vector.shape_cast %get3A_1090 : vector<1x16xf32> to vector<16xf32>
        %add3A_1092 = arith.addf %add3A_1085, %get3A_1091 : vector<16xf32>
        %add3A_1093 = arith.constant 44 : i32
        %add3A_1094 = arith.addi %mul3A_83, %add3A_1093 : i32
        %get3A_1095 = arith.index_cast %add3A_1094 : i32 to index
        %get3A_1096 = arith.constant 32 : index
        %get3A_1097 = tpu.vector_load %arg7[%get3A_1095, %get3A_1096] {strides = array<i32>} : memref<200x64xf32, #tpu.memory_space<vmem>>, vector<1x16xf32>,
        %get3A_1098 = vector.shape_cast %get3A_1097 : vector<1x16xf32> to vector<16xf32>
        %add3A_1099 = arith.addf %add3A_1092, %get3A_1098 : vector<16xf32>
        %add3A_1100 = arith.constant 45 : i32
        %add3A_1101 = arith.addi %mul3A_83, %add3A_1100 : i32
        %get3A_1102 = arith.index_cast %add3A_1101 : i32 to index
        %get3A_1103 = arith.constant 32 : index
        %get3A_1104 = tpu.vector_load %arg7[%get3A_1102, %get3A_1103] {strides = array<i32>} : memref<200x64xf32, #tpu.memory_space<vmem>>, vector<1x16xf32>,
        %get3A_1105 = vector.shape_cast %get3A_1104 : vector<1x16xf32> to vector<16xf32>
        %add3A_1106 = arith.addf %add3A_1099, %get3A_1105 : vector<16xf32>
        %add3A_1107 = arith.constant 46 : i32
        %add3A_1108 = arith.addi %mul3A_83, %add3A_1107 : i32
        %get3A_1109 = arith.index_cast %add3A_1108 : i32 to index
        %get3A_1110 = arith.constant 32 : index
        %get3A_1111 = tpu.vector_load %arg7[%get3A_1109, %get3A_1110] {strides = array<i32>} : memref<200x64xf32, #tpu.memory_space<vmem>>, vector<1x16xf32>,
        %get3A_1112 = vector.shape_cast %get3A_1111 : vector<1x16xf32> to vector<16xf32>
        %add3A_1113 = arith.addf %add3A_1106, %get3A_1112 : vector<16xf32>
        %add3A_1114 = arith.constant 47 : i32
        %add3A_1115 = arith.addi %mul3A_83, %add3A_1114 : i32
        %get3A_1116 = arith.index_cast %add3A_1115 : i32 to index
        %get3A_1117 = arith.constant 32 : index
        %get3A_1118 = tpu.vector_load %arg7[%get3A_1116, %get3A_1117] {strides = array<i32>} : memref<200x64xf32, #tpu.memory_space<vmem>>, vector<1x16xf32>,
        %get3A_1119 = vector.shape_cast %get3A_1118 : vector<1x16xf32> to vector<16xf32>
        %add3A_1120 = arith.addf %add3A_1113, %get3A_1119 : vector<16xf32>
        %add3A_1121 = arith.constant 48 : i32
        %add3A_1122 = arith.addi %mul3A_83, %add3A_1121 : i32
        %get3A_1123 = arith.index_cast %add3A_1122 : i32 to index
        %get3A_1124 = arith.constant 32 : index
        %get3A_1125 = tpu.vector_load %arg7[%get3A_1123, %get3A_1124] {strides = array<i32>} : memref<200x64xf32, #tpu.memory_space<vmem>>, vector<1x16xf32>,
        %get3A_1126 = vector.shape_cast %get3A_1125 : vector<1x16xf32> to vector<16xf32>
        %add3A_1127 = arith.addf %add3A_1120, %get3A_1126 : vector<16xf32>
        %add3A_1128 = arith.constant 49 : i32
        %add3A_1129 = arith.addi %mul3A_83, %add3A_1128 : i32
        %get3A_1130 = arith.index_cast %add3A_1129 : i32 to index
        %get3A_1131 = arith.constant 32 : index
        %get3A_1132 = tpu.vector_load %arg7[%get3A_1130, %get3A_1131] {strides = array<i32>} : memref<200x64xf32, #tpu.memory_space<vmem>>, vector<1x16xf32>,
        %get3A_1133 = vector.shape_cast %get3A_1132 : vector<1x16xf32> to vector<16xf32>
        %add3A_1134 = arith.addf %add3A_1127, %get3A_1133 : vector<16xf32>
        %add3A_1135 = arith.addi %mul3A_74, %scan3A_81 : i32
        %swap3A_1136 = arith.index_cast %add3A_1135 : i32 to index
        %swap3A_1137 = arith.constant 32 : index
        %swap3A_1138 = tpu.vector_load %arg8[%swap3A_1136, %swap3A_1137] {strides = array<i32>} : memref<512x64xf32, #tpu.memory_space<vmem>>, vector<1x16xf32>,
        %swap3A_1139 = vector.shape_cast %swap3A_1138 : vector<1x16xf32> to vector<16xf32>
        %swap3A_1140 = vector.shape_cast %add3A_1134 : vector<16xf32> to vector<1x16xf32>
        tpu.vector_store %arg8[%swap3A_1136, %swap3A_1137], %swap3A_1140 {strides = array<i32>} : memref<512x64xf32, #tpu.memory_space<vmem>>, vector<1x16xf32>,
        %get3A_1141 = arith.index_cast %mul3A_83 : i32 to index
        %get3A_1142 = arith.constant 48 : index
        %get3A_1143 = tpu.vector_load %arg7[%get3A_1141, %get3A_1142] {strides = array<i32>} : memref<200x64xf32, #tpu.memory_space<vmem>>, vector<1x16xf32>,
        %get3A_1144 = vector.shape_cast %get3A_1143 : vector<1x16xf32> to vector<16xf32>
        %add3A_1145 = arith.constant 1 : i32
        %add3A_1146 = arith.addi %mul3A_83, %add3A_1145 : i32
        %get3A_1147 = arith.index_cast %add3A_1146 : i32 to index
        %get3A_1148 = arith.constant 48 : index
        %get3A_1149 = tpu.vector_load %arg7[%get3A_1147, %get3A_1148] {strides = array<i32>} : memref<200x64xf32, #tpu.memory_space<vmem>>, vector<1x16xf32>,
        %get3A_1150 = vector.shape_cast %get3A_1149 : vector<1x16xf32> to vector<16xf32>
        %add3A_1151 = arith.addf %get3A_1144, %get3A_1150 : vector<16xf32>
        %add3A_1152 = arith.constant 2 : i32
        %add3A_1153 = arith.addi %mul3A_83, %add3A_1152 : i32
        %get3A_1154 = arith.index_cast %add3A_1153 : i32 to index
        %get3A_1155 = arith.constant 48 : index
        %get3A_1156 = tpu.vector_load %arg7[%get3A_1154, %get3A_1155] {strides = array<i32>} : memref<200x64xf32, #tpu.memory_space<vmem>>, vector<1x16xf32>,
        %get3A_1157 = vector.shape_cast %get3A_1156 : vector<1x16xf32> to vector<16xf32>
        %add3A_1158 = arith.addf %add3A_1151, %get3A_1157 : vector<16xf32>
        %add3A_1159 = arith.constant 3 : i32
        %add3A_1160 = arith.addi %mul3A_83, %add3A_1159 : i32
        %get3A_1161 = arith.index_cast %add3A_1160 : i32 to index
        %get3A_1162 = arith.constant 48 : index
        %get3A_1163 = tpu.vector_load %arg7[%get3A_1161, %get3A_1162] {strides = array<i32>} : memref<200x64xf32, #tpu.memory_space<vmem>>, vector<1x16xf32>,
        %get3A_1164 = vector.shape_cast %get3A_1163 : vector<1x16xf32> to vector<16xf32>
        %add3A_1165 = arith.addf %add3A_1158, %get3A_1164 : vector<16xf32>
        %add3A_1166 = arith.constant 4 : i32
        %add3A_1167 = arith.addi %mul3A_83, %add3A_1166 : i32
        %get3A_1168 = arith.index_cast %add3A_1167 : i32 to index
        %get3A_1169 = arith.constant 48 : index
        %get3A_1170 = tpu.vector_load %arg7[%get3A_1168, %get3A_1169] {strides = array<i32>} : memref<200x64xf32, #tpu.memory_space<vmem>>, vector<1x16xf32>,
        %get3A_1171 = vector.shape_cast %get3A_1170 : vector<1x16xf32> to vector<16xf32>
        %add3A_1172 = arith.addf %add3A_1165, %get3A_1171 : vector<16xf32>
        %add3A_1173 = arith.constant 5 : i32
        %add3A_1174 = arith.addi %mul3A_83, %add3A_1173 : i32
        %get3A_1175 = arith.index_cast %add3A_1174 : i32 to index
        %get3A_1176 = arith.constant 48 : index
        %get3A_1177 = tpu.vector_load %arg7[%get3A_1175, %get3A_1176] {strides = array<i32>} : memref<200x64xf32, #tpu.memory_space<vmem>>, vector<1x16xf32>,
        %get3A_1178 = vector.shape_cast %get3A_1177 : vector<1x16xf32> to vector<16xf32>
        %add3A_1179 = arith.addf %add3A_1172, %get3A_1178 : vector<16xf32>
        %add3A_1180 = arith.constant 6 : i32
        %add3A_1181 = arith.addi %mul3A_83, %add3A_1180 : i32
        %get3A_1182 = arith.index_cast %add3A_1181 : i32 to index
        %get3A_1183 = arith.constant 48 : index
        %get3A_1184 = tpu.vector_load %arg7[%get3A_1182, %get3A_1183] {strides = array<i32>} : memref<200x64xf32, #tpu.memory_space<vmem>>, vector<1x16xf32>,
        %get3A_1185 = vector.shape_cast %get3A_1184 : vector<1x16xf32> to vector<16xf32>
        %add3A_1186 = arith.addf %add3A_1179, %get3A_1185 : vector<16xf32>
        %add3A_1187 = arith.constant 7 : i32
        %add3A_1188 = arith.addi %mul3A_83, %add3A_1187 : i32
        %get3A_1189 = arith.index_cast %add3A_1188 : i32 to index
        %get3A_1190 = arith.constant 48 : index
        %get3A_1191 = tpu.vector_load %arg7[%get3A_1189, %get3A_1190] {strides = array<i32>} : memref<200x64xf32, #tpu.memory_space<vmem>>, vector<1x16xf32>,
        %get3A_1192 = vector.shape_cast %get3A_1191 : vector<1x16xf32> to vector<16xf32>
        %add3A_1193 = arith.addf %add3A_1186, %get3A_1192 : vector<16xf32>
        %add3A_1194 = arith.constant 8 : i32
        %add3A_1195 = arith.addi %mul3A_83, %add3A_1194 : i32
        %get3A_1196 = arith.index_cast %add3A_1195 : i32 to index
        %get3A_1197 = arith.constant 48 : index
        %get3A_1198 = tpu.vector_load %arg7[%get3A_1196, %get3A_1197] {strides = array<i32>} : memref<200x64xf32, #tpu.memory_space<vmem>>, vector<1x16xf32>,
        %get3A_1199 = vector.shape_cast %get3A_1198 : vector<1x16xf32> to vector<16xf32>
        %add3A_1200 = arith.addf %add3A_1193, %get3A_1199 : vector<16xf32>
        %add3A_1201 = arith.constant 9 : i32
        %add3A_1202 = arith.addi %mul3A_83, %add3A_1201 : i32
        %get3A_1203 = arith.index_cast %add3A_1202 : i32 to index
        %get3A_1204 = arith.constant 48 : index
        %get3A_1205 = tpu.vector_load %arg7[%get3A_1203, %get3A_1204] {strides = array<i32>} : memref<200x64xf32, #tpu.memory_space<vmem>>, vector<1x16xf32>,
        %get3A_1206 = vector.shape_cast %get3A_1205 : vector<1x16xf32> to vector<16xf32>
        %add3A_1207 = arith.addf %add3A_1200, %get3A_1206 : vector<16xf32>
        %add3A_1208 = arith.constant 10 : i32
        %add3A_1209 = arith.addi %mul3A_83, %add3A_1208 : i32
        %get3A_1210 = arith.index_cast %add3A_1209 : i32 to index
        %get3A_1211 = arith.constant 48 : index
        %get3A_1212 = tpu.vector_load %arg7[%get3A_1210, %get3A_1211] {strides = array<i32>} : memref<200x64xf32, #tpu.memory_space<vmem>>, vector<1x16xf32>,
        %get3A_1213 = vector.shape_cast %get3A_1212 : vector<1x16xf32> to vector<16xf32>
        %add3A_1214 = arith.addf %add3A_1207, %get3A_1213 : vector<16xf32>
        %add3A_1215 = arith.constant 11 : i32
        %add3A_1216 = arith.addi %mul3A_83, %add3A_1215 : i32
        %get3A_1217 = arith.index_cast %add3A_1216 : i32 to index
        %get3A_1218 = arith.constant 48 : index
        %get3A_1219 = tpu.vector_load %arg7[%get3A_1217, %get3A_1218] {strides = array<i32>} : memref<200x64xf32, #tpu.memory_space<vmem>>, vector<1x16xf32>,
        %get3A_1220 = vector.shape_cast %get3A_1219 : vector<1x16xf32> to vector<16xf32>
        %add3A_1221 = arith.addf %add3A_1214, %get3A_1220 : vector<16xf32>
        %add3A_1222 = arith.constant 12 : i32
        %add3A_1223 = arith.addi %mul3A_83, %add3A_1222 : i32
        %get3A_1224 = arith.index_cast %add3A_1223 : i32 to index
        %get3A_1225 = arith.constant 48 : index
        %get3A_1226 = tpu.vector_load %arg7[%get3A_1224, %get3A_1225] {strides = array<i32>} : memref<200x64xf32, #tpu.memory_space<vmem>>, vector<1x16xf32>,
        %get3A_1227 = vector.shape_cast %get3A_1226 : vector<1x16xf32> to vector<16xf32>
        %add3A_1228 = arith.addf %add3A_1221, %get3A_1227 : vector<16xf32>
        %add3A_1229 = arith.constant 13 : i32
        %add3A_1230 = arith.addi %mul3A_83, %add3A_1229 : i32
        %get3A_1231 = arith.index_cast %add3A_1230 : i32 to index
        %get3A_1232 = arith.constant 48 : index
        %get3A_1233 = tpu.vector_load %arg7[%get3A_1231, %get3A_1232] {strides = array<i32>} : memref<200x64xf32, #tpu.memory_space<vmem>>, vector<1x16xf32>,
        %get3A_1234 = vector.shape_cast %get3A_1233 : vector<1x16xf32> to vector<16xf32>
        %add3A_1235 = arith.addf %add3A_1228, %get3A_1234 : vector<16xf32>
        %add3A_1236 = arith.constant 14 : i32
        %add3A_1237 = arith.addi %mul3A_83, %add3A_1236 : i32
        %get3A_1238 = arith.index_cast %add3A_1237 : i32 to index
        %get3A_1239 = arith.constant 48 : index
        %get3A_1240 = tpu.vector_load %arg7[%get3A_1238, %get3A_1239] {strides = array<i32>} : memref<200x64xf32, #tpu.memory_space<vmem>>, vector<1x16xf32>,
        %get3A_1241 = vector.shape_cast %get3A_1240 : vector<1x16xf32> to vector<16xf32>
        %add3A_1242 = arith.addf %add3A_1235, %get3A_1241 : vector<16xf32>
        %add3A_1243 = arith.constant 15 : i32
        %add3A_1244 = arith.addi %mul3A_83, %add3A_1243 : i32
        %get3A_1245 = arith.index_cast %add3A_1244 : i32 to index
        %get3A_1246 = arith.constant 48 : index
        %get3A_1247 = tpu.vector_load %arg7[%get3A_1245, %get3A_1246] {strides = array<i32>} : memref<200x64xf32, #tpu.memory_space<vmem>>, vector<1x16xf32>,
        %get3A_1248 = vector.shape_cast %get3A_1247 : vector<1x16xf32> to vector<16xf32>
        %add3A_1249 = arith.addf %add3A_1242, %get3A_1248 : vector<16xf32>
        %add3A_1250 = arith.constant 16 : i32
        %add3A_1251 = arith.addi %mul3A_83, %add3A_1250 : i32
        %get3A_1252 = arith.index_cast %add3A_1251 : i32 to index
        %get3A_1253 = arith.constant 48 : index
        %get3A_1254 = tpu.vector_load %arg7[%get3A_1252, %get3A_1253] {strides = array<i32>} : memref<200x64xf32, #tpu.memory_space<vmem>>, vector<1x16xf32>,
        %get3A_1255 = vector.shape_cast %get3A_1254 : vector<1x16xf32> to vector<16xf32>
        %add3A_1256 = arith.addf %add3A_1249, %get3A_1255 : vector<16xf32>
        %add3A_1257 = arith.constant 17 : i32
        %add3A_1258 = arith.addi %mul3A_83, %add3A_1257 : i32
        %get3A_1259 = arith.index_cast %add3A_1258 : i32 to index
        %get3A_1260 = arith.constant 48 : index
        %get3A_1261 = tpu.vector_load %arg7[%get3A_1259, %get3A_1260] {strides = array<i32>} : memref<200x64xf32, #tpu.memory_space<vmem>>, vector<1x16xf32>,
        %get3A_1262 = vector.shape_cast %get3A_1261 : vector<1x16xf32> to vector<16xf32>
        %add3A_1263 = arith.addf %add3A_1256, %get3A_1262 : vector<16xf32>
        %add3A_1264 = arith.constant 18 : i32
        %add3A_1265 = arith.addi %mul3A_83, %add3A_1264 : i32
        %get3A_1266 = arith.index_cast %add3A_1265 : i32 to index
        %get3A_1267 = arith.constant 48 : index
        %get3A_1268 = tpu.vector_load %arg7[%get3A_1266, %get3A_1267] {strides = array<i32>} : memref<200x64xf32, #tpu.memory_space<vmem>>, vector<1x16xf32>,
        %get3A_1269 = vector.shape_cast %get3A_1268 : vector<1x16xf32> to vector<16xf32>
        %add3A_1270 = arith.addf %add3A_1263, %get3A_1269 : vector<16xf32>
        %add3A_1271 = arith.constant 19 : i32
        %add3A_1272 = arith.addi %mul3A_83, %add3A_1271 : i32
        %get3A_1273 = arith.index_cast %add3A_1272 : i32 to index
        %get3A_1274 = arith.constant 48 : index
        %get3A_1275 = tpu.vector_load %arg7[%get3A_1273, %get3A_1274] {strides = array<i32>} : memref<200x64xf32, #tpu.memory_space<vmem>>, vector<1x16xf32>,
        %get3A_1276 = vector.shape_cast %get3A_1275 : vector<1x16xf32> to vector<16xf32>
        %add3A_1277 = arith.addf %add3A_1270, %get3A_1276 : vector<16xf32>
        %add3A_1278 = arith.constant 20 : i32
        %add3A_1279 = arith.addi %mul3A_83, %add3A_1278 : i32
        %get3A_1280 = arith.index_cast %add3A_1279 : i32 to index
        %get3A_1281 = arith.constant 48 : index
        %get3A_1282 = tpu.vector_load %arg7[%get3A_1280, %get3A_1281] {strides = array<i32>} : memref<200x64xf32, #tpu.memory_space<vmem>>, vector<1x16xf32>,
        %get3A_1283 = vector.shape_cast %get3A_1282 : vector<1x16xf32> to vector<16xf32>
        %add3A_1284 = arith.addf %add3A_1277, %get3A_1283 : vector<16xf32>
        %add3A_1285 = arith.constant 21 : i32
        %add3A_1286 = arith.addi %mul3A_83, %add3A_1285 : i32
        %get3A_1287 = arith.index_cast %add3A_1286 : i32 to index
        %get3A_1288 = arith.constant 48 : index
        %get3A_1289 = tpu.vector_load %arg7[%get3A_1287, %get3A_1288] {strides = array<i32>} : memref<200x64xf32, #tpu.memory_space<vmem>>, vector<1x16xf32>,
        %get3A_1290 = vector.shape_cast %get3A_1289 : vector<1x16xf32> to vector<16xf32>
        %add3A_1291 = arith.addf %add3A_1284, %get3A_1290 : vector<16xf32>
        %add3A_1292 = arith.constant 22 : i32
        %add3A_1293 = arith.addi %mul3A_83, %add3A_1292 : i32
        %get3A_1294 = arith.index_cast %add3A_1293 : i32 to index
        %get3A_1295 = arith.constant 48 : index
        %get3A_1296 = tpu.vector_load %arg7[%get3A_1294, %get3A_1295] {strides = array<i32>} : memref<200x64xf32, #tpu.memory_space<vmem>>, vector<1x16xf32>,
        %get3A_1297 = vector.shape_cast %get3A_1296 : vector<1x16xf32> to vector<16xf32>
        %add3A_1298 = arith.addf %add3A_1291, %get3A_1297 : vector<16xf32>
        %add3A_1299 = arith.constant 23 : i32
        %add3A_1300 = arith.addi %mul3A_83, %add3A_1299 : i32
        %get3A_1301 = arith.index_cast %add3A_1300 : i32 to index
        %get3A_1302 = arith.constant 48 : index
        %get3A_1303 = tpu.vector_load %arg7[%get3A_1301, %get3A_1302] {strides = array<i32>} : memref<200x64xf32, #tpu.memory_space<vmem>>, vector<1x16xf32>,
        %get3A_1304 = vector.shape_cast %get3A_1303 : vector<1x16xf32> to vector<16xf32>
        %add3A_1305 = arith.addf %add3A_1298, %get3A_1304 : vector<16xf32>
        %add3A_1306 = arith.constant 24 : i32
        %add3A_1307 = arith.addi %mul3A_83, %add3A_1306 : i32
        %get3A_1308 = arith.index_cast %add3A_1307 : i32 to index
        %get3A_1309 = arith.constant 48 : index
        %get3A_1310 = tpu.vector_load %arg7[%get3A_1308, %get3A_1309] {strides = array<i32>} : memref<200x64xf32, #tpu.memory_space<vmem>>, vector<1x16xf32>,
        %get3A_1311 = vector.shape_cast %get3A_1310 : vector<1x16xf32> to vector<16xf32>
        %add3A_1312 = arith.addf %add3A_1305, %get3A_1311 : vector<16xf32>
        %add3A_1313 = arith.constant 25 : i32
        %add3A_1314 = arith.addi %mul3A_83, %add3A_1313 : i32
        %get3A_1315 = arith.index_cast %add3A_1314 : i32 to index
        %get3A_1316 = arith.constant 48 : index
        %get3A_1317 = tpu.vector_load %arg7[%get3A_1315, %get3A_1316] {strides = array<i32>} : memref<200x64xf32, #tpu.memory_space<vmem>>, vector<1x16xf32>,
        %get3A_1318 = vector.shape_cast %get3A_1317 : vector<1x16xf32> to vector<16xf32>
        %add3A_1319 = arith.addf %add3A_1312, %get3A_1318 : vector<16xf32>
        %add3A_1320 = arith.constant 26 : i32
        %add3A_1321 = arith.addi %mul3A_83, %add3A_1320 : i32
        %get3A_1322 = arith.index_cast %add3A_1321 : i32 to index
        %get3A_1323 = arith.constant 48 : index
        %get3A_1324 = tpu.vector_load %arg7[%get3A_1322, %get3A_1323] {strides = array<i32>} : memref<200x64xf32, #tpu.memory_space<vmem>>, vector<1x16xf32>,
        %get3A_1325 = vector.shape_cast %get3A_1324 : vector<1x16xf32> to vector<16xf32>
        %add3A_1326 = arith.addf %add3A_1319, %get3A_1325 : vector<16xf32>
        %add3A_1327 = arith.constant 27 : i32
        %add3A_1328 = arith.addi %mul3A_83, %add3A_1327 : i32
        %get3A_1329 = arith.index_cast %add3A_1328 : i32 to index
        %get3A_1330 = arith.constant 48 : index
        %get3A_1331 = tpu.vector_load %arg7[%get3A_1329, %get3A_1330] {strides = array<i32>} : memref<200x64xf32, #tpu.memory_space<vmem>>, vector<1x16xf32>,
        %get3A_1332 = vector.shape_cast %get3A_1331 : vector<1x16xf32> to vector<16xf32>
        %add3A_1333 = arith.addf %add3A_1326, %get3A_1332 : vector<16xf32>
        %add3A_1334 = arith.constant 28 : i32
        %add3A_1335 = arith.addi %mul3A_83, %add3A_1334 : i32
        %get3A_1336 = arith.index_cast %add3A_1335 : i32 to index
        %get3A_1337 = arith.constant 48 : index
        %get3A_1338 = tpu.vector_load %arg7[%get3A_1336, %get3A_1337] {strides = array<i32>} : memref<200x64xf32, #tpu.memory_space<vmem>>, vector<1x16xf32>,
        %get3A_1339 = vector.shape_cast %get3A_1338 : vector<1x16xf32> to vector<16xf32>
        %add3A_1340 = arith.addf %add3A_1333, %get3A_1339 : vector<16xf32>
        %add3A_1341 = arith.constant 29 : i32
        %add3A_1342 = arith.addi %mul3A_83, %add3A_1341 : i32
        %get3A_1343 = arith.index_cast %add3A_1342 : i32 to index
        %get3A_1344 = arith.constant 48 : index
        %get3A_1345 = tpu.vector_load %arg7[%get3A_1343, %get3A_1344] {strides = array<i32>} : memref<200x64xf32, #tpu.memory_space<vmem>>, vector<1x16xf32>,
        %get3A_1346 = vector.shape_cast %get3A_1345 : vector<1x16xf32> to vector<16xf32>
        %add3A_1347 = arith.addf %add3A_1340, %get3A_1346 : vector<16xf32>
        %add3A_1348 = arith.constant 30 : i32
        %add3A_1349 = arith.addi %mul3A_83, %add3A_1348 : i32
        %get3A_1350 = arith.index_cast %add3A_1349 : i32 to index
        %get3A_1351 = arith.constant 48 : index
        %get3A_1352 = tpu.vector_load %arg7[%get3A_1350, %get3A_1351] {strides = array<i32>} : memref<200x64xf32, #tpu.memory_space<vmem>>, vector<1x16xf32>,
        %get3A_1353 = vector.shape_cast %get3A_1352 : vector<1x16xf32> to vector<16xf32>
        %add3A_1354 = arith.addf %add3A_1347, %get3A_1353 : vector<16xf32>
        %add3A_1355 = arith.constant 31 : i32
        %add3A_1356 = arith.addi %mul3A_83, %add3A_1355 : i32
        %get3A_1357 = arith.index_cast %add3A_1356 : i32 to index
        %get3A_1358 = arith.constant 48 : index
        %get3A_1359 = tpu.vector_load %arg7[%get3A_1357, %get3A_1358] {strides = array<i32>} : memref<200x64xf32, #tpu.memory_space<vmem>>, vector<1x16xf32>,
        %get3A_1360 = vector.shape_cast %get3A_1359 : vector<1x16xf32> to vector<16xf32>
        %add3A_1361 = arith.addf %add3A_1354, %get3A_1360 : vector<16xf32>
        %add3A_1362 = arith.constant 32 : i32
        %add3A_1363 = arith.addi %mul3A_83, %add3A_1362 : i32
        %get3A_1364 = arith.index_cast %add3A_1363 : i32 to index
        %get3A_1365 = arith.constant 48 : index
        %get3A_1366 = tpu.vector_load %arg7[%get3A_1364, %get3A_1365] {strides = array<i32>} : memref<200x64xf32, #tpu.memory_space<vmem>>, vector<1x16xf32>,
        %get3A_1367 = vector.shape_cast %get3A_1366 : vector<1x16xf32> to vector<16xf32>
        %add3A_1368 = arith.addf %add3A_1361, %get3A_1367 : vector<16xf32>
        %add3A_1369 = arith.constant 33 : i32
        %add3A_1370 = arith.addi %mul3A_83, %add3A_1369 : i32
        %get3A_1371 = arith.index_cast %add3A_1370 : i32 to index
        %get3A_1372 = arith.constant 48 : index
        %get3A_1373 = tpu.vector_load %arg7[%get3A_1371, %get3A_1372] {strides = array<i32>} : memref<200x64xf32, #tpu.memory_space<vmem>>, vector<1x16xf32>,
        %get3A_1374 = vector.shape_cast %get3A_1373 : vector<1x16xf32> to vector<16xf32>
        %add3A_1375 = arith.addf %add3A_1368, %get3A_1374 : vector<16xf32>
        %add3A_1376 = arith.constant 34 : i32
        %add3A_1377 = arith.addi %mul3A_83, %add3A_1376 : i32
        %get3A_1378 = arith.index_cast %add3A_1377 : i32 to index
        %get3A_1379 = arith.constant 48 : index
        %get3A_1380 = tpu.vector_load %arg7[%get3A_1378, %get3A_1379] {strides = array<i32>} : memref<200x64xf32, #tpu.memory_space<vmem>>, vector<1x16xf32>,
        %get3A_1381 = vector.shape_cast %get3A_1380 : vector<1x16xf32> to vector<16xf32>
        %add3A_1382 = arith.addf %add3A_1375, %get3A_1381 : vector<16xf32>
        %add3A_1383 = arith.constant 35 : i32
        %add3A_1384 = arith.addi %mul3A_83, %add3A_1383 : i32
        %get3A_1385 = arith.index_cast %add3A_1384 : i32 to index
        %get3A_1386 = arith.constant 48 : index
        %get3A_1387 = tpu.vector_load %arg7[%get3A_1385, %get3A_1386] {strides = array<i32>} : memref<200x64xf32, #tpu.memory_space<vmem>>, vector<1x16xf32>,
        %get3A_1388 = vector.shape_cast %get3A_1387 : vector<1x16xf32> to vector<16xf32>
        %add3A_1389 = arith.addf %add3A_1382, %get3A_1388 : vector<16xf32>
        %add3A_1390 = arith.constant 36 : i32
        %add3A_1391 = arith.addi %mul3A_83, %add3A_1390 : i32
        %get3A_1392 = arith.index_cast %add3A_1391 : i32 to index
        %get3A_1393 = arith.constant 48 : index
        %get3A_1394 = tpu.vector_load %arg7[%get3A_1392, %get3A_1393] {strides = array<i32>} : memref<200x64xf32, #tpu.memory_space<vmem>>, vector<1x16xf32>,
        %get3A_1395 = vector.shape_cast %get3A_1394 : vector<1x16xf32> to vector<16xf32>
        %add3A_1396 = arith.addf %add3A_1389, %get3A_1395 : vector<16xf32>
        %add3A_1397 = arith.constant 37 : i32
        %add3A_1398 = arith.addi %mul3A_83, %add3A_1397 : i32
        %get3A_1399 = arith.index_cast %add3A_1398 : i32 to index
        %get3A_1400 = arith.constant 48 : index
        %get3A_1401 = tpu.vector_load %arg7[%get3A_1399, %get3A_1400] {strides = array<i32>} : memref<200x64xf32, #tpu.memory_space<vmem>>, vector<1x16xf32>,
        %get3A_1402 = vector.shape_cast %get3A_1401 : vector<1x16xf32> to vector<16xf32>
        %add3A_1403 = arith.addf %add3A_1396, %get3A_1402 : vector<16xf32>
        %add3A_1404 = arith.constant 38 : i32
        %add3A_1405 = arith.addi %mul3A_83, %add3A_1404 : i32
        %get3A_1406 = arith.index_cast %add3A_1405 : i32 to index
        %get3A_1407 = arith.constant 48 : index
        %get3A_1408 = tpu.vector_load %arg7[%get3A_1406, %get3A_1407] {strides = array<i32>} : memref<200x64xf32, #tpu.memory_space<vmem>>, vector<1x16xf32>,
        %get3A_1409 = vector.shape_cast %get3A_1408 : vector<1x16xf32> to vector<16xf32>
        %add3A_1410 = arith.addf %add3A_1403, %get3A_1409 : vector<16xf32>
        %add3A_1411 = arith.constant 39 : i32
        %add3A_1412 = arith.addi %mul3A_83, %add3A_1411 : i32
        %get3A_1413 = arith.index_cast %add3A_1412 : i32 to index
        %get3A_1414 = arith.constant 48 : index
        %get3A_1415 = tpu.vector_load %arg7[%get3A_1413, %get3A_1414] {strides = array<i32>} : memref<200x64xf32, #tpu.memory_space<vmem>>, vector<1x16xf32>,
        %get3A_1416 = vector.shape_cast %get3A_1415 : vector<1x16xf32> to vector<16xf32>
        %add3A_1417 = arith.addf %add3A_1410, %get3A_1416 : vector<16xf32>
        %add3A_1418 = arith.constant 40 : i32
        %add3A_1419 = arith.addi %mul3A_83, %add3A_1418 : i32
        %get3A_1420 = arith.index_cast %add3A_1419 : i32 to index
        %get3A_1421 = arith.constant 48 : index
        %get3A_1422 = tpu.vector_load %arg7[%get3A_1420, %get3A_1421] {strides = array<i32>} : memref<200x64xf32, #tpu.memory_space<vmem>>, vector<1x16xf32>,
        %get3A_1423 = vector.shape_cast %get3A_1422 : vector<1x16xf32> to vector<16xf32>
        %add3A_1424 = arith.addf %add3A_1417, %get3A_1423 : vector<16xf32>
        %add3A_1425 = arith.constant 41 : i32
        %add3A_1426 = arith.addi %mul3A_83, %add3A_1425 : i32
        %get3A_1427 = arith.index_cast %add3A_1426 : i32 to index
        %get3A_1428 = arith.constant 48 : index
        %get3A_1429 = tpu.vector_load %arg7[%get3A_1427, %get3A_1428] {strides = array<i32>} : memref<200x64xf32, #tpu.memory_space<vmem>>, vector<1x16xf32>,
        %get3A_1430 = vector.shape_cast %get3A_1429 : vector<1x16xf32> to vector<16xf32>
        %add3A_1431 = arith.addf %add3A_1424, %get3A_1430 : vector<16xf32>
        %add3A_1432 = arith.constant 42 : i32
        %add3A_1433 = arith.addi %mul3A_83, %add3A_1432 : i32
        %get3A_1434 = arith.index_cast %add3A_1433 : i32 to index
        %get3A_1435 = arith.constant 48 : index
        %get3A_1436 = tpu.vector_load %arg7[%get3A_1434, %get3A_1435] {strides = array<i32>} : memref<200x64xf32, #tpu.memory_space<vmem>>, vector<1x16xf32>,
        %get3A_1437 = vector.shape_cast %get3A_1436 : vector<1x16xf32> to vector<16xf32>
        %add3A_1438 = arith.addf %add3A_1431, %get3A_1437 : vector<16xf32>
        %add3A_1439 = arith.constant 43 : i32
        %add3A_1440 = arith.addi %mul3A_83, %add3A_1439 : i32
        %get3A_1441 = arith.index_cast %add3A_1440 : i32 to index
        %get3A_1442 = arith.constant 48 : index
        %get3A_1443 = tpu.vector_load %arg7[%get3A_1441, %get3A_1442] {strides = array<i32>} : memref<200x64xf32, #tpu.memory_space<vmem>>, vector<1x16xf32>,
        %get3A_1444 = vector.shape_cast %get3A_1443 : vector<1x16xf32> to vector<16xf32>
        %add3A_1445 = arith.addf %add3A_1438, %get3A_1444 : vector<16xf32>
        %add3A_1446 = arith.constant 44 : i32
        %add3A_1447 = arith.addi %mul3A_83, %add3A_1446 : i32
        %get3A_1448 = arith.index_cast %add3A_1447 : i32 to index
        %get3A_1449 = arith.constant 48 : index
        %get3A_1450 = tpu.vector_load %arg7[%get3A_1448, %get3A_1449] {strides = array<i32>} : memref<200x64xf32, #tpu.memory_space<vmem>>, vector<1x16xf32>,
        %get3A_1451 = vector.shape_cast %get3A_1450 : vector<1x16xf32> to vector<16xf32>
        %add3A_1452 = arith.addf %add3A_1445, %get3A_1451 : vector<16xf32>
        %add3A_1453 = arith.constant 45 : i32
        %add3A_1454 = arith.addi %mul3A_83, %add3A_1453 : i32
        %get3A_1455 = arith.index_cast %add3A_1454 : i32 to index
        %get3A_1456 = arith.constant 48 : index
        %get3A_1457 = tpu.vector_load %arg7[%get3A_1455, %get3A_1456] {strides = array<i32>} : memref<200x64xf32, #tpu.memory_space<vmem>>, vector<1x16xf32>,
        %get3A_1458 = vector.shape_cast %get3A_1457 : vector<1x16xf32> to vector<16xf32>
        %add3A_1459 = arith.addf %add3A_1452, %get3A_1458 : vector<16xf32>
        %add3A_1460 = arith.constant 46 : i32
        %add3A_1461 = arith.addi %mul3A_83, %add3A_1460 : i32
        %get3A_1462 = arith.index_cast %add3A_1461 : i32 to index
        %get3A_1463 = arith.constant 48 : index
        %get3A_1464 = tpu.vector_load %arg7[%get3A_1462, %get3A_1463] {strides = array<i32>} : memref<200x64xf32, #tpu.memory_space<vmem>>, vector<1x16xf32>,
        %get3A_1465 = vector.shape_cast %get3A_1464 : vector<1x16xf32> to vector<16xf32>
        %add3A_1466 = arith.addf %add3A_1459, %get3A_1465 : vector<16xf32>
        %add3A_1467 = arith.constant 47 : i32
        %add3A_1468 = arith.addi %mul3A_83, %add3A_1467 : i32
        %get3A_1469 = arith.index_cast %add3A_1468 : i32 to index
        %get3A_1470 = arith.constant 48 : index
        %get3A_1471 = tpu.vector_load %arg7[%get3A_1469, %get3A_1470] {strides = array<i32>} : memref<200x64xf32, #tpu.memory_space<vmem>>, vector<1x16xf32>,
        %get3A_1472 = vector.shape_cast %get3A_1471 : vector<1x16xf32> to vector<16xf32>
        %add3A_1473 = arith.addf %add3A_1466, %get3A_1472 : vector<16xf32>
        %add3A_1474 = arith.constant 48 : i32
        %add3A_1475 = arith.addi %mul3A_83, %add3A_1474 : i32
        %get3A_1476 = arith.index_cast %add3A_1475 : i32 to index
        %get3A_1477 = arith.constant 48 : index
        %get3A_1478 = tpu.vector_load %arg7[%get3A_1476, %get3A_1477] {strides = array<i32>} : memref<200x64xf32, #tpu.memory_space<vmem>>, vector<1x16xf32>,
        %get3A_1479 = vector.shape_cast %get3A_1478 : vector<1x16xf32> to vector<16xf32>
        %add3A_1480 = arith.addf %add3A_1473, %get3A_1479 : vector<16xf32>
        %add3A_1481 = arith.constant 49 : i32
        %add3A_1482 = arith.addi %mul3A_83, %add3A_1481 : i32
        %get3A_1483 = arith.index_cast %add3A_1482 : i32 to index
        %get3A_1484 = arith.constant 48 : index
        %get3A_1485 = tpu.vector_load %arg7[%get3A_1483, %get3A_1484] {strides = array<i32>} : memref<200x64xf32, #tpu.memory_space<vmem>>, vector<1x16xf32>,
        %get3A_1486 = vector.shape_cast %get3A_1485 : vector<1x16xf32> to vector<16xf32>
        %add3A_1487 = arith.addf %add3A_1480, %get3A_1486 : vector<16xf32>
        %add3A_1488 = arith.addi %mul3A_74, %scan3A_81 : i32
        %swap3A_1489 = arith.index_cast %add3A_1488 : i32 to index
        %swap3A_1490 = arith.constant 48 : index
        %swap3A_1491 = tpu.vector_load %arg8[%swap3A_1489, %swap3A_1490] {strides = array<i32>} : memref<512x64xf32, #tpu.memory_space<vmem>>, vector<1x16xf32>,
        %swap3A_1492 = vector.shape_cast %swap3A_1491 : vector<1x16xf32> to vector<16xf32>
        %swap3A_1493 = vector.shape_cast %add3A_1487 : vector<16xf32> to vector<1x16xf32>
        tpu.vector_store %arg8[%swap3A_1489, %swap3A_1490], %swap3A_1493 {strides = array<i32>} : memref<512x64xf32, #tpu.memory_space<vmem>>, vector<1x16xf32>,
      }
      %scan3A_80 = arith.constant 4 : i32
    }
    %scan3A_22 = arith.constant 64 : i32
    %mul3A_23 = arith.constant 512 : i32
    %mul3A_24 = arith.muli %add3A, %mul3A_23 : i32
    "tpu.region"() ({
      %run_scoped3A = tpu.sem_alloc : memref<!tpu.dma_semaphore, #tpu.memory_space<semaphore_mem>>
      %dma_start3A_25 = arith.constant 0 : i32
      %dma_start3A_26 = tpu.memref_slice %arg4[%mul3A_24, %dma_start3A_25] : memref<16384x64xf32, #tpu.memory_space<hbm>> -> memref<512x64xf32, #tpu.memory_space<hbm>>
      %dma_start3A_27 = arith.constant 0 : i32
      %dma_start3A_28 = tpu.memref_slice %arg4[%mul3A_24, %dma_start3A_27] : memref<16384x64xf32, #tpu.memory_space<hbm>> -> memref<512x64xf32, #tpu.memory_space<hbm>>
      tpu.enqueue_dma source(%arg8 : memref<512x64xf32, #tpu.memory_space<vmem>>) target(%dma_start3A_28 : memref<512x64xf32, #tpu.memory_space<hbm>>) target_semaphore(%run_scoped3A : memref<!tpu.dma_semaphore, #tpu.memory_space<semaphore_mem>>)
      %dma_wait3A = arith.constant 0 : i32
      %dma_wait3A_29 = tpu.memref_slice %arg4[%mul3A_24, %dma_wait3A] : memref<16384x64xf32, #tpu.memory_space<hbm>> -> memref<512x64xf32, #tpu.memory_space<hbm>>
      %dma_wait3A_30 = arith.constant 0 : i32
      %dma_wait3A_31 = tpu.memref_slice %arg4[%mul3A_24, %dma_wait3A_30] : memref<16384x64xf32, #tpu.memory_space<hbm>> -> memref<512x64xf32, #tpu.memory_space<hbm>>
      tpu.wait_dma2 semaphore(%run_scoped3A : memref<!tpu.dma_semaphore, #tpu.memory_space<semaphore_mem>>) src(%arg8 : memref<512x64xf32, #tpu.memory_space<vmem>>) dst(%dma_wait3A_31 : memref<512x64xf32, #tpu.memory_space<hbm>>)
      tpu.yield
    }) : () -> ()
    return
  }
}

module attributes {stable_mosaic.version = 14 : i64} {
  func.func @body(%arg0: i32, %arg1: memref<1024x64xf32, #tpu.memory_space<vmem>>, %arg2: memref<64x64xf32, #tpu.memory_space<vmem>>, %arg3: memref<1x64xf32, #tpu.memory_space<vmem>>, %arg4: memref<1024x64xf32, #tpu.memory_space<vmem>>) attributes {dimension_semantics = [#tpu.dimension_semantics<arbitrary>], iteration_bounds = array<i64: 16>, scalar_prefetch = 0 : i64, scratch_operands = 0 : i64, tpu.core_type = #tpu.core_type<tc>, window_params = [{transform_indices = @transform_0, window_bounds = array<i64: 1024, 64>}, {pipeline_mode = #tpu.pipeline_mode<synchronous>, transform_indices = @transform_1, window_bounds = array<i64: 64, 64>}, {pipeline_mode = #tpu.pipeline_mode<synchronous>, transform_indices = @transform_2, window_bounds = array<i64: 1, 64>}, {transform_indices = @transform_3, window_bounds = array<i64: 1024, 64>}]} {
    %get3A = arith.constant 0 : index
    %get3A_0 = arith.constant 0 : index
    %get3A_1 = vector.load %arg1[%get3A, %get3A_0] : memref<1024x64xf32, #tpu.memory_space<vmem>>, vector<1024x64xf32>
    %get3A_2 = arith.constant 0 : index
    %get3A_3 = arith.constant 0 : index
    %get3A_4 = vector.load %arg2[%get3A_2, %get3A_3] : memref<64x64xf32, #tpu.memory_space<vmem>>, vector<64x64xf32>
    %dot_general3A = arith.constant dense<0.000000e+00> : vector<1024x64xf32>
    %dot_general3A_5 = tpu.matmul %get3A_1, %get3A_4, %dot_general3A {dimension_numbers = #tpu.dot_dimension_numbers<[1], [0], [0], [1], [0, 0, 1, 1], [], []>, transpose_lhs_hint = false} : vector<1024x64xf32>, vector<64x64xf32>, vector<1024x64xf32> -> vector<1024x64xf32>
    %get3A_6 = arith.constant 0 : index
    %get3A_7 = arith.constant 0 : index
    %get3A_8 = vector.load %arg3[%get3A_6, %get3A_7] : memref<1x64xf32, #tpu.memory_space<vmem>>, vector<1x64xf32>
    %add3A = vector.broadcast %get3A_8 : vector<1x64xf32> to vector<1024x64xf32>
    %add3A_9 = arith.addf %dot_general3A_5, %add3A : vector<1024x64xf32>
    %reduce_max3A = arith.constant dense<0xFF800000> : vector<1024xf32>
    %reduce_max3A_10 = vector.multi_reduction <maximumf>, %add3A_9, %reduce_max3A [1] : vector<1024x64xf32> to vector<1024xf32>
    %broadcast_in_dim3A = vector.shape_cast %reduce_max3A_10 : vector<1024xf32> to vector<1024x1xf32>
    %sub3A = vector.broadcast %broadcast_in_dim3A : vector<1024x1xf32> to vector<1024x64xf32>
    %sub3A_11 = arith.subf %add3A_9, %sub3A : vector<1024x64xf32>
    %exp3A = math.exp %sub3A_11 : vector<1024x64xf32>
    %reduce_sum3A = arith.constant dense<0.000000e+00> : vector<1024xf32>
    %reduce_sum3A_12 = vector.multi_reduction <add>, %exp3A, %reduce_sum3A [1] : vector<1024x64xf32> to vector<1024xf32>
    %broadcast_in_dim3A_13 = vector.shape_cast %reduce_sum3A_12 : vector<1024xf32> to vector<1024x1xf32>
    %div3A = vector.broadcast %broadcast_in_dim3A_13 : vector<1024x1xf32> to vector<1024x64xf32>
    %div3A_14 = arith.divf %exp3A, %div3A : vector<1024x64xf32>
    %swap3A = arith.constant 0 : index
    %swap3A_15 = arith.constant 0 : index
    %swap3A_16 = vector.load %arg4[%swap3A, %swap3A_15] : memref<1024x64xf32, #tpu.memory_space<vmem>>, vector<1024x64xf32>
    tpu.vector_store %arg4[%swap3A, %swap3A_15], %div3A_14 {strides = array<i32>} : memref<1024x64xf32, #tpu.memory_space<vmem>>, vector<1024x64xf32>,
    return
  }
  func.func @transform_0(%arg0: i32) -> (i32, i32) {
    %c0_i32 = arith.constant 0 : i32
    %c0_i32_0 = arith.constant 0 : i32
    return %arg0, %c0_i32 : i32, i32
  }
  func.func @transform_1(%arg0: i32) -> (i32, i32) {
    %c0_i32 = arith.constant 0 : i32
    %c0_i32_0 = arith.constant 0 : i32
    %c0_i32_1 = arith.constant 0 : i32
    return %c0_i32, %c0_i32_0 : i32, i32
  }
  func.func @transform_2(%arg0: i32) -> (i32, i32) {
    %c0_i32 = arith.constant 0 : i32
    %c0_i32_0 = arith.constant 0 : i32
    %c0_i32_1 = arith.constant 0 : i32
    return %c0_i32, %c0_i32_0 : i32, i32
  }
  func.func @transform_3(%arg0: i32) -> (i32, i32) {
    %c0_i32 = arith.constant 0 : i32
    %c0_i32_0 = arith.constant 0 : i32
    return %arg0, %c0_i32 : i32, i32
  }
}

</mosaic_0001>

<sc_bundles>
// kernel: kernel.4.cloned.1.call-start
scs
__scs_entry_jumppad:
0x0: {  	(pc) =	sbr.rel $0x88, $3  }
0x1: {  	(tag) =	ssettag $0x0;
	lr =	simm.s32 $0x1  }
0x2: {  	[smem:$0x3F9D] =	sst lr;
	_ =	strace $0xD0000000  }
0x3: {  	_ = 	snop  }
0x4: {  	_ = 	snop  }
0x5: {  	_ = 	snop  }
0x6: {  	_ = 	snop  }
0x7: {  	_ = 	snop  }
__scs_overlays_trampoline_lowered:
0x8: {  	[smem:$0x3FAC] =	sst s0  }
0x9: {  	[smem:$0x3FAD] =	sst s1  }
0xa: {  	[smem:$0x3FAE] =	sst s2  }
0xb: {  	[smem:$0x3FAF] =	sst s3  }
0xc: {  	[smem:$0x3FB0] =	sst s4  }
0xd: {  	[smem:$0x3FB1] =	sst s5  }
0xe: {  	[smem:$0x3FB2] =	sst s6  }
0xf: {  	[smem:$0x3FB3] =	sst s7  }
0x10: {  	[smem:$0x3FB4] =	sst s8  }
0x11: {  	[smem:$0x3FB5] =	sst s9;
	s0 =	simm.s32 @!p0 $0x0  }
0x12: {  	s1 =	sld [smem:$0x3F9B];
	s0 =	simm.s32 @p0 $0x1  }
0x13: {  	[smem:$0x3FB6] =	sst s0;
	s0 =	simm.s32 @!p1 $0x0  }
0x14: {  	s2 =	sld [smem:$0x3F9A];
	s0 =	simm.s32 @p1 $0x1  }
0x15: {  	[smem:$0x3FB7] =	sst s0;
	s0 =	simm.s32 @!p2 $0x0  }
0x16: {  	s3 =	sld [smem:$0x3FDB];
	s0 =	simm.s32 @p2 $0x1  }
0x17: {  	s4 =	simm.s32 $0x1BF5;
	[smem:$0x3FB9] =	sst s0  }
0x18: {  	s0 =	sld [smem:$0x3F9C];
	_ =	swait.ge [sflag:s4], $0x0  }
0x19: {  	s7 =	sld [smem:$0x3F9D]  }
0x1a: {  	s8 =	sadd.s32 $0xFFFFE003, lr  }
0x1b: {  	s9 =	sadd.s32 $0xFFFFFEF7, lr;
	s5 =	simm.s32 $0xFFFFFFFF;
	p2 =	slt.u32 s8, $0xFFFFF086  }
0x1c: {  	p1 =	slt.u32 s9, $0xF7A;
	s5 =	simm.s32 @!p2 $0x0  }
0x1d: {  	s5 =	simm.s32 @p1 $0x1;
	p0 =	seq.s32 s7, s2  }
0x1e: {  	s7 =	smul.u32 @!p0 $0xF7A, s2;
	p2 =	seq.s32 @!p0 s5, $0x0  }
0x1f: {  	s9 =	smul.u32 $0xF7A, s1;
	s8 =	simm.s32 @!p0 $0x1BF5;
	p2 =	por !p2, p0  }
0x20: {  	[sflag:s8] =	ssyncset.s32 @!p0 $0xFFFFF086;
	s6 =	sadd.s32 @!p0 s3, s7;
	s7 =	simm.s32 @!p0 $0x108  }
0x21: {  	s3 =	sadd.s32 s3, s9;
	s6 =	sadd.s32 @!p0 $0x88, s6;
	s7 =	simm.s32 @p2 $0x1082  }
0x22: {  	[simem:s7], [sflag:s8] =	dma.local @!p0 [hbm:s6], $0xF7A  }
0x23: {  	s9 =	sor.u32 $0xD0000000, s2;
	s6 =	simm.s32 $0x108;
	_ =	swait.ge @!p0 [sflag:s8], $0x0  }
0x24: {  	s3 =	sadd.s32 $0x88, s3;
	s6 =	simm.s32 @!p1 $0x1082;
	[sflag:s4] =	ssyncset.s32 $0xFFFFF086  }
0x25: {  	[simem:s6], [sflag:s4] =	dma.local [hbm:s3], $0xF7A  }
0x26: {  	[smem:$0x3F9D] =	sst s1;
	(tag) =	ssettag s2;
	_ =	strace s9  }
0x27: {  	s1 =	sld [smem:$0x3FAD]  }
0x28: {  	s2 =	sld [smem:$0x3FAE]  }
0x29: {  	s4 =	sld [smem:$0x3FB0]  }
0x2a: {  	p0 =	seq.s32 s5, $0x0;
	s5 =	sld [smem:$0x3FB1]  }
0x2b: {  	s6 =	sld [smem:$0x3FB2]  }
0x2c: {  	s7 =	sld [smem:$0x3FB3]  }
0x2d: {  	s3 =	simm.s32 $0x108;
	s8 =	sld [smem:$0x3FB4]  }
0x2e: {  	s3 =	simm.s32 @!p0 $0x1082;
	s9 =	sld [smem:$0x3FB5]  }
0x2f: {  	lr =	sadd.s32 s0, s3;
	s0 =	sld [smem:$0x3FAC]  }
0x30: {  	s3 =	sld [smem:$0x3FAF]  }
0x31: {  	[smem:$0x3FB8] =	sst s10  }
0x32: {  	s10 =	sld [smem:$0x3FB6];
	_ =	sdelay $0x3  }
0x33: {  	p0 =	seq.s32 s10, $0x1;
	s10 =	sld [smem:$0x3FB8];
	_ =	sdelay $0x3  }
0x34: {  	[smem:$0x3FB8] =	sst s10  }
0x35: {  	s10 =	sld [smem:$0x3FB7];
	_ =	sdelay $0x3  }
0x36: {  	p1 =	seq.s32 s10, $0x1;
	s10 =	sld [smem:$0x3FB8];
	_ =	sdelay $0x3  }
0x37: {  	[smem:$0x3FB8] =	sst s10  }
0x38: {  	s10 =	sld [smem:$0x3FB9]  }
0x39: {  	_ = 	snop;
	(pc) =	sbr.ind lr, $3  }
0x3a: {  	_ = 	snop  }
0x3b: {  	_ = 	snop  }
0x3c: {  	p2 =	seq.s32 s10, $0x1;
	s10 =	sld [smem:$0x3FB8]  }
0x3d: {  	_ =	shalt  }
0x3e: {  	_ =	shalt  }
0x3f: {  	_ =	shalt  }
0x40: {  	_ =	shalt  }
0x41: {  	_ =	shalt  }
0x42: {  	_ =	shalt  }
0x43: {  	_ =	shalt  }
0x44: {  	_ =	shalt  }
0x45: {  	_ =	shalt  }
0x46: {  	_ =	shalt  }
0x47: {  	_ =	shalt  }
0x48: {  	_ =	shalt  }
0x49: {  	_ =	shalt  }
0x4a: {  	_ =	shalt  }
0x4b: {  	_ =	shalt  }
0x4c: {  	_ =	shalt  }
0x4d: {  	_ =	shalt  }
0x4e: {  	_ =	shalt  }
0x4f: {  	_ =	shalt  }
0x50: {  	_ =	shalt  }
0x51: {  	_ =	shalt  }
0x52: {  	_ =	shalt  }
0x53: {  	_ =	shalt  }
0x54: {  	_ =	shalt  }
0x55: {  	_ =	shalt  }
0x56: {  	_ =	shalt  }
0x57: {  	_ =	shalt  }
0x58: {  	_ =	shalt  }
0x59: {  	_ =	shalt  }
0x5a: {  	_ =	shalt  }
0x5b: {  	_ =	shalt  }
0x5c: {  	_ =	shalt  }
0x5d: {  	_ =	shalt  }
0x5e: {  	_ =	shalt  }
0x5f: {  	_ =	shalt  }
0x60: {  	_ =	shalt  }
0x61: {  	_ =	shalt  }
0x62: {  	_ =	shalt  }
0x63: {  	_ =	shalt  }
0x64: {  	_ =	shalt  }
0x65: {  	_ =	shalt  }
0x66: {  	_ =	shalt  }
0x67: {  	_ =	shalt  }
0x68: {  	_ =	shalt  }
0x69: {  	_ =	shalt  }
0x6a: {  	_ =	shalt  }
0x6b: {  	_ =	shalt  }
0x6c: {  	_ =	shalt  }
0x6d: {  	_ =	shalt  }
0x6e: {  	_ =	shalt  }
0x6f: {  	_ =	shalt  }
0x70: {  	_ =	shalt  }
0x71: {  	_ =	shalt  }
0x72: {  	_ =	shalt  }
0x73: {  	_ =	shalt  }
0x74: {  	_ =	shalt  }
0x75: {  	_ =	shalt  }
0x76: {  	_ =	shalt  }
0x77: {  	_ =	shalt  }
0x78: {  	_ =	shalt  }
0x79: {  	_ =	shalt  }
0x7a: {  	_ =	shalt  }
0x7b: {  	_ =	shalt  }
0x7c: {  	_ =	shalt  }
0x7d: {  	_ =	shalt  }
0x7e: {  	_ =	shalt  }
0x7f: {  	_ =	shalt  }
0x80: {  	_ =	shalt  }
0x81: {  	_ =	shalt  }
0x82: {  	_ =	shalt  }
0x83: {  	_ =	shalt  }
0x84: {  	_ =	shalt  }
0x85: {  	_ =	shalt  }
0x86: {  	_ =	shalt  }
0x87: {  	_ =	shalt  }
.Lfunc_end0:
.L_simem_size_0:
called_computation_lowered:
.L_overlay_start_0:
0x88: {  	s2 =	sld [smem:$0x3FD9]  }
0x89: {  	s3 =	sld [smem:$0x3FFE];
	_ =	sdelay $0x1  }
0x8a: {  	s1 =	srdreg.scid  }
0x8b: {  	s0 =	sand.u32 $0x1, s1  }
0x8c: {  	s17 =	sshll.u32 s0, $0xA;
	s2 =	sadd.s32 s3, s2  }
0x8d: {  	s2 =	sadd.s32 s2, s17  }
0x8e: {  	[smem:$0x3FC4] =	sst s2  }
0x8f: {  	_ = 	snop  }
0x90: {  	s2 =	sld [smem:$0x3FD0];
	(tm) =	ssettm $0x1  }
0x91: {  	s18 =	sld [smem:$0x3FFB];
	_ =	sdelay $0x3  }
0x92: {  	_ =	strace s18  }
0x93: {  	s3 =	sld [smem:$0x3FFC];
	_ =	sdelay $0x3  }
0x94: {  	_ =	strace s3  }
0x95: {  	s3 =	sld [smem:$0x3FFD];
	_ =	sdelay $0x3  }
0x96: {  	_ =	strace s3  }
0x97: {  	_ =	strace $0x8FFFFFFF  }
0x98: {  	s19 =	sld [smem:$0x3FDB];
	_ =	sdelay $0x1  }
0x99: {  	s4 =	simm.s32 $_scs_section_size  }
0x9a: {  	s5 =	simm.s32 $_size__tile_overlayer_lowered;
	s6 =	simm.s32 $_tile_overlayer_lowered  }
0x9b: {  	s22 =	simm.s32 $0x1BFF;
	s21 =	sshll.u32 s6, $0x1;
	s3 =	sadd.s32 s4, s19  }
0x9c: {  	s7 =	simm.s32 $0x0;
	s20 =	sshll.u32 s5, $0x1;
	s5 =	sadd.s32 s21, s3  }
0x9d: {  	[timem:s7], [sflag:s22] =	dma.local [hbm:s5], s20  }
0x9e: {  	_ =	swait.ge [sflag:s22], s20  }
0x9f: {  	s4 =	ssub.s32 $0x0, s20;
	[sflag:s22] =	ssyncset.done $0x0  }
0xa0: {  	[sflag:s22] =	ssyncadd.s32 s4;
	_ =	sdelay $0x1  }
0xa1: {  	s23 =	simm.s32 $0x1B8B  }
0xa2: {  	_ =	swait.ge [sflag:s23], $0x1  }
0xa3: {  	[sflag:s23] =	ssyncset.done $0x0  }
0xa4: {  	s25 =	simm.s32 $0x1B8E;
	s24 =	sld [smem:$0x3FFE];
	[sflag:s23] =	ssyncadd.s32 $0xFFFFFFFF  }
0xa5: {  	s26 =	simm.s32 $execute0_lowered;
	[smem:$0x3FD2] =	sst s25  }
0xa6: {  	s5 =	sshll.u32 s26, $0x1;
	_ =	strace $0x80000046;
	[dreg:$0x1] =	wrdreg $0xFFFFFFFF  }
0xa7: {  	s28 =	simm.s32 $_size_execute0_lowered;
	s3 =	sadd.s32 s3, s5;
	[dreg:$0x0] =	wrdreg $0x0  }
0xa8: {  	s5 =	sshll.u32 s28, $0x1;
	[dreg:$0x2] =	wrdreg s3  }
0xa9: {  	[dreg:$0x3] =	wrdreg s5  }
0xaa: {  	[dreg:$0x4] =	wrdreg $0xC0  }
0xab: {  	_ =	task [dreg:s7], $0x5FFFF  }
0xac: {  	[dreg:$0x1] =	wrdreg $0xFFFFFFFF  }
0xad: {  	[dreg:$0x0] =	wrdreg $0x60  }
0xae: {  	[dreg:$0x2] =	wrdreg s24  }
0xaf: {  	[dreg:$0x3] =	wrdreg s2  }
0xb0: {  	[dreg:$0x4] =	wrdreg $0x9  }
0xb1: {  	_ =	task.clear_ibuf [dreg:s7], $0x5FFFF;
	_ =	strace $0x90000046  }
0xb2: {  	s29 =	simm.s32 $0x9;
	_ =	strace $0x80000048  }
0xb3: {  	_ =	swait.ge [sflag:s29], $0x1  }
0xb4: {  	[sflag:s29] =	ssyncadd.s32 $0xFFFFFFFF  }
0xb5: {  	_ =	strace $0x90000048  }
0xb6: {  	_ =	sfence  }
0xb7: {  	s30 =	sld [smem:$0x0];
	_ =	sdelay $0x2  }
0xb8: {  	s31 =	sshll.u32 s1, $0xD;
	s1 =	sshrl.u32 s1, $0x2  }
0xb9: {  	s3 =	sand.u32 $0x4000, s31;
	s1 =	sadd.s32 s1, s30  }
0xba: {  	s0 =	sor.u32 s3, s0;
	s1 =	sshll.u32 s1, $0x11  }
0xbb: {  	s0 =	sor.u32 s1, s0  }
0xbc: {  	s0 =	sadd.s32 $0x8F2B, s0  }
0xbd: {  	[sflag:s0] =	ssyncadd.remote.s32 $0x1  }
0xbe: {  	_ =	sfence.sel $0xFFFF  }
0xbf: {  	[dreg:$0x0] =	wrdreg $0xFFFFFFFF;
	(pc) =	sbr.abs _section_cstart, $3  }
0xc0: {  	[dreg:$0x1] =	wrdreg $0xFFFFFFFF  }
0xc1: {  	_ =	task.clear_ibuf [dreg:s7], $0x2FFFF;
	_ =	strace $0x9FFFFFFF  }
0xc2: {  	(tm) =	ssettm $0x7FFFFFFF  }
0xc3: {  	_ =	shalt  }
tec
execute0_lowered:
.L_overlay_start_1:
0x0: {  	(tag) =	ssettag $0x1  }
0x1: {  	s1 =	srdreg.scid;
	s3 =	rddreg [dreg:$0x0]  }
0x2: {  	s0 =	stileid.u32;
	s5 =	rddreg [dreg:$0x1];
	s2 =	simm.s32 $0x0  }
0x3: {  	s9 =	simm.s32 $0x6400;
	s10 =	simm.s32 $0x48;
	s11 =	simm.s32 $0x8400  }
0x4: {  	s12 =	simm.s32 $0x9600;
	s13 =	simm.s32 $0xB600;
	s14 =	simm.s32 $0x1  }
0x5: {  	s15 =	simm.s32 $0x2;
	s16 =	simm.s32 $0xC800;
	s17 =	simm.s32 $0x0  }
0x6: {  	s4 =	sand.u32 $0x1, s1;
	s31 =	sshll.u32 s0, $0x1;
	s1 =	rddreg [dreg:$0x2]  }
0x7: {  	[smem:$0x7FF] =	sst s2;
	s6 =	sor.u32 s4, s31;
	s4 =	ssub.s32 $0x2, s4  }
0x8: {  	s7 =	smul.u32 $0xC80, s6;
	s8 =	sshrl.u32 s4, $0x1;
	s6 =	sshll.u32 s6, $0xC  }
0x9: {  	_ =	strace $0x80000047;
	s8 =	ssub.s32 s4, s8;
	s5 =	sadd.s32 s5, s6  }
0xa: {  	s7 =	sadd.s32 s7, s3;
	s3 =	sadd.s32 $0xF42E00, s3;
	s6 =	smax.u32 s8, $0x1  }
0xb: {  	s8 =	simm.s32 $0x80;
	s4 =	sadd.s32 $0xA00, s7;
	s7 =	simm.s32 $0x3  }
.LBB2_1:
0xc: {  	[tilespmem:s2], [sflag:$0x3] =	stream.linear.gather [hbm4b:s4+s2], $0x6400, $0x38;
	[tilespmem:$0x14800] =	vst v63  }
0xd: {  	_ =	swait.ge [sflag:s7], $0x6400  }
0xe: {  	[sflag:s7] =	ssyncset.done $0x0  }
0xf: {  	[sflag:s7] =	ssyncadd.s32 $0xFFFF9C00  }
0x10: {  	[tilespmem:s9], [sflag:$0x1] =	stream.indirect.gather [hbm4b:s3+s8], $0x40, s2, s8, $0xb8;
	[tilespmem:$0x14800] =	vst v63  }
0x11: {  	s18 =	simm.s32 $0x0  }
0x12: {  	[tilespmem:s11], [sflag:$0x1] =	stream.indirect.gather [hbm4b:s3+s10], $0x40, s8, s10, $0xb8;
	[tilespmem:$0x14800] =	vst v63  }
.LBB2_2:
0x13: {  	s19 =	sshllo.u32 s18, $0x1  }
0x14: {  	s20 =	smul.u32 $0x320, s19;
	_ =	sdelay $0x1  }
0x15: {  	s20 =	sshra.s32 s20, $0x2  }
0x16: {  	[tilespmem:s12], [sflag:$0x2] =	stream.indirect.gather [hbm4b:s3+s8], $0x40, s20, s8, $0xb8;
	[tilespmem:$0x14800] =	vst v63  }
0x17: {  	s29 =	simm.s32 $0x0;
	s20 =	sadd.s32 $0x80, s20  }
0x18: {  	[tilespmem:s13], [sflag:$0x2] =	stream.indirect.gather [hbm4b:s3+s10], $0x40, s20, s10, $0xb8;
	[tilespmem:$0x14800] =	vst v63  }
0x19: {  	s20 =	smul.u32 $0x3200, s29;
	_ =	swait.ge [sflag:s14], $0x3200  }
0x1a: {  	[sflag:s14] =	ssyncset.done $0x0  }
0x1b: {  	s22 =	sshra.s32 s20, $0x2;
	[sflag:s14] =	ssyncadd.s32 $0xFFFFCE00  }
0x1c: {  	v0 =	vld [tilespmem:s22+$0x6400]  }
0x1d: {  	v1 =	vld [tilespmem:s22+$0x6440];
	_ =	sdelay $0x1  }
0x1e: {  	v2 =	vld [tilespmem:s22+$0x6480];
	_ =	sdelay $0x1  }
0x1f: {  	v3 =	vld [tilespmem:s22+$0x64C0]  }
0x20: {  	v0 =	vadd.f32 v1, v0  }
0x21: {  	v1 =	vld [tilespmem:s22+$0x6500]  }
0x22: {  	v0 =	vadd.f32 v2, v0  }
0x23: {  	v2 =	vld [tilespmem:s22+$0x6540]  }
0x24: {  	v0 =	vadd.f32 v3, v0  }
0x25: {  	v3 =	vld [tilespmem:s22+$0x6580]  }
0x26: {  	v0 =	vadd.f32 v1, v0  }
0x27: {  	v1 =	vld [tilespmem:s22+$0x65C0]  }
0x28: {  	v0 =	vadd.f32 v2, v0  }
0x29: {  	v2 =	vld [tilespmem:s22+$0x6600]  }
0x2a: {  	v0 =	vadd.f32 v3, v0  }
0x2b: {  	v3 =	vld [tilespmem:s22+$0x6640]  }
0x2c: {  	v0 =	vadd.f32 v1, v0  }
0x2d: {  	v1 =	vld [tilespmem:s22+$0x6680]  }
0x2e: {  	v0 =	vadd.f32 v2, v0  }
0x2f: {  	v2 =	vld [tilespmem:s22+$0x66C0]  }
0x30: {  	v0 =	vadd.f32 v3, v0  }
0x31: {  	v3 =	vld [tilespmem:s22+$0x6700]  }
0x32: {  	v0 =	vadd.f32 v1, v0  }
0x33: {  	v1 =	vld [tilespmem:s22+$0x6740]  }
0x34: {  	v0 =	vadd.f32 v2, v0  }
0x35: {  	v2 =	vld [tilespmem:s22+$0x6780]  }
0x36: {  	v0 =	vadd.f32 v3, v0  }
0x37: {  	v3 =	vld [tilespmem:s22+$0x67C0]  }
0x38: {  	v0 =	vadd.f32 v1, v0  }
0x39: {  	v1 =	vld [tilespmem:s22+$0x6800]  }
0x3a: {  	v0 =	vadd.f32 v2, v0  }
0x3b: {  	v2 =	vld [tilespmem:s22+$0x6840]  }
0x3c: {  	v0 =	vadd.f32 v3, v0  }
0x3d: {  	v3 =	vld [tilespmem:s22+$0x6880]  }
0x3e: {  	v0 =	vadd.f32 v1, v0  }
0x3f: {  	v1 =	vld [tilespmem:s22+$0x68C0]  }
0x40: {  	v0 =	vadd.f32 v2, v0  }
0x41: {  	v2 =	vld [tilespmem:s22+$0x6900]  }
0x42: {  	v0 =	vadd.f32 v3, v0  }
0x43: {  	v3 =	vld [tilespmem:s22+$0x6940]  }
0x44: {  	v0 =	vadd.f32 v1, v0  }
0x45: {  	v1 =	vld [tilespmem:s22+$0x6980]  }
0x46: {  	v0 =	vadd.f32 v2, v0  }
0x47: {  	v2 =	vld [tilespmem:s22+$0x69C0]  }
0x48: {  	v0 =	vadd.f32 v3, v0  }
0x49: {  	v3 =	vld [tilespmem:s22+$0x6A00]  }
0x4a: {  	v0 =	vadd.f32 v1, v0  }
0x4b: {  	v1 =	vld [tilespmem:s22+$0x6A40]  }
0x4c: {  	v0 =	vadd.f32 v2, v0  }
0x4d: {  	v2 =	vld [tilespmem:s22+$0x6A80]  }
0x4e: {  	v0 =	vadd.f32 v3, v0  }
0x4f: {  	v3 =	vld [tilespmem:s22+$0x6AC0]  }
0x50: {  	v0 =	vadd.f32 v1, v0  }
0x51: {  	v1 =	vld [tilespmem:s22+$0x6B00]  }
0x52: {  	v0 =	vadd.f32 v2, v0  }
0x53: {  	v2 =	vld [tilespmem:s22+$0x6B40]  }
0x54: {  	v0 =	vadd.f32 v3, v0  }
0x55: {  	v3 =	vld [tilespmem:s22+$0x6B80]  }
0x56: {  	v0 =	vadd.f32 v1, v0  }
0x57: {  	v1 =	vld [tilespmem:s22+$0x6BC0]  }
0x58: {  	v0 =	vadd.f32 v2, v0  }
0x59: {  	v2 =	vld [tilespmem:s22+$0x6C00]  }
0x5a: {  	v0 =	vadd.f32 v3, v0  }
0x5b: {  	v3 =	vld [tilespmem:s22+$0x6C40]  }
0x5c: {  	v0 =	vadd.f32 v1, v0  }
0x5d: {  	v1 =	vld [tilespmem:s22+$0x6C80]  }
0x5e: {  	v0 =	vadd.f32 v2, v0  }
0x5f: {  	v2 =	vld [tilespmem:s22+$0x6CC0]  }
0x60: {  	v0 =	vadd.f32 v3, v0  }
0x61: {  	v3 =	vld [tilespmem:s22+$0x6D00]  }
0x62: {  	v0 =	vadd.f32 v1, v0  }
0x63: {  	v1 =	vld [tilespmem:s22+$0x6D40]  }
0x64: {  	v0 =	vadd.f32 v2, v0  }
0x65: {  	v2 =	vld [tilespmem:s22+$0x6D80]  }
0x66: {  	v0 =	vadd.f32 v3, v0  }
0x67: {  	v3 =	vld [tilespmem:s22+$0x6DC0]  }
0x68: {  	v0 =	vadd.f32 v1, v0  }
0x69: {  	v1 =	vld [tilespmem:s22+$0x6E00]  }
0x6a: {  	v0 =	vadd.f32 v2, v0  }
0x6b: {  	v2 =	vld [tilespmem:s22+$0x6E40]  }
0x6c: {  	v0 =	vadd.f32 v3, v0  }
0x6d: {  	v3 =	vld [tilespmem:s22+$0x6E80]  }
0x6e: {  	v0 =	vadd.f32 v1, v0  }
0x6f: {  	v1 =	vld [tilespmem:s22+$0x6EC0]  }
0x70: {  	v0 =	vadd.f32 v2, v0  }
0x71: {  	v2 =	vld [tilespmem:s22+$0x6F00]  }
0x72: {  	v0 =	vadd.f32 v3, v0  }
0x73: {  	v3 =	vld [tilespmem:s22+$0x6F40]  }
0x74: {  	v0 =	vadd.f32 v1, v0  }
0x75: {  	v1 =	vld [tilespmem:s22+$0x6F80]  }
0x76: {  	v0 =	vadd.f32 v2, v0  }
0x77: {  	v2 =	vld [tilespmem:s22+$0x6FC0]  }
0x78: {  	v0 =	vadd.f32 v3, v0  }
0x79: {  	v3 =	vld [tilespmem:s22+$0x7000]  }
0x7a: {  	s30 =	sshll.u32 s18, $0x9;
	v0 =	vadd.f32 v1, v0  }
0x7b: {  	s20 =	sand.u32 $0x3FFFFE00, s30;
	v1 =	vld [tilespmem:s22+$0x7040]  }
0x7c: {  	s20 =	sadd.s32 $0xC800, s20;
	v2 =	vadd.f32 v2, v0  }
0x7d: {  	v0 =	vmov s20  }
0x7e: {  	v2 =	vadd.f32 v3, v2;
	_ =	sdelay $0x1  }
0x7f: {  	s31 =	simm.s32 $0x0;
	v1 =	vadd.f32 v1, v2  }
0x80: {  	s20 =	sand.u32 $0x3FFFFFC0, s31  }
0x81: {  	[tilespmem:v0+s20+$0x0 ss:$0x1] =	vst.idx.msk $0xffff, v1  }
0x82: {  	v1 =	vld [tilespmem:s22+$0x6410]  }
0x83: {  	v2 =	vld [tilespmem:s22+$0x6450];
	_ =	sdelay $0x1  }
0x84: {  	v3 =	vld [tilespmem:s22+$0x6490];
	_ =	sdelay $0x1  }
0x85: {  	v4 =	vld [tilespmem:s22+$0x64D0]  }
0x86: {  	v1 =	vadd.f32 v2, v1  }
0x87: {  	v2 =	vld [tilespmem:s22+$0x6510]  }
0x88: {  	v1 =	vadd.f32 v3, v1  }
0x89: {  	v3 =	vld [tilespmem:s22+$0x6550]  }
0x8a: {  	v1 =	vadd.f32 v4, v1  }
0x8b: {  	v4 =	vld [tilespmem:s22+$0x6590]  }
0x8c: {  	v1 =	vadd.f32 v2, v1  }
0x8d: {  	v2 =	vld [tilespmem:s22+$0x65D0]  }
0x8e: {  	v1 =	vadd.f32 v3, v1  }
0x8f: {  	v3 =	vld [tilespmem:s22+$0x6610]  }
0x90: {  	v1 =	vadd.f32 v4, v1  }
0x91: {  	v4 =	vld [tilespmem:s22+$0x6650]  }
0x92: {  	v1 =	vadd.f32 v2, v1  }
0x93: {  	v2 =	vld [tilespmem:s22+$0x6690]  }
0x94: {  	v1 =	vadd.f32 v3, v1  }
0x95: {  	v3 =	vld [tilespmem:s22+$0x66D0]  }
0x96: {  	v1 =	vadd.f32 v4, v1  }
0x97: {  	v4 =	vld [tilespmem:s22+$0x6710]  }
0x98: {  	v1 =	vadd.f32 v2, v1  }
0x99: {  	v2 =	vld [tilespmem:s22+$0x6750]  }
0x9a: {  	v1 =	vadd.f32 v3, v1  }
0x9b: {  	v3 =	vld [tilespmem:s22+$0x6790]  }
0x9c: {  	v1 =	vadd.f32 v4, v1  }
0x9d: {  	v4 =	vld [tilespmem:s22+$0x67D0]  }
0x9e: {  	v1 =	vadd.f32 v2, v1  }
0x9f: {  	v2 =	vld [tilespmem:s22+$0x6810]  }
0xa0: {  	v1 =	vadd.f32 v3, v1  }
0xa1: {  	v3 =	vld [tilespmem:s22+$0x6850]  }
0xa2: {  	v1 =	vadd.f32 v4, v1  }
0xa3: {  	v4 =	vld [tilespmem:s22+$0x6890]  }
0xa4: {  	v1 =	vadd.f32 v2, v1  }
0xa5: {  	v2 =	vld [tilespmem:s22+$0x68D0]  }
0xa6: {  	v1 =	vadd.f32 v3, v1  }
0xa7: {  	v3 =	vld [tilespmem:s22+$0x6910]  }
0xa8: {  	v1 =	vadd.f32 v4, v1  }
0xa9: {  	v4 =	vld [tilespmem:s22+$0x6950]  }
0xaa: {  	v1 =	vadd.f32 v2, v1  }
0xab: {  	v2 =	vld [tilespmem:s22+$0x6990]  }
0xac: {  	v1 =	vadd.f32 v3, v1  }
0xad: {  	v3 =	vld [tilespmem:s22+$0x69D0]  }
0xae: {  	v1 =	vadd.f32 v4, v1  }
0xaf: {  	v4 =	vld [tilespmem:s22+$0x6A10]  }
0xb0: {  	v1 =	vadd.f32 v2, v1  }
0xb1: {  	v2 =	vld [tilespmem:s22+$0x6A50]  }
0xb2: {  	v1 =	vadd.f32 v3, v1  }
0xb3: {  	v3 =	vld [tilespmem:s22+$0x6A90]  }
0xb4: {  	v1 =	vadd.f32 v4, v1  }
0xb5: {  	v4 =	vld [tilespmem:s22+$0x6AD0]  }
0xb6: {  	v1 =	vadd.f32 v2, v1  }
0xb7: {  	v2 =	vld [tilespmem:s22+$0x6B10]  }
0xb8: {  	v1 =	vadd.f32 v3, v1  }
0xb9: {  	v3 =	vld [tilespmem:s22+$0x6B50]  }
0xba: {  	v1 =	vadd.f32 v4, v1  }
0xbb: {  	v4 =	vld [tilespmem:s22+$0x6B90]  }
0xbc: {  	v1 =	vadd.f32 v2, v1  }
0xbd: {  	v2 =	vld [tilespmem:s22+$0x6BD0]  }
0xbe: {  	v1 =	vadd.f32 v3, v1  }
0xbf: {  	v3 =	vld [tilespmem:s22+$0x6C10]  }
0xc0: {  	v1 =	vadd.f32 v4, v1  }
0xc1: {  	v4 =	vld [tilespmem:s22+$0x6C50]  }
0xc2: {  	v1 =	vadd.f32 v2, v1  }
0xc3: {  	v2 =	vld [tilespmem:s22+$0x6C90]  }
0xc4: {  	v1 =	vadd.f32 v3, v1  }
0xc5: {  	v3 =	vld [tilespmem:s22+$0x6CD0]  }
0xc6: {  	v1 =	vadd.f32 v4, v1  }
0xc7: {  	v4 =	vld [tilespmem:s22+$0x6D10]  }
0xc8: {  	v1 =	vadd.f32 v2, v1  }
0xc9: {  	v2 =	vld [tilespmem:s22+$0x6D50]  }
0xca: {  	v1 =	vadd.f32 v3, v1  }
0xcb: {  	v3 =	vld [tilespmem:s22+$0x6D90]  }
0xcc: {  	v1 =	vadd.f32 v4, v1  }
0xcd: {  	v4 =	vld [tilespmem:s22+$0x6DD0]  }
0xce: {  	v1 =	vadd.f32 v2, v1  }
0xcf: {  	v2 =	vld [tilespmem:s22+$0x6E10]  }
0xd0: {  	v1 =	vadd.f32 v3, v1  }
0xd1: {  	v3 =	vld [tilespmem:s22+$0x6E50]  }
0xd2: {  	v1 =	vadd.f32 v4, v1  }
0xd3: {  	v4 =	vld [tilespmem:s22+$0x6E90]  }
0xd4: {  	v1 =	vadd.f32 v2, v1  }
0xd5: {  	v2 =	vld [tilespmem:s22+$0x6ED0]  }
0xd6: {  	v1 =	vadd.f32 v3, v1  }
0xd7: {  	v3 =	vld [tilespmem:s22+$0x6F10]  }
0xd8: {  	v1 =	vadd.f32 v4, v1  }
0xd9: {  	v4 =	vld [tilespmem:s22+$0x6F50]  }
0xda: {  	v1 =	vadd.f32 v2, v1  }
0xdb: {  	v2 =	vld [tilespmem:s22+$0x6F90]  }
0xdc: {  	v1 =	vadd.f32 v3, v1  }
0xdd: {  	v3 =	vld [tilespmem:s22+$0x6FD0]  }
0xde: {  	v1 =	vadd.f32 v4, v1  }
0xdf: {  	v4 =	vld [tilespmem:s22+$0x7010]  }
0xe0: {  	v1 =	vadd.f32 v2, v1  }
0xe1: {  	v2 =	vld [tilespmem:s22+$0x7050]  }
0xe2: {  	v1 =	vadd.f32 v3, v1;
	_ =	sdelay $0x1  }
0xe3: {  	v1 =	vadd.f32 v4, v1;
	_ =	sdelay $0x1  }
0xe4: {  	v1 =	vadd.f32 v2, v1;
	_ =	sdelay $0x1  }
0xe5: {  	[tilespmem:v0+s20+$0x10 ss:$0x1] =	vst.idx.msk $0xffff, v1  }
0xe6: {  	v1 =	vld [tilespmem:s22+$0x6420]  }
0xe7: {  	v2 =	vld [tilespmem:s22+$0x6460];
	_ =	sdelay $0x1  }
0xe8: {  	v3 =	vld [tilespmem:s22+$0x64A0];
	_ =	sdelay $0x1  }
0xe9: {  	v4 =	vld [tilespmem:s22+$0x64E0]  }
0xea: {  	v1 =	vadd.f32 v2, v1  }
0xeb: {  	v2 =	vld [tilespmem:s22+$0x6520]  }
0xec: {  	v1 =	vadd.f32 v3, v1  }
0xed: {  	v3 =	vld [tilespmem:s22+$0x6560]  }
0xee: {  	v1 =	vadd.f32 v4, v1  }
0xef: {  	v4 =	vld [tilespmem:s22+$0x65A0]  }
0xf0: {  	v1 =	vadd.f32 v2, v1  }
0xf1: {  	v2 =	vld [tilespmem:s22+$0x65E0]  }
0xf2: {  	v1 =	vadd.f32 v3, v1  }
0xf3: {  	v3 =	vld [tilespmem:s22+$0x6620]  }
0xf4: {  	v1 =	vadd.f32 v4, v1  }
0xf5: {  	v4 =	vld [tilespmem:s22+$0x6660]  }
0xf6: {  	v1 =	vadd.f32 v2, v1  }
0xf7: {  	v2 =	vld [tilespmem:s22+$0x66A0]  }
0xf8: {  	v1 =	vadd.f32 v3, v1  }
0xf9: {  	v3 =	vld [tilespmem:s22+$0x66E0]  }
0xfa: {  	v1 =	vadd.f32 v4, v1  }
0xfb: {  	v4 =	vld [tilespmem:s22+$0x6720]  }
0xfc: {  	v1 =	vadd.f32 v2, v1  }
0xfd: {  	v2 =	vld [tilespmem:s22+$0x6760]  }
0xfe: {  	v1 =	vadd.f32 v3, v1  }
0xff: {  	v3 =	vld [tilespmem:s22+$0x67A0]  }
0x100: {  	v1 =	vadd.f32 v4, v1  }
0x101: {  	v4 =	vld [tilespmem:s22+$0x67E0]  }
0x102: {  	v1 =	vadd.f32 v2, v1  }
0x103: {  	v2 =	vld [tilespmem:s22+$0x6820]  }
0x104: {  	v1 =	vadd.f32 v3, v1  }
0x105: {  	v3 =	vld [tilespmem:s22+$0x6860]  }
0x106: {  	v1 =	vadd.f32 v4, v1  }
0x107: {  	v4 =	vld [tilespmem:s22+$0x68A0]  }
0x108: {  	v1 =	vadd.f32 v2, v1  }
0x109: {  	v2 =	vld [tilespmem:s22+$0x68E0]  }
0x10a: {  	v1 =	vadd.f32 v3, v1  }
0x10b: {  	v3 =	vld [tilespmem:s22+$0x6920]  }
0x10c: {  	v1 =	vadd.f32 v4, v1  }
0x10d: {  	v4 =	vld [tilespmem:s22+$0x6960]  }
0x10e: {  	v1 =	vadd.f32 v2, v1  }
0x10f: {  	v2 =	vld [tilespmem:s22+$0x69A0]  }
0x110: {  	v1 =	vadd.f32 v3, v1  }
0x111: {  	v3 =	vld [tilespmem:s22+$0x69E0]  }
0x112: {  	v1 =	vadd.f32 v4, v1  }
0x113: {  	v4 =	vld [tilespmem:s22+$0x6A20]  }
0x114: {  	v1 =	vadd.f32 v2, v1  }
0x115: {  	v2 =	vld [tilespmem:s22+$0x6A60]  }
0x116: {  	v1 =	vadd.f32 v3, v1  }
0x117: {  	v3 =	vld [tilespmem:s22+$0x6AA0]  }
0x118: {  	v1 =	vadd.f32 v4, v1  }
0x119: {  	v4 =	vld [tilespmem:s22+$0x6AE0]  }
0x11a: {  	v1 =	vadd.f32 v2, v1  }
0x11b: {  	v2 =	vld [tilespmem:s22+$0x6B20]  }
0x11c: {  	v1 =	vadd.f32 v3, v1  }
0x11d: {  	v3 =	vld [tilespmem:s22+$0x6B60]  }
0x11e: {  	v1 =	vadd.f32 v4, v1  }
0x11f: {  	v4 =	vld [tilespmem:s22+$0x6BA0]  }
0x120: {  	v1 =	vadd.f32 v2, v1  }
0x121: {  	v2 =	vld [tilespmem:s22+$0x6BE0]  }
0x122: {  	v1 =	vadd.f32 v3, v1  }
0x123: {  	v3 =	vld [tilespmem:s22+$0x6C20]  }
0x124: {  	v1 =	vadd.f32 v4, v1  }
0x125: {  	v4 =	vld [tilespmem:s22+$0x6C60]  }
0x126: {  	v1 =	vadd.f32 v2, v1  }
0x127: {  	v2 =	vld [tilespmem:s22+$0x6CA0]  }
0x128: {  	v1 =	vadd.f32 v3, v1  }
0x129: {  	v3 =	vld [tilespmem:s22+$0x6CE0]  }
0x12a: {  	v1 =	vadd.f32 v4, v1  }
0x12b: {  	v4 =	vld [tilespmem:s22+$0x6D20]  }
0x12c: {  	v1 =	vadd.f32 v2, v1  }
0x12d: {  	v2 =	vld [tilespmem:s22+$0x6D60]  }
0x12e: {  	v1 =	vadd.f32 v3, v1  }
0x12f: {  	v3 =	vld [tilespmem:s22+$0x6DA0]  }
0x130: {  	v1 =	vadd.f32 v4, v1  }
0x131: {  	v4 =	vld [tilespmem:s22+$0x6DE0]  }
0x132: {  	v1 =	vadd.f32 v2, v1  }
0x133: {  	v2 =	vld [tilespmem:s22+$0x6E20]  }
0x134: {  	v1 =	vadd.f32 v3, v1  }
0x135: {  	v3 =	vld [tilespmem:s22+$0x6E60]  }
0x136: {  	v1 =	vadd.f32 v4, v1  }
0x137: {  	v4 =	vld [tilespmem:s22+$0x6EA0]  }
0x138: {  	v1 =	vadd.f32 v2, v1  }
0x139: {  	v2 =	vld [tilespmem:s22+$0x6EE0]  }
0x13a: {  	v1 =	vadd.f32 v3, v1  }
0x13b: {  	v3 =	vld [tilespmem:s22+$0x6F20]  }
0x13c: {  	v1 =	vadd.f32 v4, v1  }
0x13d: {  	v4 =	vld [tilespmem:s22+$0x6F60]  }
0x13e: {  	v1 =	vadd.f32 v2, v1  }
0x13f: {  	v2 =	vld [tilespmem:s22+$0x6FA0]  }
0x140: {  	v1 =	vadd.f32 v3, v1  }
0x141: {  	v3 =	vld [tilespmem:s22+$0x6FE0]  }
0x142: {  	v1 =	vadd.f32 v4, v1  }
0x143: {  	v4 =	vld [tilespmem:s22+$0x7020]  }
0x144: {  	v1 =	vadd.f32 v2, v1  }
0x145: {  	v2 =	vld [tilespmem:s22+$0x7060]  }
0x146: {  	v1 =	vadd.f32 v3, v1;
	_ =	sdelay $0x1  }
0x147: {  	v1 =	vadd.f32 v4, v1;
	_ =	sdelay $0x1  }
0x148: {  	v1 =	vadd.f32 v2, v1;
	_ =	sdelay $0x1  }
0x149: {  	[tilespmem:v0+s20+$0x20 ss:$0x1] =	vst.idx.msk $0xffff, v1  }
0x14a: {  	v1 =	vld [tilespmem:s22+$0x6430]  }
0x14b: {  	v2 =	vld [tilespmem:s22+$0x6470];
	_ =	sdelay $0x1  }
0x14c: {  	v3 =	vld [tilespmem:s22+$0x64B0];
	_ =	sdelay $0x1  }
0x14d: {  	v4 =	vld [tilespmem:s22+$0x64F0]  }
0x14e: {  	v1 =	vadd.f32 v2, v1  }
0x14f: {  	v2 =	vld [tilespmem:s22+$0x6530]  }
0x150: {  	v1 =	vadd.f32 v3, v1  }
0x151: {  	v3 =	vld [tilespmem:s22+$0x6570]  }
0x152: {  	v1 =	vadd.f32 v4, v1  }
0x153: {  	v4 =	vld [tilespmem:s22+$0x65B0]  }
0x154: {  	v1 =	vadd.f32 v2, v1  }
0x155: {  	v2 =	vld [tilespmem:s22+$0x65F0]  }
0x156: {  	v1 =	vadd.f32 v3, v1  }
0x157: {  	v3 =	vld [tilespmem:s22+$0x6630]  }
0x158: {  	v1 =	vadd.f32 v4, v1  }
0x159: {  	v4 =	vld [tilespmem:s22+$0x6670]  }
0x15a: {  	v1 =	vadd.f32 v2, v1  }
0x15b: {  	v2 =	vld [tilespmem:s22+$0x66B0]  }
0x15c: {  	v1 =	vadd.f32 v3, v1  }
0x15d: {  	v3 =	vld [tilespmem:s22+$0x66F0]  }
0x15e: {  	v1 =	vadd.f32 v4, v1  }
0x15f: {  	v4 =	vld [tilespmem:s22+$0x6730]  }
0x160: {  	v1 =	vadd.f32 v2, v1  }
0x161: {  	v2 =	vld [tilespmem:s22+$0x6770]  }
0x162: {  	v1 =	vadd.f32 v3, v1  }
0x163: {  	v3 =	vld [tilespmem:s22+$0x67B0]  }
0x164: {  	v1 =	vadd.f32 v4, v1  }
0x165: {  	v4 =	vld [tilespmem:s22+$0x67F0]  }
0x166: {  	v1 =	vadd.f32 v2, v1  }
0x167: {  	v2 =	vld [tilespmem:s22+$0x6830]  }
0x168: {  	v1 =	vadd.f32 v3, v1  }
0x169: {  	v3 =	vld [tilespmem:s22+$0x6870]  }
0x16a: {  	v1 =	vadd.f32 v4, v1  }
0x16b: {  	v4 =	vld [tilespmem:s22+$0x68B0]  }
0x16c: {  	v1 =	vadd.f32 v2, v1  }
0x16d: {  	v2 =	vld [tilespmem:s22+$0x68F0]  }
0x16e: {  	v1 =	vadd.f32 v3, v1  }
0x16f: {  	v3 =	vld [tilespmem:s22+$0x6930]  }
0x170: {  	v1 =	vadd.f32 v4, v1  }
0x171: {  	v4 =	vld [tilespmem:s22+$0x6970]  }
0x172: {  	v1 =	vadd.f32 v2, v1  }
0x173: {  	v2 =	vld [tilespmem:s22+$0x69B0]  }
0x174: {  	v1 =	vadd.f32 v3, v1  }
0x175: {  	v3 =	vld [tilespmem:s22+$0x69F0]  }
0x176: {  	v1 =	vadd.f32 v4, v1  }
0x177: {  	v4 =	vld [tilespmem:s22+$0x6A30]  }
0x178: {  	v1 =	vadd.f32 v2, v1  }
0x179: {  	v2 =	vld [tilespmem:s22+$0x6A70]  }
0x17a: {  	v1 =	vadd.f32 v3, v1  }
0x17b: {  	v3 =	vld [tilespmem:s22+$0x6AB0]  }
0x17c: {  	v1 =	vadd.f32 v4, v1  }
0x17d: {  	v4 =	vld [tilespmem:s22+$0x6AF0]  }
0x17e: {  	v1 =	vadd.f32 v2, v1  }
0x17f: {  	v2 =	vld [tilespmem:s22+$0x6B30]  }
0x180: {  	v1 =	vadd.f32 v3, v1  }
0x181: {  	v3 =	vld [tilespmem:s22+$0x6B70]  }
0x182: {  	v1 =	vadd.f32 v4, v1  }
0x183: {  	v4 =	vld [tilespmem:s22+$0x6BB0]  }
0x184: {  	v1 =	vadd.f32 v2, v1  }
0x185: {  	v2 =	vld [tilespmem:s22+$0x6BF0]  }
0x186: {  	v1 =	vadd.f32 v3, v1  }
0x187: {  	v3 =	vld [tilespmem:s22+$0x6C30]  }
0x188: {  	v1 =	vadd.f32 v4, v1  }
0x189: {  	v4 =	vld [tilespmem:s22+$0x6C70]  }
0x18a: {  	v1 =	vadd.f32 v2, v1  }
0x18b: {  	v2 =	vld [tilespmem:s22+$0x6CB0]  }
0x18c: {  	v1 =	vadd.f32 v3, v1  }
0x18d: {  	v3 =	vld [tilespmem:s22+$0x6CF0]  }
0x18e: {  	v1 =	vadd.f32 v4, v1  }
0x18f: {  	v4 =	vld [tilespmem:s22+$0x6D30]  }
0x190: {  	v1 =	vadd.f32 v2, v1  }
0x191: {  	v2 =	vld [tilespmem:s22+$0x6D70]  }
0x192: {  	v1 =	vadd.f32 v3, v1  }
0x193: {  	v3 =	vld [tilespmem:s22+$0x6DB0]  }
0x194: {  	v1 =	vadd.f32 v4, v1  }
0x195: {  	v4 =	vld [tilespmem:s22+$0x6DF0]  }
0x196: {  	v1 =	vadd.f32 v2, v1  }
0x197: {  	v2 =	vld [tilespmem:s22+$0x6E30]  }
0x198: {  	v1 =	vadd.f32 v3, v1  }
0x199: {  	v3 =	vld [tilespmem:s22+$0x6E70]  }
0x19a: {  	v1 =	vadd.f32 v4, v1  }
0x19b: {  	v4 =	vld [tilespmem:s22+$0x6EB0]  }
0x19c: {  	v1 =	vadd.f32 v2, v1  }
0x19d: {  	v2 =	vld [tilespmem:s22+$0x6EF0]  }
0x19e: {  	v1 =	vadd.f32 v3, v1  }
0x19f: {  	v3 =	vld [tilespmem:s22+$0x6F30]  }
0x1a0: {  	v1 =	vadd.f32 v4, v1  }
0x1a1: {  	v4 =	vld [tilespmem:s22+$0x6F70]  }
0x1a2: {  	v1 =	vadd.f32 v2, v1  }
0x1a3: {  	v2 =	vld [tilespmem:s22+$0x6FB0]  }
0x1a4: {  	v1 =	vadd.f32 v3, v1;
	_ =	sdelay $0x1  }
0x1a5: {  	v3 =	vld [tilespmem:s22+$0x6FF0];
	v1 =	vadd.f32 v4, v1;
	_ =	sdelay $0x1  }
0x1a6: {  	v4 =	vadd.f32 v2, v1;
	v2 =	vld [tilespmem:s22+$0x7030];
	_ =	sdelay $0x1  }
0x1a7: {  	v1 =	vld [tilespmem:s22+$0x7070]  }
0x1a8: {  	s21 =	simm.s32 $0x1;
	v3 =	vadd.f32 v3, v4  }
.LBB2_3:
0x1a9: {  	p0 =	sne.s32 s21, $0x3;
	s23 =	smov.u32 s21;
	s21 =	sadd.s32 $0x1, s21  }
0x1aa: {  	v2 =	vadd.f32 v2, v3  }
0x1ab: {  	s22 =	smul.u32 $0x3200, s23  }
0x1ac: {  	v1 =	vadd.f32 v1, v2  }
0x1ad: {  	s22 =	sshra.s32 s22, $0x2  }
0x1ae: {  	[tilespmem:v0+s20+$0x30 ss:$0x1] =	vst.idx.msk $0xffff, v1  }
0x1af: {  	v1 =	vld [tilespmem:s22+$0x6400]  }
0x1b0: {  	v2 =	vld [tilespmem:s22+$0x6440];
	_ =	sdelay $0x1  }
0x1b1: {  	v3 =	vld [tilespmem:s22+$0x6480];
	_ =	sdelay $0x1  }
0x1b2: {  	v4 =	vld [tilespmem:s22+$0x64C0]  }
0x1b3: {  	v1 =	vadd.f32 v2, v1  }
0x1b4: {  	v2 =	vld [tilespmem:s22+$0x6500]  }
0x1b5: {  	v1 =	vadd.f32 v3, v1  }
0x1b6: {  	v3 =	vld [tilespmem:s22+$0x6540]  }
0x1b7: {  	v1 =	vadd.f32 v4, v1  }
0x1b8: {  	v4 =	vld [tilespmem:s22+$0x6580]  }
0x1b9: {  	v1 =	vadd.f32 v2, v1  }
0x1ba: {  	v2 =	vld [tilespmem:s22+$0x65C0]  }
0x1bb: {  	v1 =	vadd.f32 v3, v1  }
0x1bc: {  	v3 =	vld [tilespmem:s22+$0x6600]  }
0x1bd: {  	v1 =	vadd.f32 v4, v1  }
0x1be: {  	v4 =	vld [tilespmem:s22+$0x6640]  }
0x1bf: {  	v1 =	vadd.f32 v2, v1  }
0x1c0: {  	v2 =	vld [tilespmem:s22+$0x6680]  }
0x1c1: {  	v1 =	vadd.f32 v3, v1  }
0x1c2: {  	v3 =	vld [tilespmem:s22+$0x66C0]  }
0x1c3: {  	v1 =	vadd.f32 v4, v1  }
0x1c4: {  	v4 =	vld [tilespmem:s22+$0x6700]  }
0x1c5: {  	v1 =	vadd.f32 v2, v1  }
0x1c6: {  	v2 =	vld [tilespmem:s22+$0x6740]  }
0x1c7: {  	v1 =	vadd.f32 v3, v1  }
0x1c8: {  	v3 =	vld [tilespmem:s22+$0x6780]  }
0x1c9: {  	v1 =	vadd.f32 v4, v1  }
0x1ca: {  	v4 =	vld [tilespmem:s22+$0x67C0]  }
0x1cb: {  	v1 =	vadd.f32 v2, v1  }
0x1cc: {  	v2 =	vld [tilespmem:s22+$0x6800]  }
0x1cd: {  	v1 =	vadd.f32 v3, v1  }
0x1ce: {  	v3 =	vld [tilespmem:s22+$0x6840]  }
0x1cf: {  	v1 =	vadd.f32 v4, v1  }
0x1d0: {  	v4 =	vld [tilespmem:s22+$0x6880]  }
0x1d1: {  	v1 =	vadd.f32 v2, v1  }
0x1d2: {  	v2 =	vld [tilespmem:s22+$0x68C0]  }
0x1d3: {  	v1 =	vadd.f32 v3, v1  }
0x1d4: {  	v3 =	vld [tilespmem:s22+$0x6900]  }
0x1d5: {  	v1 =	vadd.f32 v4, v1  }
0x1d6: {  	v4 =	vld [tilespmem:s22+$0x6940]  }
0x1d7: {  	v1 =	vadd.f32 v2, v1  }
0x1d8: {  	v2 =	vld [tilespmem:s22+$0x6980]  }
0x1d9: {  	v1 =	vadd.f32 v3, v1  }
0x1da: {  	v3 =	vld [tilespmem:s22+$0x69C0]  }
0x1db: {  	v1 =	vadd.f32 v4, v1  }
0x1dc: {  	v4 =	vld [tilespmem:s22+$0x6A00]  }
0x1dd: {  	v1 =	vadd.f32 v2, v1  }
0x1de: {  	v2 =	vld [tilespmem:s22+$0x6A40]  }
0x1df: {  	v1 =	vadd.f32 v3, v1  }
0x1e0: {  	v3 =	vld [tilespmem:s22+$0x6A80]  }
0x1e1: {  	v1 =	vadd.f32 v4, v1  }
0x1e2: {  	v4 =	vld [tilespmem:s22+$0x6AC0]  }
0x1e3: {  	v1 =	vadd.f32 v2, v1  }
0x1e4: {  	v2 =	vld [tilespmem:s22+$0x6B00]  }
0x1e5: {  	v1 =	vadd.f32 v3, v1  }
0x1e6: {  	v3 =	vld [tilespmem:s22+$0x6B40]  }
0x1e7: {  	v1 =	vadd.f32 v4, v1  }
0x1e8: {  	v4 =	vld [tilespmem:s22+$0x6B80]  }
0x1e9: {  	v1 =	vadd.f32 v2, v1  }
0x1ea: {  	v2 =	vld [tilespmem:s22+$0x6BC0]  }
0x1eb: {  	v1 =	vadd.f32 v3, v1  }
0x1ec: {  	v3 =	vld [tilespmem:s22+$0x6C00]  }
0x1ed: {  	v1 =	vadd.f32 v4, v1  }
0x1ee: {  	v4 =	vld [tilespmem:s22+$0x6C40]  }
0x1ef: {  	v1 =	vadd.f32 v2, v1  }
0x1f0: {  	v2 =	vld [tilespmem:s22+$0x6C80]  }
0x1f1: {  	v1 =	vadd.f32 v3, v1  }
0x1f2: {  	v3 =	vld [tilespmem:s22+$0x6CC0]  }
0x1f3: {  	v1 =	vadd.f32 v4, v1  }
0x1f4: {  	v4 =	vld [tilespmem:s22+$0x6D00]  }
0x1f5: {  	v1 =	vadd.f32 v2, v1  }
0x1f6: {  	v2 =	vld [tilespmem:s22+$0x6D40]  }
0x1f7: {  	v1 =	vadd.f32 v3, v1  }
0x1f8: {  	v3 =	vld [tilespmem:s22+$0x6D80]  }
0x1f9: {  	v1 =	vadd.f32 v4, v1  }
0x1fa: {  	v4 =	vld [tilespmem:s22+$0x6DC0]  }
0x1fb: {  	v1 =	vadd.f32 v2, v1  }
0x1fc: {  	v2 =	vld [tilespmem:s22+$0x6E00]  }
0x1fd: {  	v1 =	vadd.f32 v3, v1  }
0x1fe: {  	v3 =	vld [tilespmem:s22+$0x6E40]  }
0x1ff: {  	v1 =	vadd.f32 v4, v1  }
0x200: {  	v4 =	vld [tilespmem:s22+$0x6E80]  }
0x201: {  	v1 =	vadd.f32 v2, v1  }
0x202: {  	v2 =	vld [tilespmem:s22+$0x6EC0]  }
0x203: {  	v1 =	vadd.f32 v3, v1  }
0x204: {  	v3 =	vld [tilespmem:s22+$0x6F00]  }
0x205: {  	v1 =	vadd.f32 v4, v1  }
0x206: {  	v4 =	vld [tilespmem:s22+$0x6F40]  }
0x207: {  	v1 =	vadd.f32 v2, v1  }
0x208: {  	v2 =	vld [tilespmem:s22+$0x6F80]  }
0x209: {  	v1 =	vadd.f32 v3, v1  }
0x20a: {  	v3 =	vld [tilespmem:s22+$0x6FC0]  }
0x20b: {  	v1 =	vadd.f32 v4, v1  }
0x20c: {  	v4 =	vld [tilespmem:s22+$0x7000]  }
0x20d: {  	v1 =	vadd.f32 v2, v1  }
0x20e: {  	v2 =	vld [tilespmem:s22+$0x7040]  }
0x20f: {  	v1 =	vadd.f32 v3, v1;
	_ =	sdelay $0x1  }
0x210: {  	v1 =	vadd.f32 v4, v1;
	_ =	sdelay $0x1  }
0x211: {  	s20 =	sshll.u32 s23, $0x6;
	v1 =	vadd.f32 v2, v1  }
0x212: {  	s20 =	sand.u32 $0x3FFFFFC0, s20  }
0x213: {  	[tilespmem:v0+s20+$0x0 ss:$0x1] =	vst.idx.msk $0xffff, v1  }
0x214: {  	v1 =	vld [tilespmem:s22+$0x6410]  }
0x215: {  	v2 =	vld [tilespmem:s22+$0x6450];
	_ =	sdelay $0x1  }
0x216: {  	v3 =	vld [tilespmem:s22+$0x6490];
	_ =	sdelay $0x1  }
0x217: {  	v4 =	vld [tilespmem:s22+$0x64D0]  }
0x218: {  	v1 =	vadd.f32 v2, v1  }
0x219: {  	v2 =	vld [tilespmem:s22+$0x6510]  }
0x21a: {  	v1 =	vadd.f32 v3, v1  }
0x21b: {  	v3 =	vld [tilespmem:s22+$0x6550]  }
0x21c: {  	v1 =	vadd.f32 v4, v1  }
0x21d: {  	v4 =	vld [tilespmem:s22+$0x6590]  }
0x21e: {  	v1 =	vadd.f32 v2, v1  }
0x21f: {  	v2 =	vld [tilespmem:s22+$0x65D0]  }
0x220: {  	v1 =	vadd.f32 v3, v1  }
0x221: {  	v3 =	vld [tilespmem:s22+$0x6610]  }
0x222: {  	v1 =	vadd.f32 v4, v1  }
0x223: {  	v4 =	vld [tilespmem:s22+$0x6650]  }
0x224: {  	v1 =	vadd.f32 v2, v1  }
0x225: {  	v2 =	vld [tilespmem:s22+$0x6690]  }
0x226: {  	v1 =	vadd.f32 v3, v1  }
0x227: {  	v3 =	vld [tilespmem:s22+$0x66D0]  }
0x228: {  	v1 =	vadd.f32 v4, v1  }
0x229: {  	v4 =	vld [tilespmem:s22+$0x6710]  }
0x22a: {  	v1 =	vadd.f32 v2, v1  }
0x22b: {  	v2 =	vld [tilespmem:s22+$0x6750]  }
0x22c: {  	v1 =	vadd.f32 v3, v1  }
0x22d: {  	v3 =	vld [tilespmem:s22+$0x6790]  }
0x22e: {  	v1 =	vadd.f32 v4, v1  }
0x22f: {  	v4 =	vld [tilespmem:s22+$0x67D0]  }
0x230: {  	v1 =	vadd.f32 v2, v1  }
0x231: {  	v2 =	vld [tilespmem:s22+$0x6810]  }
0x232: {  	v1 =	vadd.f32 v3, v1  }
0x233: {  	v3 =	vld [tilespmem:s22+$0x6850]  }
0x234: {  	v1 =	vadd.f32 v4, v1  }
0x235: {  	v4 =	vld [tilespmem:s22+$0x6890]  }
0x236: {  	v1 =	vadd.f32 v2, v1  }
0x237: {  	v2 =	vld [tilespmem:s22+$0x68D0]  }
0x238: {  	v1 =	vadd.f32 v3, v1  }
0x239: {  	v3 =	vld [tilespmem:s22+$0x6910]  }
0x23a: {  	v1 =	vadd.f32 v4, v1  }
0x23b: {  	v4 =	vld [tilespmem:s22+$0x6950]  }
0x23c: {  	v1 =	vadd.f32 v2, v1  }
0x23d: {  	v2 =	vld [tilespmem:s22+$0x6990]  }
0x23e: {  	v1 =	vadd.f32 v3, v1  }
0x23f: {  	v3 =	vld [tilespmem:s22+$0x69D0]  }
0x240: {  	v1 =	vadd.f32 v4, v1  }
0x241: {  	v4 =	vld [tilespmem:s22+$0x6A10]  }
0x242: {  	v1 =	vadd.f32 v2, v1  }
0x243: {  	v2 =	vld [tilespmem:s22+$0x6A50]  }
0x244: {  	v1 =	vadd.f32 v3, v1  }
0x245: {  	v3 =	vld [tilespmem:s22+$0x6A90]  }
0x246: {  	v1 =	vadd.f32 v4, v1  }
0x247: {  	v4 =	vld [tilespmem:s22+$0x6AD0]  }
0x248: {  	v1 =	vadd.f32 v2, v1  }
0x249: {  	v2 =	vld [tilespmem:s22+$0x6B10]  }
0x24a: {  	v1 =	vadd.f32 v3, v1  }
0x24b: {  	v3 =	vld [tilespmem:s22+$0x6B50]  }
0x24c: {  	v1 =	vadd.f32 v4, v1  }
0x24d: {  	v4 =	vld [tilespmem:s22+$0x6B90]  }
0x24e: {  	v1 =	vadd.f32 v2, v1  }
0x24f: {  	v2 =	vld [tilespmem:s22+$0x6BD0]  }
0x250: {  	v1 =	vadd.f32 v3, v1  }
0x251: {  	v3 =	vld [tilespmem:s22+$0x6C10]  }
0x252: {  	v1 =	vadd.f32 v4, v1  }
0x253: {  	v4 =	vld [tilespmem:s22+$0x6C50]  }
0x254: {  	v1 =	vadd.f32 v2, v1  }
0x255: {  	v2 =	vld [tilespmem:s22+$0x6C90]  }
0x256: {  	v1 =	vadd.f32 v3, v1  }
0x257: {  	v3 =	vld [tilespmem:s22+$0x6CD0]  }
0x258: {  	v1 =	vadd.f32 v4, v1  }
0x259: {  	v4 =	vld [tilespmem:s22+$0x6D10]  }
0x25a: {  	v1 =	vadd.f32 v2, v1  }
0x25b: {  	v2 =	vld [tilespmem:s22+$0x6D50]  }
0x25c: {  	v1 =	vadd.f32 v3, v1  }
0x25d: {  	v3 =	vld [tilespmem:s22+$0x6D90]  }
0x25e: {  	v1 =	vadd.f32 v4, v1  }
0x25f: {  	v4 =	vld [tilespmem:s22+$0x6DD0]  }
0x260: {  	v1 =	vadd.f32 v2, v1  }
0x261: {  	v2 =	vld [tilespmem:s22+$0x6E10]  }
0x262: {  	v1 =	vadd.f32 v3, v1  }
0x263: {  	v3 =	vld [tilespmem:s22+$0x6E50]  }
0x264: {  	v1 =	vadd.f32 v4, v1  }
0x265: {  	v4 =	vld [tilespmem:s22+$0x6E90]  }
0x266: {  	v1 =	vadd.f32 v2, v1  }
0x267: {  	v2 =	vld [tilespmem:s22+$0x6ED0]  }
0x268: {  	v1 =	vadd.f32 v3, v1  }
0x269: {  	v3 =	vld [tilespmem:s22+$0x6F10]  }
0x26a: {  	v1 =	vadd.f32 v4, v1  }
0x26b: {  	v4 =	vld [tilespmem:s22+$0x6F50]  }
0x26c: {  	v1 =	vadd.f32 v2, v1  }
0x26d: {  	v2 =	vld [tilespmem:s22+$0x6F90]  }
0x26e: {  	v1 =	vadd.f32 v3, v1  }
0x26f: {  	v3 =	vld [tilespmem:s22+$0x6FD0]  }
0x270: {  	v1 =	vadd.f32 v4, v1  }
0x271: {  	v4 =	vld [tilespmem:s22+$0x7010]  }
0x272: {  	v1 =	vadd.f32 v2, v1  }
0x273: {  	v2 =	vld [tilespmem:s22+$0x7050]  }
0x274: {  	v1 =	vadd.f32 v3, v1;
	_ =	sdelay $0x1  }
0x275: {  	v1 =	vadd.f32 v4, v1;
	_ =	sdelay $0x1  }
0x276: {  	v1 =	vadd.f32 v2, v1;
	_ =	sdelay $0x1  }
0x277: {  	[tilespmem:v0+s20+$0x10 ss:$0x1] =	vst.idx.msk $0xffff, v1  }
0x278: {  	v1 =	vld [tilespmem:s22+$0x6420]  }
0x279: {  	v2 =	vld [tilespmem:s22+$0x6460];
	_ =	sdelay $0x1  }
0x27a: {  	v3 =	vld [tilespmem:s22+$0x64A0];
	_ =	sdelay $0x1  }
0x27b: {  	v4 =	vld [tilespmem:s22+$0x64E0]  }
0x27c: {  	v1 =	vadd.f32 v2, v1  }
0x27d: {  	v2 =	vld [tilespmem:s22+$0x6520]  }
0x27e: {  	v1 =	vadd.f32 v3, v1  }
0x27f: {  	v3 =	vld [tilespmem:s22+$0x6560]  }
0x280: {  	v1 =	vadd.f32 v4, v1  }
0x281: {  	v4 =	vld [tilespmem:s22+$0x65A0]  }
0x282: {  	v1 =	vadd.f32 v2, v1  }
0x283: {  	v2 =	vld [tilespmem:s22+$0x65E0]  }
0x284: {  	v1 =	vadd.f32 v3, v1  }
0x285: {  	v3 =	vld [tilespmem:s22+$0x6620]  }
0x286: {  	v1 =	vadd.f32 v4, v1  }
0x287: {  	v4 =	vld [tilespmem:s22+$0x6660]  }
0x288: {  	v1 =	vadd.f32 v2, v1  }
0x289: {  	v2 =	vld [tilespmem:s22+$0x66A0]  }
0x28a: {  	v1 =	vadd.f32 v3, v1  }
0x28b: {  	v3 =	vld [tilespmem:s22+$0x66E0]  }
0x28c: {  	v1 =	vadd.f32 v4, v1  }
0x28d: {  	v4 =	vld [tilespmem:s22+$0x6720]  }
0x28e: {  	v1 =	vadd.f32 v2, v1  }
0x28f: {  	v2 =	vld [tilespmem:s22+$0x6760]  }
0x290: {  	v1 =	vadd.f32 v3, v1  }
0x291: {  	v3 =	vld [tilespmem:s22+$0x67A0]  }
0x292: {  	v1 =	vadd.f32 v4, v1  }
0x293: {  	v4 =	vld [tilespmem:s22+$0x67E0]  }
0x294: {  	v1 =	vadd.f32 v2, v1  }
0x295: {  	v2 =	vld [tilespmem:s22+$0x6820]  }
0x296: {  	v1 =	vadd.f32 v3, v1  }
0x297: {  	v3 =	vld [tilespmem:s22+$0x6860]  }
0x298: {  	v1 =	vadd.f32 v4, v1  }
0x299: {  	v4 =	vld [tilespmem:s22+$0x68A0]  }
0x29a: {  	v1 =	vadd.f32 v2, v1  }
0x29b: {  	v2 =	vld [tilespmem:s22+$0x68E0]  }
0x29c: {  	v1 =	vadd.f32 v3, v1  }
0x29d: {  	v3 =	vld [tilespmem:s22+$0x6920]  }
0x29e: {  	v1 =	vadd.f32 v4, v1  }
0x29f: {  	v4 =	vld [tilespmem:s22+$0x6960]  }
0x2a0: {  	v1 =	vadd.f32 v2, v1  }
0x2a1: {  	v2 =	vld [tilespmem:s22+$0x69A0]  }
0x2a2: {  	v1 =	vadd.f32 v3, v1  }
0x2a3: {  	v3 =	vld [tilespmem:s22+$0x69E0]  }
0x2a4: {  	v1 =	vadd.f32 v4, v1  }
0x2a5: {  	v4 =	vld [tilespmem:s22+$0x6A20]  }
0x2a6: {  	v1 =	vadd.f32 v2, v1  }
0x2a7: {  	v2 =	vld [tilespmem:s22+$0x6A60]  }
0x2a8: {  	v1 =	vadd.f32 v3, v1  }
0x2a9: {  	v3 =	vld [tilespmem:s22+$0x6AA0]  }
0x2aa: {  	v1 =	vadd.f32 v4, v1  }
0x2ab: {  	v4 =	vld [tilespmem:s22+$0x6AE0]  }
0x2ac: {  	v1 =	vadd.f32 v2, v1  }
0x2ad: {  	v2 =	vld [tilespmem:s22+$0x6B20]  }
0x2ae: {  	v1 =	vadd.f32 v3, v1  }
0x2af: {  	v3 =	vld [tilespmem:s22+$0x6B60]  }
0x2b0: {  	v1 =	vadd.f32 v4, v1  }
0x2b1: {  	v4 =	vld [tilespmem:s22+$0x6BA0]  }
0x2b2: {  	v1 =	vadd.f32 v2, v1  }
0x2b3: {  	v2 =	vld [tilespmem:s22+$0x6BE0]  }
0x2b4: {  	v1 =	vadd.f32 v3, v1  }
0x2b5: {  	v3 =	vld [tilespmem:s22+$0x6C20]  }
0x2b6: {  	v1 =	vadd.f32 v4, v1  }
0x2b7: {  	v4 =	vld [tilespmem:s22+$0x6C60]  }
0x2b8: {  	v1 =	vadd.f32 v2, v1  }
0x2b9: {  	v2 =	vld [tilespmem:s22+$0x6CA0]  }
0x2ba: {  	v1 =	vadd.f32 v3, v1  }
0x2bb: {  	v3 =	vld [tilespmem:s22+$0x6CE0]  }
0x2bc: {  	v1 =	vadd.f32 v4, v1  }
0x2bd: {  	v4 =	vld [tilespmem:s22+$0x6D20]  }
0x2be: {  	v1 =	vadd.f32 v2, v1  }
0x2bf: {  	v2 =	vld [tilespmem:s22+$0x6D60]  }
0x2c0: {  	v1 =	vadd.f32 v3, v1  }
0x2c1: {  	v3 =	vld [tilespmem:s22+$0x6DA0]  }
0x2c2: {  	v1 =	vadd.f32 v4, v1  }
0x2c3: {  	v4 =	vld [tilespmem:s22+$0x6DE0]  }
0x2c4: {  	v1 =	vadd.f32 v2, v1  }
0x2c5: {  	v2 =	vld [tilespmem:s22+$0x6E20]  }
0x2c6: {  	v1 =	vadd.f32 v3, v1  }
0x2c7: {  	v3 =	vld [tilespmem:s22+$0x6E60]  }
0x2c8: {  	v1 =	vadd.f32 v4, v1  }
0x2c9: {  	v4 =	vld [tilespmem:s22+$0x6EA0]  }
0x2ca: {  	v1 =	vadd.f32 v2, v1  }
0x2cb: {  	v2 =	vld [tilespmem:s22+$0x6EE0]  }
0x2cc: {  	v1 =	vadd.f32 v3, v1  }
0x2cd: {  	v3 =	vld [tilespmem:s22+$0x6F20]  }
0x2ce: {  	v1 =	vadd.f32 v4, v1  }
0x2cf: {  	v4 =	vld [tilespmem:s22+$0x6F60]  }
0x2d0: {  	v1 =	vadd.f32 v2, v1  }
0x2d1: {  	v2 =	vld [tilespmem:s22+$0x6FA0]  }
0x2d2: {  	v1 =	vadd.f32 v3, v1  }
0x2d3: {  	v3 =	vld [tilespmem:s22+$0x6FE0]  }
0x2d4: {  	v1 =	vadd.f32 v4, v1  }
0x2d5: {  	v4 =	vld [tilespmem:s22+$0x7020]  }
0x2d6: {  	v1 =	vadd.f32 v2, v1  }
0x2d7: {  	v2 =	vld [tilespmem:s22+$0x7060]  }
0x2d8: {  	v1 =	vadd.f32 v3, v1;
	_ =	sdelay $0x1  }
0x2d9: {  	v1 =	vadd.f32 v4, v1;
	_ =	sdelay $0x1  }
0x2da: {  	v1 =	vadd.f32 v2, v1;
	_ =	sdelay $0x1  }
0x2db: {  	[tilespmem:v0+s20+$0x20 ss:$0x1] =	vst.idx.msk $0xffff, v1  }
0x2dc: {  	v1 =	vld [tilespmem:s22+$0x6430]  }
0x2dd: {  	v2 =	vld [tilespmem:s22+$0x6470]  }
0x2de: {  	v3 =	vld [tilespmem:s22+$0x64B0]  }
0x2df: {  	v4 =	vld [tilespmem:s22+$0x64F0]  }
0x2e0: {  	v5 =	vld [tilespmem:s22+$0x6530]  }
0x2e1: {  	v6 =	vld [tilespmem:s22+$0x6570]  }
0x2e2: {  	v1 =	vadd.f32 v2, v1;
	v2 =	vld [tilespmem:s22+$0x65B0]  }
0x2e3: {  	v7 =	vld [tilespmem:s22+$0x65F0]  }
0x2e4: {  	v1 =	vadd.f32 v3, v1;
	v3 =	vld [tilespmem:s22+$0x6630]  }
0x2e5: {  	v8 =	vld [tilespmem:s22+$0x6670]  }
0x2e6: {  	v1 =	vadd.f32 v4, v1;
	v4 =	vld [tilespmem:s22+$0x66B0]  }
0x2e7: {  	v9 =	vld [tilespmem:s22+$0x66F0]  }
0x2e8: {  	v1 =	vadd.f32 v5, v1;
	v5 =	vld [tilespmem:s22+$0x6730]  }
0x2e9: {  	v10 =	vld [tilespmem:s22+$0x6770]  }
0x2ea: {  	v1 =	vadd.f32 v6, v1;
	v6 =	vld [tilespmem:s22+$0x67B0]  }
0x2eb: {  	v11 =	vld [tilespmem:s22+$0x67F0]  }
0x2ec: {  	v1 =	vadd.f32 v2, v1;
	v2 =	vld [tilespmem:s22+$0x6830]  }
0x2ed: {  	v12 =	vld [tilespmem:s22+$0x6870]  }
0x2ee: {  	v1 =	vadd.f32 v7, v1;
	v7 =	vld [tilespmem:s22+$0x68B0]  }
0x2ef: {  	v13 =	vld [tilespmem:s22+$0x68F0]  }
0x2f0: {  	v1 =	vadd.f32 v3, v1;
	v3 =	vld [tilespmem:s22+$0x6930]  }
0x2f1: {  	v14 =	vld [tilespmem:s22+$0x6970]  }
0x2f2: {  	v1 =	vadd.f32 v8, v1;
	v8 =	vld [tilespmem:s22+$0x69B0]  }
0x2f3: {  	v15 =	vld [tilespmem:s22+$0x69F0]  }
0x2f4: {  	v1 =	vadd.f32 v4, v1;
	v4 =	vld [tilespmem:s22+$0x6A30]  }
0x2f5: {  	v16 =	vld [tilespmem:s22+$0x6A70]  }
0x2f6: {  	v1 =	vadd.f32 v9, v1;
	v9 =	vld [tilespmem:s22+$0x6AB0]  }
0x2f7: {  	v17 =	vld [tilespmem:s22+$0x6AF0]  }
0x2f8: {  	v1 =	vadd.f32 v5, v1;
	v5 =	vld [tilespmem:s22+$0x6B30]  }
0x2f9: {  	v18 =	vld [tilespmem:s22+$0x6B70]  }
0x2fa: {  	v1 =	vadd.f32 v10, v1;
	v10 =	vld [tilespmem:s22+$0x6BB0]  }
0x2fb: {  	v19 =	vld [tilespmem:s22+$0x6BF0]  }
0x2fc: {  	v1 =	vadd.f32 v6, v1;
	v6 =	vld [tilespmem:s22+$0x6C30]  }
0x2fd: {  	v20 =	vld [tilespmem:s22+$0x6C70]  }
0x2fe: {  	v1 =	vadd.f32 v11, v1;
	v11 =	vld [tilespmem:s22+$0x6CB0]  }
0x2ff: {  	v21 =	vld [tilespmem:s22+$0x6CF0]  }
0x300: {  	v1 =	vadd.f32 v2, v1;
	v22 =	vld [tilespmem:s22+$0x6D30]  }
0x301: {  	v23 =	vld [tilespmem:s22+$0x6D70]  }
0x302: {  	v1 =	vadd.f32 v12, v1;
	v12 =	vld [tilespmem:s22+$0x6DB0]  }
0x303: {  	v24 =	vld [tilespmem:s22+$0x6DF0]  }
0x304: {  	v1 =	vadd.f32 v7, v1;
	v7 =	vld [tilespmem:s22+$0x6E30]  }
0x305: {  	v25 =	vld [tilespmem:s22+$0x6E70]  }
0x306: {  	v1 =	vadd.f32 v13, v1;
	v13 =	vld [tilespmem:s22+$0x6EB0]  }
0x307: {  	v26 =	vld [tilespmem:s22+$0x6EF0]  }
0x308: {  	v1 =	vadd.f32 v3, v1;
	v3 =	vld [tilespmem:s22+$0x6F30]  }
0x309: {  	v27 =	vld [tilespmem:s22+$0x6F70]  }
0x30a: {  	v1 =	vadd.f32 v14, v1;
	v14 =	vld [tilespmem:s22+$0x6FB0]  }
0x30b: {  	v28 =	vld [tilespmem:s22+$0x6FF0]  }
0x30c: {  	v8 =	vadd.f32 v8, v1;
	v2 =	vld [tilespmem:s22+$0x7030]  }
0x30d: {  	v1 =	vld [tilespmem:s22+$0x7070]  }
0x30e: {  	v8 =	vadd.f32 v15, v8;
	_ =	sdelay $0x1  }
0x30f: {  	v4 =	vadd.f32 v4, v8;
	_ =	sdelay $0x1  }
0x310: {  	v4 =	vadd.f32 v16, v4;
	_ =	sdelay $0x1  }
0x311: {  	v4 =	vadd.f32 v9, v4;
	_ =	sdelay $0x1  }
0x312: {  	v4 =	vadd.f32 v17, v4;
	_ =	sdelay $0x1  }
0x313: {  	v4 =	vadd.f32 v5, v4;
	_ =	sdelay $0x1  }
0x314: {  	v4 =	vadd.f32 v18, v4;
	_ =	sdelay $0x1  }
0x315: {  	v4 =	vadd.f32 v10, v4;
	_ =	sdelay $0x1  }
0x316: {  	v4 =	vadd.f32 v19, v4;
	_ =	sdelay $0x1  }
0x317: {  	v4 =	vadd.f32 v6, v4;
	_ =	sdelay $0x1  }
0x318: {  	v4 =	vadd.f32 v20, v4;
	_ =	sdelay $0x1  }
0x319: {  	v4 =	vadd.f32 v11, v4;
	_ =	sdelay $0x1  }
0x31a: {  	v4 =	vadd.f32 v21, v4;
	_ =	sdelay $0x1  }
0x31b: {  	v4 =	vadd.f32 v22, v4;
	_ =	sdelay $0x1  }
0x31c: {  	v4 =	vadd.f32 v23, v4;
	_ =	sdelay $0x1  }
0x31d: {  	v4 =	vadd.f32 v12, v4;
	_ =	sdelay $0x1  }
0x31e: {  	v4 =	vadd.f32 v24, v4;
	_ =	sdelay $0x1  }
0x31f: {  	v4 =	vadd.f32 v7, v4;
	_ =	sdelay $0x1  }
0x320: {  	v4 =	vadd.f32 v25, v4;
	_ =	sdelay $0x1  }
0x321: {  	v4 =	vadd.f32 v13, v4;
	_ =	sdelay $0x1  }
0x322: {  	v4 =	vadd.f32 v26, v4;
	_ =	sdelay $0x1  }
0x323: {  	v3 =	vadd.f32 v3, v4;
	_ =	sdelay $0x1  }
.Ltmp0:
0x324: {  	v3 =	vadd.f32 v27, v3;
	(pc) =	sbr.rel @p0 .LBB2_3-.Ltmp0, $3  }
0x325: {  	_ = 	snop  }
0x326: {  	v3 =	vadd.f32 v14, v3;
	_ =	sdelay $0x1  }
0x327: {  	v3 =	vadd.f32 v28, v3  }
0x328: {  	_ = 	snop  }
0x329: {  	p0 =	seq.s32 s18, $0x3F;
	v2 =	vadd.f32 v2, v3  }
0x32a: {  	s21 =	smul.u32 @!p0 $0x640, s18  }
0x32b: {  	v1 =	vadd.f32 v1, v2  }
0x32c: {  	s29 =	simm.s32 $0x0;
	s21 =	sshra.s32 @!p0 s21, $0x2  }
0x32d: {  	s22 =	simm.s32 @!p0 $0x80;
	s23 =	simm.s32 @!p0 $0x6400;
	[tilespmem:v0+s20+$0x30 ss:$0x1] =	vst.idx.msk $0xffff, v1;
	s20 =	sadd.s32 @!p0 $0x190, s21  }
0x32e: {  	[tilespmem:s23], [sflag:$0x1] =	stream.indirect.gather @!p0 [hbm4b:s3+s22], $0x40, s20, s22, $0xb8;
	[tilespmem:$0x14800] =	vst v63  }
0x32f: {  	s20 =	sadd.s32 @!p0 $0x210, s21;
	s21 =	simm.s32 @!p0 $0x48;
	s22 =	simm.s32 @!p0 $0x8400  }
0x330: {  	[tilespmem:s22], [sflag:$0x1] =	stream.indirect.gather @!p0 [hbm4b:s3+s21], $0x40, s20, s21, $0xb8;
	[tilespmem:$0x14800] =	vst v63  }
0x331: {  	s20 =	smul.u32 $0x3200, s29;
	_ =	swait.ge [sflag:s15], $0x3200  }
0x332: {  	[sflag:s15] =	ssyncset.done $0x0  }
0x333: {  	s30 =	sshra.s32 s20, $0x2;
	[sflag:s15] =	ssyncadd.s32 $0xFFFFCE00  }
0x334: {  	v0 =	vld [tilespmem:s30+$0x9600]  }
0x335: {  	v1 =	vld [tilespmem:s30+$0x9640];
	_ =	sdelay $0x1  }
0x336: {  	v2 =	vld [tilespmem:s30+$0x9680];
	_ =	sdelay $0x1  }
0x337: {  	v3 =	vld [tilespmem:s30+$0x96C0]  }
0x338: {  	v0 =	vadd.f32 v1, v0  }
0x339: {  	v1 =	vld [tilespmem:s30+$0x9700]  }
0x33a: {  	v0 =	vadd.f32 v2, v0  }
0x33b: {  	v2 =	vld [tilespmem:s30+$0x9740]  }
0x33c: {  	v0 =	vadd.f32 v3, v0  }
0x33d: {  	v3 =	vld [tilespmem:s30+$0x9780]  }
0x33e: {  	v0 =	vadd.f32 v1, v0  }
0x33f: {  	v1 =	vld [tilespmem:s30+$0x97C0]  }
0x340: {  	v0 =	vadd.f32 v2, v0  }
0x341: {  	v2 =	vld [tilespmem:s30+$0x9800]  }
0x342: {  	v0 =	vadd.f32 v3, v0  }
0x343: {  	v3 =	vld [tilespmem:s30+$0x9840]  }
0x344: {  	v0 =	vadd.f32 v1, v0  }
0x345: {  	v1 =	vld [tilespmem:s30+$0x9880]  }
0x346: {  	v0 =	vadd.f32 v2, v0  }
0x347: {  	v2 =	vld [tilespmem:s30+$0x98C0]  }
0x348: {  	v0 =	vadd.f32 v3, v0  }
0x349: {  	v3 =	vld [tilespmem:s30+$0x9900]  }
0x34a: {  	v0 =	vadd.f32 v1, v0  }
0x34b: {  	v1 =	vld [tilespmem:s30+$0x9940]  }
0x34c: {  	v0 =	vadd.f32 v2, v0  }
0x34d: {  	v2 =	vld [tilespmem:s30+$0x9980]  }
0x34e: {  	v0 =	vadd.f32 v3, v0  }
0x34f: {  	v3 =	vld [tilespmem:s30+$0x99C0]  }
0x350: {  	v0 =	vadd.f32 v1, v0  }
0x351: {  	v1 =	vld [tilespmem:s30+$0x9A00]  }
0x352: {  	v0 =	vadd.f32 v2, v0  }
0x353: {  	v2 =	vld [tilespmem:s30+$0x9A40]  }
0x354: {  	v0 =	vadd.f32 v3, v0  }
0x355: {  	v3 =	vld [tilespmem:s30+$0x9A80]  }
0x356: {  	v0 =	vadd.f32 v1, v0  }
0x357: {  	v1 =	vld [tilespmem:s30+$0x9AC0]  }
0x358: {  	v0 =	vadd.f32 v2, v0  }
0x359: {  	v2 =	vld [tilespmem:s30+$0x9B00]  }
0x35a: {  	v0 =	vadd.f32 v3, v0  }
0x35b: {  	v3 =	vld [tilespmem:s30+$0x9B40]  }
0x35c: {  	v0 =	vadd.f32 v1, v0  }
0x35d: {  	v1 =	vld [tilespmem:s30+$0x9B80]  }
0x35e: {  	v0 =	vadd.f32 v2, v0  }
0x35f: {  	v2 =	vld [tilespmem:s30+$0x9BC0]  }
0x360: {  	v0 =	vadd.f32 v3, v0  }
0x361: {  	v3 =	vld [tilespmem:s30+$0x9C00]  }
0x362: {  	v0 =	vadd.f32 v1, v0  }
0x363: {  	v1 =	vld [tilespmem:s30+$0x9C40]  }
0x364: {  	v0 =	vadd.f32 v2, v0  }
0x365: {  	v2 =	vld [tilespmem:s30+$0x9C80]  }
0x366: {  	v0 =	vadd.f32 v3, v0  }
0x367: {  	v3 =	vld [tilespmem:s30+$0x9CC0]  }
0x368: {  	v0 =	vadd.f32 v1, v0  }
0x369: {  	v1 =	vld [tilespmem:s30+$0x9D00]  }
0x36a: {  	v0 =	vadd.f32 v2, v0  }
0x36b: {  	v2 =	vld [tilespmem:s30+$0x9D40]  }
0x36c: {  	v0 =	vadd.f32 v3, v0  }
0x36d: {  	v3 =	vld [tilespmem:s30+$0x9D80]  }
0x36e: {  	v0 =	vadd.f32 v1, v0  }
0x36f: {  	v1 =	vld [tilespmem:s30+$0x9DC0]  }
0x370: {  	v0 =	vadd.f32 v2, v0  }
0x371: {  	v2 =	vld [tilespmem:s30+$0x9E00]  }
0x372: {  	v0 =	vadd.f32 v3, v0  }
0x373: {  	v3 =	vld [tilespmem:s30+$0x9E40]  }
0x374: {  	v0 =	vadd.f32 v1, v0  }
0x375: {  	v1 =	vld [tilespmem:s30+$0x9E80]  }
0x376: {  	v0 =	vadd.f32 v2, v0  }
0x377: {  	v2 =	vld [tilespmem:s30+$0x9EC0]  }
0x378: {  	v0 =	vadd.f32 v3, v0  }
0x379: {  	v3 =	vld [tilespmem:s30+$0x9F00]  }
0x37a: {  	v0 =	vadd.f32 v1, v0  }
0x37b: {  	v1 =	vld [tilespmem:s30+$0x9F40]  }
0x37c: {  	v0 =	vadd.f32 v2, v0  }
0x37d: {  	v2 =	vld [tilespmem:s30+$0x9F80]  }
0x37e: {  	v0 =	vadd.f32 v3, v0  }
0x37f: {  	v3 =	vld [tilespmem:s30+$0x9FC0]  }
0x380: {  	v0 =	vadd.f32 v1, v0  }
0x381: {  	v1 =	vld [tilespmem:s30+$0xA000]  }
0x382: {  	v0 =	vadd.f32 v2, v0  }
0x383: {  	v2 =	vld [tilespmem:s30+$0xA040]  }
0x384: {  	v0 =	vadd.f32 v3, v0  }
0x385: {  	v3 =	vld [tilespmem:s30+$0xA080]  }
0x386: {  	v0 =	vadd.f32 v1, v0  }
0x387: {  	v1 =	vld [tilespmem:s30+$0xA0C0]  }
0x388: {  	v0 =	vadd.f32 v2, v0  }
0x389: {  	v2 =	vld [tilespmem:s30+$0xA100]  }
0x38a: {  	v0 =	vadd.f32 v3, v0  }
0x38b: {  	v3 =	vld [tilespmem:s30+$0xA140]  }
0x38c: {  	v0 =	vadd.f32 v1, v0  }
0x38d: {  	v1 =	vld [tilespmem:s30+$0xA180]  }
0x38e: {  	v0 =	vadd.f32 v2, v0  }
0x38f: {  	v2 =	vld [tilespmem:s30+$0xA1C0]  }
0x390: {  	v0 =	vadd.f32 v3, v0  }
0x391: {  	v3 =	vld [tilespmem:s30+$0xA200]  }
0x392: {  	s19 =	sshll.u32 s19, $0x8;
	v0 =	vadd.f32 v1, v0  }
0x393: {  	s19 =	sand.u32 $0x3FFFFF00, s19;
	v1 =	vld [tilespmem:s30+$0xA240]  }
0x394: {  	s19 =	sadd.s32 $0xC800, s19;
	v2 =	vadd.f32 v2, v0  }
0x395: {  	v0 =	vmov s19  }
0x396: {  	v2 =	vadd.f32 v3, v2;
	_ =	sdelay $0x1  }
0x397: {  	s31 =	simm.s32 $0x0;
	v1 =	vadd.f32 v1, v2  }
0x398: {  	s19 =	sand.u32 $0x3FFFFFC0, s31  }
0x399: {  	[tilespmem:v0+s19+$0x0 ss:$0x1] =	vst.idx.msk $0xffff, v1  }
0x39a: {  	v1 =	vld [tilespmem:s30+$0x9610]  }
0x39b: {  	v2 =	vld [tilespmem:s30+$0x9650];
	_ =	sdelay $0x1  }
0x39c: {  	v3 =	vld [tilespmem:s30+$0x9690];
	_ =	sdelay $0x1  }
0x39d: {  	v4 =	vld [tilespmem:s30+$0x96D0]  }
0x39e: {  	v1 =	vadd.f32 v2, v1  }
0x39f: {  	v2 =	vld [tilespmem:s30+$0x9710]  }
0x3a0: {  	v1 =	vadd.f32 v3, v1  }
0x3a1: {  	v3 =	vld [tilespmem:s30+$0x9750]  }
0x3a2: {  	v1 =	vadd.f32 v4, v1  }
0x3a3: {  	v4 =	vld [tilespmem:s30+$0x9790]  }
0x3a4: {  	v1 =	vadd.f32 v2, v1  }
0x3a5: {  	v2 =	vld [tilespmem:s30+$0x97D0]  }
0x3a6: {  	v1 =	vadd.f32 v3, v1  }
0x3a7: {  	v3 =	vld [tilespmem:s30+$0x9810]  }
0x3a8: {  	v1 =	vadd.f32 v4, v1  }
0x3a9: {  	v4 =	vld [tilespmem:s30+$0x9850]  }
0x3aa: {  	v1 =	vadd.f32 v2, v1  }
0x3ab: {  	v2 =	vld [tilespmem:s30+$0x9890]  }
0x3ac: {  	v1 =	vadd.f32 v3, v1  }
0x3ad: {  	v3 =	vld [tilespmem:s30+$0x98D0]  }
0x3ae: {  	v1 =	vadd.f32 v4, v1  }
0x3af: {  	v4 =	vld [tilespmem:s30+$0x9910]  }
0x3b0: {  	v1 =	vadd.f32 v2, v1  }
0x3b1: {  	v2 =	vld [tilespmem:s30+$0x9950]  }
0x3b2: {  	v1 =	vadd.f32 v3, v1  }
0x3b3: {  	v3 =	vld [tilespmem:s30+$0x9990]  }
0x3b4: {  	v1 =	vadd.f32 v4, v1  }
0x3b5: {  	v4 =	vld [tilespmem:s30+$0x99D0]  }
0x3b6: {  	v1 =	vadd.f32 v2, v1  }
0x3b7: {  	v2 =	vld [tilespmem:s30+$0x9A10]  }
0x3b8: {  	v1 =	vadd.f32 v3, v1  }
0x3b9: {  	v3 =	vld [tilespmem:s30+$0x9A50]  }
0x3ba: {  	v1 =	vadd.f32 v4, v1  }
0x3bb: {  	v4 =	vld [tilespmem:s30+$0x9A90]  }
0x3bc: {  	v1 =	vadd.f32 v2, v1  }
0x3bd: {  	v2 =	vld [tilespmem:s30+$0x9AD0]  }
0x3be: {  	v1 =	vadd.f32 v3, v1  }
0x3bf: {  	v3 =	vld [tilespmem:s30+$0x9B10]  }
0x3c0: {  	v1 =	vadd.f32 v4, v1  }
0x3c1: {  	v4 =	vld [tilespmem:s30+$0x9B50]  }
0x3c2: {  	v1 =	vadd.f32 v2, v1  }
0x3c3: {  	v2 =	vld [tilespmem:s30+$0x9B90]  }
0x3c4: {  	v1 =	vadd.f32 v3, v1  }
0x3c5: {  	v3 =	vld [tilespmem:s30+$0x9BD0]  }
0x3c6: {  	v1 =	vadd.f32 v4, v1  }
0x3c7: {  	v4 =	vld [tilespmem:s30+$0x9C10]  }
0x3c8: {  	v1 =	vadd.f32 v2, v1  }
0x3c9: {  	v2 =	vld [tilespmem:s30+$0x9C50]  }
0x3ca: {  	v1 =	vadd.f32 v3, v1  }
0x3cb: {  	v3 =	vld [tilespmem:s30+$0x9C90]  }
0x3cc: {  	v1 =	vadd.f32 v4, v1  }
0x3cd: {  	v4 =	vld [tilespmem:s30+$0x9CD0]  }
0x3ce: {  	v1 =	vadd.f32 v2, v1  }
0x3cf: {  	v2 =	vld [tilespmem:s30+$0x9D10]  }
0x3d0: {  	v1 =	vadd.f32 v3, v1  }
0x3d1: {  	v3 =	vld [tilespmem:s30+$0x9D50]  }
0x3d2: {  	v1 =	vadd.f32 v4, v1  }
0x3d3: {  	v4 =	vld [tilespmem:s30+$0x9D90]  }
0x3d4: {  	v1 =	vadd.f32 v2, v1  }
0x3d5: {  	v2 =	vld [tilespmem:s30+$0x9DD0]  }
0x3d6: {  	v1 =	vadd.f32 v3, v1  }
0x3d7: {  	v3 =	vld [tilespmem:s30+$0x9E10]  }
0x3d8: {  	v1 =	vadd.f32 v4, v1  }
0x3d9: {  	v4 =	vld [tilespmem:s30+$0x9E50]  }
0x3da: {  	v1 =	vadd.f32 v2, v1  }
0x3db: {  	v2 =	vld [tilespmem:s30+$0x9E90]  }
0x3dc: {  	v1 =	vadd.f32 v3, v1  }
0x3dd: {  	v3 =	vld [tilespmem:s30+$0x9ED0]  }
0x3de: {  	v1 =	vadd.f32 v4, v1  }
0x3df: {  	v4 =	vld [tilespmem:s30+$0x9F10]  }
0x3e0: {  	v1 =	vadd.f32 v2, v1  }
0x3e1: {  	v2 =	vld [tilespmem:s30+$0x9F50]  }
0x3e2: {  	v1 =	vadd.f32 v3, v1  }
0x3e3: {  	v3 =	vld [tilespmem:s30+$0x9F90]  }
0x3e4: {  	v1 =	vadd.f32 v4, v1  }
0x3e5: {  	v4 =	vld [tilespmem:s30+$0x9FD0]  }
0x3e6: {  	v1 =	vadd.f32 v2, v1  }
0x3e7: {  	v2 =	vld [tilespmem:s30+$0xA010]  }
0x3e8: {  	v1 =	vadd.f32 v3, v1  }
0x3e9: {  	v3 =	vld [tilespmem:s30+$0xA050]  }
0x3ea: {  	v1 =	vadd.f32 v4, v1  }
0x3eb: {  	v4 =	vld [tilespmem:s30+$0xA090]  }
0x3ec: {  	v1 =	vadd.f32 v2, v1  }
0x3ed: {  	v2 =	vld [tilespmem:s30+$0xA0D0]  }
0x3ee: {  	v1 =	vadd.f32 v3, v1  }
0x3ef: {  	v3 =	vld [tilespmem:s30+$0xA110]  }
0x3f0: {  	v1 =	vadd.f32 v4, v1  }
0x3f1: {  	v4 =	vld [tilespmem:s30+$0xA150]  }
0x3f2: {  	v1 =	vadd.f32 v2, v1  }
0x3f3: {  	v2 =	vld [tilespmem:s30+$0xA190]  }
0x3f4: {  	v1 =	vadd.f32 v3, v1  }
0x3f5: {  	v3 =	vld [tilespmem:s30+$0xA1D0]  }
0x3f6: {  	v1 =	vadd.f32 v4, v1  }
0x3f7: {  	v4 =	vld [tilespmem:s30+$0xA210]  }
0x3f8: {  	v1 =	vadd.f32 v2, v1  }
0x3f9: {  	v2 =	vld [tilespmem:s30+$0xA250]  }
0x3fa: {  	v1 =	vadd.f32 v3, v1;
	_ =	sdelay $0x1  }
0x3fb: {  	v1 =	vadd.f32 v4, v1;
	_ =	sdelay $0x1  }
0x3fc: {  	v1 =	vadd.f32 v2, v1;
	_ =	sdelay $0x1  }
0x3fd: {  	[tilespmem:v0+s19+$0x10 ss:$0x1] =	vst.idx.msk $0xffff, v1  }
0x3fe: {  	v1 =	vld [tilespmem:s30+$0x9620]  }
0x3ff: {  	v2 =	vld [tilespmem:s30+$0x9660];
	_ =	sdelay $0x1  }
0x400: {  	v3 =	vld [tilespmem:s30+$0x96A0];
	_ =	sdelay $0x1  }
0x401: {  	v4 =	vld [tilespmem:s30+$0x96E0]  }
0x402: {  	v1 =	vadd.f32 v2, v1  }
0x403: {  	v2 =	vld [tilespmem:s30+$0x9720]  }
0x404: {  	v1 =	vadd.f32 v3, v1  }
0x405: {  	v3 =	vld [tilespmem:s30+$0x9760]  }
0x406: {  	v1 =	vadd.f32 v4, v1  }
0x407: {  	v4 =	vld [tilespmem:s30+$0x97A0]  }
0x408: {  	v1 =	vadd.f32 v2, v1  }
0x409: {  	v2 =	vld [tilespmem:s30+$0x97E0]  }
0x40a: {  	v1 =	vadd.f32 v3, v1  }
0x40b: {  	v3 =	vld [tilespmem:s30+$0x9820]  }
0x40c: {  	v1 =	vadd.f32 v4, v1  }
0x40d: {  	v4 =	vld [tilespmem:s30+$0x9860]  }
0x40e: {  	v1 =	vadd.f32 v2, v1  }
0x40f: {  	v2 =	vld [tilespmem:s30+$0x98A0]  }
0x410: {  	v1 =	vadd.f32 v3, v1  }
0x411: {  	v3 =	vld [tilespmem:s30+$0x98E0]  }
0x412: {  	v1 =	vadd.f32 v4, v1  }
0x413: {  	v4 =	vld [tilespmem:s30+$0x9920]  }
0x414: {  	v1 =	vadd.f32 v2, v1  }
0x415: {  	v2 =	vld [tilespmem:s30+$0x9960]  }
0x416: {  	v1 =	vadd.f32 v3, v1  }
0x417: {  	v3 =	vld [tilespmem:s30+$0x99A0]  }
0x418: {  	v1 =	vadd.f32 v4, v1  }
0x419: {  	v4 =	vld [tilespmem:s30+$0x99E0]  }
0x41a: {  	v1 =	vadd.f32 v2, v1  }
0x41b: {  	v2 =	vld [tilespmem:s30+$0x9A20]  }
0x41c: {  	v1 =	vadd.f32 v3, v1  }
0x41d: {  	v3 =	vld [tilespmem:s30+$0x9A60]  }
0x41e: {  	v1 =	vadd.f32 v4, v1  }
0x41f: {  	v4 =	vld [tilespmem:s30+$0x9AA0]  }
0x420: {  	v1 =	vadd.f32 v2, v1  }
0x421: {  	v2 =	vld [tilespmem:s30+$0x9AE0]  }
0x422: {  	v1 =	vadd.f32 v3, v1  }
0x423: {  	v3 =	vld [tilespmem:s30+$0x9B20]  }
0x424: {  	v1 =	vadd.f32 v4, v1  }
0x425: {  	v4 =	vld [tilespmem:s30+$0x9B60]  }
0x426: {  	v1 =	vadd.f32 v2, v1  }
0x427: {  	v2 =	vld [tilespmem:s30+$0x9BA0]  }
0x428: {  	v1 =	vadd.f32 v3, v1  }
0x429: {  	v3 =	vld [tilespmem:s30+$0x9BE0]  }
0x42a: {  	v1 =	vadd.f32 v4, v1  }
0x42b: {  	v4 =	vld [tilespmem:s30+$0x9C20]  }
0x42c: {  	v1 =	vadd.f32 v2, v1  }
0x42d: {  	v2 =	vld [tilespmem:s30+$0x9C60]  }
0x42e: {  	v1 =	vadd.f32 v3, v1  }
0x42f: {  	v3 =	vld [tilespmem:s30+$0x9CA0]  }
0x430: {  	v1 =	vadd.f32 v4, v1  }
0x431: {  	v4 =	vld [tilespmem:s30+$0x9CE0]  }
0x432: {  	v1 =	vadd.f32 v2, v1  }
0x433: {  	v2 =	vld [tilespmem:s30+$0x9D20]  }
0x434: {  	v1 =	vadd.f32 v3, v1  }
0x435: {  	v3 =	vld [tilespmem:s30+$0x9D60]  }
0x436: {  	v1 =	vadd.f32 v4, v1  }
0x437: {  	v4 =	vld [tilespmem:s30+$0x9DA0]  }
0x438: {  	v1 =	vadd.f32 v2, v1  }
0x439: {  	v2 =	vld [tilespmem:s30+$0x9DE0]  }
0x43a: {  	v1 =	vadd.f32 v3, v1  }
0x43b: {  	v3 =	vld [tilespmem:s30+$0x9E20]  }
0x43c: {  	v1 =	vadd.f32 v4, v1  }
0x43d: {  	v4 =	vld [tilespmem:s30+$0x9E60]  }
0x43e: {  	v1 =	vadd.f32 v2, v1  }
0x43f: {  	v2 =	vld [tilespmem:s30+$0x9EA0]  }
0x440: {  	v1 =	vadd.f32 v3, v1  }
0x441: {  	v3 =	vld [tilespmem:s30+$0x9EE0]  }
0x442: {  	v1 =	vadd.f32 v4, v1  }
0x443: {  	v4 =	vld [tilespmem:s30+$0x9F20]  }
0x444: {  	v1 =	vadd.f32 v2, v1  }
0x445: {  	v2 =	vld [tilespmem:s30+$0x9F60]  }
0x446: {  	v1 =	vadd.f32 v3, v1  }
0x447: {  	v3 =	vld [tilespmem:s30+$0x9FA0]  }
0x448: {  	v1 =	vadd.f32 v4, v1  }
0x449: {  	v4 =	vld [tilespmem:s30+$0x9FE0]  }
0x44a: {  	v1 =	vadd.f32 v2, v1  }
0x44b: {  	v2 =	vld [tilespmem:s30+$0xA020]  }
0x44c: {  	v1 =	vadd.f32 v3, v1  }
0x44d: {  	v3 =	vld [tilespmem:s30+$0xA060]  }
0x44e: {  	v1 =	vadd.f32 v4, v1  }
0x44f: {  	v4 =	vld [tilespmem:s30+$0xA0A0]  }
0x450: {  	v1 =	vadd.f32 v2, v1  }
0x451: {  	v2 =	vld [tilespmem:s30+$0xA0E0]  }
0x452: {  	v1 =	vadd.f32 v3, v1  }
0x453: {  	v3 =	vld [tilespmem:s30+$0xA120]  }
0x454: {  	v1 =	vadd.f32 v4, v1  }
0x455: {  	v4 =	vld [tilespmem:s30+$0xA160]  }
0x456: {  	v1 =	vadd.f32 v2, v1  }
0x457: {  	v2 =	vld [tilespmem:s30+$0xA1A0]  }
0x458: {  	v1 =	vadd.f32 v3, v1  }
0x459: {  	v3 =	vld [tilespmem:s30+$0xA1E0]  }
0x45a: {  	v1 =	vadd.f32 v4, v1  }
0x45b: {  	v4 =	vld [tilespmem:s30+$0xA220]  }
0x45c: {  	v1 =	vadd.f32 v2, v1  }
0x45d: {  	v2 =	vld [tilespmem:s30+$0xA260]  }
0x45e: {  	v1 =	vadd.f32 v3, v1;
	_ =	sdelay $0x1  }
0x45f: {  	v1 =	vadd.f32 v4, v1;
	_ =	sdelay $0x1  }
0x460: {  	v1 =	vadd.f32 v2, v1;
	_ =	sdelay $0x1  }
0x461: {  	[tilespmem:v0+s19+$0x20 ss:$0x1] =	vst.idx.msk $0xffff, v1  }
0x462: {  	v1 =	vld [tilespmem:s30+$0x9630]  }
0x463: {  	v2 =	vld [tilespmem:s30+$0x9670];
	_ =	sdelay $0x1  }
0x464: {  	v3 =	vld [tilespmem:s30+$0x96B0];
	_ =	sdelay $0x1  }
0x465: {  	v4 =	vld [tilespmem:s30+$0x96F0]  }
0x466: {  	v1 =	vadd.f32 v2, v1  }
0x467: {  	v2 =	vld [tilespmem:s30+$0x9730]  }
0x468: {  	v1 =	vadd.f32 v3, v1  }
0x469: {  	v3 =	vld [tilespmem:s30+$0x9770]  }
0x46a: {  	v1 =	vadd.f32 v4, v1  }
0x46b: {  	v4 =	vld [tilespmem:s30+$0x97B0]  }
0x46c: {  	v1 =	vadd.f32 v2, v1  }
0x46d: {  	v2 =	vld [tilespmem:s30+$0x97F0]  }
0x46e: {  	v1 =	vadd.f32 v3, v1  }
0x46f: {  	v3 =	vld [tilespmem:s30+$0x9830]  }
0x470: {  	v1 =	vadd.f32 v4, v1  }
0x471: {  	v4 =	vld [tilespmem:s30+$0x9870]  }
0x472: {  	v1 =	vadd.f32 v2, v1  }
0x473: {  	v2 =	vld [tilespmem:s30+$0x98B0]  }
0x474: {  	v1 =	vadd.f32 v3, v1  }
0x475: {  	v3 =	vld [tilespmem:s30+$0x98F0]  }
0x476: {  	v1 =	vadd.f32 v4, v1  }
0x477: {  	v4 =	vld [tilespmem:s30+$0x9930]  }
0x478: {  	v1 =	vadd.f32 v2, v1  }
0x479: {  	v2 =	vld [tilespmem:s30+$0x9970]  }
0x47a: {  	v1 =	vadd.f32 v3, v1  }
0x47b: {  	v3 =	vld [tilespmem:s30+$0x99B0]  }
0x47c: {  	v1 =	vadd.f32 v4, v1  }
0x47d: {  	v4 =	vld [tilespmem:s30+$0x99F0]  }
0x47e: {  	v1 =	vadd.f32 v2, v1  }
0x47f: {  	v2 =	vld [tilespmem:s30+$0x9A30]  }
0x480: {  	v1 =	vadd.f32 v3, v1  }
0x481: {  	v3 =	vld [tilespmem:s30+$0x9A70]  }
0x482: {  	v1 =	vadd.f32 v4, v1  }
0x483: {  	v4 =	vld [tilespmem:s30+$0x9AB0]  }
0x484: {  	v1 =	vadd.f32 v2, v1  }
0x485: {  	v2 =	vld [tilespmem:s30+$0x9AF0]  }
0x486: {  	v1 =	vadd.f32 v3, v1  }
0x487: {  	v3 =	vld [tilespmem:s30+$0x9B30]  }
0x488: {  	v1 =	vadd.f32 v4, v1  }
0x489: {  	v4 =	vld [tilespmem:s30+$0x9B70]  }
0x48a: {  	v1 =	vadd.f32 v2, v1  }
0x48b: {  	v2 =	vld [tilespmem:s30+$0x9BB0]  }
0x48c: {  	v1 =	vadd.f32 v3, v1  }
0x48d: {  	v3 =	vld [tilespmem:s30+$0x9BF0]  }
0x48e: {  	v1 =	vadd.f32 v4, v1  }
0x48f: {  	v4 =	vld [tilespmem:s30+$0x9C30]  }
0x490: {  	v1 =	vadd.f32 v2, v1  }
0x491: {  	v2 =	vld [tilespmem:s30+$0x9C70]  }
0x492: {  	v1 =	vadd.f32 v3, v1  }
0x493: {  	v3 =	vld [tilespmem:s30+$0x9CB0]  }
0x494: {  	v1 =	vadd.f32 v4, v1  }
0x495: {  	v4 =	vld [tilespmem:s30+$0x9CF0]  }
0x496: {  	v1 =	vadd.f32 v2, v1  }
0x497: {  	v2 =	vld [tilespmem:s30+$0x9D30]  }
0x498: {  	v1 =	vadd.f32 v3, v1  }
0x499: {  	v3 =	vld [tilespmem:s30+$0x9D70]  }
0x49a: {  	v1 =	vadd.f32 v4, v1  }
0x49b: {  	v4 =	vld [tilespmem:s30+$0x9DB0]  }
0x49c: {  	v1 =	vadd.f32 v2, v1  }
0x49d: {  	v2 =	vld [tilespmem:s30+$0x9DF0]  }
0x49e: {  	v1 =	vadd.f32 v3, v1  }
0x49f: {  	v3 =	vld [tilespmem:s30+$0x9E30]  }
0x4a0: {  	v1 =	vadd.f32 v4, v1  }
0x4a1: {  	v4 =	vld [tilespmem:s30+$0x9E70]  }
0x4a2: {  	v1 =	vadd.f32 v2, v1  }
0x4a3: {  	v2 =	vld [tilespmem:s30+$0x9EB0]  }
0x4a4: {  	v1 =	vadd.f32 v3, v1  }
0x4a5: {  	v3 =	vld [tilespmem:s30+$0x9EF0]  }
0x4a6: {  	v1 =	vadd.f32 v4, v1  }
0x4a7: {  	v4 =	vld [tilespmem:s30+$0x9F30]  }
0x4a8: {  	v1 =	vadd.f32 v2, v1  }
0x4a9: {  	v2 =	vld [tilespmem:s30+$0x9F70]  }
0x4aa: {  	v1 =	vadd.f32 v3, v1  }
0x4ab: {  	v3 =	vld [tilespmem:s30+$0x9FB0]  }
0x4ac: {  	v1 =	vadd.f32 v4, v1  }
0x4ad: {  	v4 =	vld [tilespmem:s30+$0x9FF0]  }
0x4ae: {  	v1 =	vadd.f32 v2, v1  }
0x4af: {  	v2 =	vld [tilespmem:s30+$0xA030]  }
0x4b0: {  	v1 =	vadd.f32 v3, v1  }
0x4b1: {  	v3 =	vld [tilespmem:s30+$0xA070]  }
0x4b2: {  	v1 =	vadd.f32 v4, v1  }
0x4b3: {  	v4 =	vld [tilespmem:s30+$0xA0B0]  }
0x4b4: {  	v1 =	vadd.f32 v2, v1  }
0x4b5: {  	v2 =	vld [tilespmem:s30+$0xA0F0]  }
0x4b6: {  	v1 =	vadd.f32 v3, v1  }
0x4b7: {  	v3 =	vld [tilespmem:s30+$0xA130]  }
0x4b8: {  	v1 =	vadd.f32 v4, v1  }
0x4b9: {  	v4 =	vld [tilespmem:s30+$0xA170]  }
0x4ba: {  	v1 =	vadd.f32 v2, v1  }
0x4bb: {  	v2 =	vld [tilespmem:s30+$0xA1B0]  }
0x4bc: {  	v1 =	vadd.f32 v3, v1;
	_ =	sdelay $0x1  }
0x4bd: {  	v3 =	vld [tilespmem:s30+$0xA1F0];
	v1 =	vadd.f32 v4, v1;
	_ =	sdelay $0x1  }
0x4be: {  	v4 =	vadd.f32 v2, v1;
	v2 =	vld [tilespmem:s30+$0xA230];
	_ =	sdelay $0x1  }
0x4bf: {  	v1 =	vld [tilespmem:s30+$0xA270]  }
0x4c0: {  	s20 =	simm.s32 $0x1;
	v3 =	vadd.f32 v3, v4  }
.LBB2_5:
0x4c1: {  	p0 =	sne.s32 s20, $0x3;
	s22 =	smov.u32 s20;
	s20 =	sadd.s32 $0x1, s20  }
0x4c2: {  	v2 =	vadd.f32 v2, v3  }
0x4c3: {  	s21 =	smul.u32 $0x3200, s22  }
0x4c4: {  	v1 =	vadd.f32 v1, v2  }
0x4c5: {  	s21 =	sshra.s32 s21, $0x2  }
0x4c6: {  	[tilespmem:v0+s19+$0x30 ss:$0x1] =	vst.idx.msk $0xffff, v1  }
0x4c7: {  	v1 =	vld [tilespmem:s21+$0x9600]  }
0x4c8: {  	v2 =	vld [tilespmem:s21+$0x9640];
	_ =	sdelay $0x1  }
0x4c9: {  	v3 =	vld [tilespmem:s21+$0x9680];
	_ =	sdelay $0x1  }
0x4ca: {  	v4 =	vld [tilespmem:s21+$0x96C0]  }
0x4cb: {  	v1 =	vadd.f32 v2, v1  }
0x4cc: {  	v2 =	vld [tilespmem:s21+$0x9700]  }
0x4cd: {  	v1 =	vadd.f32 v3, v1  }
0x4ce: {  	v3 =	vld [tilespmem:s21+$0x9740]  }
0x4cf: {  	v1 =	vadd.f32 v4, v1  }
0x4d0: {  	v4 =	vld [tilespmem:s21+$0x9780]  }
0x4d1: {  	v1 =	vadd.f32 v2, v1  }
0x4d2: {  	v2 =	vld [tilespmem:s21+$0x97C0]  }
0x4d3: {  	v1 =	vadd.f32 v3, v1  }
0x4d4: {  	v3 =	vld [tilespmem:s21+$0x9800]  }
0x4d5: {  	v1 =	vadd.f32 v4, v1  }
0x4d6: {  	v4 =	vld [tilespmem:s21+$0x9840]  }
0x4d7: {  	v1 =	vadd.f32 v2, v1  }
0x4d8: {  	v2 =	vld [tilespmem:s21+$0x9880]  }
0x4d9: {  	v1 =	vadd.f32 v3, v1  }
0x4da: {  	v3 =	vld [tilespmem:s21+$0x98C0]  }
0x4db: {  	v1 =	vadd.f32 v4, v1  }
0x4dc: {  	v4 =	vld [tilespmem:s21+$0x9900]  }
0x4dd: {  	v1 =	vadd.f32 v2, v1  }
0x4de: {  	v2 =	vld [tilespmem:s21+$0x9940]  }
0x4df: {  	v1 =	vadd.f32 v3, v1  }
0x4e0: {  	v3 =	vld [tilespmem:s21+$0x9980]  }
0x4e1: {  	v1 =	vadd.f32 v4, v1  }
0x4e2: {  	v4 =	vld [tilespmem:s21+$0x99C0]  }
0x4e3: {  	v1 =	vadd.f32 v2, v1  }
0x4e4: {  	v2 =	vld [tilespmem:s21+$0x9A00]  }
0x4e5: {  	v1 =	vadd.f32 v3, v1  }
0x4e6: {  	v3 =	vld [tilespmem:s21+$0x9A40]  }
0x4e7: {  	v1 =	vadd.f32 v4, v1  }
0x4e8: {  	v4 =	vld [tilespmem:s21+$0x9A80]  }
0x4e9: {  	v1 =	vadd.f32 v2, v1  }
0x4ea: {  	v2 =	vld [tilespmem:s21+$0x9AC0]  }
0x4eb: {  	v1 =	vadd.f32 v3, v1  }
0x4ec: {  	v3 =	vld [tilespmem:s21+$0x9B00]  }
0x4ed: {  	v1 =	vadd.f32 v4, v1  }
0x4ee: {  	v4 =	vld [tilespmem:s21+$0x9B40]  }
0x4ef: {  	v1 =	vadd.f32 v2, v1  }
0x4f0: {  	v2 =	vld [tilespmem:s21+$0x9B80]  }
0x4f1: {  	v1 =	vadd.f32 v3, v1  }
0x4f2: {  	v3 =	vld [tilespmem:s21+$0x9BC0]  }
0x4f3: {  	v1 =	vadd.f32 v4, v1  }
0x4f4: {  	v4 =	vld [tilespmem:s21+$0x9C00]  }
0x4f5: {  	v1 =	vadd.f32 v2, v1  }
0x4f6: {  	v2 =	vld [tilespmem:s21+$0x9C40]  }
0x4f7: {  	v1 =	vadd.f32 v3, v1  }
0x4f8: {  	v3 =	vld [tilespmem:s21+$0x9C80]  }
0x4f9: {  	v1 =	vadd.f32 v4, v1  }
0x4fa: {  	v4 =	vld [tilespmem:s21+$0x9CC0]  }
0x4fb: {  	v1 =	vadd.f32 v2, v1  }
0x4fc: {  	v2 =	vld [tilespmem:s21+$0x9D00]  }
0x4fd: {  	v1 =	vadd.f32 v3, v1  }
0x4fe: {  	v3 =	vld [tilespmem:s21+$0x9D40]  }
0x4ff: {  	v1 =	vadd.f32 v4, v1  }
0x500: {  	v4 =	vld [tilespmem:s21+$0x9D80]  }
0x501: {  	v1 =	vadd.f32 v2, v1  }
0x502: {  	v2 =	vld [tilespmem:s21+$0x9DC0]  }
0x503: {  	v1 =	vadd.f32 v3, v1  }
0x504: {  	v3 =	vld [tilespmem:s21+$0x9E00]  }
0x505: {  	v1 =	vadd.f32 v4, v1  }
0x506: {  	v4 =	vld [tilespmem:s21+$0x9E40]  }
0x507: {  	v1 =	vadd.f32 v2, v1  }
0x508: {  	v2 =	vld [tilespmem:s21+$0x9E80]  }
0x509: {  	v1 =	vadd.f32 v3, v1  }
0x50a: {  	v3 =	vld [tilespmem:s21+$0x9EC0]  }
0x50b: {  	v1 =	vadd.f32 v4, v1  }
0x50c: {  	v4 =	vld [tilespmem:s21+$0x9F00]  }
0x50d: {  	v1 =	vadd.f32 v2, v1  }
0x50e: {  	v2 =	vld [tilespmem:s21+$0x9F40]  }
0x50f: {  	v1 =	vadd.f32 v3, v1  }
0x510: {  	v3 =	vld [tilespmem:s21+$0x9F80]  }
0x511: {  	v1 =	vadd.f32 v4, v1  }
0x512: {  	v4 =	vld [tilespmem:s21+$0x9FC0]  }
0x513: {  	v1 =	vadd.f32 v2, v1  }
0x514: {  	v2 =	vld [tilespmem:s21+$0xA000]  }
0x515: {  	v1 =	vadd.f32 v3, v1  }
0x516: {  	v3 =	vld [tilespmem:s21+$0xA040]  }
0x517: {  	v1 =	vadd.f32 v4, v1  }
0x518: {  	v4 =	vld [tilespmem:s21+$0xA080]  }
0x519: {  	v1 =	vadd.f32 v2, v1  }
0x51a: {  	v2 =	vld [tilespmem:s21+$0xA0C0]  }
0x51b: {  	v1 =	vadd.f32 v3, v1  }
0x51c: {  	v3 =	vld [tilespmem:s21+$0xA100]  }
0x51d: {  	v1 =	vadd.f32 v4, v1  }
0x51e: {  	v4 =	vld [tilespmem:s21+$0xA140]  }
0x51f: {  	v1 =	vadd.f32 v2, v1  }
0x520: {  	v2 =	vld [tilespmem:s21+$0xA180]  }
0x521: {  	v1 =	vadd.f32 v3, v1  }
0x522: {  	v3 =	vld [tilespmem:s21+$0xA1C0]  }
0x523: {  	v1 =	vadd.f32 v4, v1  }
0x524: {  	v4 =	vld [tilespmem:s21+$0xA200]  }
0x525: {  	v1 =	vadd.f32 v2, v1  }
0x526: {  	v2 =	vld [tilespmem:s21+$0xA240]  }
0x527: {  	v1 =	vadd.f32 v3, v1;
	_ =	sdelay $0x1  }
0x528: {  	v1 =	vadd.f32 v4, v1;
	_ =	sdelay $0x1  }
0x529: {  	s19 =	sshll.u32 s22, $0x6;
	v1 =	vadd.f32 v2, v1  }
0x52a: {  	s19 =	sand.u32 $0x3FFFFFC0, s19  }
0x52b: {  	[tilespmem:v0+s19+$0x0 ss:$0x1] =	vst.idx.msk $0xffff, v1  }
0x52c: {  	v1 =	vld [tilespmem:s21+$0x9610]  }
0x52d: {  	v2 =	vld [tilespmem:s21+$0x9650];
	_ =	sdelay $0x1  }
0x52e: {  	v3 =	vld [tilespmem:s21+$0x9690];
	_ =	sdelay $0x1  }
0x52f: {  	v4 =	vld [tilespmem:s21+$0x96D0]  }
0x530: {  	v1 =	vadd.f32 v2, v1  }
0x531: {  	v2 =	vld [tilespmem:s21+$0x9710]  }
0x532: {  	v1 =	vadd.f32 v3, v1  }
0x533: {  	v3 =	vld [tilespmem:s21+$0x9750]  }
0x534: {  	v1 =	vadd.f32 v4, v1  }
0x535: {  	v4 =	vld [tilespmem:s21+$0x9790]  }
0x536: {  	v1 =	vadd.f32 v2, v1  }
0x537: {  	v2 =	vld [tilespmem:s21+$0x97D0]  }
0x538: {  	v1 =	vadd.f32 v3, v1  }
0x539: {  	v3 =	vld [tilespmem:s21+$0x9810]  }
0x53a: {  	v1 =	vadd.f32 v4, v1  }
0x53b: {  	v4 =	vld [tilespmem:s21+$0x9850]  }
0x53c: {  	v1 =	vadd.f32 v2, v1  }
0x53d: {  	v2 =	vld [tilespmem:s21+$0x9890]  }
0x53e: {  	v1 =	vadd.f32 v3, v1  }
0x53f: {  	v3 =	vld [tilespmem:s21+$0x98D0]  }
0x540: {  	v1 =	vadd.f32 v4, v1  }
0x541: {  	v4 =	vld [tilespmem:s21+$0x9910]  }
0x542: {  	v1 =	vadd.f32 v2, v1  }
0x543: {  	v2 =	vld [tilespmem:s21+$0x9950]  }
0x544: {  	v1 =	vadd.f32 v3, v1  }
0x545: {  	v3 =	vld [tilespmem:s21+$0x9990]  }
0x546: {  	v1 =	vadd.f32 v4, v1  }
0x547: {  	v4 =	vld [tilespmem:s21+$0x99D0]  }
0x548: {  	v1 =	vadd.f32 v2, v1  }
0x549: {  	v2 =	vld [tilespmem:s21+$0x9A10]  }
0x54a: {  	v1 =	vadd.f32 v3, v1  }
0x54b: {  	v3 =	vld [tilespmem:s21+$0x9A50]  }
0x54c: {  	v1 =	vadd.f32 v4, v1  }
0x54d: {  	v4 =	vld [tilespmem:s21+$0x9A90]  }
0x54e: {  	v1 =	vadd.f32 v2, v1  }
0x54f: {  	v2 =	vld [tilespmem:s21+$0x9AD0]  }
0x550: {  	v1 =	vadd.f32 v3, v1  }
0x551: {  	v3 =	vld [tilespmem:s21+$0x9B10]  }
0x552: {  	v1 =	vadd.f32 v4, v1  }
0x553: {  	v4 =	vld [tilespmem:s21+$0x9B50]  }
0x554: {  	v1 =	vadd.f32 v2, v1  }
0x555: {  	v2 =	vld [tilespmem:s21+$0x9B90]  }
0x556: {  	v1 =	vadd.f32 v3, v1  }
0x557: {  	v3 =	vld [tilespmem:s21+$0x9BD0]  }
0x558: {  	v1 =	vadd.f32 v4, v1  }
0x559: {  	v4 =	vld [tilespmem:s21+$0x9C10]  }
0x55a: {  	v1 =	vadd.f32 v2, v1  }
0x55b: {  	v2 =	vld [tilespmem:s21+$0x9C50]  }
0x55c: {  	v1 =	vadd.f32 v3, v1  }
0x55d: {  	v3 =	vld [tilespmem:s21+$0x9C90]  }
0x55e: {  	v1 =	vadd.f32 v4, v1  }
0x55f: {  	v4 =	vld [tilespmem:s21+$0x9CD0]  }
0x560: {  	v1 =	vadd.f32 v2, v1  }
0x561: {  	v2 =	vld [tilespmem:s21+$0x9D10]  }
0x562: {  	v1 =	vadd.f32 v3, v1  }
0x563: {  	v3 =	vld [tilespmem:s21+$0x9D50]  }
0x564: {  	v1 =	vadd.f32 v4, v1  }
0x565: {  	v4 =	vld [tilespmem:s21+$0x9D90]  }
0x566: {  	v1 =	vadd.f32 v2, v1  }
0x567: {  	v2 =	vld [tilespmem:s21+$0x9DD0]  }
0x568: {  	v1 =	vadd.f32 v3, v1  }
0x569: {  	v3 =	vld [tilespmem:s21+$0x9E10]  }
0x56a: {  	v1 =	vadd.f32 v4, v1  }
0x56b: {  	v4 =	vld [tilespmem:s21+$0x9E50]  }
0x56c: {  	v1 =	vadd.f32 v2, v1  }
0x56d: {  	v2 =	vld [tilespmem:s21+$0x9E90]  }
0x56e: {  	v1 =	vadd.f32 v3, v1  }
0x56f: {  	v3 =	vld [tilespmem:s21+$0x9ED0]  }
0x570: {  	v1 =	vadd.f32 v4, v1  }
0x571: {  	v4 =	vld [tilespmem:s21+$0x9F10]  }
0x572: {  	v1 =	vadd.f32 v2, v1  }
0x573: {  	v2 =	vld [tilespmem:s21+$0x9F50]  }
0x574: {  	v1 =	vadd.f32 v3, v1  }
0x575: {  	v3 =	vld [tilespmem:s21+$0x9F90]  }
0x576: {  	v1 =	vadd.f32 v4, v1  }
0x577: {  	v4 =	vld [tilespmem:s21+$0x9FD0]  }
0x578: {  	v1 =	vadd.f32 v2, v1  }
0x579: {  	v2 =	vld [tilespmem:s21+$0xA010]  }
0x57a: {  	v1 =	vadd.f32 v3, v1  }
0x57b: {  	v3 =	vld [tilespmem:s21+$0xA050]  }
0x57c: {  	v1 =	vadd.f32 v4, v1  }
0x57d: {  	v4 =	vld [tilespmem:s21+$0xA090]  }
0x57e: {  	v1 =	vadd.f32 v2, v1  }
0x57f: {  	v2 =	vld [tilespmem:s21+$0xA0D0]  }
0x580: {  	v1 =	vadd.f32 v3, v1  }
0x581: {  	v3 =	vld [tilespmem:s21+$0xA110]  }
0x582: {  	v1 =	vadd.f32 v4, v1  }
0x583: {  	v4 =	vld [tilespmem:s21+$0xA150]  }
0x584: {  	v1 =	vadd.f32 v2, v1  }
0x585: {  	v2 =	vld [tilespmem:s21+$0xA190]  }
0x586: {  	v1 =	vadd.f32 v3, v1  }
0x587: {  	v3 =	vld [tilespmem:s21+$0xA1D0]  }
0x588: {  	v1 =	vadd.f32 v4, v1  }
0x589: {  	v4 =	vld [tilespmem:s21+$0xA210]  }
0x58a: {  	v1 =	vadd.f32 v2, v1  }
0x58b: {  	v2 =	vld [tilespmem:s21+$0xA250]  }
0x58c: {  	v1 =	vadd.f32 v3, v1;
	_ =	sdelay $0x1  }
0x58d: {  	v1 =	vadd.f32 v4, v1;
	_ =	sdelay $0x1  }
0x58e: {  	v1 =	vadd.f32 v2, v1;
	_ =	sdelay $0x1  }
0x58f: {  	[tilespmem:v0+s19+$0x10 ss:$0x1] =	vst.idx.msk $0xffff, v1  }
0x590: {  	v1 =	vld [tilespmem:s21+$0x9620]  }
0x591: {  	v2 =	vld [tilespmem:s21+$0x9660];
	_ =	sdelay $0x1  }
0x592: {  	v3 =	vld [tilespmem:s21+$0x96A0];
	_ =	sdelay $0x1  }
0x593: {  	v4 =	vld [tilespmem:s21+$0x96E0]  }
0x594: {  	v1 =	vadd.f32 v2, v1  }
0x595: {  	v2 =	vld [tilespmem:s21+$0x9720]  }
0x596: {  	v1 =	vadd.f32 v3, v1  }
0x597: {  	v3 =	vld [tilespmem:s21+$0x9760]  }
0x598: {  	v1 =	vadd.f32 v4, v1  }
0x599: {  	v4 =	vld [tilespmem:s21+$0x97A0]  }
0x59a: {  	v1 =	vadd.f32 v2, v1  }
0x59b: {  	v2 =	vld [tilespmem:s21+$0x97E0]  }
0x59c: {  	v1 =	vadd.f32 v3, v1  }
0x59d: {  	v3 =	vld [tilespmem:s21+$0x9820]  }
0x59e: {  	v1 =	vadd.f32 v4, v1  }
0x59f: {  	v4 =	vld [tilespmem:s21+$0x9860]  }
0x5a0: {  	v1 =	vadd.f32 v2, v1  }
0x5a1: {  	v2 =	vld [tilespmem:s21+$0x98A0]  }
0x5a2: {  	v1 =	vadd.f32 v3, v1  }
0x5a3: {  	v3 =	vld [tilespmem:s21+$0x98E0]  }
0x5a4: {  	v1 =	vadd.f32 v4, v1  }
0x5a5: {  	v4 =	vld [tilespmem:s21+$0x9920]  }
0x5a6: {  	v1 =	vadd.f32 v2, v1  }
0x5a7: {  	v2 =	vld [tilespmem:s21+$0x9960]  }
0x5a8: {  	v1 =	vadd.f32 v3, v1  }
0x5a9: {  	v3 =	vld [tilespmem:s21+$0x99A0]  }
0x5aa: {  	v1 =	vadd.f32 v4, v1  }
0x5ab: {  	v4 =	vld [tilespmem:s21+$0x99E0]  }
0x5ac: {  	v1 =	vadd.f32 v2, v1  }
0x5ad: {  	v2 =	vld [tilespmem:s21+$0x9A20]  }
0x5ae: {  	v1 =	vadd.f32 v3, v1  }
0x5af: {  	v3 =	vld [tilespmem:s21+$0x9A60]  }
0x5b0: {  	v1 =	vadd.f32 v4, v1  }
0x5b1: {  	v4 =	vld [tilespmem:s21+$0x9AA0]  }
0x5b2: {  	v1 =	vadd.f32 v2, v1  }
0x5b3: {  	v2 =	vld [tilespmem:s21+$0x9AE0]  }
0x5b4: {  	v1 =	vadd.f32 v3, v1  }
0x5b5: {  	v3 =	vld [tilespmem:s21+$0x9B20]  }
0x5b6: {  	v1 =	vadd.f32 v4, v1  }
0x5b7: {  	v4 =	vld [tilespmem:s21+$0x9B60]  }
0x5b8: {  	v1 =	vadd.f32 v2, v1  }
0x5b9: {  	v2 =	vld [tilespmem:s21+$0x9BA0]  }
0x5ba: {  	v1 =	vadd.f32 v3, v1  }
0x5bb: {  	v3 =	vld [tilespmem:s21+$0x9BE0]  }
0x5bc: {  	v1 =	vadd.f32 v4, v1  }
0x5bd: {  	v4 =	vld [tilespmem:s21+$0x9C20]  }
0x5be: {  	v1 =	vadd.f32 v2, v1  }
0x5bf: {  	v2 =	vld [tilespmem:s21+$0x9C60]  }
0x5c0: {  	v1 =	vadd.f32 v3, v1  }
0x5c1: {  	v3 =	vld [tilespmem:s21+$0x9CA0]  }
0x5c2: {  	v1 =	vadd.f32 v4, v1  }
0x5c3: {  	v4 =	vld [tilespmem:s21+$0x9CE0]  }
0x5c4: {  	v1 =	vadd.f32 v2, v1  }
0x5c5: {  	v2 =	vld [tilespmem:s21+$0x9D20]  }
0x5c6: {  	v1 =	vadd.f32 v3, v1  }
0x5c7: {  	v3 =	vld [tilespmem:s21+$0x9D60]  }
0x5c8: {  	v1 =	vadd.f32 v4, v1  }
0x5c9: {  	v4 =	vld [tilespmem:s21+$0x9DA0]  }
0x5ca: {  	v1 =	vadd.f32 v2, v1  }
0x5cb: {  	v2 =	vld [tilespmem:s21+$0x9DE0]  }
0x5cc: {  	v1 =	vadd.f32 v3, v1  }
0x5cd: {  	v3 =	vld [tilespmem:s21+$0x9E20]  }
0x5ce: {  	v1 =	vadd.f32 v4, v1  }
0x5cf: {  	v4 =	vld [tilespmem:s21+$0x9E60]  }
0x5d0: {  	v1 =	vadd.f32 v2, v1  }
0x5d1: {  	v2 =	vld [tilespmem:s21+$0x9EA0]  }
0x5d2: {  	v1 =	vadd.f32 v3, v1  }
0x5d3: {  	v3 =	vld [tilespmem:s21+$0x9EE0]  }
0x5d4: {  	v1 =	vadd.f32 v4, v1  }
0x5d5: {  	v4 =	vld [tilespmem:s21+$0x9F20]  }
0x5d6: {  	v1 =	vadd.f32 v2, v1  }
0x5d7: {  	v2 =	vld [tilespmem:s21+$0x9F60]  }
0x5d8: {  	v1 =	vadd.f32 v3, v1  }
0x5d9: {  	v3 =	vld [tilespmem:s21+$0x9FA0]  }
0x5da: {  	v1 =	vadd.f32 v4, v1  }
0x5db: {  	v4 =	vld [tilespmem:s21+$0x9FE0]  }
0x5dc: {  	v1 =	vadd.f32 v2, v1  }
0x5dd: {  	v2 =	vld [tilespmem:s21+$0xA020]  }
0x5de: {  	v1 =	vadd.f32 v3, v1  }
0x5df: {  	v3 =	vld [tilespmem:s21+$0xA060]  }
0x5e0: {  	v1 =	vadd.f32 v4, v1  }
0x5e1: {  	v4 =	vld [tilespmem:s21+$0xA0A0]  }
0x5e2: {  	v1 =	vadd.f32 v2, v1  }
0x5e3: {  	v2 =	vld [tilespmem:s21+$0xA0E0]  }
0x5e4: {  	v1 =	vadd.f32 v3, v1  }
0x5e5: {  	v3 =	vld [tilespmem:s21+$0xA120]  }
0x5e6: {  	v1 =	vadd.f32 v4, v1  }
0x5e7: {  	v4 =	vld [tilespmem:s21+$0xA160]  }
0x5e8: {  	v1 =	vadd.f32 v2, v1  }
0x5e9: {  	v2 =	vld [tilespmem:s21+$0xA1A0]  }
0x5ea: {  	v1 =	vadd.f32 v3, v1  }
0x5eb: {  	v3 =	vld [tilespmem:s21+$0xA1E0]  }
0x5ec: {  	v1 =	vadd.f32 v4, v1  }
0x5ed: {  	v4 =	vld [tilespmem:s21+$0xA220]  }
0x5ee: {  	v1 =	vadd.f32 v2, v1  }
0x5ef: {  	v2 =	vld [tilespmem:s21+$0xA260]  }
0x5f0: {  	v1 =	vadd.f32 v3, v1;
	_ =	sdelay $0x1  }
0x5f1: {  	v1 =	vadd.f32 v4, v1;
	_ =	sdelay $0x1  }
0x5f2: {  	v1 =	vadd.f32 v2, v1;
	_ =	sdelay $0x1  }
0x5f3: {  	[tilespmem:v0+s19+$0x20 ss:$0x1] =	vst.idx.msk $0xffff, v1  }
0x5f4: {  	v1 =	vld [tilespmem:s21+$0x9630]  }
0x5f5: {  	v2 =	vld [tilespmem:s21+$0x9670]  }
0x5f6: {  	v3 =	vld [tilespmem:s21+$0x96B0]  }
0x5f7: {  	v4 =	vld [tilespmem:s21+$0x96F0]  }
0x5f8: {  	v5 =	vld [tilespmem:s21+$0x9730]  }
0x5f9: {  	v6 =	vld [tilespmem:s21+$0x9770]  }
0x5fa: {  	v1 =	vadd.f32 v2, v1;
	v2 =	vld [tilespmem:s21+$0x97B0]  }
0x5fb: {  	v7 =	vld [tilespmem:s21+$0x97F0]  }
0x5fc: {  	v1 =	vadd.f32 v3, v1;
	v3 =	vld [tilespmem:s21+$0x9830]  }
0x5fd: {  	v8 =	vld [tilespmem:s21+$0x9870]  }
0x5fe: {  	v1 =	vadd.f32 v4, v1;
	v4 =	vld [tilespmem:s21+$0x98B0]  }
0x5ff: {  	v9 =	vld [tilespmem:s21+$0x98F0]  }
0x600: {  	v1 =	vadd.f32 v5, v1;
	v5 =	vld [tilespmem:s21+$0x9930]  }
0x601: {  	v10 =	vld [tilespmem:s21+$0x9970]  }
0x602: {  	v1 =	vadd.f32 v6, v1;
	v6 =	vld [tilespmem:s21+$0x99B0]  }
0x603: {  	v11 =	vld [tilespmem:s21+$0x99F0]  }
0x604: {  	v1 =	vadd.f32 v2, v1;
	v2 =	vld [tilespmem:s21+$0x9A30]  }
0x605: {  	v12 =	vld [tilespmem:s21+$0x9A70]  }
0x606: {  	v1 =	vadd.f32 v7, v1;
	v7 =	vld [tilespmem:s21+$0x9AB0]  }
0x607: {  	v13 =	vld [tilespmem:s21+$0x9AF0]  }
0x608: {  	v1 =	vadd.f32 v3, v1;
	v3 =	vld [tilespmem:s21+$0x9B30]  }
0x609: {  	v14 =	vld [tilespmem:s21+$0x9B70]  }
0x60a: {  	v1 =	vadd.f32 v8, v1;
	v8 =	vld [tilespmem:s21+$0x9BB0]  }
0x60b: {  	v15 =	vld [tilespmem:s21+$0x9BF0]  }
0x60c: {  	v1 =	vadd.f32 v4, v1;
	v4 =	vld [tilespmem:s21+$0x9C30]  }
0x60d: {  	v16 =	vld [tilespmem:s21+$0x9C70]  }
0x60e: {  	v1 =	vadd.f32 v9, v1;
	v9 =	vld [tilespmem:s21+$0x9CB0]  }
0x60f: {  	v17 =	vld [tilespmem:s21+$0x9CF0]  }
0x610: {  	v1 =	vadd.f32 v5, v1;
	v5 =	vld [tilespmem:s21+$0x9D30]  }
0x611: {  	v18 =	vld [tilespmem:s21+$0x9D70]  }
0x612: {  	v1 =	vadd.f32 v10, v1;
	v10 =	vld [tilespmem:s21+$0x9DB0]  }
0x613: {  	v19 =	vld [tilespmem:s21+$0x9DF0]  }
0x614: {  	v1 =	vadd.f32 v6, v1;
	v6 =	vld [tilespmem:s21+$0x9E30]  }
0x615: {  	v20 =	vld [tilespmem:s21+$0x9E70]  }
0x616: {  	v1 =	vadd.f32 v11, v1;
	v11 =	vld [tilespmem:s21+$0x9EB0]  }
0x617: {  	v21 =	vld [tilespmem:s21+$0x9EF0]  }
0x618: {  	v1 =	vadd.f32 v2, v1;
	v22 =	vld [tilespmem:s21+$0x9F30]  }
0x619: {  	v23 =	vld [tilespmem:s21+$0x9F70]  }
0x61a: {  	v1 =	vadd.f32 v12, v1;
	v12 =	vld [tilespmem:s21+$0x9FB0]  }
0x61b: {  	v24 =	vld [tilespmem:s21+$0x9FF0]  }
0x61c: {  	v1 =	vadd.f32 v7, v1;
	v7 =	vld [tilespmem:s21+$0xA030]  }
0x61d: {  	v25 =	vld [tilespmem:s21+$0xA070]  }
0x61e: {  	v1 =	vadd.f32 v13, v1;
	v13 =	vld [tilespmem:s21+$0xA0B0]  }
0x61f: {  	v26 =	vld [tilespmem:s21+$0xA0F0]  }
0x620: {  	v1 =	vadd.f32 v3, v1;
	v3 =	vld [tilespmem:s21+$0xA130]  }
0x621: {  	v27 =	vld [tilespmem:s21+$0xA170]  }
0x622: {  	v1 =	vadd.f32 v14, v1;
	v14 =	vld [tilespmem:s21+$0xA1B0]  }
0x623: {  	v28 =	vld [tilespmem:s21+$0xA1F0]  }
0x624: {  	v8 =	vadd.f32 v8, v1;
	v2 =	vld [tilespmem:s21+$0xA230]  }
0x625: {  	v1 =	vld [tilespmem:s21+$0xA270]  }
0x626: {  	v8 =	vadd.f32 v15, v8;
	_ =	sdelay $0x1  }
0x627: {  	v4 =	vadd.f32 v4, v8;
	_ =	sdelay $0x1  }
0x628: {  	v4 =	vadd.f32 v16, v4;
	_ =	sdelay $0x1  }
0x629: {  	v4 =	vadd.f32 v9, v4;
	_ =	sdelay $0x1  }
0x62a: {  	v4 =	vadd.f32 v17, v4;
	_ =	sdelay $0x1  }
0x62b: {  	v4 =	vadd.f32 v5, v4;
	_ =	sdelay $0x1  }
0x62c: {  	v4 =	vadd.f32 v18, v4;
	_ =	sdelay $0x1  }
0x62d: {  	v4 =	vadd.f32 v10, v4;
	_ =	sdelay $0x1  }
0x62e: {  	v4 =	vadd.f32 v19, v4;
	_ =	sdelay $0x1  }
0x62f: {  	v4 =	vadd.f32 v6, v4;
	_ =	sdelay $0x1  }
0x630: {  	v4 =	vadd.f32 v20, v4;
	_ =	sdelay $0x1  }
0x631: {  	v4 =	vadd.f32 v11, v4;
	_ =	sdelay $0x1  }
0x632: {  	v4 =	vadd.f32 v21, v4;
	_ =	sdelay $0x1  }
0x633: {  	v4 =	vadd.f32 v22, v4;
	_ =	sdelay $0x1  }
0x634: {  	v4 =	vadd.f32 v23, v4;
	_ =	sdelay $0x1  }
0x635: {  	v4 =	vadd.f32 v12, v4;
	_ =	sdelay $0x1  }
0x636: {  	v4 =	vadd.f32 v24, v4;
	_ =	sdelay $0x1  }
0x637: {  	v4 =	vadd.f32 v7, v4;
	_ =	sdelay $0x1  }
0x638: {  	v4 =	vadd.f32 v25, v4;
	_ =	sdelay $0x1  }
0x639: {  	v4 =	vadd.f32 v13, v4;
	_ =	sdelay $0x1  }
0x63a: {  	v4 =	vadd.f32 v26, v4;
	_ =	sdelay $0x1  }
0x63b: {  	v3 =	vadd.f32 v3, v4;
	_ =	sdelay $0x1  }
.Ltmp1:
0x63c: {  	v3 =	vadd.f32 v27, v3;
	(pc) =	sbr.rel @p0 .LBB2_5-.Ltmp1, $3  }
0x63d: {  	_ = 	snop  }
0x63e: {  	v3 =	vadd.f32 v14, v3;
	_ =	sdelay $0x1  }
0x63f: {  	v3 =	vadd.f32 v28, v3  }
0x640: {  	s18 =	sadd.s32 $0x1, s18  }
0x641: {  	p0 =	sne.s32 s18, $0x40  }
.Ltmp2:
0x642: {  	v2 =	vadd.f32 v2, v3;
	(pc) =	sbr.rel @p0 .LBB2_2-.Ltmp2, $3  }
0x643: {  	_ = 	snop  }
0x644: {  	v1 =	vadd.f32 v1, v2;
	_ =	sdelay $0x1  }
0x645: {  	[tilespmem:v0+s19+$0x30 ss:$0x1] =	vst.idx.msk $0xffff, v1  }
0x646: {  	s17 =	sadd.s32 $0x1, s17  }
0x647: {  	p0 =	sne.s32 s17, s6  }
.Ltmp3:
0x648: {  	_ = 	snop;
	(pc) =	sbr.rel @p0 .LBB2_1-.Ltmp3, $4  }
0x649: {  	[hbm4b:s5+s2] =	stream.linear.scatter [tilespmem:s16], [sflag:$0x3], $0x8000, $0x38;
	[tilespmem:$0x14800] =	vst v63  }
0x64a: {  	_ =	swait.ge [sflag:s7], $0x8000  }
0x64b: {  	[sflag:s7] =	ssyncset.done $0x0  }
0x64c: {  	[sflag:s7] =	ssyncadd.s32 $0xFFFF8000  }
0x64d: {  	_ =	sfence.sel $0x180000  }
0x64e: {  	[bflag:$0x0] =	sbarrier.arrive $0xFFFF  }
0x64f: {  	p0 =	sne.s32 s0, $0x0;
	_ =	strace $0x90000047  }
0x650: {  	s0 =	sadd.s32 @!p0 $0x100000, s1;
	[bflag:$0x2] =	sbarrier.arrive $0xFFFF  }
0x651: {  	[sflag:s0] =	ssyncadd.tile.s32 @!p0 $0x1;
	_ =	shalt  }
.Lfunc_end2:
_tile_overlayer_lowered:
.L_overlay_start_2:
0x652: {  	(tag) =	ssettag $0x2  }
0x653: {  	s0 =	rddreg [dreg:$0x0];
	s2 =	stileid.u32  }
0x654: {  	s1 =	rddreg [dreg:$0x1];
	p0 =	sne.s32 s2, $0x0  }
0x655: {  	s3 =	rddreg [dreg:$0x2];
	[bflag:$0x3] =	sbarrier.arrive $0xFFFF;
	s2 =	simm.s32 @!p0 $0x1C03  }
0x656: {  	[timem:s3], [sflag:s2] =	dma.local @!p0 [hbm:s0], s1  }
0x657: {  	s0 =	simm.s32 @!p0 $0x3  }
0x658: {  	_ =	swait.ge @!p0 [sflag:s0], s1  }
0x659: {  	s1 =	ssub.s32 @!p0 $0x0, s1;
	[sflag:s0] =	ssyncset.done @!p0 $0x0  }
0x65a: {  	[sflag:s0] =	ssyncadd.s32 @!p0 s1  }
0x65b: {  	[bflag:$0x3] =	sbarrier.arrive $0xFFFF  }
0x65c: {  	_ =	shalt  }

</sc_bundles>
